<compile_context>
chip_gen: v7x
topology: tpu7x:2x2x1
jax: 0.10.2.dev20260603
libtpu: 0.0.44.dev20260713+nightly
codegen_flags: <defaults>
</compile_context>

<pallas_src>
import functools

import jax
import jax.numpy as jnp
from jax import lax
from jax.experimental import pallas as pl
from jax.experimental.pallas import tpu as pltpu
from jax.experimental.pallas import tpu_sc as plsc

N = 10000
NP = 10016
NW = 32
RPT = NP // 16
C = 64
E_RAW = 320000
E_TOT = E_RAW + N
EP = 10496
E_PAD = EP * NW
NCH = EP // C
S2 = 4
NS2 = 41


def _tc_in(x, W1, att_src1, att_dst1):
    BR = 2000
    E1 = jnp.eye(128, 144, dtype=jnp.float32)
    C1 = jax.nn.one_hot(jnp.array([128]), 144, dtype=jnp.float32)
    AT = jnp.stack([att_src1, att_dst1], axis=1)

    def body(x_ref, w_ref, e1_ref, c1_ref, at_ref, hpad_ref, alog_ref):
        h = jnp.dot(x_ref[...], w_ref[...], preferred_element_type=jnp.float32)
        hpad_ref[...] = jnp.dot(h, e1_ref[...],
                                preferred_element_type=jnp.float32) + c1_ref[...]
        alog_ref[...] = jnp.dot(h, at_ref[...], preferred_element_type=jnp.float32)

    return pl.pallas_call(
        body,
        grid=(N // BR,),
        in_specs=[
            pl.BlockSpec((BR, 128), lambda i: (i, 0)),
            pl.BlockSpec((128, 128), lambda i: (0, 0)),
            pl.BlockSpec((128, 144), lambda i: (0, 0)),
            pl.BlockSpec((1, 144), lambda i: (0, 0)),
            pl.BlockSpec((128, 2), lambda i: (0, 0)),
        ],
        out_specs=[
            pl.BlockSpec((BR, 144), lambda i: (i, 0)),
            pl.BlockSpec((BR, 2), lambda i: (i, 0)),
        ],
        out_shape=[
            jax.ShapeDtypeStruct((N, 144), jnp.float32),
            jax.ShapeDtypeStruct((N, 2), jnp.float32),
        ],
    )(x, W1, E1, C1, AT)


def _sc_layer(hpad, alog, sd, zb):
    WD = hpad.shape[1]
    mesh = plsc.VectorSubcoreMesh(core_axis_name="c", subcore_axis_name="s")

    @functools.partial(
        pl.kernel,
        mesh=mesh,
        compiler_params=pltpu.CompilerParams(
            needs_layout_passes=False, use_tc_tiling_on_sc=False),
        out_type=[
            jax.ShapeDtypeStruct((NP, WD), jnp.float32),
            jax.ShapeDtypeStruct((NP, WD), jnp.float32),
        ],
        scratch_types=[
            pltpu.VMEM_SHARED((NP, WD), jnp.float32),
            pltpu.VMEM((2, S2 * 2, C), jnp.int32),
            pltpu.SemaphoreType.DMA((2,)),
            pltpu.SemaphoreType.DMA((2,)),
            pltpu.SemaphoreType.DMA((2,)),
        ],
    )
    def k(hpad_h, alog_h, sd_h, zb_h, out0_h, out1_h,
          acc, sdv, isem, gsem, ssem):
        c = lax.axis_index("c")
        s = lax.axis_index("s")
        rbase = s * RPT
        pltpu.sync_copy(zb_h, acc.at[pl.ds(rbase, RPT)])
        plsc.subcore_barrier()

        wid = s * 2 + c
        cbase = wid * NCH

        def phase2(alog_v, rows_v, wbuf):
            pltpu.sync_copy(alog_h, alog_v)
            def sfetch(b):
                pltpu.async_copy(sd_h.at[pl.ds((cbase + b * S2) * 2, S2 * 2)],
                                 sdv.at[lax.rem(b, 2)], isem.at[lax.rem(b, 2)])

            def sfetch_wait(b):
                pltpu.make_async_copy(
                    sd_h.at[pl.ds(cbase * 2, S2 * 2)], sdv.at[lax.rem(b, 2)],
                    isem.at[lax.rem(b, 2)]).wait()

            def gather(b, j, p):
                pltpu.async_copy(hpad_h.at[sdv.at[lax.rem(b, 2), j * 2]],
                                 rows_v.at[p], gsem.at[p])

            def gather_wait(b, j, p):
                pltpu.make_async_copy(
                    hpad_h.at[sdv.at[lax.rem(b, 2), j * 2]], rows_v.at[p],
                    gsem.at[p]).wait()

            def scatter(b, j, p):
                pltpu.async_copy(rows_v.at[p], acc.at[sdv.at[lax.rem(b, 2), j * 2 + 1]],
                                 ssem.at[p], add=True)

            def scatter_wait(b, j, p):
                pltpu.make_async_copy(
                    rows_v.at[p], acc.at[sdv.at[lax.rem(b, 2), j * 2 + 1]],
                    ssem.at[p]).wait()

            sfetch(0)
            sfetch_wait(0)
            gather(0, 0, 0)

            def slab(b, carry):
                sb = lax.rem(b, 2)

                def chunk(j, carry1):
                    g = b * S2 + j
                    p = lax.rem(j, 2)
                    pn = 1 - p

                    @pl.when(g + 1 < NCH)
                    def _():
                        @pl.when(g >= 1)
                        def _():
                            bw = jnp.where(j == 0, b - 1, b)
                            jw = jnp.where(j == 0, S2 - 1, j - 1)
                            scatter_wait(bw, jw, pn)

                        @pl.when((j == 0) & (b + 1 < NS2))
                        def _():
                            sfetch(b + 1)

                        @pl.when(j == S2 - 1)
                        def _():
                            sfetch_wait(b + 1)

                        bq = jnp.where(j == S2 - 1, b + 1, b)
                        jq = jnp.where(j == S2 - 1, 0, j + 1)
                        gather(bq, jq, pn)

                    def wgroup(u, carry2):
                        off = u * 16
                        sv = sdv[sb, j * 2, pl.ds(off, 16)]
                        dv = sdv[sb, j * 2 + 1, pl.ds(off, 16)]
                        a1 = plsc.load_gather(alog_v, [sv * 2])
                        a2 = plsc.load_gather(alog_v, [dv * 2 + 1])
                        al = a1 + a2
                        al = jnp.where(al >= 0.0, al, al * 0.2)
                        wbuf[pl.ds(off, 16)] = jnp.exp(al)
                        return carry2

                    lax.fori_loop(0, C // 16, wgroup, 0)
                    gather_wait(b, j, p)

                    def group(u, carry2):
                        off = u * 16
                        w = wbuf[pl.ds(off, 16)]
                        NG = WD // 16
                        for jj in range(16):
                            ws = w[jj]
                            e = off + jj
                            vals = [rows_v[p, e, pl.ds(kk * 16, 16)] * ws
                                    for kk in range(NG - 1)]
                            for kk in range(NG - 1):
                                rows_v[p, e, pl.ds(kk * 16, 16)] = vals[kk]
                            rows_v[p, e, pl.ds((NG - 1) * 16, 16)] = (
                                jnp.broadcast_to(ws, (16,)))
                        return carry2

                    lax.fori_loop(0, C // 16, group, 0)
                    scatter(b, j, p)
                    return carry1

                lax.fori_loop(0, S2, chunk, 0)
                return carry

            lax.fori_loop(0, NS2, slab, 0)
            scatter_wait(NS2 - 1, S2 - 2, lax.rem(S2 - 2, 2))
            scatter_wait(NS2 - 1, S2 - 1, lax.rem(S2 - 1, 2))

        pl.run_scoped(phase2,
                      pltpu.VMEM((N * 2,), jnp.float32),
                      pltpu.VMEM((2, C, WD), jnp.float32),
                      pltpu.VMEM((C,), jnp.float32))
        plsc.subcore_barrier()

        @pl.when(c == 0)
        def _():
            pltpu.sync_copy(acc.at[pl.ds(rbase, RPT)], out0_h.at[pl.ds(rbase, RPT)])

        @pl.when(c == 1)
        def _():
            pltpu.sync_copy(acc.at[pl.ds(rbase, RPT)], out1_h.at[pl.ds(rbase, RPT)])

    return k(hpad, alog.reshape(-1), sd, zb)


def _tc_mid(o0, o1, b1, W2, att_src2, att_dst2):
    BR = 2000
    E2 = jnp.eye(64, 80, dtype=jnp.float32)
    C2 = jax.nn.one_hot(jnp.array([64]), 80, dtype=jnp.float32)
    AT = jnp.stack([att_src2, att_dst2], axis=1)

    def body(o0_ref, o1_ref, b1_ref, w2_ref, e2_ref, c2_ref, at_ref,
             hpad_ref, alog_ref):
        v = o0_ref[...] + o1_ref[...]
        hn = v[:, :128] / v[:, 128:129]
        z = jnp.maximum(hn + b1_ref[...], 0.0)
        h2 = jnp.dot(z, w2_ref[...], preferred_element_type=jnp.float32)
        hpad_ref[...] = jnp.dot(h2, e2_ref[...],
                                preferred_element_type=jnp.float32) + c2_ref[...]
        alog_ref[...] = jnp.dot(h2, at_ref[...], preferred_element_type=jnp.float32)

    return pl.pallas_call(
        body,
        grid=(N // BR,),
        in_specs=[
            pl.BlockSpec((BR, 144), lambda i: (i, 0)),
            pl.BlockSpec((BR, 144), lambda i: (i, 0)),
            pl.BlockSpec((1, 128), lambda i: (0, 0)),
            pl.BlockSpec((128, 64), lambda i: (0, 0)),
            pl.BlockSpec((64, 80), lambda i: (0, 0)),
            pl.BlockSpec((1, 80), lambda i: (0, 0)),
            pl.BlockSpec((64, 2), lambda i: (0, 0)),
        ],
        out_specs=[
            pl.BlockSpec((BR, 80), lambda i: (i, 0)),
            pl.BlockSpec((BR, 2), lambda i: (i, 0)),
        ],
        out_shape=[
            jax.ShapeDtypeStruct((N, 80), jnp.float32),
            jax.ShapeDtypeStruct((N, 2), jnp.float32),
        ],
    )(o0, o1, b1.reshape(1, 128), W2, E2, C2, AT)


def _tc_out(p0, p1, b2):
    BR = 2504
    NB = NP // BR

    def body(p0_ref, p1_ref, b2_ref, out_ref):
        i = pl.program_id(0)
        v = p0_ref[...] + p1_ref[...]
        row = lax.broadcasted_iota(jnp.int32, (BR, 1), 0) + i * BR
        valid = row < N
        den = jnp.where(valid, v[:, 64:65], 1.0)
        y = jnp.where(valid, v[:, :64] / den, 0.0)
        part = jnp.sum(y, axis=0, keepdims=True)

        @pl.when(i == 0)
        def _():
            out_ref[...] = jnp.zeros_like(out_ref)

        out_ref[...] += part

        @pl.when(i == NB - 1)
        def _():
            out_ref[...] = out_ref[...] * (1.0 / N) + b2_ref[...]

    return pl.pallas_call(
        body,
        grid=(NB,),
        in_specs=[
            pl.BlockSpec((BR, 80), lambda i: (i, 0)),
            pl.BlockSpec((BR, 80), lambda i: (i, 0)),
            pl.BlockSpec((1, 64), lambda i: (0, 0)),
        ],
        out_specs=pl.BlockSpec((1, 64), lambda i: (0, 0)),
        out_shape=jax.ShapeDtypeStruct((1, 64), jnp.float32),
    )(p0, p1, b2.reshape(1, 64))


def kernel(x, edge_index, W1, att_src1, att_dst1, b1, W2, att_src2, att_dst2, b2):
    loop = jnp.arange(N, dtype=jnp.int32)
    pad = E_PAD - E_TOT
    srcs = jnp.concatenate(
        [edge_index[0].astype(jnp.int32), loop, jnp.zeros((pad,), jnp.int32)])
    dsts = jnp.concatenate(
        [edge_index[1].astype(jnp.int32), loop, jnp.full((pad,), N, jnp.int32)])
    sd = jnp.stack([srcs.reshape(NW * NCH, C), dsts.reshape(NW * NCH, C)],
                   axis=1).reshape(NW * NCH * 2, C)
    zb1 = jnp.zeros((RPT, 144), jnp.float32)
    zb2 = jnp.zeros((RPT, 80), jnp.float32)

    hpad1, alog1 = _tc_in(x, W1, att_src1, att_dst1)
    o0, o1 = _sc_layer(hpad1, alog1, sd, zb1)
    hpad2, alog2 = _tc_mid(o0, o1, b1, W2, att_src2, att_dst2)
    p0, p1 = _sc_layer(hpad2, alog2, sd, zb2)
    y = _tc_out(p0, p1, b2)
    return y.reshape(64)

# --- scband reference (transcript-rebuilt; emitter-appended) ---
"""Pipeline reference for scband-gatencoder-35983236005888 (READ-ONLY COPY).

The authoritative reference and input builder live on the scoring server;
editing this copy changes nothing except your own understanding.
"""

import jax, jax.numpy as jnp
import numpy as np


def _gat_conv(x, edge_index, W, att_src, att_dst, bias):
    # Faithful PyG GATConv (heads=1, concat default, add_self_loops=True,
    # negative_slope=0.2, bias=True)
    n = x.shape[0]
    loop = jnp.arange(n, dtype=edge_index.dtype)
    src = jnp.concatenate([edge_index[0], loop])
    dst = jnp.concatenate([edge_index[1], loop])
    h = x @ W  # [N, C]
    a_src = (h * att_src).sum(-1)  # [N]
    a_dst = (h * att_dst).sum(-1)  # [N]
    alpha = jax.nn.leaky_relu(a_src[src] + a_dst[dst], negative_slope=0.2)
    # softmax over incoming edges per destination node
    amax = jax.ops.segment_max(alpha, dst, num_segments=n)
    e = jnp.exp(alpha - amax[dst])
    denom = jax.ops.segment_sum(e, dst, num_segments=n)
    coef = e / denom[dst]
    out = jax.ops.segment_sum(h[src] * coef[:, None], dst, num_segments=n)
    return out + bias


def setup_inputs(seed: int = 0) -> dict:
    key = jax.random.key(seed)
    ks = jax.random.split(key, 10)
    n, e, din, dh, dout = 10000, 320000, 128, 128, 64
    x = jax.random.normal(ks[0], (n, din), dtype=jnp.float32)
    edge_index = jax.random.randint(ks[1], (2, e), 0, n, dtype=jnp.int32)
    W1 = jax.random.normal(ks[2], (din, dh), dtype=jnp.float32) * 0.1
    att_src1 = jax.random.normal(ks[3], (dh,), dtype=jnp.float32) * 0.1
    att_dst1 = jax.random.normal(ks[4], (dh,), dtype=jnp.float32) * 0.1
    b1 = jnp.zeros((dh,), dtype=jnp.float32)
    W2 = jax.random.normal(ks[5], (dh, dout), dtype=jnp.float32) * 0.1
    att_src2 = jax.random.normal(ks[6], (dout,), dtype=jnp.float32) * 0.1
    att_dst2 = jax.random.normal(ks[7], (dout,), dtype=jnp.float32) * 0.1
    b2 = jnp.zeros((dout,), dtype=jnp.float32)
    return {"x": x, "edge_index": edge_index, "W1": W1, "att_src1": att_src1,
            "att_dst1": att_dst1, "b1": b1, "W2": W2, "att_src2": att_src2,
            "att_dst2": att_dst2, "b2": b2}


def reference(x, edge_index, W1, att_src1, att_dst1, b1, W2, att_src2, att_dst2, b2):
    # GATEncoder.forward: gat1 -> relu -> gat2 -> mean over nodes -> squeeze
    h = jax.nn.relu(_gat_conv(x, edge_index, W1, att_src1, att_dst1, b1))
    h = _gat_conv(h, edge_index, W2, att_src2, att_dst2, b2)
    return jnp.mean(h, axis=0)  # [output_dim]

if __name__ == "__main__":
    import jax
    _d = setup_inputs()
    print(jax.jit(kernel)(*tuple(_d.values())))

</pallas_src>

<mosaic_0001>
#map = affine_map<(d0, d1) -> (0, 0)>
#map1 = affine_map<(d0, d1) -> (0)>
module attributes {stable_mosaic.version = 14 : i64} {
  func.func @k(%arg0: i32, %arg1: i32, %arg2: memref<10000x144xf32, #tpu.memory_space<hbm>>, %arg3: memref<20000xf32, #tpu.memory_space<hbm>>, %arg4: memref<10496x64xi32, #tpu.memory_space<hbm>>, %arg5: memref<626x144xf32, #tpu.memory_space<hbm>>, %arg6: memref<10016x144xf32, #tpu.memory_space<hbm>>, %arg7: memref<10016x144xf32, #tpu.memory_space<hbm>>, %arg8: memref<10016x144xf32, #tpu.memory_space<vmem_shared>>, %arg9: memref<2x8x64xi32, #tpu.memory_space<vmem>>, %arg10: memref<2x!tpu.dma_semaphore, #tpu.memory_space<semaphore_mem>>, %arg11: memref<2x!tpu.dma_semaphore, #tpu.memory_space<semaphore_mem>>, %arg12: memref<2x!tpu.dma_semaphore, #tpu.memory_space<semaphore_mem>>) attributes {dimension_semantics = [#tpu.dimension_semantics<core_parallel>, #tpu.dimension_semantics<subcore_parallel>], iteration_bounds = array<i64: 2, 16>, scalar_prefetch = 0 : i64, scratch_operands = 5 : i64, tpu.core_type = #tpu.core_type<sc_vector_subcore>, window_params = [{transform_indices = #map}, {transform_indices = #map1}, {transform_indices = #map}, {transform_indices = #map}, {transform_indices = #map}, {transform_indices = #map}]} {
    %mul3A = arith.constant 626 : i32
    %mul3A_0 = arith.muli %arg1, %mul3A : i32
    "tpu.region"() ({
      %run_scoped3A = tpu.sem_alloc : memref<!tpu.dma_semaphore, #tpu.memory_space<semaphore_mem>>
      %dma_start3A = arith.constant 0 : i32
      %dma_start3A_13 = tpu.memref_slice %arg8[%mul3A_0, %dma_start3A] : memref<10016x144xf32, #tpu.memory_space<vmem_shared>> -> memref<626x144xf32, #tpu.memory_space<vmem_shared>>
      tpu.enqueue_dma source(%arg5 : memref<626x144xf32, #tpu.memory_space<hbm>>) target(%dma_start3A_13 : memref<626x144xf32, #tpu.memory_space<vmem_shared>>) target_semaphore(%run_scoped3A : memref<!tpu.dma_semaphore, #tpu.memory_space<semaphore_mem>>)
      %dma_wait3A = arith.constant 0 : i32
      %dma_wait3A_14 = tpu.memref_slice %arg8[%mul3A_0, %dma_wait3A] : memref<10016x144xf32, #tpu.memory_space<vmem_shared>> -> memref<626x144xf32, #tpu.memory_space<vmem_shared>>
      tpu.wait_dma2 semaphore(%run_scoped3A : memref<!tpu.dma_semaphore, #tpu.memory_space<semaphore_mem>>) src(%arg5 : memref<626x144xf32, #tpu.memory_space<hbm>>) dst(%dma_wait3A_14 : memref<626x144xf32, #tpu.memory_space<vmem_shared>>)
      tpu.yield
    }) : () -> ()
    %barrier3A = arith.constant 0 : index
    tpu.barrier barrier_id(%barrier3A)
    %mul3A_1 = arith.constant 2 : i32
    %mul3A_2 = arith.muli %arg1, %mul3A_1 : i32
    %add3A = arith.addi %mul3A_2, %arg0 : i32
    %mul3A_3 = arith.constant 164 : i32
    %mul3A_4 = arith.muli %add3A, %mul3A_3 : i32
    "tpu.region"() ({
      %run_scoped3A = memref.alloca() : memref<20000xf32, #tpu.memory_space<vmem>>
      %run_scoped3A_13 = memref.alloca() : memref<2x64x144xf32, #tpu.memory_space<vmem>>
      %run_scoped3A_14 = memref.alloca() : memref<64xf32, #tpu.memory_space<vmem>>
      "tpu.region"() ({
        %run_scoped3A_119 = tpu.sem_alloc : memref<!tpu.dma_semaphore, #tpu.memory_space<semaphore_mem>>
        tpu.enqueue_dma source(%arg3 : memref<20000xf32, #tpu.memory_space<hbm>>) target(%run_scoped3A : memref<20000xf32, #tpu.memory_space<vmem>>) target_semaphore(%run_scoped3A_119 : memref<!tpu.dma_semaphore, #tpu.memory_space<semaphore_mem>>)
        tpu.wait_dma2 semaphore(%run_scoped3A_119 : memref<!tpu.dma_semaphore, #tpu.memory_space<semaphore_mem>>) src(%arg3 : memref<20000xf32, #tpu.memory_space<hbm>>) dst(%run_scoped3A : memref<20000xf32, #tpu.memory_space<vmem>>)
        tpu.yield
      }) : () -> ()
      %add3A_15 = arith.constant 0 : i32
      %add3A_16 = arith.addi %mul3A_4, %add3A_15 : i32
      %mul3A_17 = arith.constant 2 : i32
      %mul3A_18 = arith.muli %add3A_16, %mul3A_17 : i32
      %rem3A = arith.constant 0 : i32
      %rem3A_19 = arith.constant 2 : i32
      %rem3A_20 = arith.remsi %rem3A, %rem3A_19 : i32
      %rem3A_21 = arith.constant 0 : i32
      %rem3A_22 = arith.constant 2 : i32
      %rem3A_23 = arith.remsi %rem3A_21, %rem3A_22 : i32
      %dma_start3A = arith.constant 0 : i32
      %dma_start3A_24 = arith.constant 0 : i32
      %dma_start3A_25 = tpu.memref_slice %arg9[%rem3A_20, %dma_start3A, %dma_start3A_24] : memref<2x8x64xi32, #tpu.memory_space<vmem>> -> memref<1x8x64xi32, #tpu.memory_space<vmem>>
      %dma_start3A_26 = tpu.memref_squeeze %dma_start3A_25 : memref<1x8x64xi32, #tpu.memory_space<vmem>> -> memref<8x64xi32, #tpu.memory_space<vmem>>
      %dma_start3A_27 = arith.constant 0 : i32
      %dma_start3A_28 = tpu.memref_slice %arg4[%mul3A_18, %dma_start3A_27] : memref<10496x64xi32, #tpu.memory_space<hbm>> -> memref<8x64xi32, #tpu.memory_space<hbm>>
      %dma_start3A_29 = tpu.memref_slice %arg10[%rem3A_23] : memref<2x!tpu.dma_semaphore, #tpu.memory_space<semaphore_mem>> -> memref<1x!tpu.dma_semaphore, #tpu.memory_space<semaphore_mem>>
      %dma_start3A_30 = tpu.memref_squeeze %dma_start3A_29 : memref<1x!tpu.dma_semaphore, #tpu.memory_space<semaphore_mem>> -> memref<!tpu.dma_semaphore, #tpu.memory_space<semaphore_mem>>
      %dma_start3A_31 = arith.constant 0 : i32
      %dma_start3A_32 = arith.constant 0 : i32
      %dma_start3A_33 = tpu.memref_slice %arg9[%rem3A_20, %dma_start3A_31, %dma_start3A_32] : memref<2x8x64xi32, #tpu.memory_space<vmem>> -> memref<1x8x64xi32, #tpu.memory_space<vmem>>
      %dma_start3A_34 = tpu.memref_squeeze %dma_start3A_33 : memref<1x8x64xi32, #tpu.memory_space<vmem>> -> memref<8x64xi32, #tpu.memory_space<vmem>>
      %dma_start3A_35 = arith.constant 0 : i32
      %dma_start3A_36 = tpu.memref_slice %arg4[%mul3A_18, %dma_start3A_35] : memref<10496x64xi32, #tpu.memory_space<hbm>> -> memref<8x64xi32, #tpu.memory_space<hbm>>
      tpu.enqueue_dma source(%dma_start3A_36 : memref<8x64xi32, #tpu.memory_space<hbm>>) target(%dma_start3A_34 : memref<8x64xi32, #tpu.memory_space<vmem>>) target_semaphore(%dma_start3A_30 : memref<!tpu.dma_semaphore, #tpu.memory_space<semaphore_mem>>)
      %mul3A_37 = arith.constant 2 : i32
      %mul3A_38 = arith.muli %mul3A_4, %mul3A_37 : i32
      %rem3A_39 = arith.constant 0 : i32
      %rem3A_40 = arith.constant 2 : i32
      %rem3A_41 = arith.remsi %rem3A_39, %rem3A_40 : i32
      %rem3A_42 = arith.constant 0 : i32
      %rem3A_43 = arith.constant 2 : i32
      %rem3A_44 = arith.remsi %rem3A_42, %rem3A_43 : i32
      %dma_wait3A = arith.constant 0 : i32
      %dma_wait3A_45 = arith.constant 0 : i32
      %dma_wait3A_46 = tpu.memref_slice %arg9[%rem3A_41, %dma_wait3A, %dma_wait3A_45] : memref<2x8x64xi32, #tpu.memory_space<vmem>> -> memref<1x8x64xi32, #tpu.memory_space<vmem>>
      %dma_wait3A_47 = tpu.memref_squeeze %dma_wait3A_46 : memref<1x8x64xi32, #tpu.memory_space<vmem>> -> memref<8x64xi32, #tpu.memory_space<vmem>>
      %dma_wait3A_48 = arith.constant 0 : i32
      %dma_wait3A_49 = tpu.memref_slice %arg4[%mul3A_38, %dma_wait3A_48] : memref<10496x64xi32, #tpu.memory_space<hbm>> -> memref<8x64xi32, #tpu.memory_space<hbm>>
      %dma_wait3A_50 = tpu.memref_slice %arg10[%rem3A_44] : memref<2x!tpu.dma_semaphore, #tpu.memory_space<semaphore_mem>> -> memref<1x!tpu.dma_semaphore, #tpu.memory_space<semaphore_mem>>
      %dma_wait3A_51 = tpu.memref_squeeze %dma_wait3A_50 : memref<1x!tpu.dma_semaphore, #tpu.memory_space<semaphore_mem>> -> memref<!tpu.dma_semaphore, #tpu.memory_space<semaphore_mem>>
      %dma_wait3A_52 = arith.constant 0 : i32
      %dma_wait3A_53 = arith.constant 0 : i32
      %dma_wait3A_54 = tpu.memref_slice %arg9[%rem3A_41, %dma_wait3A_52, %dma_wait3A_53] : memref<2x8x64xi32, #tpu.memory_space<vmem>> -> memref<1x8x64xi32, #tpu.memory_space<vmem>>
      %dma_wait3A_55 = tpu.memref_squeeze %dma_wait3A_54 : memref<1x8x64xi32, #tpu.memory_space<vmem>> -> memref<8x64xi32, #tpu.memory_space<vmem>>
      %dma_wait3A_56 = arith.constant 0 : i32
      %dma_wait3A_57 = tpu.memref_slice %arg4[%mul3A_38, %dma_wait3A_56] : memref<10496x64xi32, #tpu.memory_space<hbm>> -> memref<8x64xi32, #tpu.memory_space<hbm>>
      tpu.wait_dma2 semaphore(%dma_wait3A_51 : memref<!tpu.dma_semaphore, #tpu.memory_space<semaphore_mem>>) src(%dma_wait3A_57 : memref<8x64xi32, #tpu.memory_space<hbm>>) dst(%dma_wait3A_55 : memref<8x64xi32, #tpu.memory_space<vmem>>)
      %rem3A_58 = arith.constant 0 : i32
      %rem3A_59 = arith.constant 2 : i32
      %rem3A_60 = arith.remsi %rem3A_58, %rem3A_59 : i32
      %dma_start3A_61 = arith.constant 0 : i32
      %dma_start3A_62 = arith.constant 0 : i32
      %dma_start3A_63 = arith.constant 0 : i32
      %dma_start3A_64 = arith.constant 0 : i32
      %dma_start3A_65 = arith.constant 0 : i32
      %dma_start3A_66 = tpu.memref_slice %run_scoped3A_13[%dma_start3A_62, %dma_start3A_64, %dma_start3A_65] : memref<2x64x144xf32, #tpu.memory_space<vmem>> -> memref<1x64x144xf32, #tpu.memory_space<vmem>>
      %dma_start3A_67 = tpu.memref_squeeze %dma_start3A_66 : memref<1x64x144xf32, #tpu.memory_space<vmem>> -> memref<64x144xf32, #tpu.memory_space<vmem>>
      %dma_start3A_68 = arith.constant 0 : i32
      %dma_start3A_69 = tpu.memref_slice %arg9[%rem3A_60, %dma_start3A_61, %dma_start3A_68] : memref<2x8x64xi32, #tpu.memory_space<vmem>> -> memref<1x1x64xi32, #tpu.memory_space<vmem>>
      %dma_start3A_70 = tpu.memref_squeeze %dma_start3A_69 : memref<1x1x64xi32, #tpu.memory_space<vmem>> -> memref<64xi32, #tpu.memory_space<vmem>>
      %dma_start3A_71 = arith.constant 0 : i32
      %dma_start3A_72 = arith.constant 0 : i32
      %dma_start3A_73 = tpu.memref_slice %arg2[%dma_start3A_71, %dma_start3A_72] : memref<10000x144xf32, #tpu.memory_space<hbm>> -> memref<10000x144xf32, #tpu.memory_space<hbm>>
      %dma_start3A_74 = tpu.memref_slice %arg11[%dma_start3A_63] : memref<2x!tpu.dma_semaphore, #tpu.memory_space<semaphore_mem>> -> memref<1x!tpu.dma_semaphore, #tpu.memory_space<semaphore_mem>>
      %dma_start3A_75 = tpu.memref_squeeze %dma_start3A_74 : memref<1x!tpu.dma_semaphore, #tpu.memory_space<semaphore_mem>> -> memref<!tpu.dma_semaphore, #tpu.memory_space<semaphore_mem>>
      tpu.enqueue_indirect_dma source(%dma_start3A_73 : memref<10000x144xf32, #tpu.memory_space<hbm>>) target(%dma_start3A_67 : memref<64x144xf32, #tpu.memory_space<vmem>>) offsets(%dma_start3A_70 : memref<64xi32, #tpu.memory_space<vmem>>) semaphore(%dma_start3A_75 : memref<!tpu.dma_semaphore, #tpu.memory_space<semaphore_mem>>)
      %scan3A = arith.constant 0 : i32
      %scan3A_76 = arith.constant 0 : i32
      %scan3A_77 = arith.constant 41 : i32
      %scan3A_78 = arith.addi %scan3A_76, %scan3A_77 : i32
      %scan3A_79 = arith.constant 1 : i32
      scf.for %scan3A_119 = %scan3A_76 to %scan3A_78 step %scan3A_79  : i32 {
        %rem3A_120 = arith.constant 2 : i32
        %rem3A_121 = arith.remsi %scan3A_119, %rem3A_120 : i32
        %scan3A_122 = arith.constant 0 : i32
        %scan3A_123 = arith.constant 0 : i32
        %scan3A_124 = arith.constant 4 : i32
        %scan3A_125 = arith.addi %scan3A_123, %scan3A_124 : i32
        %scan3A_126 = arith.constant 1 : i32
        scf.for %scan3A_128 = %scan3A_123 to %scan3A_125 step %scan3A_126  : i32 {
          %mul3A_129 = arith.constant 4 : i32
          %mul3A_130 = arith.muli %scan3A_119, %mul3A_129 : i32
          %add3A_131 = arith.addi %mul3A_130, %scan3A_128 : i32
          %rem3A_132 = arith.constant 2 : i32
          %rem3A_133 = arith.remsi %scan3A_128, %rem3A_132 : i32
          %sub3A = arith.constant 1 : i32
          %sub3A_134 = arith.subi %sub3A, %rem3A_133 : i32
          %add3A_135 = arith.constant 1 : i32
          %add3A_136 = arith.addi %add3A_131, %add3A_135 : i32
          %lt3A = arith.constant 164 : i32
          %lt3A_137 = arith.cmpi slt, %add3A_136, %lt3A : i32
          %convert_element_type3A_138 = arith.extui %lt3A_137 : i1 to i32
          %cond3A_139 = arith.constant 0 : i32
          %cond3A_140 = arith.cmpi ne, %convert_element_type3A_138, %cond3A_139 : i32
          scf.if %cond3A_140 {
            %ge3A = arith.constant 1 : i32
            %ge3A_187 = arith.cmpi sge, %add3A_131, %ge3A : i32
            %convert_element_type3A_188 = arith.extui %ge3A_187 : i1 to i32
            %cond3A_189 = arith.constant 0 : i32
            %cond3A_190 = arith.cmpi ne, %convert_element_type3A_188, %cond3A_189 : i32
            scf.if %cond3A_190 {
              %eq3A_230 = arith.constant 0 : i32
              %eq3A_231 = arith.cmpi eq, %scan3A_128, %eq3A_230 : i32
              %sub3A_232 = arith.constant 1 : i32
              %sub3A_233 = arith.subi %scan3A_119, %sub3A_232 : i32
              %select_n3A_234 = arith.select %eq3A_231, %sub3A_233, %scan3A_119 : i32
              %eq3A_235 = arith.constant 0 : i32
              %eq3A_236 = arith.cmpi eq, %scan3A_128, %eq3A_235 : i32
              %sub3A_237 = arith.constant 1 : i32
              %sub3A_238 = arith.subi %scan3A_128, %sub3A_237 : i32
              %jit3A_239 = arith.constant 3 : i32
              %select_n3A_240 = arith.select %eq3A_236, %jit3A_239, %sub3A_238 : i32
              %rem3A_241 = arith.constant 2 : i32
              %rem3A_242 = arith.remsi %select_n3A_234, %rem3A_241 : i32
              %mul3A_243 = arith.constant 2 : i32
              %mul3A_244 = arith.muli %select_n3A_240, %mul3A_243 : i32
              %add3A_245 = arith.constant 1 : i32
              %add3A_246 = arith.addi %mul3A_244, %add3A_245 : i32
              %dma_wait3A_247 = arith.constant 0 : i32
              %dma_wait3A_248 = arith.constant 0 : i32
              %dma_wait3A_249 = tpu.memref_slice %run_scoped3A_13[%sub3A_134, %dma_wait3A_247, %dma_wait3A_248] : memref<2x64x144xf32, #tpu.memory_space<vmem>> -> memref<1x64x144xf32, #tpu.memory_space<vmem>>
              %dma_wait3A_250 = tpu.memref_squeeze %dma_wait3A_249 : memref<1x64x144xf32, #tpu.memory_space<vmem>> -> memref<64x144xf32, #tpu.memory_space<vmem>>
              %dma_wait3A_251 = arith.constant 0 : i32
              %dma_wait3A_252 = tpu.memref_slice %arg9[%rem3A_242, %add3A_246, %dma_wait3A_251] : memref<2x8x64xi32, #tpu.memory_space<vmem>> -> memref<1x1x64xi32, #tpu.memory_space<vmem>>
              %dma_wait3A_253 = tpu.memref_squeeze %dma_wait3A_252 : memref<1x1x64xi32, #tpu.memory_space<vmem>> -> memref<64xi32, #tpu.memory_space<vmem>>
              %dma_wait3A_254 = arith.constant 0 : i32
              %dma_wait3A_255 = arith.constant 0 : i32
              %dma_wait3A_256 = tpu.memref_slice %arg8[%dma_wait3A_254, %dma_wait3A_255] : memref<10016x144xf32, #tpu.memory_space<vmem_shared>> -> memref<10016x144xf32, #tpu.memory_space<vmem_shared>>
              %dma_wait3A_257 = tpu.memref_slice %arg12[%sub3A_134] : memref<2x!tpu.dma_semaphore, #tpu.memory_space<semaphore_mem>> -> memref<1x!tpu.dma_semaphore, #tpu.memory_space<semaphore_mem>>
              %dma_wait3A_258 = tpu.memref_squeeze %dma_wait3A_257 : memref<1x!tpu.dma_semaphore, #tpu.memory_space<semaphore_mem>> -> memref<!tpu.dma_semaphore, #tpu.memory_space<semaphore_mem>>
              tpu.wait_indirect_dma semaphore(%dma_wait3A_258 : memref<!tpu.dma_semaphore, #tpu.memory_space<semaphore_mem>>) src(%dma_wait3A_250 : memref<64x144xf32, #tpu.memory_space<vmem>>) dst(%dma_wait3A_256 : memref<10016x144xf32, #tpu.memory_space<vmem_shared>>)
            } else {
            }
            %eq3A_191 = arith.constant 0 : i32
            %eq3A_192 = arith.cmpi eq, %scan3A_128, %eq3A_191 : i32
            %add3A_193 = arith.constant 1 : i32
            %add3A_194 = arith.addi %scan3A_119, %add3A_193 : i32
            %lt3A_195 = arith.constant 41 : i32
            %lt3A_196 = arith.cmpi slt, %add3A_194, %lt3A_195 : i32
            %and3A = arith.andi %eq3A_192, %lt3A_196 : i1
            %convert_element_type3A_197 = arith.extui %and3A : i1 to i32
            %cond3A_198 = arith.constant 0 : i32
            %cond3A_199 = arith.cmpi ne, %convert_element_type3A_197, %cond3A_198 : i32
            scf.if %cond3A_199 {
              %add3A_230 = arith.constant 1 : i32
              %add3A_231 = arith.addi %scan3A_119, %add3A_230 : i32
              %mul3A_232 = arith.constant 4 : i32
              %mul3A_233 = arith.muli %add3A_231, %mul3A_232 : i32
              %add3A_234 = arith.addi %mul3A_4, %mul3A_233 : i32
              %mul3A_235 = arith.constant 2 : i32
              %mul3A_236 = arith.muli %add3A_234, %mul3A_235 : i32
              %rem3A_237 = arith.constant 2 : i32
              %rem3A_238 = arith.remsi %add3A_231, %rem3A_237 : i32
              %rem3A_239 = arith.constant 2 : i32
              %rem3A_240 = arith.remsi %add3A_231, %rem3A_239 : i32
              %dma_start3A_241 = arith.constant 0 : i32
              %dma_start3A_242 = arith.constant 0 : i32
              %dma_start3A_243 = tpu.memref_slice %arg9[%rem3A_238, %dma_start3A_241, %dma_start3A_242] : memref<2x8x64xi32, #tpu.memory_space<vmem>> -> memref<1x8x64xi32, #tpu.memory_space<vmem>>
              %dma_start3A_244 = tpu.memref_squeeze %dma_start3A_243 : memref<1x8x64xi32, #tpu.memory_space<vmem>> -> memref<8x64xi32, #tpu.memory_space<vmem>>
              %dma_start3A_245 = arith.constant 0 : i32
              %dma_start3A_246 = tpu.memref_slice %arg4[%mul3A_236, %dma_start3A_245] : memref<10496x64xi32, #tpu.memory_space<hbm>> -> memref<8x64xi32, #tpu.memory_space<hbm>>
              %dma_start3A_247 = tpu.memref_slice %arg10[%rem3A_240] : memref<2x!tpu.dma_semaphore, #tpu.memory_space<semaphore_mem>> -> memref<1x!tpu.dma_semaphore, #tpu.memory_space<semaphore_mem>>
              %dma_start3A_248 = tpu.memref_squeeze %dma_start3A_247 : memref<1x!tpu.dma_semaphore, #tpu.memory_space<semaphore_mem>> -> memref<!tpu.dma_semaphore, #tpu.memory_space<semaphore_mem>>
              %dma_start3A_249 = arith.constant 0 : i32
              %dma_start3A_250 = arith.constant 0 : i32
              %dma_start3A_251 = tpu.memref_slice %arg9[%rem3A_238, %dma_start3A_249, %dma_start3A_250] : memref<2x8x64xi32, #tpu.memory_space<vmem>> -> memref<1x8x64xi32, #tpu.memory_space<vmem>>
              %dma_start3A_252 = tpu.memref_squeeze %dma_start3A_251 : memref<1x8x64xi32, #tpu.memory_space<vmem>> -> memref<8x64xi32, #tpu.memory_space<vmem>>
              %dma_start3A_253 = arith.constant 0 : i32
              %dma_start3A_254 = tpu.memref_slice %arg4[%mul3A_236, %dma_start3A_253] : memref<10496x64xi32, #tpu.memory_space<hbm>> -> memref<8x64xi32, #tpu.memory_space<hbm>>
              tpu.enqueue_dma source(%dma_start3A_254 : memref<8x64xi32, #tpu.memory_space<hbm>>) target(%dma_start3A_252 : memref<8x64xi32, #tpu.memory_space<vmem>>) target_semaphore(%dma_start3A_248 : memref<!tpu.dma_semaphore, #tpu.memory_space<semaphore_mem>>)
            } else {
            }
            %eq3A_200 = arith.constant 3 : i32
            %eq3A_201 = arith.cmpi eq, %scan3A_128, %eq3A_200 : i32
            %convert_element_type3A_202 = arith.extui %eq3A_201 : i1 to i32
            %cond3A_203 = arith.constant 0 : i32
            %cond3A_204 = arith.cmpi ne, %convert_element_type3A_202, %cond3A_203 : i32
            scf.if %cond3A_204 {
              %add3A_230 = arith.constant 1 : i32
              %add3A_231 = arith.addi %scan3A_119, %add3A_230 : i32
              %mul3A_232 = arith.constant 2 : i32
              %mul3A_233 = arith.muli %mul3A_4, %mul3A_232 : i32
              %rem3A_234 = arith.constant 2 : i32
              %rem3A_235 = arith.remsi %add3A_231, %rem3A_234 : i32
              %rem3A_236 = arith.constant 2 : i32
              %rem3A_237 = arith.remsi %add3A_231, %rem3A_236 : i32
              %dma_wait3A_238 = arith.constant 0 : i32
              %dma_wait3A_239 = arith.constant 0 : i32
              %dma_wait3A_240 = tpu.memref_slice %arg9[%rem3A_235, %dma_wait3A_238, %dma_wait3A_239] : memref<2x8x64xi32, #tpu.memory_space<vmem>> -> memref<1x8x64xi32, #tpu.memory_space<vmem>>
              %dma_wait3A_241 = tpu.memref_squeeze %dma_wait3A_240 : memref<1x8x64xi32, #tpu.memory_space<vmem>> -> memref<8x64xi32, #tpu.memory_space<vmem>>
              %dma_wait3A_242 = arith.constant 0 : i32
              %dma_wait3A_243 = tpu.memref_slice %arg4[%mul3A_233, %dma_wait3A_242] : memref<10496x64xi32, #tpu.memory_space<hbm>> -> memref<8x64xi32, #tpu.memory_space<hbm>>
              %dma_wait3A_244 = tpu.memref_slice %arg10[%rem3A_237] : memref<2x!tpu.dma_semaphore, #tpu.memory_space<semaphore_mem>> -> memref<1x!tpu.dma_semaphore, #tpu.memory_space<semaphore_mem>>
              %dma_wait3A_245 = tpu.memref_squeeze %dma_wait3A_244 : memref<1x!tpu.dma_semaphore, #tpu.memory_space<semaphore_mem>> -> memref<!tpu.dma_semaphore, #tpu.memory_space<semaphore_mem>>
              %dma_wait3A_246 = arith.constant 0 : i32
              %dma_wait3A_247 = arith.constant 0 : i32
              %dma_wait3A_248 = tpu.memref_slice %arg9[%rem3A_235, %dma_wait3A_246, %dma_wait3A_247] : memref<2x8x64xi32, #tpu.memory_space<vmem>> -> memref<1x8x64xi32, #tpu.memory_space<vmem>>
              %dma_wait3A_249 = tpu.memref_squeeze %dma_wait3A_248 : memref<1x8x64xi32, #tpu.memory_space<vmem>> -> memref<8x64xi32, #tpu.memory_space<vmem>>
              %dma_wait3A_250 = arith.constant 0 : i32
              %dma_wait3A_251 = tpu.memref_slice %arg4[%mul3A_233, %dma_wait3A_250] : memref<10496x64xi32, #tpu.memory_space<hbm>> -> memref<8x64xi32, #tpu.memory_space<hbm>>
              tpu.wait_dma2 semaphore(%dma_wait3A_245 : memref<!tpu.dma_semaphore, #tpu.memory_space<semaphore_mem>>) src(%dma_wait3A_251 : memref<8x64xi32, #tpu.memory_space<hbm>>) dst(%dma_wait3A_249 : memref<8x64xi32, #tpu.memory_space<vmem>>)
            } else {
            }
            %eq3A_205 = arith.constant 3 : i32
            %eq3A_206 = arith.cmpi eq, %scan3A_128, %eq3A_205 : i32
            %add3A_207 = arith.constant 1 : i32
            %add3A_208 = arith.addi %scan3A_119, %add3A_207 : i32
            %select_n3A = arith.select %eq3A_206, %add3A_208, %scan3A_119 : i32
            %eq3A_209 = arith.constant 3 : i32
            %eq3A_210 = arith.cmpi eq, %scan3A_128, %eq3A_209 : i32
            %add3A_211 = arith.constant 1 : i32
            %add3A_212 = arith.addi %scan3A_128, %add3A_211 : i32
            %jit3A = arith.constant 0 : i32
            %select_n3A_213 = arith.select %eq3A_210, %jit3A, %add3A_212 : i32
            %rem3A_214 = arith.constant 2 : i32
            %rem3A_215 = arith.remsi %select_n3A, %rem3A_214 : i32
            %mul3A_216 = arith.constant 2 : i32
            %mul3A_217 = arith.muli %select_n3A_213, %mul3A_216 : i32
            %dma_start3A_218 = arith.constant 0 : i32
            %dma_start3A_219 = arith.constant 0 : i32
            %dma_start3A_220 = tpu.memref_slice %run_scoped3A_13[%sub3A_134, %dma_start3A_218, %dma_start3A_219] : memref<2x64x144xf32, #tpu.memory_space<vmem>> -> memref<1x64x144xf32, #tpu.memory_space<vmem>>
            %dma_start3A_221 = tpu.memref_squeeze %dma_start3A_220 : memref<1x64x144xf32, #tpu.memory_space<vmem>> -> memref<64x144xf32, #tpu.memory_space<vmem>>
            %dma_start3A_222 = arith.constant 0 : i32
            %dma_start3A_223 = tpu.memref_slice %arg9[%rem3A_215, %mul3A_217, %dma_start3A_222] : memref<2x8x64xi32, #tpu.memory_space<vmem>> -> memref<1x1x64xi32, #tpu.memory_space<vmem>>
            %dma_start3A_224 = tpu.memref_squeeze %dma_start3A_223 : memref<1x1x64xi32, #tpu.memory_space<vmem>> -> memref<64xi32, #tpu.memory_space<vmem>>
            %dma_start3A_225 = arith.constant 0 : i32
            %dma_start3A_226 = arith.constant 0 : i32
            %dma_start3A_227 = tpu.memref_slice %arg2[%dma_start3A_225, %dma_start3A_226] : memref<10000x144xf32, #tpu.memory_space<hbm>> -> memref<10000x144xf32, #tpu.memory_space<hbm>>
            %dma_start3A_228 = tpu.memref_slice %arg11[%sub3A_134] : memref<2x!tpu.dma_semaphore, #tpu.memory_space<semaphore_mem>> -> memref<1x!tpu.dma_semaphore, #tpu.memory_space<semaphore_mem>>
            %dma_start3A_229 = tpu.memref_squeeze %dma_start3A_228 : memref<1x!tpu.dma_semaphore, #tpu.memory_space<semaphore_mem>> -> memref<!tpu.dma_semaphore, #tpu.memory_space<semaphore_mem>>
            tpu.enqueue_indirect_dma source(%dma_start3A_227 : memref<10000x144xf32, #tpu.memory_space<hbm>>) target(%dma_start3A_221 : memref<64x144xf32, #tpu.memory_space<vmem>>) offsets(%dma_start3A_224 : memref<64xi32, #tpu.memory_space<vmem>>) semaphore(%dma_start3A_229 : memref<!tpu.dma_semaphore, #tpu.memory_space<semaphore_mem>>)
          } else {
          }
          %scan3A_141 = arith.constant 0 : i32
          %scan3A_142 = arith.constant 0 : i32
          %scan3A_143 = arith.constant 4 : i32
          %scan3A_144 = arith.addi %scan3A_142, %scan3A_143 : i32
          %scan3A_145 = arith.constant 1 : i32
          scf.for %scan3A_187 = %scan3A_142 to %scan3A_144 step %scan3A_145  : i32 {
            %mul3A_188 = arith.constant 16 : i32
            %mul3A_189 = arith.muli %scan3A_187, %mul3A_188 : i32
            %mul3A_190 = arith.constant 2 : i32
            %mul3A_191 = arith.muli %scan3A_128, %mul3A_190 : i32
            %get3A = arith.index_cast %rem3A_121 : i32 to index
            %get3A_192 = arith.index_cast %mul3A_191 : i32 to index
            %get3A_193 = arith.index_cast %mul3A_189 : i32 to index
            %get3A_194 = tpu.vector_load %arg9[%get3A, %get3A_192, %get3A_193] {strides = array<i32>} : memref<2x8x64xi32, #tpu.memory_space<vmem>>, vector<16xi32>,
            %mul3A_195 = arith.constant 2 : i32
            %mul3A_196 = arith.muli %scan3A_128, %mul3A_195 : i32
            %add3A_197 = arith.constant 1 : i32
            %add3A_198 = arith.addi %mul3A_196, %add3A_197 : i32
            %get3A_199 = arith.index_cast %rem3A_121 : i32 to index
            %get3A_200 = arith.index_cast %add3A_198 : i32 to index
            %get3A_201 = arith.index_cast %mul3A_189 : i32 to index
            %get3A_202 = tpu.vector_load %arg9[%get3A_199, %get3A_200, %get3A_201] {strides = array<i32>} : memref<2x8x64xi32, #tpu.memory_space<vmem>>, vector<16xi32>,
            %mul3A_203 = arith.constant 2 : i32
            %mul3A_204 = vector.broadcast %mul3A_203 : i32 to vector<16xi32>
            %mul3A_205 = arith.muli %get3A_194, %mul3A_204 : vector<16xi32>
            %gather3A = tpu.vector_load_idx %run_scoped3A[%mul3A_205] : memref<20000xf32, #tpu.memory_space<vmem>>[vector<16xi32>], vector<16xf32>,
            %mul3A_206 = arith.constant 2 : i32
            %mul3A_207 = vector.broadcast %mul3A_206 : i32 to vector<16xi32>
            %mul3A_208 = arith.muli %get3A_202, %mul3A_207 : vector<16xi32>
            %add3A_209 = arith.constant 1 : i32
            %add3A_210 = vector.broadcast %add3A_209 : i32 to vector<16xi32>
            %add3A_211 = arith.addi %mul3A_208, %add3A_210 : vector<16xi32>
            %gather3A_212 = tpu.vector_load_idx %run_scoped3A[%add3A_211] : memref<20000xf32, #tpu.memory_space<vmem>>[vector<16xi32>], vector<16xf32>,
            %add3A_213 = arith.addf %gather3A, %gather3A_212 : vector<16xf32>
            %ge3A = arith.constant 0.000000e+00 : f32
            %ge3A_214 = vector.broadcast %ge3A : f32 to vector<16xf32>
            %ge3A_215 = arith.cmpf oge, %add3A_213, %ge3A_214 : vector<16xf32>
            %mul3A_216 = arith.constant 2.000000e-01 : f32
            %mul3A_217 = vector.broadcast %mul3A_216 : f32 to vector<16xf32>
            %mul3A_218 = arith.mulf %add3A_213, %mul3A_217 : vector<16xf32>
            %select_n3A = arith.select %ge3A_215, %add3A_213, %mul3A_218 : vector<16xi1>, vector<16xf32>
            %exp3A = math.exp %select_n3A : vector<16xf32>
            %swap3A = arith.index_cast %mul3A_189 : i32 to index
            %swap3A_219 = tpu.vector_load %run_scoped3A_14[%swap3A] {strides = array<i32>} : memref<64xf32, #tpu.memory_space<vmem>>, vector<16xf32>,
            tpu.vector_store %run_scoped3A_14[%swap3A], %exp3A {strides = array<i32>} : memref<64xf32, #tpu.memory_space<vmem>>, vector<16xf32>,
          }
          %scan3A_146 = arith.constant 4 : i32
          %rem3A_147 = arith.constant 2 : i32
          %rem3A_148 = arith.remsi %scan3A_119, %rem3A_147 : i32
          %mul3A_149 = arith.constant 2 : i32
          %mul3A_150 = arith.muli %scan3A_128, %mul3A_149 : i32
          %dma_wait3A_151 = arith.constant 0 : i32
          %dma_wait3A_152 = arith.constant 0 : i32
          %dma_wait3A_153 = tpu.memref_slice %run_scoped3A_13[%rem3A_133, %dma_wait3A_151, %dma_wait3A_152] : memref<2x64x144xf32, #tpu.memory_space<vmem>> -> memref<1x64x144xf32, #tpu.memory_space<vmem>>
          %dma_wait3A_154 = tpu.memref_squeeze %dma_wait3A_153 : memref<1x64x144xf32, #tpu.memory_space<vmem>> -> memref<64x144xf32, #tpu.memory_space<vmem>>
          %dma_wait3A_155 = arith.constant 0 : i32
          %dma_wait3A_156 = tpu.memref_slice %arg9[%rem3A_148, %mul3A_150, %dma_wait3A_155] : memref<2x8x64xi32, #tpu.memory_space<vmem>> -> memref<1x1x64xi32, #tpu.memory_space<vmem>>
          %dma_wait3A_157 = tpu.memref_squeeze %dma_wait3A_156 : memref<1x1x64xi32, #tpu.memory_space<vmem>> -> memref<64xi32, #tpu.memory_space<vmem>>
          %dma_wait3A_158 = arith.constant 0 : i32
          %dma_wait3A_159 = arith.constant 0 : i32
          %dma_wait3A_160 = tpu.memref_slice %arg2[%dma_wait3A_158, %dma_wait3A_159] : memref<10000x144xf32, #tpu.memory_space<hbm>> -> memref<10000x144xf32, #tpu.memory_space<hbm>>
          %dma_wait3A_161 = tpu.memref_slice %arg11[%rem3A_133] : memref<2x!tpu.dma_semaphore, #tpu.memory_space<semaphore_mem>> -> memref<1x!tpu.dma_semaphore, #tpu.memory_space<semaphore_mem>>
          %dma_wait3A_162 = tpu.memref_squeeze %dma_wait3A_161 : memref<1x!tpu.dma_semaphore, #tpu.memory_space<semaphore_mem>> -> memref<!tpu.dma_semaphore, #tpu.memory_space<semaphore_mem>>
          tpu.wait_indirect_dma semaphore(%dma_wait3A_162 : memref<!tpu.dma_semaphore, #tpu.memory_space<semaphore_mem>>) src(%dma_wait3A_160 : memref<10000x144xf32, #tpu.memory_space<hbm>>) dst(%dma_wait3A_154 : memref<64x144xf32, #tpu.memory_space<vmem>>)
          %scan3A_163 = arith.constant 0 : i32
          %scan3A_164 = arith.constant 0 : i32
          %scan3A_165 = arith.constant 4 : i32
          %scan3A_166 = arith.addi %scan3A_164, %scan3A_165 : i32
          %scan3A_167 = arith.constant 1 : i32
          scf.for %scan3A_187 = %scan3A_164 to %scan3A_166 step %scan3A_167  : i32 {
            %mul3A_188 = arith.constant 16 : i32
            %mul3A_189 = arith.muli %scan3A_187, %mul3A_188 : i32
            %get3A = arith.index_cast %mul3A_189 : i32 to index
            %get3A_190 = tpu.vector_load %run_scoped3A_14[%get3A] {strides = array<i32>} : memref<64xf32, #tpu.memory_space<vmem>>, vector<16xf32>,
            %slice3A = vector.extract_strided_slice %get3A_190 {offsets = [0], sizes = [1], strides = [1]} : vector<16xf32> to vector<1xf32>
            %squeeze3A = vector.extract %slice3A[0] : f32 from vector<1xf32>
            %add3A_191 = arith.constant 0 : i32
            %add3A_192 = arith.addi %mul3A_189, %add3A_191 : i32
            %get3A_193 = arith.index_cast %rem3A_133 : i32 to index
            %get3A_194 = arith.index_cast %add3A_192 : i32 to index
            %get3A_195 = arith.constant 0 : index
            %get3A_196 = tpu.vector_load %run_scoped3A_13[%get3A_193, %get3A_194, %get3A_195] {strides = array<i32>} : memref<2x64x144xf32, #tpu.memory_space<vmem>>, vector<16xf32>,
            %mul3A_197 = vector.broadcast %squeeze3A : f32 to vector<16xf32>
            %mul3A_198 = arith.mulf %get3A_196, %mul3A_197 : vector<16xf32>
            %get3A_199 = arith.index_cast %rem3A_133 : i32 to index
            %get3A_200 = arith.index_cast %add3A_192 : i32 to index
            %get3A_201 = arith.constant 16 : index
            %get3A_202 = tpu.vector_load %run_scoped3A_13[%get3A_199, %get3A_200, %get3A_201] {strides = array<i32>} : memref<2x64x144xf32, #tpu.memory_space<vmem>>, vector<16xf32>,
            %mul3A_203 = vector.broadcast %squeeze3A : f32 to vector<16xf32>
            %mul3A_204 = arith.mulf %get3A_202, %mul3A_203 : vector<16xf32>
            %get3A_205 = arith.index_cast %rem3A_133 : i32 to index
            %get3A_206 = arith.index_cast %add3A_192 : i32 to index
            %get3A_207 = arith.constant 32 : index
            %get3A_208 = tpu.vector_load %run_scoped3A_13[%get3A_205, %get3A_206, %get3A_207] {strides = array<i32>} : memref<2x64x144xf32, #tpu.memory_space<vmem>>, vector<16xf32>,
            %mul3A_209 = vector.broadcast %squeeze3A : f32 to vector<16xf32>
            %mul3A_210 = arith.mulf %get3A_208, %mul3A_209 : vector<16xf32>
            %get3A_211 = arith.index_cast %rem3A_133 : i32 to index
            %get3A_212 = arith.index_cast %add3A_192 : i32 to index
            %get3A_213 = arith.constant 48 : index
            %get3A_214 = tpu.vector_load %run_scoped3A_13[%get3A_211, %get3A_212, %get3A_213] {strides = array<i32>} : memref<2x64x144xf32, #tpu.memory_space<vmem>>, vector<16xf32>,
            %mul3A_215 = vector.broadcast %squeeze3A : f32 to vector<16xf32>
            %mul3A_216 = arith.mulf %get3A_214, %mul3A_215 : vector<16xf32>
            %get3A_217 = arith.index_cast %rem3A_133 : i32 to index
            %get3A_218 = arith.index_cast %add3A_192 : i32 to index
            %get3A_219 = arith.constant 64 : index
            %get3A_220 = tpu.vector_load %run_scoped3A_13[%get3A_217, %get3A_218, %get3A_219] {strides = array<i32>} : memref<2x64x144xf32, #tpu.memory_space<vmem>>, vector<16xf32>,
            %mul3A_221 = vector.broadcast %squeeze3A : f32 to vector<16xf32>
            %mul3A_222 = arith.mulf %get3A_220, %mul3A_221 : vector<16xf32>
            %get3A_223 = arith.index_cast %rem3A_133 : i32 to index
            %get3A_224 = arith.index_cast %add3A_192 : i32 to index
            %get3A_225 = arith.constant 80 : index
            %get3A_226 = tpu.vector_load %run_scoped3A_13[%get3A_223, %get3A_224, %get3A_225] {strides = array<i32>} : memref<2x64x144xf32, #tpu.memory_space<vmem>>, vector<16xf32>,
            %mul3A_227 = vector.broadcast %squeeze3A : f32 to vector<16xf32>
            %mul3A_228 = arith.mulf %get3A_226, %mul3A_227 : vector<16xf32>
            %get3A_229 = arith.index_cast %rem3A_133 : i32 to index
            %get3A_230 = arith.index_cast %add3A_192 : i32 to index
            %get3A_231 = arith.constant 96 : index
            %get3A_232 = tpu.vector_load %run_scoped3A_13[%get3A_229, %get3A_230, %get3A_231] {strides = array<i32>} : memref<2x64x144xf32, #tpu.memory_space<vmem>>, vector<16xf32>,
            %mul3A_233 = vector.broadcast %squeeze3A : f32 to vector<16xf32>
            %mul3A_234 = arith.mulf %get3A_232, %mul3A_233 : vector<16xf32>
            %get3A_235 = arith.index_cast %rem3A_133 : i32 to index
            %get3A_236 = arith.index_cast %add3A_192 : i32 to index
            %get3A_237 = arith.constant 112 : index
            %get3A_238 = tpu.vector_load %run_scoped3A_13[%get3A_235, %get3A_236, %get3A_237] {strides = array<i32>} : memref<2x64x144xf32, #tpu.memory_space<vmem>>, vector<16xf32>,
            %mul3A_239 = vector.broadcast %squeeze3A : f32 to vector<16xf32>
            %mul3A_240 = arith.mulf %get3A_238, %mul3A_239 : vector<16xf32>
            %swap3A = arith.index_cast %rem3A_133 : i32 to index
            %swap3A_241 = arith.index_cast %add3A_192 : i32 to index
            %swap3A_242 = arith.constant 0 : index
            %swap3A_243 = tpu.vector_load %run_scoped3A_13[%swap3A, %swap3A_241, %swap3A_242] {strides = array<i32>} : memref<2x64x144xf32, #tpu.memory_space<vmem>>, vector<16xf32>,
            tpu.vector_store %run_scoped3A_13[%swap3A, %swap3A_241, %swap3A_242], %mul3A_198 {strides = array<i32>} : memref<2x64x144xf32, #tpu.memory_space<vmem>>, vector<16xf32>,
            %swap3A_244 = arith.index_cast %rem3A_133 : i32 to index
            %swap3A_245 = arith.index_cast %add3A_192 : i32 to index
            %swap3A_246 = arith.constant 16 : index
            %swap3A_247 = tpu.vector_load %run_scoped3A_13[%swap3A_244, %swap3A_245, %swap3A_246] {strides = array<i32>} : memref<2x64x144xf32, #tpu.memory_space<vmem>>, vector<16xf32>,
            tpu.vector_store %run_scoped3A_13[%swap3A_244, %swap3A_245, %swap3A_246], %mul3A_204 {strides = array<i32>} : memref<2x64x144xf32, #tpu.memory_space<vmem>>, vector<16xf32>,
            %swap3A_248 = arith.index_cast %rem3A_133 : i32 to index
            %swap3A_249 = arith.index_cast %add3A_192 : i32 to index
            %swap3A_250 = arith.constant 32 : index
            %swap3A_251 = tpu.vector_load %run_scoped3A_13[%swap3A_248, %swap3A_249, %swap3A_250] {strides = array<i32>} : memref<2x64x144xf32, #tpu.memory_space<vmem>>, vector<16xf32>,
            tpu.vector_store %run_scoped3A_13[%swap3A_248, %swap3A_249, %swap3A_250], %mul3A_210 {strides = array<i32>} : memref<2x64x144xf32, #tpu.memory_space<vmem>>, vector<16xf32>,
            %swap3A_252 = arith.index_cast %rem3A_133 : i32 to index
            %swap3A_253 = arith.index_cast %add3A_192 : i32 to index
            %swap3A_254 = arith.constant 48 : index
            %swap3A_255 = tpu.vector_load %run_scoped3A_13[%swap3A_252, %swap3A_253, %swap3A_254] {strides = array<i32>} : memref<2x64x144xf32, #tpu.memory_space<vmem>>, vector<16xf32>,
            tpu.vector_store %run_scoped3A_13[%swap3A_252, %swap3A_253, %swap3A_254], %mul3A_216 {strides = array<i32>} : memref<2x64x144xf32, #tpu.memory_space<vmem>>, vector<16xf32>,
            %swap3A_256 = arith.index_cast %rem3A_133 : i32 to index
            %swap3A_257 = arith.index_cast %add3A_192 : i32 to index
            %swap3A_258 = arith.constant 64 : index
            %swap3A_259 = tpu.vector_load %run_scoped3A_13[%swap3A_256, %swap3A_257, %swap3A_258] {strides = array<i32>} : memref<2x64x144xf32, #tpu.memory_space<vmem>>, vector<16xf32>,
            tpu.vector_store %run_scoped3A_13[%swap3A_256, %swap3A_257, %swap3A_258], %mul3A_222 {strides = array<i32>} : memref<2x64x144xf32, #tpu.memory_space<vmem>>, vector<16xf32>,
            %swap3A_260 = arith.index_cast %rem3A_133 : i32 to index
            %swap3A_261 = arith.index_cast %add3A_192 : i32 to index
            %swap3A_262 = arith.constant 80 : index
            %swap3A_263 = tpu.vector_load %run_scoped3A_13[%swap3A_260, %swap3A_261, %swap3A_262] {strides = array<i32>} : memref<2x64x144xf32, #tpu.memory_space<vmem>>, vector<16xf32>,
            tpu.vector_store %run_scoped3A_13[%swap3A_260, %swap3A_261, %swap3A_262], %mul3A_228 {strides = array<i32>} : memref<2x64x144xf32, #tpu.memory_space<vmem>>, vector<16xf32>,
            %swap3A_264 = arith.index_cast %rem3A_133 : i32 to index
            %swap3A_265 = arith.index_cast %add3A_192 : i32 to index
            %swap3A_266 = arith.constant 96 : index
            %swap3A_267 = tpu.vector_load %run_scoped3A_13[%swap3A_264, %swap3A_265, %swap3A_266] {strides = array<i32>} : memref<2x64x144xf32, #tpu.memory_space<vmem>>, vector<16xf32>,
            tpu.vector_store %run_scoped3A_13[%swap3A_264, %swap3A_265, %swap3A_266], %mul3A_234 {strides = array<i32>} : memref<2x64x144xf32, #tpu.memory_space<vmem>>, vector<16xf32>,
            %swap3A_268 = arith.index_cast %rem3A_133 : i32 to index
            %swap3A_269 = arith.index_cast %add3A_192 : i32 to index
            %swap3A_270 = arith.constant 112 : index
            %swap3A_271 = tpu.vector_load %run_scoped3A_13[%swap3A_268, %swap3A_269, %swap3A_270] {strides = array<i32>} : memref<2x64x144xf32, #tpu.memory_space<vmem>>, vector<16xf32>,
            tpu.vector_store %run_scoped3A_13[%swap3A_268, %swap3A_269, %swap3A_270], %mul3A_240 {strides = array<i32>} : memref<2x64x144xf32, #tpu.memory_space<vmem>>, vector<16xf32>,
            %broadcast_in_dim3A = vector.broadcast %squeeze3A : f32 to vector<16xf32>
            %swap3A_272 = arith.index_cast %rem3A_133 : i32 to index
            %swap3A_273 = arith.index_cast %add3A_192 : i32 to index
            %swap3A_274 = arith.constant 128 : index
            %swap3A_275 = tpu.vector_load %run_scoped3A_13[%swap3A_272, %swap3A_273, %swap3A_274] {strides = array<i32>} : memref<2x64x144xf32, #tpu.memory_space<vmem>>, vector<16xf32>,
            tpu.vector_store %run_scoped3A_13[%swap3A_272, %swap3A_273, %swap3A_274], %broadcast_in_dim3A {strides = array<i32>} : memref<2x64x144xf32, #tpu.memory_space<vmem>>, vector<16xf32>,
            %slice3A_276 = vector.extract_strided_slice %get3A_190 {offsets = [1], sizes = [1], strides = [1]} : vector<16xf32> to vector<1xf32>
            %squeeze3A_277 = vector.extract %slice3A_276[0] : f32 from vector<1xf32>
            %add3A_278 = arith.constant 1 : i32
            %add3A_279 = arith.addi %mul3A_189, %add3A_278 : i32
            %get3A_280 = arith.index_cast %rem3A_133 : i32 to index
            %get3A_281 = arith.index_cast %add3A_279 : i32 to index
            %get3A_282 = arith.constant 0 : index
            %get3A_283 = tpu.vector_load %run_scoped3A_13[%get3A_280, %get3A_281, %get3A_282] {strides = array<i32>} : memref<2x64x144xf32, #tpu.memory_space<vmem>>, vector<16xf32>,
            %mul3A_284 = vector.broadcast %squeeze3A_277 : f32 to vector<16xf32>
            %mul3A_285 = arith.mulf %get3A_283, %mul3A_284 : vector<16xf32>
            %get3A_286 = arith.index_cast %rem3A_133 : i32 to index
            %get3A_287 = arith.index_cast %add3A_279 : i32 to index
            %get3A_288 = arith.constant 16 : index
            %get3A_289 = tpu.vector_load %run_scoped3A_13[%get3A_286, %get3A_287, %get3A_288] {strides = array<i32>} : memref<2x64x144xf32, #tpu.memory_space<vmem>>, vector<16xf32>,
            %mul3A_290 = vector.broadcast %squeeze3A_277 : f32 to vector<16xf32>
            %mul3A_291 = arith.mulf %get3A_289, %mul3A_290 : vector<16xf32>
            %get3A_292 = arith.index_cast %rem3A_133 : i32 to index
            %get3A_293 = arith.index_cast %add3A_279 : i32 to index
            %get3A_294 = arith.constant 32 : index
            %get3A_295 = tpu.vector_load %run_scoped3A_13[%get3A_292, %get3A_293, %get3A_294] {strides = array<i32>} : memref<2x64x144xf32, #tpu.memory_space<vmem>>, vector<16xf32>,
            %mul3A_296 = vector.broadcast %squeeze3A_277 : f32 to vector<16xf32>
            %mul3A_297 = arith.mulf %get3A_295, %mul3A_296 : vector<16xf32>
            %get3A_298 = arith.index_cast %rem3A_133 : i32 to index
            %get3A_299 = arith.index_cast %add3A_279 : i32 to index
            %get3A_300 = arith.constant 48 : index
            %get3A_301 = tpu.vector_load %run_scoped3A_13[%get3A_298, %get3A_299, %get3A_300] {strides = array<i32>} : memref<2x64x144xf32, #tpu.memory_space<vmem>>, vector<16xf32>,
            %mul3A_302 = vector.broadcast %squeeze3A_277 : f32 to vector<16xf32>
            %mul3A_303 = arith.mulf %get3A_301, %mul3A_302 : vector<16xf32>
            %get3A_304 = arith.index_cast %rem3A_133 : i32 to index
            %get3A_305 = arith.index_cast %add3A_279 : i32 to index
            %get3A_306 = arith.constant 64 : index
            %get3A_307 = tpu.vector_load %run_scoped3A_13[%get3A_304, %get3A_305, %get3A_306] {strides = array<i32>} : memref<2x64x144xf32, #tpu.memory_space<vmem>>, vector<16xf32>,
            %mul3A_308 = vector.broadcast %squeeze3A_277 : f32 to vector<16xf32>
            %mul3A_309 = arith.mulf %get3A_307, %mul3A_308 : vector<16xf32>
            %get3A_310 = arith.index_cast %rem3A_133 : i32 to index
            %get3A_311 = arith.index_cast %add3A_279 : i32 to index
            %get3A_312 = arith.constant 80 : index
            %get3A_313 = tpu.vector_load %run_scoped3A_13[%get3A_310, %get3A_311, %get3A_312] {strides = array<i32>} : memref<2x64x144xf32, #tpu.memory_space<vmem>>, vector<16xf32>,
            %mul3A_314 = vector.broadcast %squeeze3A_277 : f32 to vector<16xf32>
            %mul3A_315 = arith.mulf %get3A_313, %mul3A_314 : vector<16xf32>
            %get3A_316 = arith.index_cast %rem3A_133 : i32 to index
            %get3A_317 = arith.index_cast %add3A_279 : i32 to index
            %get3A_318 = arith.constant 96 : index
            %get3A_319 = tpu.vector_load %run_scoped3A_13[%get3A_316, %get3A_317, %get3A_318] {strides = array<i32>} : memref<2x64x144xf32, #tpu.memory_space<vmem>>, vector<16xf32>,
            %mul3A_320 = vector.broadcast %squeeze3A_277 : f32 to vector<16xf32>
            %mul3A_321 = arith.mulf %get3A_319, %mul3A_320 : vector<16xf32>
            %get3A_322 = arith.index_cast %rem3A_133 : i32 to index
            %get3A_323 = arith.index_cast %add3A_279 : i32 to index
            %get3A_324 = arith.constant 112 : index
            %get3A_325 = tpu.vector_load %run_scoped3A_13[%get3A_322, %get3A_323, %get3A_324] {strides = array<i32>} : memref<2x64x144xf32, #tpu.memory_space<vmem>>, vector<16xf32>,
            %mul3A_326 = vector.broadcast %squeeze3A_277 : f32 to vector<16xf32>
            %mul3A_327 = arith.mulf %get3A_325, %mul3A_326 : vector<16xf32>
            %swap3A_328 = arith.index_cast %rem3A_133 : i32 to index
            %swap3A_329 = arith.index_cast %add3A_279 : i32 to index
            %swap3A_330 = arith.constant 0 : index
            %swap3A_331 = tpu.vector_load %run_scoped3A_13[%swap3A_328, %swap3A_329, %swap3A_330] {strides = array<i32>} : memref<2x64x144xf32, #tpu.memory_space<vmem>>, vector<16xf32>,
            tpu.vector_store %run_scoped3A_13[%swap3A_328, %swap3A_329, %swap3A_330], %mul3A_285 {strides = array<i32>} : memref<2x64x144xf32, #tpu.memory_space<vmem>>, vector<16xf32>,
            %swap3A_332 = arith.index_cast %rem3A_133 : i32 to index
            %swap3A_333 = arith.index_cast %add3A_279 : i32 to index
            %swap3A_334 = arith.constant 16 : index
            %swap3A_335 = tpu.vector_load %run_scoped3A_13[%swap3A_332, %swap3A_333, %swap3A_334] {strides = array<i32>} : memref<2x64x144xf32, #tpu.memory_space<vmem>>, vector<16xf32>,
            tpu.vector_store %run_scoped3A_13[%swap3A_332, %swap3A_333, %swap3A_334], %mul3A_291 {strides = array<i32>} : memref<2x64x144xf32, #tpu.memory_space<vmem>>, vector<16xf32>,
            %swap3A_336 = arith.index_cast %rem3A_133 : i32 to index
            %swap3A_337 = arith.index_cast %add3A_279 : i32 to index
            %swap3A_338 = arith.constant 32 : index
            %swap3A_339 = tpu.vector_load %run_scoped3A_13[%swap3A_336, %swap3A_337, %swap3A_338] {strides = array<i32>} : memref<2x64x144xf32, #tpu.memory_space<vmem>>, vector<16xf32>,
            tpu.vector_store %run_scoped3A_13[%swap3A_336, %swap3A_337, %swap3A_338], %mul3A_297 {strides = array<i32>} : memref<2x64x144xf32, #tpu.memory_space<vmem>>, vector<16xf32>,
            %swap3A_340 = arith.index_cast %rem3A_133 : i32 to index
            %swap3A_341 = arith.index_cast %add3A_279 : i32 to index
            %swap3A_342 = arith.constant 48 : index
            %swap3A_343 = tpu.vector_load %run_scoped3A_13[%swap3A_340, %swap3A_341, %swap3A_342] {strides = array<i32>} : memref<2x64x144xf32, #tpu.memory_space<vmem>>, vector<16xf32>,
            tpu.vector_store %run_scoped3A_13[%swap3A_340, %swap3A_341, %swap3A_342], %mul3A_303 {strides = array<i32>} : memref<2x64x144xf32, #tpu.memory_space<vmem>>, vector<16xf32>,
            %swap3A_344 = arith.index_cast %rem3A_133 : i32 to index
            %swap3A_345 = arith.index_cast %add3A_279 : i32 to index
            %swap3A_346 = arith.constant 64 : index
            %swap3A_347 = tpu.vector_load %run_scoped3A_13[%swap3A_344, %swap3A_345, %swap3A_346] {strides = array<i32>} : memref<2x64x144xf32, #tpu.memory_space<vmem>>, vector<16xf32>,
            tpu.vector_store %run_scoped3A_13[%swap3A_344, %swap3A_345, %swap3A_346], %mul3A_309 {strides = array<i32>} : memref<2x64x144xf32, #tpu.memory_space<vmem>>, vector<16xf32>,
            %swap3A_348 = arith.index_cast %rem3A_133 : i32 to index
            %swap3A_349 = arith.index_cast %add3A_279 : i32 to index
            %swap3A_350 = arith.constant 80 : index
            %swap3A_351 = tpu.vector_load %run_scoped3A_13[%swap3A_348, %swap3A_349, %swap3A_350] {strides = array<i32>} : memref<2x64x144xf32, #tpu.memory_space<vmem>>, vector<16xf32>,
            tpu.vector_store %run_scoped3A_13[%swap3A_348, %swap3A_349, %swap3A_350], %mul3A_315 {strides = array<i32>} : memref<2x64x144xf32, #tpu.memory_space<vmem>>, vector<16xf32>,
            %swap3A_352 = arith.index_cast %rem3A_133 : i32 to index
            %swap3A_353 = arith.index_cast %add3A_279 : i32 to index
            %swap3A_354 = arith.constant 96 : index
            %swap3A_355 = tpu.vector_load %run_scoped3A_13[%swap3A_352, %swap3A_353, %swap3A_354] {strides = array<i32>} : memref<2x64x144xf32, #tpu.memory_space<vmem>>, vector<16xf32>,
            tpu.vector_store %run_scoped3A_13[%swap3A_352, %swap3A_353, %swap3A_354], %mul3A_321 {strides = array<i32>} : memref<2x64x144xf32, #tpu.memory_space<vmem>>, vector<16xf32>,
            %swap3A_356 = arith.index_cast %rem3A_133 : i32 to index
            %swap3A_357 = arith.index_cast %add3A_279 : i32 to index
            %swap3A_358 = arith.constant 112 : index
            %swap3A_359 = tpu.vector_load %run_scoped3A_13[%swap3A_356, %swap3A_357, %swap3A_358] {strides = array<i32>} : memref<2x64x144xf32, #tpu.memory_space<vmem>>, vector<16xf32>,
            tpu.vector_store %run_scoped3A_13[%swap3A_356, %swap3A_357, %swap3A_358], %mul3A_327 {strides = array<i32>} : memref<2x64x144xf32, #tpu.memory_space<vmem>>, vector<16xf32>,
            %broadcast_in_dim3A_360 = vector.broadcast %squeeze3A_277 : f32 to vector<16xf32>
            %swap3A_361 = arith.index_cast %rem3A_133 : i32 to index
            %swap3A_362 = arith.index_cast %add3A_279 : i32 to index
            %swap3A_363 = arith.constant 128 : index
            %swap3A_364 = tpu.vector_load %run_scoped3A_13[%swap3A_361, %swap3A_362, %swap3A_363] {strides = array<i32>} : memref<2x64x144xf32, #tpu.memory_space<vmem>>, vector<16xf32>,
            tpu.vector_store %run_scoped3A_13[%swap3A_361, %swap3A_362, %swap3A_363], %broadcast_in_dim3A_360 {strides = array<i32>} : memref<2x64x144xf32, #tpu.memory_space<vmem>>, vector<16xf32>,
            %slice3A_365 = vector.extract_strided_slice %get3A_190 {offsets = [2], sizes = [1], strides = [1]} : vector<16xf32> to vector<1xf32>
            %squeeze3A_366 = vector.extract %slice3A_365[0] : f32 from vector<1xf32>
            %add3A_367 = arith.constant 2 : i32
            %add3A_368 = arith.addi %mul3A_189, %add3A_367 : i32
            %get3A_369 = arith.index_cast %rem3A_133 : i32 to index
            %get3A_370 = arith.index_cast %add3A_368 : i32 to index
            %get3A_371 = arith.constant 0 : index
            %get3A_372 = tpu.vector_load %run_scoped3A_13[%get3A_369, %get3A_370, %get3A_371] {strides = array<i32>} : memref<2x64x144xf32, #tpu.memory_space<vmem>>, vector<16xf32>,
            %mul3A_373 = vector.broadcast %squeeze3A_366 : f32 to vector<16xf32>
            %mul3A_374 = arith.mulf %get3A_372, %mul3A_373 : vector<16xf32>
            %get3A_375 = arith.index_cast %rem3A_133 : i32 to index
            %get3A_376 = arith.index_cast %add3A_368 : i32 to index
            %get3A_377 = arith.constant 16 : index
            %get3A_378 = tpu.vector_load %run_scoped3A_13[%get3A_375, %get3A_376, %get3A_377] {strides = array<i32>} : memref<2x64x144xf32, #tpu.memory_space<vmem>>, vector<16xf32>,
            %mul3A_379 = vector.broadcast %squeeze3A_366 : f32 to vector<16xf32>
            %mul3A_380 = arith.mulf %get3A_378, %mul3A_379 : vector<16xf32>
            %get3A_381 = arith.index_cast %rem3A_133 : i32 to index
            %get3A_382 = arith.index_cast %add3A_368 : i32 to index
            %get3A_383 = arith.constant 32 : index
            %get3A_384 = tpu.vector_load %run_scoped3A_13[%get3A_381, %get3A_382, %get3A_383] {strides = array<i32>} : memref<2x64x144xf32, #tpu.memory_space<vmem>>, vector<16xf32>,
            %mul3A_385 = vector.broadcast %squeeze3A_366 : f32 to vector<16xf32>
            %mul3A_386 = arith.mulf %get3A_384, %mul3A_385 : vector<16xf32>
            %get3A_387 = arith.index_cast %rem3A_133 : i32 to index
            %get3A_388 = arith.index_cast %add3A_368 : i32 to index
            %get3A_389 = arith.constant 48 : index
            %get3A_390 = tpu.vector_load %run_scoped3A_13[%get3A_387, %get3A_388, %get3A_389] {strides = array<i32>} : memref<2x64x144xf32, #tpu.memory_space<vmem>>, vector<16xf32>,
            %mul3A_391 = vector.broadcast %squeeze3A_366 : f32 to vector<16xf32>
            %mul3A_392 = arith.mulf %get3A_390, %mul3A_391 : vector<16xf32>
            %get3A_393 = arith.index_cast %rem3A_133 : i32 to index
            %get3A_394 = arith.index_cast %add3A_368 : i32 to index
            %get3A_395 = arith.constant 64 : index
            %get3A_396 = tpu.vector_load %run_scoped3A_13[%get3A_393, %get3A_394, %get3A_395] {strides = array<i32>} : memref<2x64x144xf32, #tpu.memory_space<vmem>>, vector<16xf32>,
            %mul3A_397 = vector.broadcast %squeeze3A_366 : f32 to vector<16xf32>
            %mul3A_398 = arith.mulf %get3A_396, %mul3A_397 : vector<16xf32>
            %get3A_399 = arith.index_cast %rem3A_133 : i32 to index
            %get3A_400 = arith.index_cast %add3A_368 : i32 to index
            %get3A_401 = arith.constant 80 : index
            %get3A_402 = tpu.vector_load %run_scoped3A_13[%get3A_399, %get3A_400, %get3A_401] {strides = array<i32>} : memref<2x64x144xf32, #tpu.memory_space<vmem>>, vector<16xf32>,
            %mul3A_403 = vector.broadcast %squeeze3A_366 : f32 to vector<16xf32>
            %mul3A_404 = arith.mulf %get3A_402, %mul3A_403 : vector<16xf32>
            %get3A_405 = arith.index_cast %rem3A_133 : i32 to index
            %get3A_406 = arith.index_cast %add3A_368 : i32 to index
            %get3A_407 = arith.constant 96 : index
            %get3A_408 = tpu.vector_load %run_scoped3A_13[%get3A_405, %get3A_406, %get3A_407] {strides = array<i32>} : memref<2x64x144xf32, #tpu.memory_space<vmem>>, vector<16xf32>,
            %mul3A_409 = vector.broadcast %squeeze3A_366 : f32 to vector<16xf32>
            %mul3A_410 = arith.mulf %get3A_408, %mul3A_409 : vector<16xf32>
            %get3A_411 = arith.index_cast %rem3A_133 : i32 to index
            %get3A_412 = arith.index_cast %add3A_368 : i32 to index
            %get3A_413 = arith.constant 112 : index
            %get3A_414 = tpu.vector_load %run_scoped3A_13[%get3A_411, %get3A_412, %get3A_413] {strides = array<i32>} : memref<2x64x144xf32, #tpu.memory_space<vmem>>, vector<16xf32>,
            %mul3A_415 = vector.broadcast %squeeze3A_366 : f32 to vector<16xf32>
            %mul3A_416 = arith.mulf %get3A_414, %mul3A_415 : vector<16xf32>
            %swap3A_417 = arith.index_cast %rem3A_133 : i32 to index
            %swap3A_418 = arith.index_cast %add3A_368 : i32 to index
            %swap3A_419 = arith.constant 0 : index
            %swap3A_420 = tpu.vector_load %run_scoped3A_13[%swap3A_417, %swap3A_418, %swap3A_419] {strides = array<i32>} : memref<2x64x144xf32, #tpu.memory_space<vmem>>, vector<16xf32>,
            tpu.vector_store %run_scoped3A_13[%swap3A_417, %swap3A_418, %swap3A_419], %mul3A_374 {strides = array<i32>} : memref<2x64x144xf32, #tpu.memory_space<vmem>>, vector<16xf32>,
            %swap3A_421 = arith.index_cast %rem3A_133 : i32 to index
            %swap3A_422 = arith.index_cast %add3A_368 : i32 to index
            %swap3A_423 = arith.constant 16 : index
            %swap3A_424 = tpu.vector_load %run_scoped3A_13[%swap3A_421, %swap3A_422, %swap3A_423] {strides = array<i32>} : memref<2x64x144xf32, #tpu.memory_space<vmem>>, vector<16xf32>,
            tpu.vector_store %run_scoped3A_13[%swap3A_421, %swap3A_422, %swap3A_423], %mul3A_380 {strides = array<i32>} : memref<2x64x144xf32, #tpu.memory_space<vmem>>, vector<16xf32>,
            %swap3A_425 = arith.index_cast %rem3A_133 : i32 to index
            %swap3A_426 = arith.index_cast %add3A_368 : i32 to index
            %swap3A_427 = arith.constant 32 : index
            %swap3A_428 = tpu.vector_load %run_scoped3A_13[%swap3A_425, %swap3A_426, %swap3A_427] {strides = array<i32>} : memref<2x64x144xf32, #tpu.memory_space<vmem>>, vector<16xf32>,
            tpu.vector_store %run_scoped3A_13[%swap3A_425, %swap3A_426, %swap3A_427], %mul3A_386 {strides = array<i32>} : memref<2x64x144xf32, #tpu.memory_space<vmem>>, vector<16xf32>,
            %swap3A_429 = arith.index_cast %rem3A_133 : i32 to index
            %swap3A_430 = arith.index_cast %add3A_368 : i32 to index
            %swap3A_431 = arith.constant 48 : index
            %swap3A_432 = tpu.vector_load %run_scoped3A_13[%swap3A_429, %swap3A_430, %swap3A_431] {strides = array<i32>} : memref<2x64x144xf32, #tpu.memory_space<vmem>>, vector<16xf32>,
            tpu.vector_store %run_scoped3A_13[%swap3A_429, %swap3A_430, %swap3A_431], %mul3A_392 {strides = array<i32>} : memref<2x64x144xf32, #tpu.memory_space<vmem>>, vector<16xf32>,
            %swap3A_433 = arith.index_cast %rem3A_133 : i32 to index
            %swap3A_434 = arith.index_cast %add3A_368 : i32 to index
            %swap3A_435 = arith.constant 64 : index
            %swap3A_436 = tpu.vector_load %run_scoped3A_13[%swap3A_433, %swap3A_434, %swap3A_435] {strides = array<i32>} : memref<2x64x144xf32, #tpu.memory_space<vmem>>, vector<16xf32>,
            tpu.vector_store %run_scoped3A_13[%swap3A_433, %swap3A_434, %swap3A_435], %mul3A_398 {strides = array<i32>} : memref<2x64x144xf32, #tpu.memory_space<vmem>>, vector<16xf32>,
            %swap3A_437 = arith.index_cast %rem3A_133 : i32 to index
            %swap3A_438 = arith.index_cast %add3A_368 : i32 to index
            %swap3A_439 = arith.constant 80 : index
            %swap3A_440 = tpu.vector_load %run_scoped3A_13[%swap3A_437, %swap3A_438, %swap3A_439] {strides = array<i32>} : memref<2x64x144xf32, #tpu.memory_space<vmem>>, vector<16xf32>,
            tpu.vector_store %run_scoped3A_13[%swap3A_437, %swap3A_438, %swap3A_439], %mul3A_404 {strides = array<i32>} : memref<2x64x144xf32, #tpu.memory_space<vmem>>, vector<16xf32>,
            %swap3A_441 = arith.index_cast %rem3A_133 : i32 to index
            %swap3A_442 = arith.index_cast %add3A_368 : i32 to index
            %swap3A_443 = arith.constant 96 : index
            %swap3A_444 = tpu.vector_load %run_scoped3A_13[%swap3A_441, %swap3A_442, %swap3A_443] {strides = array<i32>} : memref<2x64x144xf32, #tpu.memory_space<vmem>>, vector<16xf32>,
            tpu.vector_store %run_scoped3A_13[%swap3A_441, %swap3A_442, %swap3A_443], %mul3A_410 {strides = array<i32>} : memref<2x64x144xf32, #tpu.memory_space<vmem>>, vector<16xf32>,
            %swap3A_445 = arith.index_cast %rem3A_133 : i32 to index
            %swap3A_446 = arith.index_cast %add3A_368 : i32 to index
            %swap3A_447 = arith.constant 112 : index
            %swap3A_448 = tpu.vector_load %run_scoped3A_13[%swap3A_445, %swap3A_446, %swap3A_447] {strides = array<i32>} : memref<2x64x144xf32, #tpu.memory_space<vmem>>, vector<16xf32>,
            tpu.vector_store %run_scoped3A_13[%swap3A_445, %swap3A_446, %swap3A_447], %mul3A_416 {strides = array<i32>} : memref<2x64x144xf32, #tpu.memory_space<vmem>>, vector<16xf32>,
            %broadcast_in_dim3A_449 = vector.broadcast %squeeze3A_366 : f32 to vector<16xf32>
            %swap3A_450 = arith.index_cast %rem3A_133 : i32 to index
            %swap3A_451 = arith.index_cast %add3A_368 : i32 to index
            %swap3A_452 = arith.constant 128 : index
            %swap3A_453 = tpu.vector_load %run_scoped3A_13[%swap3A_450, %swap3A_451, %swap3A_452] {strides = array<i32>} : memref<2x64x144xf32, #tpu.memory_space<vmem>>, vector<16xf32>,
            tpu.vector_store %run_scoped3A_13[%swap3A_450, %swap3A_451, %swap3A_452], %broadcast_in_dim3A_449 {strides = array<i32>} : memref<2x64x144xf32, #tpu.memory_space<vmem>>, vector<16xf32>,
            %slice3A_454 = vector.extract_strided_slice %get3A_190 {offsets = [3], sizes = [1], strides = [1]} : vector<16xf32> to vector<1xf32>
            %squeeze3A_455 = vector.extract %slice3A_454[0] : f32 from vector<1xf32>
            %add3A_456 = arith.constant 3 : i32
            %add3A_457 = arith.addi %mul3A_189, %add3A_456 : i32
            %get3A_458 = arith.index_cast %rem3A_133 : i32 to index
            %get3A_459 = arith.index_cast %add3A_457 : i32 to index
            %get3A_460 = arith.constant 0 : index
            %get3A_461 = tpu.vector_load %run_scoped3A_13[%get3A_458, %get3A_459, %get3A_460] {strides = array<i32>} : memref<2x64x144xf32, #tpu.memory_space<vmem>>, vector<16xf32>,
            %mul3A_462 = vector.broadcast %squeeze3A_455 : f32 to vector<16xf32>
            %mul3A_463 = arith.mulf %get3A_461, %mul3A_462 : vector<16xf32>
            %get3A_464 = arith.index_cast %rem3A_133 : i32 to index
            %get3A_465 = arith.index_cast %add3A_457 : i32 to index
            %get3A_466 = arith.constant 16 : index
            %get3A_467 = tpu.vector_load %run_scoped3A_13[%get3A_464, %get3A_465, %get3A_466] {strides = array<i32>} : memref<2x64x144xf32, #tpu.memory_space<vmem>>, vector<16xf32>,
            %mul3A_468 = vector.broadcast %squeeze3A_455 : f32 to vector<16xf32>
            %mul3A_469 = arith.mulf %get3A_467, %mul3A_468 : vector<16xf32>
            %get3A_470 = arith.index_cast %rem3A_133 : i32 to index
            %get3A_471 = arith.index_cast %add3A_457 : i32 to index
            %get3A_472 = arith.constant 32 : index
            %get3A_473 = tpu.vector_load %run_scoped3A_13[%get3A_470, %get3A_471, %get3A_472] {strides = array<i32>} : memref<2x64x144xf32, #tpu.memory_space<vmem>>, vector<16xf32>,
            %mul3A_474 = vector.broadcast %squeeze3A_455 : f32 to vector<16xf32>
            %mul3A_475 = arith.mulf %get3A_473, %mul3A_474 : vector<16xf32>
            %get3A_476 = arith.index_cast %rem3A_133 : i32 to index
            %get3A_477 = arith.index_cast %add3A_457 : i32 to index
            %get3A_478 = arith.constant 48 : index
            %get3A_479 = tpu.vector_load %run_scoped3A_13[%get3A_476, %get3A_477, %get3A_478] {strides = array<i32>} : memref<2x64x144xf32, #tpu.memory_space<vmem>>, vector<16xf32>,
            %mul3A_480 = vector.broadcast %squeeze3A_455 : f32 to vector<16xf32>
            %mul3A_481 = arith.mulf %get3A_479, %mul3A_480 : vector<16xf32>
            %get3A_482 = arith.index_cast %rem3A_133 : i32 to index
            %get3A_483 = arith.index_cast %add3A_457 : i32 to index
            %get3A_484 = arith.constant 64 : index
            %get3A_485 = tpu.vector_load %run_scoped3A_13[%get3A_482, %get3A_483, %get3A_484] {strides = array<i32>} : memref<2x64x144xf32, #tpu.memory_space<vmem>>, vector<16xf32>,
            %mul3A_486 = vector.broadcast %squeeze3A_455 : f32 to vector<16xf32>
            %mul3A_487 = arith.mulf %get3A_485, %mul3A_486 : vector<16xf32>
            %get3A_488 = arith.index_cast %rem3A_133 : i32 to index
            %get3A_489 = arith.index_cast %add3A_457 : i32 to index
            %get3A_490 = arith.constant 80 : index
            %get3A_491 = tpu.vector_load %run_scoped3A_13[%get3A_488, %get3A_489, %get3A_490] {strides = array<i32>} : memref<2x64x144xf32, #tpu.memory_space<vmem>>, vector<16xf32>,
            %mul3A_492 = vector.broadcast %squeeze3A_455 : f32 to vector<16xf32>
            %mul3A_493 = arith.mulf %get3A_491, %mul3A_492 : vector<16xf32>
            %get3A_494 = arith.index_cast %rem3A_133 : i32 to index
            %get3A_495 = arith.index_cast %add3A_457 : i32 to index
            %get3A_496 = arith.constant 96 : index
            %get3A_497 = tpu.vector_load %run_scoped3A_13[%get3A_494, %get3A_495, %get3A_496] {strides = array<i32>} : memref<2x64x144xf32, #tpu.memory_space<vmem>>, vector<16xf32>,
            %mul3A_498 = vector.broadcast %squeeze3A_455 : f32 to vector<16xf32>
            %mul3A_499 = arith.mulf %get3A_497, %mul3A_498 : vector<16xf32>
            %get3A_500 = arith.index_cast %rem3A_133 : i32 to index
            %get3A_501 = arith.index_cast %add3A_457 : i32 to index
            %get3A_502 = arith.constant 112 : index
            %get3A_503 = tpu.vector_load %run_scoped3A_13[%get3A_500, %get3A_501, %get3A_502] {strides = array<i32>} : memref<2x64x144xf32, #tpu.memory_space<vmem>>, vector<16xf32>,
            %mul3A_504 = vector.broadcast %squeeze3A_455 : f32 to vector<16xf32>
            %mul3A_505 = arith.mulf %get3A_503, %mul3A_504 : vector<16xf32>
            %swap3A_506 = arith.index_cast %rem3A_133 : i32 to index
            %swap3A_507 = arith.index_cast %add3A_457 : i32 to index
            %swap3A_508 = arith.constant 0 : index
            %swap3A_509 = tpu.vector_load %run_scoped3A_13[%swap3A_506, %swap3A_507, %swap3A_508] {strides = array<i32>} : memref<2x64x144xf32, #tpu.memory_space<vmem>>, vector<16xf32>,
            tpu.vector_store %run_scoped3A_13[%swap3A_506, %swap3A_507, %swap3A_508], %mul3A_463 {strides = array<i32>} : memref<2x64x144xf32, #tpu.memory_space<vmem>>, vector<16xf32>,
            %swap3A_510 = arith.index_cast %rem3A_133 : i32 to index
            %swap3A_511 = arith.index_cast %add3A_457 : i32 to index
            %swap3A_512 = arith.constant 16 : index
            %swap3A_513 = tpu.vector_load %run_scoped3A_13[%swap3A_510, %swap3A_511, %swap3A_512] {strides = array<i32>} : memref<2x64x144xf32, #tpu.memory_space<vmem>>, vector<16xf32>,
            tpu.vector_store %run_scoped3A_13[%swap3A_510, %swap3A_511, %swap3A_512], %mul3A_469 {strides = array<i32>} : memref<2x64x144xf32, #tpu.memory_space<vmem>>, vector<16xf32>,
            %swap3A_514 = arith.index_cast %rem3A_133 : i32 to index
            %swap3A_515 = arith.index_cast %add3A_457 : i32 to index
            %swap3A_516 = arith.constant 32 : index
            %swap3A_517 = tpu.vector_load %run_scoped3A_13[%swap3A_514, %swap3A_515, %swap3A_516] {strides = array<i32>} : memref<2x64x144xf32, #tpu.memory_space<vmem>>, vector<16xf32>,
            tpu.vector_store %run_scoped3A_13[%swap3A_514, %swap3A_515, %swap3A_516], %mul3A_475 {strides = array<i32>} : memref<2x64x144xf32, #tpu.memory_space<vmem>>, vector<16xf32>,
            %swap3A_518 = arith.index_cast %rem3A_133 : i32 to index
            %swap3A_519 = arith.index_cast %add3A_457 : i32 to index
            %swap3A_520 = arith.constant 48 : index
            %swap3A_521 = tpu.vector_load %run_scoped3A_13[%swap3A_518, %swap3A_519, %swap3A_520] {strides = array<i32>} : memref<2x64x144xf32, #tpu.memory_space<vmem>>, vector<16xf32>,
            tpu.vector_store %run_scoped3A_13[%swap3A_518, %swap3A_519, %swap3A_520], %mul3A_481 {strides = array<i32>} : memref<2x64x144xf32, #tpu.memory_space<vmem>>, vector<16xf32>,
            %swap3A_522 = arith.index_cast %rem3A_133 : i32 to index
            %swap3A_523 = arith.index_cast %add3A_457 : i32 to index
            %swap3A_524 = arith.constant 64 : index
            %swap3A_525 = tpu.vector_load %run_scoped3A_13[%swap3A_522, %swap3A_523, %swap3A_524] {strides = array<i32>} : memref<2x64x144xf32, #tpu.memory_space<vmem>>, vector<16xf32>,
            tpu.vector_store %run_scoped3A_13[%swap3A_522, %swap3A_523, %swap3A_524], %mul3A_487 {strides = array<i32>} : memref<2x64x144xf32, #tpu.memory_space<vmem>>, vector<16xf32>,
            %swap3A_526 = arith.index_cast %rem3A_133 : i32 to index
            %swap3A_527 = arith.index_cast %add3A_457 : i32 to index
            %swap3A_528 = arith.constant 80 : index
            %swap3A_529 = tpu.vector_load %run_scoped3A_13[%swap3A_526, %swap3A_527, %swap3A_528] {strides = array<i32>} : memref<2x64x144xf32, #tpu.memory_space<vmem>>, vector<16xf32>,
            tpu.vector_store %run_scoped3A_13[%swap3A_526, %swap3A_527, %swap3A_528], %mul3A_493 {strides = array<i32>} : memref<2x64x144xf32, #tpu.memory_space<vmem>>, vector<16xf32>,
            %swap3A_530 = arith.index_cast %rem3A_133 : i32 to index
            %swap3A_531 = arith.index_cast %add3A_457 : i32 to index
            %swap3A_532 = arith.constant 96 : index
            %swap3A_533 = tpu.vector_load %run_scoped3A_13[%swap3A_530, %swap3A_531, %swap3A_532] {strides = array<i32>} : memref<2x64x144xf32, #tpu.memory_space<vmem>>, vector<16xf32>,
            tpu.vector_store %run_scoped3A_13[%swap3A_530, %swap3A_531, %swap3A_532], %mul3A_499 {strides = array<i32>} : memref<2x64x144xf32, #tpu.memory_space<vmem>>, vector<16xf32>,
            %swap3A_534 = arith.index_cast %rem3A_133 : i32 to index
            %swap3A_535 = arith.index_cast %add3A_457 : i32 to index
            %swap3A_536 = arith.constant 112 : index
            %swap3A_537 = tpu.vector_load %run_scoped3A_13[%swap3A_534, %swap3A_535, %swap3A_536] {strides = array<i32>} : memref<2x64x144xf32, #tpu.memory_space<vmem>>, vector<16xf32>,
            tpu.vector_store %run_scoped3A_13[%swap3A_534, %swap3A_535, %swap3A_536], %mul3A_505 {strides = array<i32>} : memref<2x64x144xf32, #tpu.memory_space<vmem>>, vector<16xf32>,
            %broadcast_in_dim3A_538 = vector.broadcast %squeeze3A_455 : f32 to vector<16xf32>
            %swap3A_539 = arith.index_cast %rem3A_133 : i32 to index
            %swap3A_540 = arith.index_cast %add3A_457 : i32 to index
            %swap3A_541 = arith.constant 128 : index
            %swap3A_542 = tpu.vector_load %run_scoped3A_13[%swap3A_539, %swap3A_540, %swap3A_541] {strides = array<i32>} : memref<2x64x144xf32, #tpu.memory_space<vmem>>, vector<16xf32>,
            tpu.vector_store %run_scoped3A_13[%swap3A_539, %swap3A_540, %swap3A_541], %broadcast_in_dim3A_538 {strides = array<i32>} : memref<2x64x144xf32, #tpu.memory_space<vmem>>, vector<16xf32>,
            %slice3A_543 = vector.extract_strided_slice %get3A_190 {offsets = [4], sizes = [1], strides = [1]} : vector<16xf32> to vector<1xf32>
            %squeeze3A_544 = vector.extract %slice3A_543[0] : f32 from vector<1xf32>
            %add3A_545 = arith.constant 4 : i32
            %add3A_546 = arith.addi %mul3A_189, %add3A_545 : i32
            %get3A_547 = arith.index_cast %rem3A_133 : i32 to index
            %get3A_548 = arith.index_cast %add3A_546 : i32 to index
            %get3A_549 = arith.constant 0 : index
            %get3A_550 = tpu.vector_load %run_scoped3A_13[%get3A_547, %get3A_548, %get3A_549] {strides = array<i32>} : memref<2x64x144xf32, #tpu.memory_space<vmem>>, vector<16xf32>,
            %mul3A_551 = vector.broadcast %squeeze3A_544 : f32 to vector<16xf32>
            %mul3A_552 = arith.mulf %get3A_550, %mul3A_551 : vector<16xf32>
            %get3A_553 = arith.index_cast %rem3A_133 : i32 to index
            %get3A_554 = arith.index_cast %add3A_546 : i32 to index
            %get3A_555 = arith.constant 16 : index
            %get3A_556 = tpu.vector_load %run_scoped3A_13[%get3A_553, %get3A_554, %get3A_555] {strides = array<i32>} : memref<2x64x144xf32, #tpu.memory_space<vmem>>, vector<16xf32>,
            %mul3A_557 = vector.broadcast %squeeze3A_544 : f32 to vector<16xf32>
            %mul3A_558 = arith.mulf %get3A_556, %mul3A_557 : vector<16xf32>
            %get3A_559 = arith.index_cast %rem3A_133 : i32 to index
            %get3A_560 = arith.index_cast %add3A_546 : i32 to index
            %get3A_561 = arith.constant 32 : index
            %get3A_562 = tpu.vector_load %run_scoped3A_13[%get3A_559, %get3A_560, %get3A_561] {strides = array<i32>} : memref<2x64x144xf32, #tpu.memory_space<vmem>>, vector<16xf32>,
            %mul3A_563 = vector.broadcast %squeeze3A_544 : f32 to vector<16xf32>
            %mul3A_564 = arith.mulf %get3A_562, %mul3A_563 : vector<16xf32>
            %get3A_565 = arith.index_cast %rem3A_133 : i32 to index
            %get3A_566 = arith.index_cast %add3A_546 : i32 to index
            %get3A_567 = arith.constant 48 : index
            %get3A_568 = tpu.vector_load %run_scoped3A_13[%get3A_565, %get3A_566, %get3A_567] {strides = array<i32>} : memref<2x64x144xf32, #tpu.memory_space<vmem>>, vector<16xf32>,
            %mul3A_569 = vector.broadcast %squeeze3A_544 : f32 to vector<16xf32>
            %mul3A_570 = arith.mulf %get3A_568, %mul3A_569 : vector<16xf32>
            %get3A_571 = arith.index_cast %rem3A_133 : i32 to index
            %get3A_572 = arith.index_cast %add3A_546 : i32 to index
            %get3A_573 = arith.constant 64 : index
            %get3A_574 = tpu.vector_load %run_scoped3A_13[%get3A_571, %get3A_572, %get3A_573] {strides = array<i32>} : memref<2x64x144xf32, #tpu.memory_space<vmem>>, vector<16xf32>,
            %mul3A_575 = vector.broadcast %squeeze3A_544 : f32 to vector<16xf32>
            %mul3A_576 = arith.mulf %get3A_574, %mul3A_575 : vector<16xf32>
            %get3A_577 = arith.index_cast %rem3A_133 : i32 to index
            %get3A_578 = arith.index_cast %add3A_546 : i32 to index
            %get3A_579 = arith.constant 80 : index
            %get3A_580 = tpu.vector_load %run_scoped3A_13[%get3A_577, %get3A_578, %get3A_579] {strides = array<i32>} : memref<2x64x144xf32, #tpu.memory_space<vmem>>, vector<16xf32>,
            %mul3A_581 = vector.broadcast %squeeze3A_544 : f32 to vector<16xf32>
            %mul3A_582 = arith.mulf %get3A_580, %mul3A_581 : vector<16xf32>
            %get3A_583 = arith.index_cast %rem3A_133 : i32 to index
            %get3A_584 = arith.index_cast %add3A_546 : i32 to index
            %get3A_585 = arith.constant 96 : index
            %get3A_586 = tpu.vector_load %run_scoped3A_13[%get3A_583, %get3A_584, %get3A_585] {strides = array<i32>} : memref<2x64x144xf32, #tpu.memory_space<vmem>>, vector<16xf32>,
            %mul3A_587 = vector.broadcast %squeeze3A_544 : f32 to vector<16xf32>
            %mul3A_588 = arith.mulf %get3A_586, %mul3A_587 : vector<16xf32>
            %get3A_589 = arith.index_cast %rem3A_133 : i32 to index
            %get3A_590 = arith.index_cast %add3A_546 : i32 to index
            %get3A_591 = arith.constant 112 : index
            %get3A_592 = tpu.vector_load %run_scoped3A_13[%get3A_589, %get3A_590, %get3A_591] {strides = array<i32>} : memref<2x64x144xf32, #tpu.memory_space<vmem>>, vector<16xf32>,
            %mul3A_593 = vector.broadcast %squeeze3A_544 : f32 to vector<16xf32>
            %mul3A_594 = arith.mulf %get3A_592, %mul3A_593 : vector<16xf32>
            %swap3A_595 = arith.index_cast %rem3A_133 : i32 to index
            %swap3A_596 = arith.index_cast %add3A_546 : i32 to index
            %swap3A_597 = arith.constant 0 : index
            %swap3A_598 = tpu.vector_load %run_scoped3A_13[%swap3A_595, %swap3A_596, %swap3A_597] {strides = array<i32>} : memref<2x64x144xf32, #tpu.memory_space<vmem>>, vector<16xf32>,
            tpu.vector_store %run_scoped3A_13[%swap3A_595, %swap3A_596, %swap3A_597], %mul3A_552 {strides = array<i32>} : memref<2x64x144xf32, #tpu.memory_space<vmem>>, vector<16xf32>,
            %swap3A_599 = arith.index_cast %rem3A_133 : i32 to index
            %swap3A_600 = arith.index_cast %add3A_546 : i32 to index
            %swap3A_601 = arith.constant 16 : index
            %swap3A_602 = tpu.vector_load %run_scoped3A_13[%swap3A_599, %swap3A_600, %swap3A_601] {strides = array<i32>} : memref<2x64x144xf32, #tpu.memory_space<vmem>>, vector<16xf32>,
            tpu.vector_store %run_scoped3A_13[%swap3A_599, %swap3A_600, %swap3A_601], %mul3A_558 {strides = array<i32>} : memref<2x64x144xf32, #tpu.memory_space<vmem>>, vector<16xf32>,
            %swap3A_603 = arith.index_cast %rem3A_133 : i32 to index
            %swap3A_604 = arith.index_cast %add3A_546 : i32 to index
            %swap3A_605 = arith.constant 32 : index
            %swap3A_606 = tpu.vector_load %run_scoped3A_13[%swap3A_603, %swap3A_604, %swap3A_605] {strides = array<i32>} : memref<2x64x144xf32, #tpu.memory_space<vmem>>, vector<16xf32>,
            tpu.vector_store %run_scoped3A_13[%swap3A_603, %swap3A_604, %swap3A_605], %mul3A_564 {strides = array<i32>} : memref<2x64x144xf32, #tpu.memory_space<vmem>>, vector<16xf32>,
            %swap3A_607 = arith.index_cast %rem3A_133 : i32 to index
            %swap3A_608 = arith.index_cast %add3A_546 : i32 to index
            %swap3A_609 = arith.constant 48 : index
            %swap3A_610 = tpu.vector_load %run_scoped3A_13[%swap3A_607, %swap3A_608, %swap3A_609] {strides = array<i32>} : memref<2x64x144xf32, #tpu.memory_space<vmem>>, vector<16xf32>,
            tpu.vector_store %run_scoped3A_13[%swap3A_607, %swap3A_608, %swap3A_609], %mul3A_570 {strides = array<i32>} : memref<2x64x144xf32, #tpu.memory_space<vmem>>, vector<16xf32>,
            %swap3A_611 = arith.index_cast %rem3A_133 : i32 to index
            %swap3A_612 = arith.index_cast %add3A_546 : i32 to index
            %swap3A_613 = arith.constant 64 : index
            %swap3A_614 = tpu.vector_load %run_scoped3A_13[%swap3A_611, %swap3A_612, %swap3A_613] {strides = array<i32>} : memref<2x64x144xf32, #tpu.memory_space<vmem>>, vector<16xf32>,
            tpu.vector_store %run_scoped3A_13[%swap3A_611, %swap3A_612, %swap3A_613], %mul3A_576 {strides = array<i32>} : memref<2x64x144xf32, #tpu.memory_space<vmem>>, vector<16xf32>,
            %swap3A_615 = arith.index_cast %rem3A_133 : i32 to index
            %swap3A_616 = arith.index_cast %add3A_546 : i32 to index
            %swap3A_617 = arith.constant 80 : index
            %swap3A_618 = tpu.vector_load %run_scoped3A_13[%swap3A_615, %swap3A_616, %swap3A_617] {strides = array<i32>} : memref<2x64x144xf32, #tpu.memory_space<vmem>>, vector<16xf32>,
            tpu.vector_store %run_scoped3A_13[%swap3A_615, %swap3A_616, %swap3A_617], %mul3A_582 {strides = array<i32>} : memref<2x64x144xf32, #tpu.memory_space<vmem>>, vector<16xf32>,
            %swap3A_619 = arith.index_cast %rem3A_133 : i32 to index
            %swap3A_620 = arith.index_cast %add3A_546 : i32 to index
            %swap3A_621 = arith.constant 96 : index
            %swap3A_622 = tpu.vector_load %run_scoped3A_13[%swap3A_619, %swap3A_620, %swap3A_621] {strides = array<i32>} : memref<2x64x144xf32, #tpu.memory_space<vmem>>, vector<16xf32>,
            tpu.vector_store %run_scoped3A_13[%swap3A_619, %swap3A_620, %swap3A_621], %mul3A_588 {strides = array<i32>} : memref<2x64x144xf32, #tpu.memory_space<vmem>>, vector<16xf32>,
            %swap3A_623 = arith.index_cast %rem3A_133 : i32 to index
            %swap3A_624 = arith.index_cast %add3A_546 : i32 to index
            %swap3A_625 = arith.constant 112 : index
            %swap3A_626 = tpu.vector_load %run_scoped3A_13[%swap3A_623, %swap3A_624, %swap3A_625] {strides = array<i32>} : memref<2x64x144xf32, #tpu.memory_space<vmem>>, vector<16xf32>,
            tpu.vector_store %run_scoped3A_13[%swap3A_623, %swap3A_624, %swap3A_625], %mul3A_594 {strides = array<i32>} : memref<2x64x144xf32, #tpu.memory_space<vmem>>, vector<16xf32>,
            %broadcast_in_dim3A_627 = vector.broadcast %squeeze3A_544 : f32 to vector<16xf32>
            %swap3A_628 = arith.index_cast %rem3A_133 : i32 to index
            %swap3A_629 = arith.index_cast %add3A_546 : i32 to index
            %swap3A_630 = arith.constant 128 : index
            %swap3A_631 = tpu.vector_load %run_scoped3A_13[%swap3A_628, %swap3A_629, %swap3A_630] {strides = array<i32>} : memref<2x64x144xf32, #tpu.memory_space<vmem>>, vector<16xf32>,
            tpu.vector_store %run_scoped3A_13[%swap3A_628, %swap3A_629, %swap3A_630], %broadcast_in_dim3A_627 {strides = array<i32>} : memref<2x64x144xf32, #tpu.memory_space<vmem>>, vector<16xf32>,
            %slice3A_632 = vector.extract_strided_slice %get3A_190 {offsets = [5], sizes = [1], strides = [1]} : vector<16xf32> to vector<1xf32>
            %squeeze3A_633 = vector.extract %slice3A_632[0] : f32 from vector<1xf32>
            %add3A_634 = arith.constant 5 : i32
            %add3A_635 = arith.addi %mul3A_189, %add3A_634 : i32
            %get3A_636 = arith.index_cast %rem3A_133 : i32 to index
            %get3A_637 = arith.index_cast %add3A_635 : i32 to index
            %get3A_638 = arith.constant 0 : index
            %get3A_639 = tpu.vector_load %run_scoped3A_13[%get3A_636, %get3A_637, %get3A_638] {strides = array<i32>} : memref<2x64x144xf32, #tpu.memory_space<vmem>>, vector<16xf32>,
            %mul3A_640 = vector.broadcast %squeeze3A_633 : f32 to vector<16xf32>
            %mul3A_641 = arith.mulf %get3A_639, %mul3A_640 : vector<16xf32>
            %get3A_642 = arith.index_cast %rem3A_133 : i32 to index
            %get3A_643 = arith.index_cast %add3A_635 : i32 to index
            %get3A_644 = arith.constant 16 : index
            %get3A_645 = tpu.vector_load %run_scoped3A_13[%get3A_642, %get3A_643, %get3A_644] {strides = array<i32>} : memref<2x64x144xf32, #tpu.memory_space<vmem>>, vector<16xf32>,
            %mul3A_646 = vector.broadcast %squeeze3A_633 : f32 to vector<16xf32>
            %mul3A_647 = arith.mulf %get3A_645, %mul3A_646 : vector<16xf32>
            %get3A_648 = arith.index_cast %rem3A_133 : i32 to index
            %get3A_649 = arith.index_cast %add3A_635 : i32 to index
            %get3A_650 = arith.constant 32 : index
            %get3A_651 = tpu.vector_load %run_scoped3A_13[%get3A_648, %get3A_649, %get3A_650] {strides = array<i32>} : memref<2x64x144xf32, #tpu.memory_space<vmem>>, vector<16xf32>,
            %mul3A_652 = vector.broadcast %squeeze3A_633 : f32 to vector<16xf32>
            %mul3A_653 = arith.mulf %get3A_651, %mul3A_652 : vector<16xf32>
            %get3A_654 = arith.index_cast %rem3A_133 : i32 to index
            %get3A_655 = arith.index_cast %add3A_635 : i32 to index
            %get3A_656 = arith.constant 48 : index
            %get3A_657 = tpu.vector_load %run_scoped3A_13[%get3A_654, %get3A_655, %get3A_656] {strides = array<i32>} : memref<2x64x144xf32, #tpu.memory_space<vmem>>, vector<16xf32>,
            %mul3A_658 = vector.broadcast %squeeze3A_633 : f32 to vector<16xf32>
            %mul3A_659 = arith.mulf %get3A_657, %mul3A_658 : vector<16xf32>
            %get3A_660 = arith.index_cast %rem3A_133 : i32 to index
            %get3A_661 = arith.index_cast %add3A_635 : i32 to index
            %get3A_662 = arith.constant 64 : index
            %get3A_663 = tpu.vector_load %run_scoped3A_13[%get3A_660, %get3A_661, %get3A_662] {strides = array<i32>} : memref<2x64x144xf32, #tpu.memory_space<vmem>>, vector<16xf32>,
            %mul3A_664 = vector.broadcast %squeeze3A_633 : f32 to vector<16xf32>
            %mul3A_665 = arith.mulf %get3A_663, %mul3A_664 : vector<16xf32>
            %get3A_666 = arith.index_cast %rem3A_133 : i32 to index
            %get3A_667 = arith.index_cast %add3A_635 : i32 to index
            %get3A_668 = arith.constant 80 : index
            %get3A_669 = tpu.vector_load %run_scoped3A_13[%get3A_666, %get3A_667, %get3A_668] {strides = array<i32>} : memref<2x64x144xf32, #tpu.memory_space<vmem>>, vector<16xf32>,
            %mul3A_670 = vector.broadcast %squeeze3A_633 : f32 to vector<16xf32>
            %mul3A_671 = arith.mulf %get3A_669, %mul3A_670 : vector<16xf32>
            %get3A_672 = arith.index_cast %rem3A_133 : i32 to index
            %get3A_673 = arith.index_cast %add3A_635 : i32 to index
            %get3A_674 = arith.constant 96 : index
            %get3A_675 = tpu.vector_load %run_scoped3A_13[%get3A_672, %get3A_673, %get3A_674] {strides = array<i32>} : memref<2x64x144xf32, #tpu.memory_space<vmem>>, vector<16xf32>,
            %mul3A_676 = vector.broadcast %squeeze3A_633 : f32 to vector<16xf32>
            %mul3A_677 = arith.mulf %get3A_675, %mul3A_676 : vector<16xf32>
            %get3A_678 = arith.index_cast %rem3A_133 : i32 to index
            %get3A_679 = arith.index_cast %add3A_635 : i32 to index
            %get3A_680 = arith.constant 112 : index
            %get3A_681 = tpu.vector_load %run_scoped3A_13[%get3A_678, %get3A_679, %get3A_680] {strides = array<i32>} : memref<2x64x144xf32, #tpu.memory_space<vmem>>, vector<16xf32>,
            %mul3A_682 = vector.broadcast %squeeze3A_633 : f32 to vector<16xf32>
            %mul3A_683 = arith.mulf %get3A_681, %mul3A_682 : vector<16xf32>
            %swap3A_684 = arith.index_cast %rem3A_133 : i32 to index
            %swap3A_685 = arith.index_cast %add3A_635 : i32 to index
            %swap3A_686 = arith.constant 0 : index
            %swap3A_687 = tpu.vector_load %run_scoped3A_13[%swap3A_684, %swap3A_685, %swap3A_686] {strides = array<i32>} : memref<2x64x144xf32, #tpu.memory_space<vmem>>, vector<16xf32>,
            tpu.vector_store %run_scoped3A_13[%swap3A_684, %swap3A_685, %swap3A_686], %mul3A_641 {strides = array<i32>} : memref<2x64x144xf32, #tpu.memory_space<vmem>>, vector<16xf32>,
            %swap3A_688 = arith.index_cast %rem3A_133 : i32 to index
            %swap3A_689 = arith.index_cast %add3A_635 : i32 to index
            %swap3A_690 = arith.constant 16 : index
            %swap3A_691 = tpu.vector_load %run_scoped3A_13[%swap3A_688, %swap3A_689, %swap3A_690] {strides = array<i32>} : memref<2x64x144xf32, #tpu.memory_space<vmem>>, vector<16xf32>,
            tpu.vector_store %run_scoped3A_13[%swap3A_688, %swap3A_689, %swap3A_690], %mul3A_647 {strides = array<i32>} : memref<2x64x144xf32, #tpu.memory_space<vmem>>, vector<16xf32>,
            %swap3A_692 = arith.index_cast %rem3A_133 : i32 to index
            %swap3A_693 = arith.index_cast %add3A_635 : i32 to index
            %swap3A_694 = arith.constant 32 : index
            %swap3A_695 = tpu.vector_load %run_scoped3A_13[%swap3A_692, %swap3A_693, %swap3A_694] {strides = array<i32>} : memref<2x64x144xf32, #tpu.memory_space<vmem>>, vector<16xf32>,
            tpu.vector_store %run_scoped3A_13[%swap3A_692, %swap3A_693, %swap3A_694], %mul3A_653 {strides = array<i32>} : memref<2x64x144xf32, #tpu.memory_space<vmem>>, vector<16xf32>,
            %swap3A_696 = arith.index_cast %rem3A_133 : i32 to index
            %swap3A_697 = arith.index_cast %add3A_635 : i32 to index
            %swap3A_698 = arith.constant 48 : index
            %swap3A_699 = tpu.vector_load %run_scoped3A_13[%swap3A_696, %swap3A_697, %swap3A_698] {strides = array<i32>} : memref<2x64x144xf32, #tpu.memory_space<vmem>>, vector<16xf32>,
            tpu.vector_store %run_scoped3A_13[%swap3A_696, %swap3A_697, %swap3A_698], %mul3A_659 {strides = array<i32>} : memref<2x64x144xf32, #tpu.memory_space<vmem>>, vector<16xf32>,
            %swap3A_700 = arith.index_cast %rem3A_133 : i32 to index
            %swap3A_701 = arith.index_cast %add3A_635 : i32 to index
            %swap3A_702 = arith.constant 64 : index
            %swap3A_703 = tpu.vector_load %run_scoped3A_13[%swap3A_700, %swap3A_701, %swap3A_702] {strides = array<i32>} : memref<2x64x144xf32, #tpu.memory_space<vmem>>, vector<16xf32>,
            tpu.vector_store %run_scoped3A_13[%swap3A_700, %swap3A_701, %swap3A_702], %mul3A_665 {strides = array<i32>} : memref<2x64x144xf32, #tpu.memory_space<vmem>>, vector<16xf32>,
            %swap3A_704 = arith.index_cast %rem3A_133 : i32 to index
            %swap3A_705 = arith.index_cast %add3A_635 : i32 to index
            %swap3A_706 = arith.constant 80 : index
            %swap3A_707 = tpu.vector_load %run_scoped3A_13[%swap3A_704, %swap3A_705, %swap3A_706] {strides = array<i32>} : memref<2x64x144xf32, #tpu.memory_space<vmem>>, vector<16xf32>,
            tpu.vector_store %run_scoped3A_13[%swap3A_704, %swap3A_705, %swap3A_706], %mul3A_671 {strides = array<i32>} : memref<2x64x144xf32, #tpu.memory_space<vmem>>, vector<16xf32>,
            %swap3A_708 = arith.index_cast %rem3A_133 : i32 to index
            %swap3A_709 = arith.index_cast %add3A_635 : i32 to index
            %swap3A_710 = arith.constant 96 : index
            %swap3A_711 = tpu.vector_load %run_scoped3A_13[%swap3A_708, %swap3A_709, %swap3A_710] {strides = array<i32>} : memref<2x64x144xf32, #tpu.memory_space<vmem>>, vector<16xf32>,
            tpu.vector_store %run_scoped3A_13[%swap3A_708, %swap3A_709, %swap3A_710], %mul3A_677 {strides = array<i32>} : memref<2x64x144xf32, #tpu.memory_space<vmem>>, vector<16xf32>,
            %swap3A_712 = arith.index_cast %rem3A_133 : i32 to index
            %swap3A_713 = arith.index_cast %add3A_635 : i32 to index
            %swap3A_714 = arith.constant 112 : index
            %swap3A_715 = tpu.vector_load %run_scoped3A_13[%swap3A_712, %swap3A_713, %swap3A_714] {strides = array<i32>} : memref<2x64x144xf32, #tpu.memory_space<vmem>>, vector<16xf32>,
            tpu.vector_store %run_scoped3A_13[%swap3A_712, %swap3A_713, %swap3A_714], %mul3A_683 {strides = array<i32>} : memref<2x64x144xf32, #tpu.memory_space<vmem>>, vector<16xf32>,
            %broadcast_in_dim3A_716 = vector.broadcast %squeeze3A_633 : f32 to vector<16xf32>
            %swap3A_717 = arith.index_cast %rem3A_133 : i32 to index
            %swap3A_718 = arith.index_cast %add3A_635 : i32 to index
            %swap3A_719 = arith.constant 128 : index
            %swap3A_720 = tpu.vector_load %run_scoped3A_13[%swap3A_717, %swap3A_718, %swap3A_719] {strides = array<i32>} : memref<2x64x144xf32, #tpu.memory_space<vmem>>, vector<16xf32>,
            tpu.vector_store %run_scoped3A_13[%swap3A_717, %swap3A_718, %swap3A_719], %broadcast_in_dim3A_716 {strides = array<i32>} : memref<2x64x144xf32, #tpu.memory_space<vmem>>, vector<16xf32>,
            %slice3A_721 = vector.extract_strided_slice %get3A_190 {offsets = [6], sizes = [1], strides = [1]} : vector<16xf32> to vector<1xf32>
            %squeeze3A_722 = vector.extract %slice3A_721[0] : f32 from vector<1xf32>
            %add3A_723 = arith.constant 6 : i32
            %add3A_724 = arith.addi %mul3A_189, %add3A_723 : i32
            %get3A_725 = arith.index_cast %rem3A_133 : i32 to index
            %get3A_726 = arith.index_cast %add3A_724 : i32 to index
            %get3A_727 = arith.constant 0 : index
            %get3A_728 = tpu.vector_load %run_scoped3A_13[%get3A_725, %get3A_726, %get3A_727] {strides = array<i32>} : memref<2x64x144xf32, #tpu.memory_space<vmem>>, vector<16xf32>,
            %mul3A_729 = vector.broadcast %squeeze3A_722 : f32 to vector<16xf32>
            %mul3A_730 = arith.mulf %get3A_728, %mul3A_729 : vector<16xf32>
            %get3A_731 = arith.index_cast %rem3A_133 : i32 to index
            %get3A_732 = arith.index_cast %add3A_724 : i32 to index
            %get3A_733 = arith.constant 16 : index
            %get3A_734 = tpu.vector_load %run_scoped3A_13[%get3A_731, %get3A_732, %get3A_733] {strides = array<i32>} : memref<2x64x144xf32, #tpu.memory_space<vmem>>, vector<16xf32>,
            %mul3A_735 = vector.broadcast %squeeze3A_722 : f32 to vector<16xf32>
            %mul3A_736 = arith.mulf %get3A_734, %mul3A_735 : vector<16xf32>
            %get3A_737 = arith.index_cast %rem3A_133 : i32 to index
            %get3A_738 = arith.index_cast %add3A_724 : i32 to index
            %get3A_739 = arith.constant 32 : index
            %get3A_740 = tpu.vector_load %run_scoped3A_13[%get3A_737, %get3A_738, %get3A_739] {strides = array<i32>} : memref<2x64x144xf32, #tpu.memory_space<vmem>>, vector<16xf32>,
            %mul3A_741 = vector.broadcast %squeeze3A_722 : f32 to vector<16xf32>
            %mul3A_742 = arith.mulf %get3A_740, %mul3A_741 : vector<16xf32>
            %get3A_743 = arith.index_cast %rem3A_133 : i32 to index
            %get3A_744 = arith.index_cast %add3A_724 : i32 to index
            %get3A_745 = arith.constant 48 : index
            %get3A_746 = tpu.vector_load %run_scoped3A_13[%get3A_743, %get3A_744, %get3A_745] {strides = array<i32>} : memref<2x64x144xf32, #tpu.memory_space<vmem>>, vector<16xf32>,
            %mul3A_747 = vector.broadcast %squeeze3A_722 : f32 to vector<16xf32>
            %mul3A_748 = arith.mulf %get3A_746, %mul3A_747 : vector<16xf32>
            %get3A_749 = arith.index_cast %rem3A_133 : i32 to index
            %get3A_750 = arith.index_cast %add3A_724 : i32 to index
            %get3A_751 = arith.constant 64 : index
            %get3A_752 = tpu.vector_load %run_scoped3A_13[%get3A_749, %get3A_750, %get3A_751] {strides = array<i32>} : memref<2x64x144xf32, #tpu.memory_space<vmem>>, vector<16xf32>,
            %mul3A_753 = vector.broadcast %squeeze3A_722 : f32 to vector<16xf32>
            %mul3A_754 = arith.mulf %get3A_752, %mul3A_753 : vector<16xf32>
            %get3A_755 = arith.index_cast %rem3A_133 : i32 to index
            %get3A_756 = arith.index_cast %add3A_724 : i32 to index
            %get3A_757 = arith.constant 80 : index
            %get3A_758 = tpu.vector_load %run_scoped3A_13[%get3A_755, %get3A_756, %get3A_757] {strides = array<i32>} : memref<2x64x144xf32, #tpu.memory_space<vmem>>, vector<16xf32>,
            %mul3A_759 = vector.broadcast %squeeze3A_722 : f32 to vector<16xf32>
            %mul3A_760 = arith.mulf %get3A_758, %mul3A_759 : vector<16xf32>
            %get3A_761 = arith.index_cast %rem3A_133 : i32 to index
            %get3A_762 = arith.index_cast %add3A_724 : i32 to index
            %get3A_763 = arith.constant 96 : index
            %get3A_764 = tpu.vector_load %run_scoped3A_13[%get3A_761, %get3A_762, %get3A_763] {strides = array<i32>} : memref<2x64x144xf32, #tpu.memory_space<vmem>>, vector<16xf32>,
            %mul3A_765 = vector.broadcast %squeeze3A_722 : f32 to vector<16xf32>
            %mul3A_766 = arith.mulf %get3A_764, %mul3A_765 : vector<16xf32>
            %get3A_767 = arith.index_cast %rem3A_133 : i32 to index
            %get3A_768 = arith.index_cast %add3A_724 : i32 to index
            %get3A_769 = arith.constant 112 : index
            %get3A_770 = tpu.vector_load %run_scoped3A_13[%get3A_767, %get3A_768, %get3A_769] {strides = array<i32>} : memref<2x64x144xf32, #tpu.memory_space<vmem>>, vector<16xf32>,
            %mul3A_771 = vector.broadcast %squeeze3A_722 : f32 to vector<16xf32>
            %mul3A_772 = arith.mulf %get3A_770, %mul3A_771 : vector<16xf32>
            %swap3A_773 = arith.index_cast %rem3A_133 : i32 to index
            %swap3A_774 = arith.index_cast %add3A_724 : i32 to index
            %swap3A_775 = arith.constant 0 : index
            %swap3A_776 = tpu.vector_load %run_scoped3A_13[%swap3A_773, %swap3A_774, %swap3A_775] {strides = array<i32>} : memref<2x64x144xf32, #tpu.memory_space<vmem>>, vector<16xf32>,
            tpu.vector_store %run_scoped3A_13[%swap3A_773, %swap3A_774, %swap3A_775], %mul3A_730 {strides = array<i32>} : memref<2x64x144xf32, #tpu.memory_space<vmem>>, vector<16xf32>,
            %swap3A_777 = arith.index_cast %rem3A_133 : i32 to index
            %swap3A_778 = arith.index_cast %add3A_724 : i32 to index
            %swap3A_779 = arith.constant 16 : index
            %swap3A_780 = tpu.vector_load %run_scoped3A_13[%swap3A_777, %swap3A_778, %swap3A_779] {strides = array<i32>} : memref<2x64x144xf32, #tpu.memory_space<vmem>>, vector<16xf32>,
            tpu.vector_store %run_scoped3A_13[%swap3A_777, %swap3A_778, %swap3A_779], %mul3A_736 {strides = array<i32>} : memref<2x64x144xf32, #tpu.memory_space<vmem>>, vector<16xf32>,
            %swap3A_781 = arith.index_cast %rem3A_133 : i32 to index
            %swap3A_782 = arith.index_cast %add3A_724 : i32 to index
            %swap3A_783 = arith.constant 32 : index
            %swap3A_784 = tpu.vector_load %run_scoped3A_13[%swap3A_781, %swap3A_782, %swap3A_783] {strides = array<i32>} : memref<2x64x144xf32, #tpu.memory_space<vmem>>, vector<16xf32>,
            tpu.vector_store %run_scoped3A_13[%swap3A_781, %swap3A_782, %swap3A_783], %mul3A_742 {strides = array<i32>} : memref<2x64x144xf32, #tpu.memory_space<vmem>>, vector<16xf32>,
            %swap3A_785 = arith.index_cast %rem3A_133 : i32 to index
            %swap3A_786 = arith.index_cast %add3A_724 : i32 to index
            %swap3A_787 = arith.constant 48 : index
            %swap3A_788 = tpu.vector_load %run_scoped3A_13[%swap3A_785, %swap3A_786, %swap3A_787] {strides = array<i32>} : memref<2x64x144xf32, #tpu.memory_space<vmem>>, vector<16xf32>,
            tpu.vector_store %run_scoped3A_13[%swap3A_785, %swap3A_786, %swap3A_787], %mul3A_748 {strides = array<i32>} : memref<2x64x144xf32, #tpu.memory_space<vmem>>, vector<16xf32>,
            %swap3A_789 = arith.index_cast %rem3A_133 : i32 to index
            %swap3A_790 = arith.index_cast %add3A_724 : i32 to index
            %swap3A_791 = arith.constant 64 : index
            %swap3A_792 = tpu.vector_load %run_scoped3A_13[%swap3A_789, %swap3A_790, %swap3A_791] {strides = array<i32>} : memref<2x64x144xf32, #tpu.memory_space<vmem>>, vector<16xf32>,
            tpu.vector_store %run_scoped3A_13[%swap3A_789, %swap3A_790, %swap3A_791], %mul3A_754 {strides = array<i32>} : memref<2x64x144xf32, #tpu.memory_space<vmem>>, vector<16xf32>,
            %swap3A_793 = arith.index_cast %rem3A_133 : i32 to index
            %swap3A_794 = arith.index_cast %add3A_724 : i32 to index
            %swap3A_795 = arith.constant 80 : index
            %swap3A_796 = tpu.vector_load %run_scoped3A_13[%swap3A_793, %swap3A_794, %swap3A_795] {strides = array<i32>} : memref<2x64x144xf32, #tpu.memory_space<vmem>>, vector<16xf32>,
            tpu.vector_store %run_scoped3A_13[%swap3A_793, %swap3A_794, %swap3A_795], %mul3A_760 {strides = array<i32>} : memref<2x64x144xf32, #tpu.memory_space<vmem>>, vector<16xf32>,
            %swap3A_797 = arith.index_cast %rem3A_133 : i32 to index
            %swap3A_798 = arith.index_cast %add3A_724 : i32 to index
            %swap3A_799 = arith.constant 96 : index
            %swap3A_800 = tpu.vector_load %run_scoped3A_13[%swap3A_797, %swap3A_798, %swap3A_799] {strides = array<i32>} : memref<2x64x144xf32, #tpu.memory_space<vmem>>, vector<16xf32>,
            tpu.vector_store %run_scoped3A_13[%swap3A_797, %swap3A_798, %swap3A_799], %mul3A_766 {strides = array<i32>} : memref<2x64x144xf32, #tpu.memory_space<vmem>>, vector<16xf32>,
            %swap3A_801 = arith.index_cast %rem3A_133 : i32 to index
            %swap3A_802 = arith.index_cast %add3A_724 : i32 to index
            %swap3A_803 = arith.constant 112 : index
            %swap3A_804 = tpu.vector_load %run_scoped3A_13[%swap3A_801, %swap3A_802, %swap3A_803] {strides = array<i32>} : memref<2x64x144xf32, #tpu.memory_space<vmem>>, vector<16xf32>,
            tpu.vector_store %run_scoped3A_13[%swap3A_801, %swap3A_802, %swap3A_803], %mul3A_772 {strides = array<i32>} : memref<2x64x144xf32, #tpu.memory_space<vmem>>, vector<16xf32>,
            %broadcast_in_dim3A_805 = vector.broadcast %squeeze3A_722 : f32 to vector<16xf32>
            %swap3A_806 = arith.index_cast %rem3A_133 : i32 to index
            %swap3A_807 = arith.index_cast %add3A_724 : i32 to index
            %swap3A_808 = arith.constant 128 : index
            %swap3A_809 = tpu.vector_load %run_scoped3A_13[%swap3A_806, %swap3A_807, %swap3A_808] {strides = array<i32>} : memref<2x64x144xf32, #tpu.memory_space<vmem>>, vector<16xf32>,
            tpu.vector_store %run_scoped3A_13[%swap3A_806, %swap3A_807, %swap3A_808], %broadcast_in_dim3A_805 {strides = array<i32>} : memref<2x64x144xf32, #tpu.memory_space<vmem>>, vector<16xf32>,
            %slice3A_810 = vector.extract_strided_slice %get3A_190 {offsets = [7], sizes = [1], strides = [1]} : vector<16xf32> to vector<1xf32>
            %squeeze3A_811 = vector.extract %slice3A_810[0] : f32 from vector<1xf32>
            %add3A_812 = arith.constant 7 : i32
            %add3A_813 = arith.addi %mul3A_189, %add3A_812 : i32
            %get3A_814 = arith.index_cast %rem3A_133 : i32 to index
            %get3A_815 = arith.index_cast %add3A_813 : i32 to index
            %get3A_816 = arith.constant 0 : index
            %get3A_817 = tpu.vector_load %run_scoped3A_13[%get3A_814, %get3A_815, %get3A_816] {strides = array<i32>} : memref<2x64x144xf32, #tpu.memory_space<vmem>>, vector<16xf32>,
            %mul3A_818 = vector.broadcast %squeeze3A_811 : f32 to vector<16xf32>
            %mul3A_819 = arith.mulf %get3A_817, %mul3A_818 : vector<16xf32>
            %get3A_820 = arith.index_cast %rem3A_133 : i32 to index
            %get3A_821 = arith.index_cast %add3A_813 : i32 to index
            %get3A_822 = arith.constant 16 : index
            %get3A_823 = tpu.vector_load %run_scoped3A_13[%get3A_820, %get3A_821, %get3A_822] {strides = array<i32>} : memref<2x64x144xf32, #tpu.memory_space<vmem>>, vector<16xf32>,
            %mul3A_824 = vector.broadcast %squeeze3A_811 : f32 to vector<16xf32>
            %mul3A_825 = arith.mulf %get3A_823, %mul3A_824 : vector<16xf32>
            %get3A_826 = arith.index_cast %rem3A_133 : i32 to index
            %get3A_827 = arith.index_cast %add3A_813 : i32 to index
            %get3A_828 = arith.constant 32 : index
            %get3A_829 = tpu.vector_load %run_scoped3A_13[%get3A_826, %get3A_827, %get3A_828] {strides = array<i32>} : memref<2x64x144xf32, #tpu.memory_space<vmem>>, vector<16xf32>,
            %mul3A_830 = vector.broadcast %squeeze3A_811 : f32 to vector<16xf32>
            %mul3A_831 = arith.mulf %get3A_829, %mul3A_830 : vector<16xf32>
            %get3A_832 = arith.index_cast %rem3A_133 : i32 to index
            %get3A_833 = arith.index_cast %add3A_813 : i32 to index
            %get3A_834 = arith.constant 48 : index
            %get3A_835 = tpu.vector_load %run_scoped3A_13[%get3A_832, %get3A_833, %get3A_834] {strides = array<i32>} : memref<2x64x144xf32, #tpu.memory_space<vmem>>, vector<16xf32>,
            %mul3A_836 = vector.broadcast %squeeze3A_811 : f32 to vector<16xf32>
            %mul3A_837 = arith.mulf %get3A_835, %mul3A_836 : vector<16xf32>
            %get3A_838 = arith.index_cast %rem3A_133 : i32 to index
            %get3A_839 = arith.index_cast %add3A_813 : i32 to index
            %get3A_840 = arith.constant 64 : index
            %get3A_841 = tpu.vector_load %run_scoped3A_13[%get3A_838, %get3A_839, %get3A_840] {strides = array<i32>} : memref<2x64x144xf32, #tpu.memory_space<vmem>>, vector<16xf32>,
            %mul3A_842 = vector.broadcast %squeeze3A_811 : f32 to vector<16xf32>
            %mul3A_843 = arith.mulf %get3A_841, %mul3A_842 : vector<16xf32>
            %get3A_844 = arith.index_cast %rem3A_133 : i32 to index
            %get3A_845 = arith.index_cast %add3A_813 : i32 to index
            %get3A_846 = arith.constant 80 : index
            %get3A_847 = tpu.vector_load %run_scoped3A_13[%get3A_844, %get3A_845, %get3A_846] {strides = array<i32>} : memref<2x64x144xf32, #tpu.memory_space<vmem>>, vector<16xf32>,
            %mul3A_848 = vector.broadcast %squeeze3A_811 : f32 to vector<16xf32>
            %mul3A_849 = arith.mulf %get3A_847, %mul3A_848 : vector<16xf32>
            %get3A_850 = arith.index_cast %rem3A_133 : i32 to index
            %get3A_851 = arith.index_cast %add3A_813 : i32 to index
            %get3A_852 = arith.constant 96 : index
            %get3A_853 = tpu.vector_load %run_scoped3A_13[%get3A_850, %get3A_851, %get3A_852] {strides = array<i32>} : memref<2x64x144xf32, #tpu.memory_space<vmem>>, vector<16xf32>,
            %mul3A_854 = vector.broadcast %squeeze3A_811 : f32 to vector<16xf32>
            %mul3A_855 = arith.mulf %get3A_853, %mul3A_854 : vector<16xf32>
            %get3A_856 = arith.index_cast %rem3A_133 : i32 to index
            %get3A_857 = arith.index_cast %add3A_813 : i32 to index
            %get3A_858 = arith.constant 112 : index
            %get3A_859 = tpu.vector_load %run_scoped3A_13[%get3A_856, %get3A_857, %get3A_858] {strides = array<i32>} : memref<2x64x144xf32, #tpu.memory_space<vmem>>, vector<16xf32>,
            %mul3A_860 = vector.broadcast %squeeze3A_811 : f32 to vector<16xf32>
            %mul3A_861 = arith.mulf %get3A_859, %mul3A_860 : vector<16xf32>
            %swap3A_862 = arith.index_cast %rem3A_133 : i32 to index
            %swap3A_863 = arith.index_cast %add3A_813 : i32 to index
            %swap3A_864 = arith.constant 0 : index
            %swap3A_865 = tpu.vector_load %run_scoped3A_13[%swap3A_862, %swap3A_863, %swap3A_864] {strides = array<i32>} : memref<2x64x144xf32, #tpu.memory_space<vmem>>, vector<16xf32>,
            tpu.vector_store %run_scoped3A_13[%swap3A_862, %swap3A_863, %swap3A_864], %mul3A_819 {strides = array<i32>} : memref<2x64x144xf32, #tpu.memory_space<vmem>>, vector<16xf32>,
            %swap3A_866 = arith.index_cast %rem3A_133 : i32 to index
            %swap3A_867 = arith.index_cast %add3A_813 : i32 to index
            %swap3A_868 = arith.constant 16 : index
            %swap3A_869 = tpu.vector_load %run_scoped3A_13[%swap3A_866, %swap3A_867, %swap3A_868] {strides = array<i32>} : memref<2x64x144xf32, #tpu.memory_space<vmem>>, vector<16xf32>,
            tpu.vector_store %run_scoped3A_13[%swap3A_866, %swap3A_867, %swap3A_868], %mul3A_825 {strides = array<i32>} : memref<2x64x144xf32, #tpu.memory_space<vmem>>, vector<16xf32>,
            %swap3A_870 = arith.index_cast %rem3A_133 : i32 to index
            %swap3A_871 = arith.index_cast %add3A_813 : i32 to index
            %swap3A_872 = arith.constant 32 : index
            %swap3A_873 = tpu.vector_load %run_scoped3A_13[%swap3A_870, %swap3A_871, %swap3A_872] {strides = array<i32>} : memref<2x64x144xf32, #tpu.memory_space<vmem>>, vector<16xf32>,
            tpu.vector_store %run_scoped3A_13[%swap3A_870, %swap3A_871, %swap3A_872], %mul3A_831 {strides = array<i32>} : memref<2x64x144xf32, #tpu.memory_space<vmem>>, vector<16xf32>,
            %swap3A_874 = arith.index_cast %rem3A_133 : i32 to index
            %swap3A_875 = arith.index_cast %add3A_813 : i32 to index
            %swap3A_876 = arith.constant 48 : index
            %swap3A_877 = tpu.vector_load %run_scoped3A_13[%swap3A_874, %swap3A_875, %swap3A_876] {strides = array<i32>} : memref<2x64x144xf32, #tpu.memory_space<vmem>>, vector<16xf32>,
            tpu.vector_store %run_scoped3A_13[%swap3A_874, %swap3A_875, %swap3A_876], %mul3A_837 {strides = array<i32>} : memref<2x64x144xf32, #tpu.memory_space<vmem>>, vector<16xf32>,
            %swap3A_878 = arith.index_cast %rem3A_133 : i32 to index
            %swap3A_879 = arith.index_cast %add3A_813 : i32 to index
            %swap3A_880 = arith.constant 64 : index
            %swap3A_881 = tpu.vector_load %run_scoped3A_13[%swap3A_878, %swap3A_879, %swap3A_880] {strides = array<i32>} : memref<2x64x144xf32, #tpu.memory_space<vmem>>, vector<16xf32>,
            tpu.vector_store %run_scoped3A_13[%swap3A_878, %swap3A_879, %swap3A_880], %mul3A_843 {strides = array<i32>} : memref<2x64x144xf32, #tpu.memory_space<vmem>>, vector<16xf32>,
            %swap3A_882 = arith.index_cast %rem3A_133 : i32 to index
            %swap3A_883 = arith.index_cast %add3A_813 : i32 to index
            %swap3A_884 = arith.constant 80 : index
            %swap3A_885 = tpu.vector_load %run_scoped3A_13[%swap3A_882, %swap3A_883, %swap3A_884] {strides = array<i32>} : memref<2x64x144xf32, #tpu.memory_space<vmem>>, vector<16xf32>,
            tpu.vector_store %run_scoped3A_13[%swap3A_882, %swap3A_883, %swap3A_884], %mul3A_849 {strides = array<i32>} : memref<2x64x144xf32, #tpu.memory_space<vmem>>, vector<16xf32>,
            %swap3A_886 = arith.index_cast %rem3A_133 : i32 to index
            %swap3A_887 = arith.index_cast %add3A_813 : i32 to index
            %swap3A_888 = arith.constant 96 : index
            %swap3A_889 = tpu.vector_load %run_scoped3A_13[%swap3A_886, %swap3A_887, %swap3A_888] {strides = array<i32>} : memref<2x64x144xf32, #tpu.memory_space<vmem>>, vector<16xf32>,
            tpu.vector_store %run_scoped3A_13[%swap3A_886, %swap3A_887, %swap3A_888], %mul3A_855 {strides = array<i32>} : memref<2x64x144xf32, #tpu.memory_space<vmem>>, vector<16xf32>,
            %swap3A_890 = arith.index_cast %rem3A_133 : i32 to index
            %swap3A_891 = arith.index_cast %add3A_813 : i32 to index
            %swap3A_892 = arith.constant 112 : index
            %swap3A_893 = tpu.vector_load %run_scoped3A_13[%swap3A_890, %swap3A_891, %swap3A_892] {strides = array<i32>} : memref<2x64x144xf32, #tpu.memory_space<vmem>>, vector<16xf32>,
            tpu.vector_store %run_scoped3A_13[%swap3A_890, %swap3A_891, %swap3A_892], %mul3A_861 {strides = array<i32>} : memref<2x64x144xf32, #tpu.memory_space<vmem>>, vector<16xf32>,
            %broadcast_in_dim3A_894 = vector.broadcast %squeeze3A_811 : f32 to vector<16xf32>
            %swap3A_895 = arith.index_cast %rem3A_133 : i32 to index
            %swap3A_896 = arith.index_cast %add3A_813 : i32 to index
            %swap3A_897 = arith.constant 128 : index
            %swap3A_898 = tpu.vector_load %run_scoped3A_13[%swap3A_895, %swap3A_896, %swap3A_897] {strides = array<i32>} : memref<2x64x144xf32, #tpu.memory_space<vmem>>, vector<16xf32>,
            tpu.vector_store %run_scoped3A_13[%swap3A_895, %swap3A_896, %swap3A_897], %broadcast_in_dim3A_894 {strides = array<i32>} : memref<2x64x144xf32, #tpu.memory_space<vmem>>, vector<16xf32>,
            %slice3A_899 = vector.extract_strided_slice %get3A_190 {offsets = [8], sizes = [1], strides = [1]} : vector<16xf32> to vector<1xf32>
            %squeeze3A_900 = vector.extract %slice3A_899[0] : f32 from vector<1xf32>
            %add3A_901 = arith.constant 8 : i32
            %add3A_902 = arith.addi %mul3A_189, %add3A_901 : i32
            %get3A_903 = arith.index_cast %rem3A_133 : i32 to index
            %get3A_904 = arith.index_cast %add3A_902 : i32 to index
            %get3A_905 = arith.constant 0 : index
            %get3A_906 = tpu.vector_load %run_scoped3A_13[%get3A_903, %get3A_904, %get3A_905] {strides = array<i32>} : memref<2x64x144xf32, #tpu.memory_space<vmem>>, vector<16xf32>,
            %mul3A_907 = vector.broadcast %squeeze3A_900 : f32 to vector<16xf32>
            %mul3A_908 = arith.mulf %get3A_906, %mul3A_907 : vector<16xf32>
            %get3A_909 = arith.index_cast %rem3A_133 : i32 to index
            %get3A_910 = arith.index_cast %add3A_902 : i32 to index
            %get3A_911 = arith.constant 16 : index
            %get3A_912 = tpu.vector_load %run_scoped3A_13[%get3A_909, %get3A_910, %get3A_911] {strides = array<i32>} : memref<2x64x144xf32, #tpu.memory_space<vmem>>, vector<16xf32>,
            %mul3A_913 = vector.broadcast %squeeze3A_900 : f32 to vector<16xf32>
            %mul3A_914 = arith.mulf %get3A_912, %mul3A_913 : vector<16xf32>
            %get3A_915 = arith.index_cast %rem3A_133 : i32 to index
            %get3A_916 = arith.index_cast %add3A_902 : i32 to index
            %get3A_917 = arith.constant 32 : index
            %get3A_918 = tpu.vector_load %run_scoped3A_13[%get3A_915, %get3A_916, %get3A_917] {strides = array<i32>} : memref<2x64x144xf32, #tpu.memory_space<vmem>>, vector<16xf32>,
            %mul3A_919 = vector.broadcast %squeeze3A_900 : f32 to vector<16xf32>
            %mul3A_920 = arith.mulf %get3A_918, %mul3A_919 : vector<16xf32>
            %get3A_921 = arith.index_cast %rem3A_133 : i32 to index
            %get3A_922 = arith.index_cast %add3A_902 : i32 to index
            %get3A_923 = arith.constant 48 : index
            %get3A_924 = tpu.vector_load %run_scoped3A_13[%get3A_921, %get3A_922, %get3A_923] {strides = array<i32>} : memref<2x64x144xf32, #tpu.memory_space<vmem>>, vector<16xf32>,
            %mul3A_925 = vector.broadcast %squeeze3A_900 : f32 to vector<16xf32>
            %mul3A_926 = arith.mulf %get3A_924, %mul3A_925 : vector<16xf32>
            %get3A_927 = arith.index_cast %rem3A_133 : i32 to index
            %get3A_928 = arith.index_cast %add3A_902 : i32 to index
            %get3A_929 = arith.constant 64 : index
            %get3A_930 = tpu.vector_load %run_scoped3A_13[%get3A_927, %get3A_928, %get3A_929] {strides = array<i32>} : memref<2x64x144xf32, #tpu.memory_space<vmem>>, vector<16xf32>,
            %mul3A_931 = vector.broadcast %squeeze3A_900 : f32 to vector<16xf32>
            %mul3A_932 = arith.mulf %get3A_930, %mul3A_931 : vector<16xf32>
            %get3A_933 = arith.index_cast %rem3A_133 : i32 to index
            %get3A_934 = arith.index_cast %add3A_902 : i32 to index
            %get3A_935 = arith.constant 80 : index
            %get3A_936 = tpu.vector_load %run_scoped3A_13[%get3A_933, %get3A_934, %get3A_935] {strides = array<i32>} : memref<2x64x144xf32, #tpu.memory_space<vmem>>, vector<16xf32>,
            %mul3A_937 = vector.broadcast %squeeze3A_900 : f32 to vector<16xf32>
            %mul3A_938 = arith.mulf %get3A_936, %mul3A_937 : vector<16xf32>
            %get3A_939 = arith.index_cast %rem3A_133 : i32 to index
            %get3A_940 = arith.index_cast %add3A_902 : i32 to index
            %get3A_941 = arith.constant 96 : index
            %get3A_942 = tpu.vector_load %run_scoped3A_13[%get3A_939, %get3A_940, %get3A_941] {strides = array<i32>} : memref<2x64x144xf32, #tpu.memory_space<vmem>>, vector<16xf32>,
            %mul3A_943 = vector.broadcast %squeeze3A_900 : f32 to vector<16xf32>
            %mul3A_944 = arith.mulf %get3A_942, %mul3A_943 : vector<16xf32>
            %get3A_945 = arith.index_cast %rem3A_133 : i32 to index
            %get3A_946 = arith.index_cast %add3A_902 : i32 to index
            %get3A_947 = arith.constant 112 : index
            %get3A_948 = tpu.vector_load %run_scoped3A_13[%get3A_945, %get3A_946, %get3A_947] {strides = array<i32>} : memref<2x64x144xf32, #tpu.memory_space<vmem>>, vector<16xf32>,
            %mul3A_949 = vector.broadcast %squeeze3A_900 : f32 to vector<16xf32>
            %mul3A_950 = arith.mulf %get3A_948, %mul3A_949 : vector<16xf32>
            %swap3A_951 = arith.index_cast %rem3A_133 : i32 to index
            %swap3A_952 = arith.index_cast %add3A_902 : i32 to index
            %swap3A_953 = arith.constant 0 : index
            %swap3A_954 = tpu.vector_load %run_scoped3A_13[%swap3A_951, %swap3A_952, %swap3A_953] {strides = array<i32>} : memref<2x64x144xf32, #tpu.memory_space<vmem>>, vector<16xf32>,
            tpu.vector_store %run_scoped3A_13[%swap3A_951, %swap3A_952, %swap3A_953], %mul3A_908 {strides = array<i32>} : memref<2x64x144xf32, #tpu.memory_space<vmem>>, vector<16xf32>,
            %swap3A_955 = arith.index_cast %rem3A_133 : i32 to index
            %swap3A_956 = arith.index_cast %add3A_902 : i32 to index
            %swap3A_957 = arith.constant 16 : index
            %swap3A_958 = tpu.vector_load %run_scoped3A_13[%swap3A_955, %swap3A_956, %swap3A_957] {strides = array<i32>} : memref<2x64x144xf32, #tpu.memory_space<vmem>>, vector<16xf32>,
            tpu.vector_store %run_scoped3A_13[%swap3A_955, %swap3A_956, %swap3A_957], %mul3A_914 {strides = array<i32>} : memref<2x64x144xf32, #tpu.memory_space<vmem>>, vector<16xf32>,
            %swap3A_959 = arith.index_cast %rem3A_133 : i32 to index
            %swap3A_960 = arith.index_cast %add3A_902 : i32 to index
            %swap3A_961 = arith.constant 32 : index
            %swap3A_962 = tpu.vector_load %run_scoped3A_13[%swap3A_959, %swap3A_960, %swap3A_961] {strides = array<i32>} : memref<2x64x144xf32, #tpu.memory_space<vmem>>, vector<16xf32>,
            tpu.vector_store %run_scoped3A_13[%swap3A_959, %swap3A_960, %swap3A_961], %mul3A_920 {strides = array<i32>} : memref<2x64x144xf32, #tpu.memory_space<vmem>>, vector<16xf32>,
            %swap3A_963 = arith.index_cast %rem3A_133 : i32 to index
            %swap3A_964 = arith.index_cast %add3A_902 : i32 to index
            %swap3A_965 = arith.constant 48 : index
            %swap3A_966 = tpu.vector_load %run_scoped3A_13[%swap3A_963, %swap3A_964, %swap3A_965] {strides = array<i32>} : memref<2x64x144xf32, #tpu.memory_space<vmem>>, vector<16xf32>,
            tpu.vector_store %run_scoped3A_13[%swap3A_963, %swap3A_964, %swap3A_965], %mul3A_926 {strides = array<i32>} : memref<2x64x144xf32, #tpu.memory_space<vmem>>, vector<16xf32>,
            %swap3A_967 = arith.index_cast %rem3A_133 : i32 to index
            %swap3A_968 = arith.index_cast %add3A_902 : i32 to index
            %swap3A_969 = arith.constant 64 : index
            %swap3A_970 = tpu.vector_load %run_scoped3A_13[%swap3A_967, %swap3A_968, %swap3A_969] {strides = array<i32>} : memref<2x64x144xf32, #tpu.memory_space<vmem>>, vector<16xf32>,
            tpu.vector_store %run_scoped3A_13[%swap3A_967, %swap3A_968, %swap3A_969], %mul3A_932 {strides = array<i32>} : memref<2x64x144xf32, #tpu.memory_space<vmem>>, vector<16xf32>,
            %swap3A_971 = arith.index_cast %rem3A_133 : i32 to index
            %swap3A_972 = arith.index_cast %add3A_902 : i32 to index
            %swap3A_973 = arith.constant 80 : index
            %swap3A_974 = tpu.vector_load %run_scoped3A_13[%swap3A_971, %swap3A_972, %swap3A_973] {strides = array<i32>} : memref<2x64x144xf32, #tpu.memory_space<vmem>>, vector<16xf32>,
            tpu.vector_store %run_scoped3A_13[%swap3A_971, %swap3A_972, %swap3A_973], %mul3A_938 {strides = array<i32>} : memref<2x64x144xf32, #tpu.memory_space<vmem>>, vector<16xf32>,
            %swap3A_975 = arith.index_cast %rem3A_133 : i32 to index
            %swap3A_976 = arith.index_cast %add3A_902 : i32 to index
            %swap3A_977 = arith.constant 96 : index
            %swap3A_978 = tpu.vector_load %run_scoped3A_13[%swap3A_975, %swap3A_976, %swap3A_977] {strides = array<i32>} : memref<2x64x144xf32, #tpu.memory_space<vmem>>, vector<16xf32>,
            tpu.vector_store %run_scoped3A_13[%swap3A_975, %swap3A_976, %swap3A_977], %mul3A_944 {strides = array<i32>} : memref<2x64x144xf32, #tpu.memory_space<vmem>>, vector<16xf32>,
            %swap3A_979 = arith.index_cast %rem3A_133 : i32 to index
            %swap3A_980 = arith.index_cast %add3A_902 : i32 to index
            %swap3A_981 = arith.constant 112 : index
            %swap3A_982 = tpu.vector_load %run_scoped3A_13[%swap3A_979, %swap3A_980, %swap3A_981] {strides = array<i32>} : memref<2x64x144xf32, #tpu.memory_space<vmem>>, vector<16xf32>,
            tpu.vector_store %run_scoped3A_13[%swap3A_979, %swap3A_980, %swap3A_981], %mul3A_950 {strides = array<i32>} : memref<2x64x144xf32, #tpu.memory_space<vmem>>, vector<16xf32>,
            %broadcast_in_dim3A_983 = vector.broadcast %squeeze3A_900 : f32 to vector<16xf32>
            %swap3A_984 = arith.index_cast %rem3A_133 : i32 to index
            %swap3A_985 = arith.index_cast %add3A_902 : i32 to index
            %swap3A_986 = arith.constant 128 : index
            %swap3A_987 = tpu.vector_load %run_scoped3A_13[%swap3A_984, %swap3A_985, %swap3A_986] {strides = array<i32>} : memref<2x64x144xf32, #tpu.memory_space<vmem>>, vector<16xf32>,
            tpu.vector_store %run_scoped3A_13[%swap3A_984, %swap3A_985, %swap3A_986], %broadcast_in_dim3A_983 {strides = array<i32>} : memref<2x64x144xf32, #tpu.memory_space<vmem>>, vector<16xf32>,
            %slice3A_988 = vector.extract_strided_slice %get3A_190 {offsets = [9], sizes = [1], strides = [1]} : vector<16xf32> to vector<1xf32>
            %squeeze3A_989 = vector.extract %slice3A_988[0] : f32 from vector<1xf32>
            %add3A_990 = arith.constant 9 : i32
            %add3A_991 = arith.addi %mul3A_189, %add3A_990 : i32
            %get3A_992 = arith.index_cast %rem3A_133 : i32 to index
            %get3A_993 = arith.index_cast %add3A_991 : i32 to index
            %get3A_994 = arith.constant 0 : index
            %get3A_995 = tpu.vector_load %run_scoped3A_13[%get3A_992, %get3A_993, %get3A_994] {strides = array<i32>} : memref<2x64x144xf32, #tpu.memory_space<vmem>>, vector<16xf32>,
            %mul3A_996 = vector.broadcast %squeeze3A_989 : f32 to vector<16xf32>
            %mul3A_997 = arith.mulf %get3A_995, %mul3A_996 : vector<16xf32>
            %get3A_998 = arith.index_cast %rem3A_133 : i32 to index
            %get3A_999 = arith.index_cast %add3A_991 : i32 to index
            %get3A_1000 = arith.constant 16 : index
            %get3A_1001 = tpu.vector_load %run_scoped3A_13[%get3A_998, %get3A_999, %get3A_1000] {strides = array<i32>} : memref<2x64x144xf32, #tpu.memory_space<vmem>>, vector<16xf32>,
            %mul3A_1002 = vector.broadcast %squeeze3A_989 : f32 to vector<16xf32>
            %mul3A_1003 = arith.mulf %get3A_1001, %mul3A_1002 : vector<16xf32>
            %get3A_1004 = arith.index_cast %rem3A_133 : i32 to index
            %get3A_1005 = arith.index_cast %add3A_991 : i32 to index
            %get3A_1006 = arith.constant 32 : index
            %get3A_1007 = tpu.vector_load %run_scoped3A_13[%get3A_1004, %get3A_1005, %get3A_1006] {strides = array<i32>} : memref<2x64x144xf32, #tpu.memory_space<vmem>>, vector<16xf32>,
            %mul3A_1008 = vector.broadcast %squeeze3A_989 : f32 to vector<16xf32>
            %mul3A_1009 = arith.mulf %get3A_1007, %mul3A_1008 : vector<16xf32>
            %get3A_1010 = arith.index_cast %rem3A_133 : i32 to index
            %get3A_1011 = arith.index_cast %add3A_991 : i32 to index
            %get3A_1012 = arith.constant 48 : index
            %get3A_1013 = tpu.vector_load %run_scoped3A_13[%get3A_1010, %get3A_1011, %get3A_1012] {strides = array<i32>} : memref<2x64x144xf32, #tpu.memory_space<vmem>>, vector<16xf32>,
            %mul3A_1014 = vector.broadcast %squeeze3A_989 : f32 to vector<16xf32>
            %mul3A_1015 = arith.mulf %get3A_1013, %mul3A_1014 : vector<16xf32>
            %get3A_1016 = arith.index_cast %rem3A_133 : i32 to index
            %get3A_1017 = arith.index_cast %add3A_991 : i32 to index
            %get3A_1018 = arith.constant 64 : index
            %get3A_1019 = tpu.vector_load %run_scoped3A_13[%get3A_1016, %get3A_1017, %get3A_1018] {strides = array<i32>} : memref<2x64x144xf32, #tpu.memory_space<vmem>>, vector<16xf32>,
            %mul3A_1020 = vector.broadcast %squeeze3A_989 : f32 to vector<16xf32>
            %mul3A_1021 = arith.mulf %get3A_1019, %mul3A_1020 : vector<16xf32>
            %get3A_1022 = arith.index_cast %rem3A_133 : i32 to index
            %get3A_1023 = arith.index_cast %add3A_991 : i32 to index
            %get3A_1024 = arith.constant 80 : index
            %get3A_1025 = tpu.vector_load %run_scoped3A_13[%get3A_1022, %get3A_1023, %get3A_1024] {strides = array<i32>} : memref<2x64x144xf32, #tpu.memory_space<vmem>>, vector<16xf32>,
            %mul3A_1026 = vector.broadcast %squeeze3A_989 : f32 to vector<16xf32>
            %mul3A_1027 = arith.mulf %get3A_1025, %mul3A_1026 : vector<16xf32>
            %get3A_1028 = arith.index_cast %rem3A_133 : i32 to index
            %get3A_1029 = arith.index_cast %add3A_991 : i32 to index
            %get3A_1030 = arith.constant 96 : index
            %get3A_1031 = tpu.vector_load %run_scoped3A_13[%get3A_1028, %get3A_1029, %get3A_1030] {strides = array<i32>} : memref<2x64x144xf32, #tpu.memory_space<vmem>>, vector<16xf32>,
            %mul3A_1032 = vector.broadcast %squeeze3A_989 : f32 to vector<16xf32>
            %mul3A_1033 = arith.mulf %get3A_1031, %mul3A_1032 : vector<16xf32>
            %get3A_1034 = arith.index_cast %rem3A_133 : i32 to index
            %get3A_1035 = arith.index_cast %add3A_991 : i32 to index
            %get3A_1036 = arith.constant 112 : index
            %get3A_1037 = tpu.vector_load %run_scoped3A_13[%get3A_1034, %get3A_1035, %get3A_1036] {strides = array<i32>} : memref<2x64x144xf32, #tpu.memory_space<vmem>>, vector<16xf32>,
            %mul3A_1038 = vector.broadcast %squeeze3A_989 : f32 to vector<16xf32>
            %mul3A_1039 = arith.mulf %get3A_1037, %mul3A_1038 : vector<16xf32>
            %swap3A_1040 = arith.index_cast %rem3A_133 : i32 to index
            %swap3A_1041 = arith.index_cast %add3A_991 : i32 to index
            %swap3A_1042 = arith.constant 0 : index
            %swap3A_1043 = tpu.vector_load %run_scoped3A_13[%swap3A_1040, %swap3A_1041, %swap3A_1042] {strides = array<i32>} : memref<2x64x144xf32, #tpu.memory_space<vmem>>, vector<16xf32>,
            tpu.vector_store %run_scoped3A_13[%swap3A_1040, %swap3A_1041, %swap3A_1042], %mul3A_997 {strides = array<i32>} : memref<2x64x144xf32, #tpu.memory_space<vmem>>, vector<16xf32>,
            %swap3A_1044 = arith.index_cast %rem3A_133 : i32 to index
            %swap3A_1045 = arith.index_cast %add3A_991 : i32 to index
            %swap3A_1046 = arith.constant 16 : index
            %swap3A_1047 = tpu.vector_load %run_scoped3A_13[%swap3A_1044, %swap3A_1045, %swap3A_1046] {strides = array<i32>} : memref<2x64x144xf32, #tpu.memory_space<vmem>>, vector<16xf32>,
            tpu.vector_store %run_scoped3A_13[%swap3A_1044, %swap3A_1045, %swap3A_1046], %mul3A_1003 {strides = array<i32>} : memref<2x64x144xf32, #tpu.memory_space<vmem>>, vector<16xf32>,
            %swap3A_1048 = arith.index_cast %rem3A_133 : i32 to index
            %swap3A_1049 = arith.index_cast %add3A_991 : i32 to index
            %swap3A_1050 = arith.constant 32 : index
            %swap3A_1051 = tpu.vector_load %run_scoped3A_13[%swap3A_1048, %swap3A_1049, %swap3A_1050] {strides = array<i32>} : memref<2x64x144xf32, #tpu.memory_space<vmem>>, vector<16xf32>,
            tpu.vector_store %run_scoped3A_13[%swap3A_1048, %swap3A_1049, %swap3A_1050], %mul3A_1009 {strides = array<i32>} : memref<2x64x144xf32, #tpu.memory_space<vmem>>, vector<16xf32>,
            %swap3A_1052 = arith.index_cast %rem3A_133 : i32 to index
            %swap3A_1053 = arith.index_cast %add3A_991 : i32 to index
            %swap3A_1054 = arith.constant 48 : index
            %swap3A_1055 = tpu.vector_load %run_scoped3A_13[%swap3A_1052, %swap3A_1053, %swap3A_1054] {strides = array<i32>} : memref<2x64x144xf32, #tpu.memory_space<vmem>>, vector<16xf32>,
            tpu.vector_store %run_scoped3A_13[%swap3A_1052, %swap3A_1053, %swap3A_1054], %mul3A_1015 {strides = array<i32>} : memref<2x64x144xf32, #tpu.memory_space<vmem>>, vector<16xf32>,
            %swap3A_1056 = arith.index_cast %rem3A_133 : i32 to index
            %swap3A_1057 = arith.index_cast %add3A_991 : i32 to index
            %swap3A_1058 = arith.constant 64 : index
            %swap3A_1059 = tpu.vector_load %run_scoped3A_13[%swap3A_1056, %swap3A_1057, %swap3A_1058] {strides = array<i32>} : memref<2x64x144xf32, #tpu.memory_space<vmem>>, vector<16xf32>,
            tpu.vector_store %run_scoped3A_13[%swap3A_1056, %swap3A_1057, %swap3A_1058], %mul3A_1021 {strides = array<i32>} : memref<2x64x144xf32, #tpu.memory_space<vmem>>, vector<16xf32>,
            %swap3A_1060 = arith.index_cast %rem3A_133 : i32 to index
            %swap3A_1061 = arith.index_cast %add3A_991 : i32 to index
            %swap3A_1062 = arith.constant 80 : index
            %swap3A_1063 = tpu.vector_load %run_scoped3A_13[%swap3A_1060, %swap3A_1061, %swap3A_1062] {strides = array<i32>} : memref<2x64x144xf32, #tpu.memory_space<vmem>>, vector<16xf32>,
            tpu.vector_store %run_scoped3A_13[%swap3A_1060, %swap3A_1061, %swap3A_1062], %mul3A_1027 {strides = array<i32>} : memref<2x64x144xf32, #tpu.memory_space<vmem>>, vector<16xf32>,
            %swap3A_1064 = arith.index_cast %rem3A_133 : i32 to index
            %swap3A_1065 = arith.index_cast %add3A_991 : i32 to index
            %swap3A_1066 = arith.constant 96 : index
            %swap3A_1067 = tpu.vector_load %run_scoped3A_13[%swap3A_1064, %swap3A_1065, %swap3A_1066] {strides = array<i32>} : memref<2x64x144xf32, #tpu.memory_space<vmem>>, vector<16xf32>,
            tpu.vector_store %run_scoped3A_13[%swap3A_1064, %swap3A_1065, %swap3A_1066], %mul3A_1033 {strides = array<i32>} : memref<2x64x144xf32, #tpu.memory_space<vmem>>, vector<16xf32>,
            %swap3A_1068 = arith.index_cast %rem3A_133 : i32 to index
            %swap3A_1069 = arith.index_cast %add3A_991 : i32 to index
            %swap3A_1070 = arith.constant 112 : index
            %swap3A_1071 = tpu.vector_load %run_scoped3A_13[%swap3A_1068, %swap3A_1069, %swap3A_1070] {strides = array<i32>} : memref<2x64x144xf32, #tpu.memory_space<vmem>>, vector<16xf32>,
            tpu.vector_store %run_scoped3A_13[%swap3A_1068, %swap3A_1069, %swap3A_1070], %mul3A_1039 {strides = array<i32>} : memref<2x64x144xf32, #tpu.memory_space<vmem>>, vector<16xf32>,
            %broadcast_in_dim3A_1072 = vector.broadcast %squeeze3A_989 : f32 to vector<16xf32>
            %swap3A_1073 = arith.index_cast %rem3A_133 : i32 to index
            %swap3A_1074 = arith.index_cast %add3A_991 : i32 to index
            %swap3A_1075 = arith.constant 128 : index
            %swap3A_1076 = tpu.vector_load %run_scoped3A_13[%swap3A_1073, %swap3A_1074, %swap3A_1075] {strides = array<i32>} : memref<2x64x144xf32, #tpu.memory_space<vmem>>, vector<16xf32>,
            tpu.vector_store %run_scoped3A_13[%swap3A_1073, %swap3A_1074, %swap3A_1075], %broadcast_in_dim3A_1072 {strides = array<i32>} : memref<2x64x144xf32, #tpu.memory_space<vmem>>, vector<16xf32>,
            %slice3A_1077 = vector.extract_strided_slice %get3A_190 {offsets = [10], sizes = [1], strides = [1]} : vector<16xf32> to vector<1xf32>
            %squeeze3A_1078 = vector.extract %slice3A_1077[0] : f32 from vector<1xf32>
            %add3A_1079 = arith.constant 10 : i32
            %add3A_1080 = arith.addi %mul3A_189, %add3A_1079 : i32
            %get3A_1081 = arith.index_cast %rem3A_133 : i32 to index
            %get3A_1082 = arith.index_cast %add3A_1080 : i32 to index
            %get3A_1083 = arith.constant 0 : index
            %get3A_1084 = tpu.vector_load %run_scoped3A_13[%get3A_1081, %get3A_1082, %get3A_1083] {strides = array<i32>} : memref<2x64x144xf32, #tpu.memory_space<vmem>>, vector<16xf32>,
            %mul3A_1085 = vector.broadcast %squeeze3A_1078 : f32 to vector<16xf32>
            %mul3A_1086 = arith.mulf %get3A_1084, %mul3A_1085 : vector<16xf32>
            %get3A_1087 = arith.index_cast %rem3A_133 : i32 to index
            %get3A_1088 = arith.index_cast %add3A_1080 : i32 to index
            %get3A_1089 = arith.constant 16 : index
            %get3A_1090 = tpu.vector_load %run_scoped3A_13[%get3A_1087, %get3A_1088, %get3A_1089] {strides = array<i32>} : memref<2x64x144xf32, #tpu.memory_space<vmem>>, vector<16xf32>,
            %mul3A_1091 = vector.broadcast %squeeze3A_1078 : f32 to vector<16xf32>
            %mul3A_1092 = arith.mulf %get3A_1090, %mul3A_1091 : vector<16xf32>
            %get3A_1093 = arith.index_cast %rem3A_133 : i32 to index
            %get3A_1094 = arith.index_cast %add3A_1080 : i32 to index
            %get3A_1095 = arith.constant 32 : index
            %get3A_1096 = tpu.vector_load %run_scoped3A_13[%get3A_1093, %get3A_1094, %get3A_1095] {strides = array<i32>} : memref<2x64x144xf32, #tpu.memory_space<vmem>>, vector<16xf32>,
            %mul3A_1097 = vector.broadcast %squeeze3A_1078 : f32 to vector<16xf32>
            %mul3A_1098 = arith.mulf %get3A_1096, %mul3A_1097 : vector<16xf32>
            %get3A_1099 = arith.index_cast %rem3A_133 : i32 to index
            %get3A_1100 = arith.index_cast %add3A_1080 : i32 to index
            %get3A_1101 = arith.constant 48 : index
            %get3A_1102 = tpu.vector_load %run_scoped3A_13[%get3A_1099, %get3A_1100, %get3A_1101] {strides = array<i32>} : memref<2x64x144xf32, #tpu.memory_space<vmem>>, vector<16xf32>,
            %mul3A_1103 = vector.broadcast %squeeze3A_1078 : f32 to vector<16xf32>
            %mul3A_1104 = arith.mulf %get3A_1102, %mul3A_1103 : vector<16xf32>
            %get3A_1105 = arith.index_cast %rem3A_133 : i32 to index
            %get3A_1106 = arith.index_cast %add3A_1080 : i32 to index
            %get3A_1107 = arith.constant 64 : index
            %get3A_1108 = tpu.vector_load %run_scoped3A_13[%get3A_1105, %get3A_1106, %get3A_1107] {strides = array<i32>} : memref<2x64x144xf32, #tpu.memory_space<vmem>>, vector<16xf32>,
            %mul3A_1109 = vector.broadcast %squeeze3A_1078 : f32 to vector<16xf32>
            %mul3A_1110 = arith.mulf %get3A_1108, %mul3A_1109 : vector<16xf32>
            %get3A_1111 = arith.index_cast %rem3A_133 : i32 to index
            %get3A_1112 = arith.index_cast %add3A_1080 : i32 to index
            %get3A_1113 = arith.constant 80 : index
            %get3A_1114 = tpu.vector_load %run_scoped3A_13[%get3A_1111, %get3A_1112, %get3A_1113] {strides = array<i32>} : memref<2x64x144xf32, #tpu.memory_space<vmem>>, vector<16xf32>,
            %mul3A_1115 = vector.broadcast %squeeze3A_1078 : f32 to vector<16xf32>
            %mul3A_1116 = arith.mulf %get3A_1114, %mul3A_1115 : vector<16xf32>
            %get3A_1117 = arith.index_cast %rem3A_133 : i32 to index
            %get3A_1118 = arith.index_cast %add3A_1080 : i32 to index
            %get3A_1119 = arith.constant 96 : index
            %get3A_1120 = tpu.vector_load %run_scoped3A_13[%get3A_1117, %get3A_1118, %get3A_1119] {strides = array<i32>} : memref<2x64x144xf32, #tpu.memory_space<vmem>>, vector<16xf32>,
            %mul3A_1121 = vector.broadcast %squeeze3A_1078 : f32 to vector<16xf32>
            %mul3A_1122 = arith.mulf %get3A_1120, %mul3A_1121 : vector<16xf32>
            %get3A_1123 = arith.index_cast %rem3A_133 : i32 to index
            %get3A_1124 = arith.index_cast %add3A_1080 : i32 to index
            %get3A_1125 = arith.constant 112 : index
            %get3A_1126 = tpu.vector_load %run_scoped3A_13[%get3A_1123, %get3A_1124, %get3A_1125] {strides = array<i32>} : memref<2x64x144xf32, #tpu.memory_space<vmem>>, vector<16xf32>,
            %mul3A_1127 = vector.broadcast %squeeze3A_1078 : f32 to vector<16xf32>
            %mul3A_1128 = arith.mulf %get3A_1126, %mul3A_1127 : vector<16xf32>
            %swap3A_1129 = arith.index_cast %rem3A_133 : i32 to index
            %swap3A_1130 = arith.index_cast %add3A_1080 : i32 to index
            %swap3A_1131 = arith.constant 0 : index
            %swap3A_1132 = tpu.vector_load %run_scoped3A_13[%swap3A_1129, %swap3A_1130, %swap3A_1131] {strides = array<i32>} : memref<2x64x144xf32, #tpu.memory_space<vmem>>, vector<16xf32>,
            tpu.vector_store %run_scoped3A_13[%swap3A_1129, %swap3A_1130, %swap3A_1131], %mul3A_1086 {strides = array<i32>} : memref<2x64x144xf32, #tpu.memory_space<vmem>>, vector<16xf32>,
            %swap3A_1133 = arith.index_cast %rem3A_133 : i32 to index
            %swap3A_1134 = arith.index_cast %add3A_1080 : i32 to index
            %swap3A_1135 = arith.constant 16 : index
            %swap3A_1136 = tpu.vector_load %run_scoped3A_13[%swap3A_1133, %swap3A_1134, %swap3A_1135] {strides = array<i32>} : memref<2x64x144xf32, #tpu.memory_space<vmem>>, vector<16xf32>,
            tpu.vector_store %run_scoped3A_13[%swap3A_1133, %swap3A_1134, %swap3A_1135], %mul3A_1092 {strides = array<i32>} : memref<2x64x144xf32, #tpu.memory_space<vmem>>, vector<16xf32>,
            %swap3A_1137 = arith.index_cast %rem3A_133 : i32 to index
            %swap3A_1138 = arith.index_cast %add3A_1080 : i32 to index
            %swap3A_1139 = arith.constant 32 : index
            %swap3A_1140 = tpu.vector_load %run_scoped3A_13[%swap3A_1137, %swap3A_1138, %swap3A_1139] {strides = array<i32>} : memref<2x64x144xf32, #tpu.memory_space<vmem>>, vector<16xf32>,
            tpu.vector_store %run_scoped3A_13[%swap3A_1137, %swap3A_1138, %swap3A_1139], %mul3A_1098 {strides = array<i32>} : memref<2x64x144xf32, #tpu.memory_space<vmem>>, vector<16xf32>,
            %swap3A_1141 = arith.index_cast %rem3A_133 : i32 to index
            %swap3A_1142 = arith.index_cast %add3A_1080 : i32 to index
            %swap3A_1143 = arith.constant 48 : index
            %swap3A_1144 = tpu.vector_load %run_scoped3A_13[%swap3A_1141, %swap3A_1142, %swap3A_1143] {strides = array<i32>} : memref<2x64x144xf32, #tpu.memory_space<vmem>>, vector<16xf32>,
            tpu.vector_store %run_scoped3A_13[%swap3A_1141, %swap3A_1142, %swap3A_1143], %mul3A_1104 {strides = array<i32>} : memref<2x64x144xf32, #tpu.memory_space<vmem>>, vector<16xf32>,
            %swap3A_1145 = arith.index_cast %rem3A_133 : i32 to index
            %swap3A_1146 = arith.index_cast %add3A_1080 : i32 to index
            %swap3A_1147 = arith.constant 64 : index
            %swap3A_1148 = tpu.vector_load %run_scoped3A_13[%swap3A_1145, %swap3A_1146, %swap3A_1147] {strides = array<i32>} : memref<2x64x144xf32, #tpu.memory_space<vmem>>, vector<16xf32>,
            tpu.vector_store %run_scoped3A_13[%swap3A_1145, %swap3A_1146, %swap3A_1147], %mul3A_1110 {strides = array<i32>} : memref<2x64x144xf32, #tpu.memory_space<vmem>>, vector<16xf32>,
            %swap3A_1149 = arith.index_cast %rem3A_133 : i32 to index
            %swap3A_1150 = arith.index_cast %add3A_1080 : i32 to index
            %swap3A_1151 = arith.constant 80 : index
            %swap3A_1152 = tpu.vector_load %run_scoped3A_13[%swap3A_1149, %swap3A_1150, %swap3A_1151] {strides = array<i32>} : memref<2x64x144xf32, #tpu.memory_space<vmem>>, vector<16xf32>,
            tpu.vector_store %run_scoped3A_13[%swap3A_1149, %swap3A_1150, %swap3A_1151], %mul3A_1116 {strides = array<i32>} : memref<2x64x144xf32, #tpu.memory_space<vmem>>, vector<16xf32>,
            %swap3A_1153 = arith.index_cast %rem3A_133 : i32 to index
            %swap3A_1154 = arith.index_cast %add3A_1080 : i32 to index
            %swap3A_1155 = arith.constant 96 : index
            %swap3A_1156 = tpu.vector_load %run_scoped3A_13[%swap3A_1153, %swap3A_1154, %swap3A_1155] {strides = array<i32>} : memref<2x64x144xf32, #tpu.memory_space<vmem>>, vector<16xf32>,
            tpu.vector_store %run_scoped3A_13[%swap3A_1153, %swap3A_1154, %swap3A_1155], %mul3A_1122 {strides = array<i32>} : memref<2x64x144xf32, #tpu.memory_space<vmem>>, vector<16xf32>,
            %swap3A_1157 = arith.index_cast %rem3A_133 : i32 to index
            %swap3A_1158 = arith.index_cast %add3A_1080 : i32 to index
            %swap3A_1159 = arith.constant 112 : index
            %swap3A_1160 = tpu.vector_load %run_scoped3A_13[%swap3A_1157, %swap3A_1158, %swap3A_1159] {strides = array<i32>} : memref<2x64x144xf32, #tpu.memory_space<vmem>>, vector<16xf32>,
            tpu.vector_store %run_scoped3A_13[%swap3A_1157, %swap3A_1158, %swap3A_1159], %mul3A_1128 {strides = array<i32>} : memref<2x64x144xf32, #tpu.memory_space<vmem>>, vector<16xf32>,
            %broadcast_in_dim3A_1161 = vector.broadcast %squeeze3A_1078 : f32 to vector<16xf32>
            %swap3A_1162 = arith.index_cast %rem3A_133 : i32 to index
            %swap3A_1163 = arith.index_cast %add3A_1080 : i32 to index
            %swap3A_1164 = arith.constant 128 : index
            %swap3A_1165 = tpu.vector_load %run_scoped3A_13[%swap3A_1162, %swap3A_1163, %swap3A_1164] {strides = array<i32>} : memref<2x64x144xf32, #tpu.memory_space<vmem>>, vector<16xf32>,
            tpu.vector_store %run_scoped3A_13[%swap3A_1162, %swap3A_1163, %swap3A_1164], %broadcast_in_dim3A_1161 {strides = array<i32>} : memref<2x64x144xf32, #tpu.memory_space<vmem>>, vector<16xf32>,
            %slice3A_1166 = vector.extract_strided_slice %get3A_190 {offsets = [11], sizes = [1], strides = [1]} : vector<16xf32> to vector<1xf32>
            %squeeze3A_1167 = vector.extract %slice3A_1166[0] : f32 from vector<1xf32>
            %add3A_1168 = arith.constant 11 : i32
            %add3A_1169 = arith.addi %mul3A_189, %add3A_1168 : i32
            %get3A_1170 = arith.index_cast %rem3A_133 : i32 to index
            %get3A_1171 = arith.index_cast %add3A_1169 : i32 to index
            %get3A_1172 = arith.constant 0 : index
            %get3A_1173 = tpu.vector_load %run_scoped3A_13[%get3A_1170, %get3A_1171, %get3A_1172] {strides = array<i32>} : memref<2x64x144xf32, #tpu.memory_space<vmem>>, vector<16xf32>,
            %mul3A_1174 = vector.broadcast %squeeze3A_1167 : f32 to vector<16xf32>
            %mul3A_1175 = arith.mulf %get3A_1173, %mul3A_1174 : vector<16xf32>
            %get3A_1176 = arith.index_cast %rem3A_133 : i32 to index
            %get3A_1177 = arith.index_cast %add3A_1169 : i32 to index
            %get3A_1178 = arith.constant 16 : index
            %get3A_1179 = tpu.vector_load %run_scoped3A_13[%get3A_1176, %get3A_1177, %get3A_1178] {strides = array<i32>} : memref<2x64x144xf32, #tpu.memory_space<vmem>>, vector<16xf32>,
            %mul3A_1180 = vector.broadcast %squeeze3A_1167 : f32 to vector<16xf32>
            %mul3A_1181 = arith.mulf %get3A_1179, %mul3A_1180 : vector<16xf32>
            %get3A_1182 = arith.index_cast %rem3A_133 : i32 to index
            %get3A_1183 = arith.index_cast %add3A_1169 : i32 to index
            %get3A_1184 = arith.constant 32 : index
            %get3A_1185 = tpu.vector_load %run_scoped3A_13[%get3A_1182, %get3A_1183, %get3A_1184] {strides = array<i32>} : memref<2x64x144xf32, #tpu.memory_space<vmem>>, vector<16xf32>,
            %mul3A_1186 = vector.broadcast %squeeze3A_1167 : f32 to vector<16xf32>
            %mul3A_1187 = arith.mulf %get3A_1185, %mul3A_1186 : vector<16xf32>
            %get3A_1188 = arith.index_cast %rem3A_133 : i32 to index
            %get3A_1189 = arith.index_cast %add3A_1169 : i32 to index
            %get3A_1190 = arith.constant 48 : index
            %get3A_1191 = tpu.vector_load %run_scoped3A_13[%get3A_1188, %get3A_1189, %get3A_1190] {strides = array<i32>} : memref<2x64x144xf32, #tpu.memory_space<vmem>>, vector<16xf32>,
            %mul3A_1192 = vector.broadcast %squeeze3A_1167 : f32 to vector<16xf32>
            %mul3A_1193 = arith.mulf %get3A_1191, %mul3A_1192 : vector<16xf32>
            %get3A_1194 = arith.index_cast %rem3A_133 : i32 to index
            %get3A_1195 = arith.index_cast %add3A_1169 : i32 to index
            %get3A_1196 = arith.constant 64 : index
            %get3A_1197 = tpu.vector_load %run_scoped3A_13[%get3A_1194, %get3A_1195, %get3A_1196] {strides = array<i32>} : memref<2x64x144xf32, #tpu.memory_space<vmem>>, vector<16xf32>,
            %mul3A_1198 = vector.broadcast %squeeze3A_1167 : f32 to vector<16xf32>
            %mul3A_1199 = arith.mulf %get3A_1197, %mul3A_1198 : vector<16xf32>
            %get3A_1200 = arith.index_cast %rem3A_133 : i32 to index
            %get3A_1201 = arith.index_cast %add3A_1169 : i32 to index
            %get3A_1202 = arith.constant 80 : index
            %get3A_1203 = tpu.vector_load %run_scoped3A_13[%get3A_1200, %get3A_1201, %get3A_1202] {strides = array<i32>} : memref<2x64x144xf32, #tpu.memory_space<vmem>>, vector<16xf32>,
            %mul3A_1204 = vector.broadcast %squeeze3A_1167 : f32 to vector<16xf32>
            %mul3A_1205 = arith.mulf %get3A_1203, %mul3A_1204 : vector<16xf32>
            %get3A_1206 = arith.index_cast %rem3A_133 : i32 to index
            %get3A_1207 = arith.index_cast %add3A_1169 : i32 to index
            %get3A_1208 = arith.constant 96 : index
            %get3A_1209 = tpu.vector_load %run_scoped3A_13[%get3A_1206, %get3A_1207, %get3A_1208] {strides = array<i32>} : memref<2x64x144xf32, #tpu.memory_space<vmem>>, vector<16xf32>,
            %mul3A_1210 = vector.broadcast %squeeze3A_1167 : f32 to vector<16xf32>
            %mul3A_1211 = arith.mulf %get3A_1209, %mul3A_1210 : vector<16xf32>
            %get3A_1212 = arith.index_cast %rem3A_133 : i32 to index
            %get3A_1213 = arith.index_cast %add3A_1169 : i32 to index
            %get3A_1214 = arith.constant 112 : index
            %get3A_1215 = tpu.vector_load %run_scoped3A_13[%get3A_1212, %get3A_1213, %get3A_1214] {strides = array<i32>} : memref<2x64x144xf32, #tpu.memory_space<vmem>>, vector<16xf32>,
            %mul3A_1216 = vector.broadcast %squeeze3A_1167 : f32 to vector<16xf32>
            %mul3A_1217 = arith.mulf %get3A_1215, %mul3A_1216 : vector<16xf32>
            %swap3A_1218 = arith.index_cast %rem3A_133 : i32 to index
            %swap3A_1219 = arith.index_cast %add3A_1169 : i32 to index
            %swap3A_1220 = arith.constant 0 : index
            %swap3A_1221 = tpu.vector_load %run_scoped3A_13[%swap3A_1218, %swap3A_1219, %swap3A_1220] {strides = array<i32>} : memref<2x64x144xf32, #tpu.memory_space<vmem>>, vector<16xf32>,
            tpu.vector_store %run_scoped3A_13[%swap3A_1218, %swap3A_1219, %swap3A_1220], %mul3A_1175 {strides = array<i32>} : memref<2x64x144xf32, #tpu.memory_space<vmem>>, vector<16xf32>,
            %swap3A_1222 = arith.index_cast %rem3A_133 : i32 to index
            %swap3A_1223 = arith.index_cast %add3A_1169 : i32 to index
            %swap3A_1224 = arith.constant 16 : index
            %swap3A_1225 = tpu.vector_load %run_scoped3A_13[%swap3A_1222, %swap3A_1223, %swap3A_1224] {strides = array<i32>} : memref<2x64x144xf32, #tpu.memory_space<vmem>>, vector<16xf32>,
            tpu.vector_store %run_scoped3A_13[%swap3A_1222, %swap3A_1223, %swap3A_1224], %mul3A_1181 {strides = array<i32>} : memref<2x64x144xf32, #tpu.memory_space<vmem>>, vector<16xf32>,
            %swap3A_1226 = arith.index_cast %rem3A_133 : i32 to index
            %swap3A_1227 = arith.index_cast %add3A_1169 : i32 to index
            %swap3A_1228 = arith.constant 32 : index
            %swap3A_1229 = tpu.vector_load %run_scoped3A_13[%swap3A_1226, %swap3A_1227, %swap3A_1228] {strides = array<i32>} : memref<2x64x144xf32, #tpu.memory_space<vmem>>, vector<16xf32>,
            tpu.vector_store %run_scoped3A_13[%swap3A_1226, %swap3A_1227, %swap3A_1228], %mul3A_1187 {strides = array<i32>} : memref<2x64x144xf32, #tpu.memory_space<vmem>>, vector<16xf32>,
            %swap3A_1230 = arith.index_cast %rem3A_133 : i32 to index
            %swap3A_1231 = arith.index_cast %add3A_1169 : i32 to index
            %swap3A_1232 = arith.constant 48 : index
            %swap3A_1233 = tpu.vector_load %run_scoped3A_13[%swap3A_1230, %swap3A_1231, %swap3A_1232] {strides = array<i32>} : memref<2x64x144xf32, #tpu.memory_space<vmem>>, vector<16xf32>,
            tpu.vector_store %run_scoped3A_13[%swap3A_1230, %swap3A_1231, %swap3A_1232], %mul3A_1193 {strides = array<i32>} : memref<2x64x144xf32, #tpu.memory_space<vmem>>, vector<16xf32>,
            %swap3A_1234 = arith.index_cast %rem3A_133 : i32 to index
            %swap3A_1235 = arith.index_cast %add3A_1169 : i32 to index
            %swap3A_1236 = arith.constant 64 : index
            %swap3A_1237 = tpu.vector_load %run_scoped3A_13[%swap3A_1234, %swap3A_1235, %swap3A_1236] {strides = array<i32>} : memref<2x64x144xf32, #tpu.memory_space<vmem>>, vector<16xf32>,
            tpu.vector_store %run_scoped3A_13[%swap3A_1234, %swap3A_1235, %swap3A_1236], %mul3A_1199 {strides = array<i32>} : memref<2x64x144xf32, #tpu.memory_space<vmem>>, vector<16xf32>,
            %swap3A_1238 = arith.index_cast %rem3A_133 : i32 to index
            %swap3A_1239 = arith.index_cast %add3A_1169 : i32 to index
            %swap3A_1240 = arith.constant 80 : index
            %swap3A_1241 = tpu.vector_load %run_scoped3A_13[%swap3A_1238, %swap3A_1239, %swap3A_1240] {strides = array<i32>} : memref<2x64x144xf32, #tpu.memory_space<vmem>>, vector<16xf32>,
            tpu.vector_store %run_scoped3A_13[%swap3A_1238, %swap3A_1239, %swap3A_1240], %mul3A_1205 {strides = array<i32>} : memref<2x64x144xf32, #tpu.memory_space<vmem>>, vector<16xf32>,
            %swap3A_1242 = arith.index_cast %rem3A_133 : i32 to index
            %swap3A_1243 = arith.index_cast %add3A_1169 : i32 to index
            %swap3A_1244 = arith.constant 96 : index
            %swap3A_1245 = tpu.vector_load %run_scoped3A_13[%swap3A_1242, %swap3A_1243, %swap3A_1244] {strides = array<i32>} : memref<2x64x144xf32, #tpu.memory_space<vmem>>, vector<16xf32>,
            tpu.vector_store %run_scoped3A_13[%swap3A_1242, %swap3A_1243, %swap3A_1244], %mul3A_1211 {strides = array<i32>} : memref<2x64x144xf32, #tpu.memory_space<vmem>>, vector<16xf32>,
            %swap3A_1246 = arith.index_cast %rem3A_133 : i32 to index
            %swap3A_1247 = arith.index_cast %add3A_1169 : i32 to index
            %swap3A_1248 = arith.constant 112 : index
            %swap3A_1249 = tpu.vector_load %run_scoped3A_13[%swap3A_1246, %swap3A_1247, %swap3A_1248] {strides = array<i32>} : memref<2x64x144xf32, #tpu.memory_space<vmem>>, vector<16xf32>,
            tpu.vector_store %run_scoped3A_13[%swap3A_1246, %swap3A_1247, %swap3A_1248], %mul3A_1217 {strides = array<i32>} : memref<2x64x144xf32, #tpu.memory_space<vmem>>, vector<16xf32>,
            %broadcast_in_dim3A_1250 = vector.broadcast %squeeze3A_1167 : f32 to vector<16xf32>
            %swap3A_1251 = arith.index_cast %rem3A_133 : i32 to index
            %swap3A_1252 = arith.index_cast %add3A_1169 : i32 to index
            %swap3A_1253 = arith.constant 128 : index
            %swap3A_1254 = tpu.vector_load %run_scoped3A_13[%swap3A_1251, %swap3A_1252, %swap3A_1253] {strides = array<i32>} : memref<2x64x144xf32, #tpu.memory_space<vmem>>, vector<16xf32>,
            tpu.vector_store %run_scoped3A_13[%swap3A_1251, %swap3A_1252, %swap3A_1253], %broadcast_in_dim3A_1250 {strides = array<i32>} : memref<2x64x144xf32, #tpu.memory_space<vmem>>, vector<16xf32>,
            %slice3A_1255 = vector.extract_strided_slice %get3A_190 {offsets = [12], sizes = [1], strides = [1]} : vector<16xf32> to vector<1xf32>
            %squeeze3A_1256 = vector.extract %slice3A_1255[0] : f32 from vector<1xf32>
            %add3A_1257 = arith.constant 12 : i32
            %add3A_1258 = arith.addi %mul3A_189, %add3A_1257 : i32
            %get3A_1259 = arith.index_cast %rem3A_133 : i32 to index
            %get3A_1260 = arith.index_cast %add3A_1258 : i32 to index
            %get3A_1261 = arith.constant 0 : index
            %get3A_1262 = tpu.vector_load %run_scoped3A_13[%get3A_1259, %get3A_1260, %get3A_1261] {strides = array<i32>} : memref<2x64x144xf32, #tpu.memory_space<vmem>>, vector<16xf32>,
            %mul3A_1263 = vector.broadcast %squeeze3A_1256 : f32 to vector<16xf32>
            %mul3A_1264 = arith.mulf %get3A_1262, %mul3A_1263 : vector<16xf32>
            %get3A_1265 = arith.index_cast %rem3A_133 : i32 to index
            %get3A_1266 = arith.index_cast %add3A_1258 : i32 to index
            %get3A_1267 = arith.constant 16 : index
            %get3A_1268 = tpu.vector_load %run_scoped3A_13[%get3A_1265, %get3A_1266, %get3A_1267] {strides = array<i32>} : memref<2x64x144xf32, #tpu.memory_space<vmem>>, vector<16xf32>,
            %mul3A_1269 = vector.broadcast %squeeze3A_1256 : f32 to vector<16xf32>
            %mul3A_1270 = arith.mulf %get3A_1268, %mul3A_1269 : vector<16xf32>
            %get3A_1271 = arith.index_cast %rem3A_133 : i32 to index
            %get3A_1272 = arith.index_cast %add3A_1258 : i32 to index
            %get3A_1273 = arith.constant 32 : index
            %get3A_1274 = tpu.vector_load %run_scoped3A_13[%get3A_1271, %get3A_1272, %get3A_1273] {strides = array<i32>} : memref<2x64x144xf32, #tpu.memory_space<vmem>>, vector<16xf32>,
            %mul3A_1275 = vector.broadcast %squeeze3A_1256 : f32 to vector<16xf32>
            %mul3A_1276 = arith.mulf %get3A_1274, %mul3A_1275 : vector<16xf32>
            %get3A_1277 = arith.index_cast %rem3A_133 : i32 to index
            %get3A_1278 = arith.index_cast %add3A_1258 : i32 to index
            %get3A_1279 = arith.constant 48 : index
            %get3A_1280 = tpu.vector_load %run_scoped3A_13[%get3A_1277, %get3A_1278, %get3A_1279] {strides = array<i32>} : memref<2x64x144xf32, #tpu.memory_space<vmem>>, vector<16xf32>,
            %mul3A_1281 = vector.broadcast %squeeze3A_1256 : f32 to vector<16xf32>
            %mul3A_1282 = arith.mulf %get3A_1280, %mul3A_1281 : vector<16xf32>
            %get3A_1283 = arith.index_cast %rem3A_133 : i32 to index
            %get3A_1284 = arith.index_cast %add3A_1258 : i32 to index
            %get3A_1285 = arith.constant 64 : index
            %get3A_1286 = tpu.vector_load %run_scoped3A_13[%get3A_1283, %get3A_1284, %get3A_1285] {strides = array<i32>} : memref<2x64x144xf32, #tpu.memory_space<vmem>>, vector<16xf32>,
            %mul3A_1287 = vector.broadcast %squeeze3A_1256 : f32 to vector<16xf32>
            %mul3A_1288 = arith.mulf %get3A_1286, %mul3A_1287 : vector<16xf32>
            %get3A_1289 = arith.index_cast %rem3A_133 : i32 to index
            %get3A_1290 = arith.index_cast %add3A_1258 : i32 to index
            %get3A_1291 = arith.constant 80 : index
            %get3A_1292 = tpu.vector_load %run_scoped3A_13[%get3A_1289, %get3A_1290, %get3A_1291] {strides = array<i32>} : memref<2x64x144xf32, #tpu.memory_space<vmem>>, vector<16xf32>,
            %mul3A_1293 = vector.broadcast %squeeze3A_1256 : f32 to vector<16xf32>
            %mul3A_1294 = arith.mulf %get3A_1292, %mul3A_1293 : vector<16xf32>
            %get3A_1295 = arith.index_cast %rem3A_133 : i32 to index
            %get3A_1296 = arith.index_cast %add3A_1258 : i32 to index
            %get3A_1297 = arith.constant 96 : index
            %get3A_1298 = tpu.vector_load %run_scoped3A_13[%get3A_1295, %get3A_1296, %get3A_1297] {strides = array<i32>} : memref<2x64x144xf32, #tpu.memory_space<vmem>>, vector<16xf32>,
            %mul3A_1299 = vector.broadcast %squeeze3A_1256 : f32 to vector<16xf32>
            %mul3A_1300 = arith.mulf %get3A_1298, %mul3A_1299 : vector<16xf32>
            %get3A_1301 = arith.index_cast %rem3A_133 : i32 to index
            %get3A_1302 = arith.index_cast %add3A_1258 : i32 to index
            %get3A_1303 = arith.constant 112 : index
            %get3A_1304 = tpu.vector_load %run_scoped3A_13[%get3A_1301, %get3A_1302, %get3A_1303] {strides = array<i32>} : memref<2x64x144xf32, #tpu.memory_space<vmem>>, vector<16xf32>,
            %mul3A_1305 = vector.broadcast %squeeze3A_1256 : f32 to vector<16xf32>
            %mul3A_1306 = arith.mulf %get3A_1304, %mul3A_1305 : vector<16xf32>
            %swap3A_1307 = arith.index_cast %rem3A_133 : i32 to index
            %swap3A_1308 = arith.index_cast %add3A_1258 : i32 to index
            %swap3A_1309 = arith.constant 0 : index
            %swap3A_1310 = tpu.vector_load %run_scoped3A_13[%swap3A_1307, %swap3A_1308, %swap3A_1309] {strides = array<i32>} : memref<2x64x144xf32, #tpu.memory_space<vmem>>, vector<16xf32>,
            tpu.vector_store %run_scoped3A_13[%swap3A_1307, %swap3A_1308, %swap3A_1309], %mul3A_1264 {strides = array<i32>} : memref<2x64x144xf32, #tpu.memory_space<vmem>>, vector<16xf32>,
            %swap3A_1311 = arith.index_cast %rem3A_133 : i32 to index
            %swap3A_1312 = arith.index_cast %add3A_1258 : i32 to index
            %swap3A_1313 = arith.constant 16 : index
            %swap3A_1314 = tpu.vector_load %run_scoped3A_13[%swap3A_1311, %swap3A_1312, %swap3A_1313] {strides = array<i32>} : memref<2x64x144xf32, #tpu.memory_space<vmem>>, vector<16xf32>,
            tpu.vector_store %run_scoped3A_13[%swap3A_1311, %swap3A_1312, %swap3A_1313], %mul3A_1270 {strides = array<i32>} : memref<2x64x144xf32, #tpu.memory_space<vmem>>, vector<16xf32>,
            %swap3A_1315 = arith.index_cast %rem3A_133 : i32 to index
            %swap3A_1316 = arith.index_cast %add3A_1258 : i32 to index
            %swap3A_1317 = arith.constant 32 : index
            %swap3A_1318 = tpu.vector_load %run_scoped3A_13[%swap3A_1315, %swap3A_1316, %swap3A_1317] {strides = array<i32>} : memref<2x64x144xf32, #tpu.memory_space<vmem>>, vector<16xf32>,
            tpu.vector_store %run_scoped3A_13[%swap3A_1315, %swap3A_1316, %swap3A_1317], %mul3A_1276 {strides = array<i32>} : memref<2x64x144xf32, #tpu.memory_space<vmem>>, vector<16xf32>,
            %swap3A_1319 = arith.index_cast %rem3A_133 : i32 to index
            %swap3A_1320 = arith.index_cast %add3A_1258 : i32 to index
            %swap3A_1321 = arith.constant 48 : index
            %swap3A_1322 = tpu.vector_load %run_scoped3A_13[%swap3A_1319, %swap3A_1320, %swap3A_1321] {strides = array<i32>} : memref<2x64x144xf32, #tpu.memory_space<vmem>>, vector<16xf32>,
            tpu.vector_store %run_scoped3A_13[%swap3A_1319, %swap3A_1320, %swap3A_1321], %mul3A_1282 {strides = array<i32>} : memref<2x64x144xf32, #tpu.memory_space<vmem>>, vector<16xf32>,
            %swap3A_1323 = arith.index_cast %rem3A_133 : i32 to index
            %swap3A_1324 = arith.index_cast %add3A_1258 : i32 to index
            %swap3A_1325 = arith.constant 64 : index
            %swap3A_1326 = tpu.vector_load %run_scoped3A_13[%swap3A_1323, %swap3A_1324, %swap3A_1325] {strides = array<i32>} : memref<2x64x144xf32, #tpu.memory_space<vmem>>, vector<16xf32>,
            tpu.vector_store %run_scoped3A_13[%swap3A_1323, %swap3A_1324, %swap3A_1325], %mul3A_1288 {strides = array<i32>} : memref<2x64x144xf32, #tpu.memory_space<vmem>>, vector<16xf32>,
            %swap3A_1327 = arith.index_cast %rem3A_133 : i32 to index
            %swap3A_1328 = arith.index_cast %add3A_1258 : i32 to index
            %swap3A_1329 = arith.constant 80 : index
            %swap3A_1330 = tpu.vector_load %run_scoped3A_13[%swap3A_1327, %swap3A_1328, %swap3A_1329] {strides = array<i32>} : memref<2x64x144xf32, #tpu.memory_space<vmem>>, vector<16xf32>,
            tpu.vector_store %run_scoped3A_13[%swap3A_1327, %swap3A_1328, %swap3A_1329], %mul3A_1294 {strides = array<i32>} : memref<2x64x144xf32, #tpu.memory_space<vmem>>, vector<16xf32>,
            %swap3A_1331 = arith.index_cast %rem3A_133 : i32 to index
            %swap3A_1332 = arith.index_cast %add3A_1258 : i32 to index
            %swap3A_1333 = arith.constant 96 : index
            %swap3A_1334 = tpu.vector_load %run_scoped3A_13[%swap3A_1331, %swap3A_1332, %swap3A_1333] {strides = array<i32>} : memref<2x64x144xf32, #tpu.memory_space<vmem>>, vector<16xf32>,
            tpu.vector_store %run_scoped3A_13[%swap3A_1331, %swap3A_1332, %swap3A_1333], %mul3A_1300 {strides = array<i32>} : memref<2x64x144xf32, #tpu.memory_space<vmem>>, vector<16xf32>,
            %swap3A_1335 = arith.index_cast %rem3A_133 : i32 to index
            %swap3A_1336 = arith.index_cast %add3A_1258 : i32 to index
            %swap3A_1337 = arith.constant 112 : index
            %swap3A_1338 = tpu.vector_load %run_scoped3A_13[%swap3A_1335, %swap3A_1336, %swap3A_1337] {strides = array<i32>} : memref<2x64x144xf32, #tpu.memory_space<vmem>>, vector<16xf32>,
            tpu.vector_store %run_scoped3A_13[%swap3A_1335, %swap3A_1336, %swap3A_1337], %mul3A_1306 {strides = array<i32>} : memref<2x64x144xf32, #tpu.memory_space<vmem>>, vector<16xf32>,
            %broadcast_in_dim3A_1339 = vector.broadcast %squeeze3A_1256 : f32 to vector<16xf32>
            %swap3A_1340 = arith.index_cast %rem3A_133 : i32 to index
            %swap3A_1341 = arith.index_cast %add3A_1258 : i32 to index
            %swap3A_1342 = arith.constant 128 : index
            %swap3A_1343 = tpu.vector_load %run_scoped3A_13[%swap3A_1340, %swap3A_1341, %swap3A_1342] {strides = array<i32>} : memref<2x64x144xf32, #tpu.memory_space<vmem>>, vector<16xf32>,
            tpu.vector_store %run_scoped3A_13[%swap3A_1340, %swap3A_1341, %swap3A_1342], %broadcast_in_dim3A_1339 {strides = array<i32>} : memref<2x64x144xf32, #tpu.memory_space<vmem>>, vector<16xf32>,
            %slice3A_1344 = vector.extract_strided_slice %get3A_190 {offsets = [13], sizes = [1], strides = [1]} : vector<16xf32> to vector<1xf32>
            %squeeze3A_1345 = vector.extract %slice3A_1344[0] : f32 from vector<1xf32>
            %add3A_1346 = arith.constant 13 : i32
            %add3A_1347 = arith.addi %mul3A_189, %add3A_1346 : i32
            %get3A_1348 = arith.index_cast %rem3A_133 : i32 to index
            %get3A_1349 = arith.index_cast %add3A_1347 : i32 to index
            %get3A_1350 = arith.constant 0 : index
            %get3A_1351 = tpu.vector_load %run_scoped3A_13[%get3A_1348, %get3A_1349, %get3A_1350] {strides = array<i32>} : memref<2x64x144xf32, #tpu.memory_space<vmem>>, vector<16xf32>,
            %mul3A_1352 = vector.broadcast %squeeze3A_1345 : f32 to vector<16xf32>
            %mul3A_1353 = arith.mulf %get3A_1351, %mul3A_1352 : vector<16xf32>
            %get3A_1354 = arith.index_cast %rem3A_133 : i32 to index
            %get3A_1355 = arith.index_cast %add3A_1347 : i32 to index
            %get3A_1356 = arith.constant 16 : index
            %get3A_1357 = tpu.vector_load %run_scoped3A_13[%get3A_1354, %get3A_1355, %get3A_1356] {strides = array<i32>} : memref<2x64x144xf32, #tpu.memory_space<vmem>>, vector<16xf32>,
            %mul3A_1358 = vector.broadcast %squeeze3A_1345 : f32 to vector<16xf32>
            %mul3A_1359 = arith.mulf %get3A_1357, %mul3A_1358 : vector<16xf32>
            %get3A_1360 = arith.index_cast %rem3A_133 : i32 to index
            %get3A_1361 = arith.index_cast %add3A_1347 : i32 to index
            %get3A_1362 = arith.constant 32 : index
            %get3A_1363 = tpu.vector_load %run_scoped3A_13[%get3A_1360, %get3A_1361, %get3A_1362] {strides = array<i32>} : memref<2x64x144xf32, #tpu.memory_space<vmem>>, vector<16xf32>,
            %mul3A_1364 = vector.broadcast %squeeze3A_1345 : f32 to vector<16xf32>
            %mul3A_1365 = arith.mulf %get3A_1363, %mul3A_1364 : vector<16xf32>
            %get3A_1366 = arith.index_cast %rem3A_133 : i32 to index
            %get3A_1367 = arith.index_cast %add3A_1347 : i32 to index
            %get3A_1368 = arith.constant 48 : index
            %get3A_1369 = tpu.vector_load %run_scoped3A_13[%get3A_1366, %get3A_1367, %get3A_1368] {strides = array<i32>} : memref<2x64x144xf32, #tpu.memory_space<vmem>>, vector<16xf32>,
            %mul3A_1370 = vector.broadcast %squeeze3A_1345 : f32 to vector<16xf32>
            %mul3A_1371 = arith.mulf %get3A_1369, %mul3A_1370 : vector<16xf32>
            %get3A_1372 = arith.index_cast %rem3A_133 : i32 to index
            %get3A_1373 = arith.index_cast %add3A_1347 : i32 to index
            %get3A_1374 = arith.constant 64 : index
            %get3A_1375 = tpu.vector_load %run_scoped3A_13[%get3A_1372, %get3A_1373, %get3A_1374] {strides = array<i32>} : memref<2x64x144xf32, #tpu.memory_space<vmem>>, vector<16xf32>,
            %mul3A_1376 = vector.broadcast %squeeze3A_1345 : f32 to vector<16xf32>
            %mul3A_1377 = arith.mulf %get3A_1375, %mul3A_1376 : vector<16xf32>
            %get3A_1378 = arith.index_cast %rem3A_133 : i32 to index
            %get3A_1379 = arith.index_cast %add3A_1347 : i32 to index
            %get3A_1380 = arith.constant 80 : index
            %get3A_1381 = tpu.vector_load %run_scoped3A_13[%get3A_1378, %get3A_1379, %get3A_1380] {strides = array<i32>} : memref<2x64x144xf32, #tpu.memory_space<vmem>>, vector<16xf32>,
            %mul3A_1382 = vector.broadcast %squeeze3A_1345 : f32 to vector<16xf32>
            %mul3A_1383 = arith.mulf %get3A_1381, %mul3A_1382 : vector<16xf32>
            %get3A_1384 = arith.index_cast %rem3A_133 : i32 to index
            %get3A_1385 = arith.index_cast %add3A_1347 : i32 to index
            %get3A_1386 = arith.constant 96 : index
            %get3A_1387 = tpu.vector_load %run_scoped3A_13[%get3A_1384, %get3A_1385, %get3A_1386] {strides = array<i32>} : memref<2x64x144xf32, #tpu.memory_space<vmem>>, vector<16xf32>,
            %mul3A_1388 = vector.broadcast %squeeze3A_1345 : f32 to vector<16xf32>
            %mul3A_1389 = arith.mulf %get3A_1387, %mul3A_1388 : vector<16xf32>
            %get3A_1390 = arith.index_cast %rem3A_133 : i32 to index
            %get3A_1391 = arith.index_cast %add3A_1347 : i32 to index
            %get3A_1392 = arith.constant 112 : index
            %get3A_1393 = tpu.vector_load %run_scoped3A_13[%get3A_1390, %get3A_1391, %get3A_1392] {strides = array<i32>} : memref<2x64x144xf32, #tpu.memory_space<vmem>>, vector<16xf32>,
            %mul3A_1394 = vector.broadcast %squeeze3A_1345 : f32 to vector<16xf32>
            %mul3A_1395 = arith.mulf %get3A_1393, %mul3A_1394 : vector<16xf32>
            %swap3A_1396 = arith.index_cast %rem3A_133 : i32 to index
            %swap3A_1397 = arith.index_cast %add3A_1347 : i32 to index
            %swap3A_1398 = arith.constant 0 : index
            %swap3A_1399 = tpu.vector_load %run_scoped3A_13[%swap3A_1396, %swap3A_1397, %swap3A_1398] {strides = array<i32>} : memref<2x64x144xf32, #tpu.memory_space<vmem>>, vector<16xf32>,
            tpu.vector_store %run_scoped3A_13[%swap3A_1396, %swap3A_1397, %swap3A_1398], %mul3A_1353 {strides = array<i32>} : memref<2x64x144xf32, #tpu.memory_space<vmem>>, vector<16xf32>,
            %swap3A_1400 = arith.index_cast %rem3A_133 : i32 to index
            %swap3A_1401 = arith.index_cast %add3A_1347 : i32 to index
            %swap3A_1402 = arith.constant 16 : index
            %swap3A_1403 = tpu.vector_load %run_scoped3A_13[%swap3A_1400, %swap3A_1401, %swap3A_1402] {strides = array<i32>} : memref<2x64x144xf32, #tpu.memory_space<vmem>>, vector<16xf32>,
            tpu.vector_store %run_scoped3A_13[%swap3A_1400, %swap3A_1401, %swap3A_1402], %mul3A_1359 {strides = array<i32>} : memref<2x64x144xf32, #tpu.memory_space<vmem>>, vector<16xf32>,
            %swap3A_1404 = arith.index_cast %rem3A_133 : i32 to index
            %swap3A_1405 = arith.index_cast %add3A_1347 : i32 to index
            %swap3A_1406 = arith.constant 32 : index
            %swap3A_1407 = tpu.vector_load %run_scoped3A_13[%swap3A_1404, %swap3A_1405, %swap3A_1406] {strides = array<i32>} : memref<2x64x144xf32, #tpu.memory_space<vmem>>, vector<16xf32>,
            tpu.vector_store %run_scoped3A_13[%swap3A_1404, %swap3A_1405, %swap3A_1406], %mul3A_1365 {strides = array<i32>} : memref<2x64x144xf32, #tpu.memory_space<vmem>>, vector<16xf32>,
            %swap3A_1408 = arith.index_cast %rem3A_133 : i32 to index
            %swap3A_1409 = arith.index_cast %add3A_1347 : i32 to index
            %swap3A_1410 = arith.constant 48 : index
            %swap3A_1411 = tpu.vector_load %run_scoped3A_13[%swap3A_1408, %swap3A_1409, %swap3A_1410] {strides = array<i32>} : memref<2x64x144xf32, #tpu.memory_space<vmem>>, vector<16xf32>,
            tpu.vector_store %run_scoped3A_13[%swap3A_1408, %swap3A_1409, %swap3A_1410], %mul3A_1371 {strides = array<i32>} : memref<2x64x144xf32, #tpu.memory_space<vmem>>, vector<16xf32>,
            %swap3A_1412 = arith.index_cast %rem3A_133 : i32 to index
            %swap3A_1413 = arith.index_cast %add3A_1347 : i32 to index
            %swap3A_1414 = arith.constant 64 : index
            %swap3A_1415 = tpu.vector_load %run_scoped3A_13[%swap3A_1412, %swap3A_1413, %swap3A_1414] {strides = array<i32>} : memref<2x64x144xf32, #tpu.memory_space<vmem>>, vector<16xf32>,
            tpu.vector_store %run_scoped3A_13[%swap3A_1412, %swap3A_1413, %swap3A_1414], %mul3A_1377 {strides = array<i32>} : memref<2x64x144xf32, #tpu.memory_space<vmem>>, vector<16xf32>,
            %swap3A_1416 = arith.index_cast %rem3A_133 : i32 to index
            %swap3A_1417 = arith.index_cast %add3A_1347 : i32 to index
            %swap3A_1418 = arith.constant 80 : index
            %swap3A_1419 = tpu.vector_load %run_scoped3A_13[%swap3A_1416, %swap3A_1417, %swap3A_1418] {strides = array<i32>} : memref<2x64x144xf32, #tpu.memory_space<vmem>>, vector<16xf32>,
            tpu.vector_store %run_scoped3A_13[%swap3A_1416, %swap3A_1417, %swap3A_1418], %mul3A_1383 {strides = array<i32>} : memref<2x64x144xf32, #tpu.memory_space<vmem>>, vector<16xf32>,
            %swap3A_1420 = arith.index_cast %rem3A_133 : i32 to index
            %swap3A_1421 = arith.index_cast %add3A_1347 : i32 to index
            %swap3A_1422 = arith.constant 96 : index
            %swap3A_1423 = tpu.vector_load %run_scoped3A_13[%swap3A_1420, %swap3A_1421, %swap3A_1422] {strides = array<i32>} : memref<2x64x144xf32, #tpu.memory_space<vmem>>, vector<16xf32>,
            tpu.vector_store %run_scoped3A_13[%swap3A_1420, %swap3A_1421, %swap3A_1422], %mul3A_1389 {strides = array<i32>} : memref<2x64x144xf32, #tpu.memory_space<vmem>>, vector<16xf32>,
            %swap3A_1424 = arith.index_cast %rem3A_133 : i32 to index
            %swap3A_1425 = arith.index_cast %add3A_1347 : i32 to index
            %swap3A_1426 = arith.constant 112 : index
            %swap3A_1427 = tpu.vector_load %run_scoped3A_13[%swap3A_1424, %swap3A_1425, %swap3A_1426] {strides = array<i32>} : memref<2x64x144xf32, #tpu.memory_space<vmem>>, vector<16xf32>,
            tpu.vector_store %run_scoped3A_13[%swap3A_1424, %swap3A_1425, %swap3A_1426], %mul3A_1395 {strides = array<i32>} : memref<2x64x144xf32, #tpu.memory_space<vmem>>, vector<16xf32>,
            %broadcast_in_dim3A_1428 = vector.broadcast %squeeze3A_1345 : f32 to vector<16xf32>
            %swap3A_1429 = arith.index_cast %rem3A_133 : i32 to index
            %swap3A_1430 = arith.index_cast %add3A_1347 : i32 to index
            %swap3A_1431 = arith.constant 128 : index
            %swap3A_1432 = tpu.vector_load %run_scoped3A_13[%swap3A_1429, %swap3A_1430, %swap3A_1431] {strides = array<i32>} : memref<2x64x144xf32, #tpu.memory_space<vmem>>, vector<16xf32>,
            tpu.vector_store %run_scoped3A_13[%swap3A_1429, %swap3A_1430, %swap3A_1431], %broadcast_in_dim3A_1428 {strides = array<i32>} : memref<2x64x144xf32, #tpu.memory_space<vmem>>, vector<16xf32>,
            %slice3A_1433 = vector.extract_strided_slice %get3A_190 {offsets = [14], sizes = [1], strides = [1]} : vector<16xf32> to vector<1xf32>
            %squeeze3A_1434 = vector.extract %slice3A_1433[0] : f32 from vector<1xf32>
            %add3A_1435 = arith.constant 14 : i32
            %add3A_1436 = arith.addi %mul3A_189, %add3A_1435 : i32
            %get3A_1437 = arith.index_cast %rem3A_133 : i32 to index
            %get3A_1438 = arith.index_cast %add3A_1436 : i32 to index
            %get3A_1439 = arith.constant 0 : index
            %get3A_1440 = tpu.vector_load %run_scoped3A_13[%get3A_1437, %get3A_1438, %get3A_1439] {strides = array<i32>} : memref<2x64x144xf32, #tpu.memory_space<vmem>>, vector<16xf32>,
            %mul3A_1441 = vector.broadcast %squeeze3A_1434 : f32 to vector<16xf32>
            %mul3A_1442 = arith.mulf %get3A_1440, %mul3A_1441 : vector<16xf32>
            %get3A_1443 = arith.index_cast %rem3A_133 : i32 to index
            %get3A_1444 = arith.index_cast %add3A_1436 : i32 to index
            %get3A_1445 = arith.constant 16 : index
            %get3A_1446 = tpu.vector_load %run_scoped3A_13[%get3A_1443, %get3A_1444, %get3A_1445] {strides = array<i32>} : memref<2x64x144xf32, #tpu.memory_space<vmem>>, vector<16xf32>,
            %mul3A_1447 = vector.broadcast %squeeze3A_1434 : f32 to vector<16xf32>
            %mul3A_1448 = arith.mulf %get3A_1446, %mul3A_1447 : vector<16xf32>
            %get3A_1449 = arith.index_cast %rem3A_133 : i32 to index
            %get3A_1450 = arith.index_cast %add3A_1436 : i32 to index
            %get3A_1451 = arith.constant 32 : index
            %get3A_1452 = tpu.vector_load %run_scoped3A_13[%get3A_1449, %get3A_1450, %get3A_1451] {strides = array<i32>} : memref<2x64x144xf32, #tpu.memory_space<vmem>>, vector<16xf32>,
            %mul3A_1453 = vector.broadcast %squeeze3A_1434 : f32 to vector<16xf32>
            %mul3A_1454 = arith.mulf %get3A_1452, %mul3A_1453 : vector<16xf32>
            %get3A_1455 = arith.index_cast %rem3A_133 : i32 to index
            %get3A_1456 = arith.index_cast %add3A_1436 : i32 to index
            %get3A_1457 = arith.constant 48 : index
            %get3A_1458 = tpu.vector_load %run_scoped3A_13[%get3A_1455, %get3A_1456, %get3A_1457] {strides = array<i32>} : memref<2x64x144xf32, #tpu.memory_space<vmem>>, vector<16xf32>,
            %mul3A_1459 = vector.broadcast %squeeze3A_1434 : f32 to vector<16xf32>
            %mul3A_1460 = arith.mulf %get3A_1458, %mul3A_1459 : vector<16xf32>
            %get3A_1461 = arith.index_cast %rem3A_133 : i32 to index
            %get3A_1462 = arith.index_cast %add3A_1436 : i32 to index
            %get3A_1463 = arith.constant 64 : index
            %get3A_1464 = tpu.vector_load %run_scoped3A_13[%get3A_1461, %get3A_1462, %get3A_1463] {strides = array<i32>} : memref<2x64x144xf32, #tpu.memory_space<vmem>>, vector<16xf32>,
            %mul3A_1465 = vector.broadcast %squeeze3A_1434 : f32 to vector<16xf32>
            %mul3A_1466 = arith.mulf %get3A_1464, %mul3A_1465 : vector<16xf32>
            %get3A_1467 = arith.index_cast %rem3A_133 : i32 to index
            %get3A_1468 = arith.index_cast %add3A_1436 : i32 to index
            %get3A_1469 = arith.constant 80 : index
            %get3A_1470 = tpu.vector_load %run_scoped3A_13[%get3A_1467, %get3A_1468, %get3A_1469] {strides = array<i32>} : memref<2x64x144xf32, #tpu.memory_space<vmem>>, vector<16xf32>,
            %mul3A_1471 = vector.broadcast %squeeze3A_1434 : f32 to vector<16xf32>
            %mul3A_1472 = arith.mulf %get3A_1470, %mul3A_1471 : vector<16xf32>
            %get3A_1473 = arith.index_cast %rem3A_133 : i32 to index
            %get3A_1474 = arith.index_cast %add3A_1436 : i32 to index
            %get3A_1475 = arith.constant 96 : index
            %get3A_1476 = tpu.vector_load %run_scoped3A_13[%get3A_1473, %get3A_1474, %get3A_1475] {strides = array<i32>} : memref<2x64x144xf32, #tpu.memory_space<vmem>>, vector<16xf32>,
            %mul3A_1477 = vector.broadcast %squeeze3A_1434 : f32 to vector<16xf32>
            %mul3A_1478 = arith.mulf %get3A_1476, %mul3A_1477 : vector<16xf32>
            %get3A_1479 = arith.index_cast %rem3A_133 : i32 to index
            %get3A_1480 = arith.index_cast %add3A_1436 : i32 to index
            %get3A_1481 = arith.constant 112 : index
            %get3A_1482 = tpu.vector_load %run_scoped3A_13[%get3A_1479, %get3A_1480, %get3A_1481] {strides = array<i32>} : memref<2x64x144xf32, #tpu.memory_space<vmem>>, vector<16xf32>,
            %mul3A_1483 = vector.broadcast %squeeze3A_1434 : f32 to vector<16xf32>
            %mul3A_1484 = arith.mulf %get3A_1482, %mul3A_1483 : vector<16xf32>
            %swap3A_1485 = arith.index_cast %rem3A_133 : i32 to index
            %swap3A_1486 = arith.index_cast %add3A_1436 : i32 to index
            %swap3A_1487 = arith.constant 0 : index
            %swap3A_1488 = tpu.vector_load %run_scoped3A_13[%swap3A_1485, %swap3A_1486, %swap3A_1487] {strides = array<i32>} : memref<2x64x144xf32, #tpu.memory_space<vmem>>, vector<16xf32>,
            tpu.vector_store %run_scoped3A_13[%swap3A_1485, %swap3A_1486, %swap3A_1487], %mul3A_1442 {strides = array<i32>} : memref<2x64x144xf32, #tpu.memory_space<vmem>>, vector<16xf32>,
            %swap3A_1489 = arith.index_cast %rem3A_133 : i32 to index
            %swap3A_1490 = arith.index_cast %add3A_1436 : i32 to index
            %swap3A_1491 = arith.constant 16 : index
            %swap3A_1492 = tpu.vector_load %run_scoped3A_13[%swap3A_1489, %swap3A_1490, %swap3A_1491] {strides = array<i32>} : memref<2x64x144xf32, #tpu.memory_space<vmem>>, vector<16xf32>,
            tpu.vector_store %run_scoped3A_13[%swap3A_1489, %swap3A_1490, %swap3A_1491], %mul3A_1448 {strides = array<i32>} : memref<2x64x144xf32, #tpu.memory_space<vmem>>, vector<16xf32>,
            %swap3A_1493 = arith.index_cast %rem3A_133 : i32 to index
            %swap3A_1494 = arith.index_cast %add3A_1436 : i32 to index
            %swap3A_1495 = arith.constant 32 : index
            %swap3A_1496 = tpu.vector_load %run_scoped3A_13[%swap3A_1493, %swap3A_1494, %swap3A_1495] {strides = array<i32>} : memref<2x64x144xf32, #tpu.memory_space<vmem>>, vector<16xf32>,
            tpu.vector_store %run_scoped3A_13[%swap3A_1493, %swap3A_1494, %swap3A_1495], %mul3A_1454 {strides = array<i32>} : memref<2x64x144xf32, #tpu.memory_space<vmem>>, vector<16xf32>,
            %swap3A_1497 = arith.index_cast %rem3A_133 : i32 to index
            %swap3A_1498 = arith.index_cast %add3A_1436 : i32 to index
            %swap3A_1499 = arith.constant 48 : index
            %swap3A_1500 = tpu.vector_load %run_scoped3A_13[%swap3A_1497, %swap3A_1498, %swap3A_1499] {strides = array<i32>} : memref<2x64x144xf32, #tpu.memory_space<vmem>>, vector<16xf32>,
            tpu.vector_store %run_scoped3A_13[%swap3A_1497, %swap3A_1498, %swap3A_1499], %mul3A_1460 {strides = array<i32>} : memref<2x64x144xf32, #tpu.memory_space<vmem>>, vector<16xf32>,
            %swap3A_1501 = arith.index_cast %rem3A_133 : i32 to index
            %swap3A_1502 = arith.index_cast %add3A_1436 : i32 to index
            %swap3A_1503 = arith.constant 64 : index
            %swap3A_1504 = tpu.vector_load %run_scoped3A_13[%swap3A_1501, %swap3A_1502, %swap3A_1503] {strides = array<i32>} : memref<2x64x144xf32, #tpu.memory_space<vmem>>, vector<16xf32>,
            tpu.vector_store %run_scoped3A_13[%swap3A_1501, %swap3A_1502, %swap3A_1503], %mul3A_1466 {strides = array<i32>} : memref<2x64x144xf32, #tpu.memory_space<vmem>>, vector<16xf32>,
            %swap3A_1505 = arith.index_cast %rem3A_133 : i32 to index
            %swap3A_1506 = arith.index_cast %add3A_1436 : i32 to index
            %swap3A_1507 = arith.constant 80 : index
            %swap3A_1508 = tpu.vector_load %run_scoped3A_13[%swap3A_1505, %swap3A_1506, %swap3A_1507] {strides = array<i32>} : memref<2x64x144xf32, #tpu.memory_space<vmem>>, vector<16xf32>,
            tpu.vector_store %run_scoped3A_13[%swap3A_1505, %swap3A_1506, %swap3A_1507], %mul3A_1472 {strides = array<i32>} : memref<2x64x144xf32, #tpu.memory_space<vmem>>, vector<16xf32>,
            %swap3A_1509 = arith.index_cast %rem3A_133 : i32 to index
            %swap3A_1510 = arith.index_cast %add3A_1436 : i32 to index
            %swap3A_1511 = arith.constant 96 : index
            %swap3A_1512 = tpu.vector_load %run_scoped3A_13[%swap3A_1509, %swap3A_1510, %swap3A_1511] {strides = array<i32>} : memref<2x64x144xf32, #tpu.memory_space<vmem>>, vector<16xf32>,
            tpu.vector_store %run_scoped3A_13[%swap3A_1509, %swap3A_1510, %swap3A_1511], %mul3A_1478 {strides = array<i32>} : memref<2x64x144xf32, #tpu.memory_space<vmem>>, vector<16xf32>,
            %swap3A_1513 = arith.index_cast %rem3A_133 : i32 to index
            %swap3A_1514 = arith.index_cast %add3A_1436 : i32 to index
            %swap3A_1515 = arith.constant 112 : index
            %swap3A_1516 = tpu.vector_load %run_scoped3A_13[%swap3A_1513, %swap3A_1514, %swap3A_1515] {strides = array<i32>} : memref<2x64x144xf32, #tpu.memory_space<vmem>>, vector<16xf32>,
            tpu.vector_store %run_scoped3A_13[%swap3A_1513, %swap3A_1514, %swap3A_1515], %mul3A_1484 {strides = array<i32>} : memref<2x64x144xf32, #tpu.memory_space<vmem>>, vector<16xf32>,
            %broadcast_in_dim3A_1517 = vector.broadcast %squeeze3A_1434 : f32 to vector<16xf32>
            %swap3A_1518 = arith.index_cast %rem3A_133 : i32 to index
            %swap3A_1519 = arith.index_cast %add3A_1436 : i32 to index
            %swap3A_1520 = arith.constant 128 : index
            %swap3A_1521 = tpu.vector_load %run_scoped3A_13[%swap3A_1518, %swap3A_1519, %swap3A_1520] {strides = array<i32>} : memref<2x64x144xf32, #tpu.memory_space<vmem>>, vector<16xf32>,
            tpu.vector_store %run_scoped3A_13[%swap3A_1518, %swap3A_1519, %swap3A_1520], %broadcast_in_dim3A_1517 {strides = array<i32>} : memref<2x64x144xf32, #tpu.memory_space<vmem>>, vector<16xf32>,
            %slice3A_1522 = vector.extract_strided_slice %get3A_190 {offsets = [15], sizes = [1], strides = [1]} : vector<16xf32> to vector<1xf32>
            %squeeze3A_1523 = vector.extract %slice3A_1522[0] : f32 from vector<1xf32>
            %add3A_1524 = arith.constant 15 : i32
            %add3A_1525 = arith.addi %mul3A_189, %add3A_1524 : i32
            %get3A_1526 = arith.index_cast %rem3A_133 : i32 to index
            %get3A_1527 = arith.index_cast %add3A_1525 : i32 to index
            %get3A_1528 = arith.constant 0 : index
            %get3A_1529 = tpu.vector_load %run_scoped3A_13[%get3A_1526, %get3A_1527, %get3A_1528] {strides = array<i32>} : memref<2x64x144xf32, #tpu.memory_space<vmem>>, vector<16xf32>,
            %mul3A_1530 = vector.broadcast %squeeze3A_1523 : f32 to vector<16xf32>
            %mul3A_1531 = arith.mulf %get3A_1529, %mul3A_1530 : vector<16xf32>
            %get3A_1532 = arith.index_cast %rem3A_133 : i32 to index
            %get3A_1533 = arith.index_cast %add3A_1525 : i32 to index
            %get3A_1534 = arith.constant 16 : index
            %get3A_1535 = tpu.vector_load %run_scoped3A_13[%get3A_1532, %get3A_1533, %get3A_1534] {strides = array<i32>} : memref<2x64x144xf32, #tpu.memory_space<vmem>>, vector<16xf32>,
            %mul3A_1536 = vector.broadcast %squeeze3A_1523 : f32 to vector<16xf32>
            %mul3A_1537 = arith.mulf %get3A_1535, %mul3A_1536 : vector<16xf32>
            %get3A_1538 = arith.index_cast %rem3A_133 : i32 to index
            %get3A_1539 = arith.index_cast %add3A_1525 : i32 to index
            %get3A_1540 = arith.constant 32 : index
            %get3A_1541 = tpu.vector_load %run_scoped3A_13[%get3A_1538, %get3A_1539, %get3A_1540] {strides = array<i32>} : memref<2x64x144xf32, #tpu.memory_space<vmem>>, vector<16xf32>,
            %mul3A_1542 = vector.broadcast %squeeze3A_1523 : f32 to vector<16xf32>
            %mul3A_1543 = arith.mulf %get3A_1541, %mul3A_1542 : vector<16xf32>
            %get3A_1544 = arith.index_cast %rem3A_133 : i32 to index
            %get3A_1545 = arith.index_cast %add3A_1525 : i32 to index
            %get3A_1546 = arith.constant 48 : index
            %get3A_1547 = tpu.vector_load %run_scoped3A_13[%get3A_1544, %get3A_1545, %get3A_1546] {strides = array<i32>} : memref<2x64x144xf32, #tpu.memory_space<vmem>>, vector<16xf32>,
            %mul3A_1548 = vector.broadcast %squeeze3A_1523 : f32 to vector<16xf32>
            %mul3A_1549 = arith.mulf %get3A_1547, %mul3A_1548 : vector<16xf32>
            %get3A_1550 = arith.index_cast %rem3A_133 : i32 to index
            %get3A_1551 = arith.index_cast %add3A_1525 : i32 to index
            %get3A_1552 = arith.constant 64 : index
            %get3A_1553 = tpu.vector_load %run_scoped3A_13[%get3A_1550, %get3A_1551, %get3A_1552] {strides = array<i32>} : memref<2x64x144xf32, #tpu.memory_space<vmem>>, vector<16xf32>,
            %mul3A_1554 = vector.broadcast %squeeze3A_1523 : f32 to vector<16xf32>
            %mul3A_1555 = arith.mulf %get3A_1553, %mul3A_1554 : vector<16xf32>
            %get3A_1556 = arith.index_cast %rem3A_133 : i32 to index
            %get3A_1557 = arith.index_cast %add3A_1525 : i32 to index
            %get3A_1558 = arith.constant 80 : index
            %get3A_1559 = tpu.vector_load %run_scoped3A_13[%get3A_1556, %get3A_1557, %get3A_1558] {strides = array<i32>} : memref<2x64x144xf32, #tpu.memory_space<vmem>>, vector<16xf32>,
            %mul3A_1560 = vector.broadcast %squeeze3A_1523 : f32 to vector<16xf32>
            %mul3A_1561 = arith.mulf %get3A_1559, %mul3A_1560 : vector<16xf32>
            %get3A_1562 = arith.index_cast %rem3A_133 : i32 to index
            %get3A_1563 = arith.index_cast %add3A_1525 : i32 to index
            %get3A_1564 = arith.constant 96 : index
            %get3A_1565 = tpu.vector_load %run_scoped3A_13[%get3A_1562, %get3A_1563, %get3A_1564] {strides = array<i32>} : memref<2x64x144xf32, #tpu.memory_space<vmem>>, vector<16xf32>,
            %mul3A_1566 = vector.broadcast %squeeze3A_1523 : f32 to vector<16xf32>
            %mul3A_1567 = arith.mulf %get3A_1565, %mul3A_1566 : vector<16xf32>
            %get3A_1568 = arith.index_cast %rem3A_133 : i32 to index
            %get3A_1569 = arith.index_cast %add3A_1525 : i32 to index
            %get3A_1570 = arith.constant 112 : index
            %get3A_1571 = tpu.vector_load %run_scoped3A_13[%get3A_1568, %get3A_1569, %get3A_1570] {strides = array<i32>} : memref<2x64x144xf32, #tpu.memory_space<vmem>>, vector<16xf32>,
            %mul3A_1572 = vector.broadcast %squeeze3A_1523 : f32 to vector<16xf32>
            %mul3A_1573 = arith.mulf %get3A_1571, %mul3A_1572 : vector<16xf32>
            %swap3A_1574 = arith.index_cast %rem3A_133 : i32 to index
            %swap3A_1575 = arith.index_cast %add3A_1525 : i32 to index
            %swap3A_1576 = arith.constant 0 : index
            %swap3A_1577 = tpu.vector_load %run_scoped3A_13[%swap3A_1574, %swap3A_1575, %swap3A_1576] {strides = array<i32>} : memref<2x64x144xf32, #tpu.memory_space<vmem>>, vector<16xf32>,
            tpu.vector_store %run_scoped3A_13[%swap3A_1574, %swap3A_1575, %swap3A_1576], %mul3A_1531 {strides = array<i32>} : memref<2x64x144xf32, #tpu.memory_space<vmem>>, vector<16xf32>,
            %swap3A_1578 = arith.index_cast %rem3A_133 : i32 to index
            %swap3A_1579 = arith.index_cast %add3A_1525 : i32 to index
            %swap3A_1580 = arith.constant 16 : index
            %swap3A_1581 = tpu.vector_load %run_scoped3A_13[%swap3A_1578, %swap3A_1579, %swap3A_1580] {strides = array<i32>} : memref<2x64x144xf32, #tpu.memory_space<vmem>>, vector<16xf32>,
            tpu.vector_store %run_scoped3A_13[%swap3A_1578, %swap3A_1579, %swap3A_1580], %mul3A_1537 {strides = array<i32>} : memref<2x64x144xf32, #tpu.memory_space<vmem>>, vector<16xf32>,
            %swap3A_1582 = arith.index_cast %rem3A_133 : i32 to index
            %swap3A_1583 = arith.index_cast %add3A_1525 : i32 to index
            %swap3A_1584 = arith.constant 32 : index
            %swap3A_1585 = tpu.vector_load %run_scoped3A_13[%swap3A_1582, %swap3A_1583, %swap3A_1584] {strides = array<i32>} : memref<2x64x144xf32, #tpu.memory_space<vmem>>, vector<16xf32>,
            tpu.vector_store %run_scoped3A_13[%swap3A_1582, %swap3A_1583, %swap3A_1584], %mul3A_1543 {strides = array<i32>} : memref<2x64x144xf32, #tpu.memory_space<vmem>>, vector<16xf32>,
            %swap3A_1586 = arith.index_cast %rem3A_133 : i32 to index
            %swap3A_1587 = arith.index_cast %add3A_1525 : i32 to index
            %swap3A_1588 = arith.constant 48 : index
            %swap3A_1589 = tpu.vector_load %run_scoped3A_13[%swap3A_1586, %swap3A_1587, %swap3A_1588] {strides = array<i32>} : memref<2x64x144xf32, #tpu.memory_space<vmem>>, vector<16xf32>,
            tpu.vector_store %run_scoped3A_13[%swap3A_1586, %swap3A_1587, %swap3A_1588], %mul3A_1549 {strides = array<i32>} : memref<2x64x144xf32, #tpu.memory_space<vmem>>, vector<16xf32>,
            %swap3A_1590 = arith.index_cast %rem3A_133 : i32 to index
            %swap3A_1591 = arith.index_cast %add3A_1525 : i32 to index
            %swap3A_1592 = arith.constant 64 : index
            %swap3A_1593 = tpu.vector_load %run_scoped3A_13[%swap3A_1590, %swap3A_1591, %swap3A_1592] {strides = array<i32>} : memref<2x64x144xf32, #tpu.memory_space<vmem>>, vector<16xf32>,
            tpu.vector_store %run_scoped3A_13[%swap3A_1590, %swap3A_1591, %swap3A_1592], %mul3A_1555 {strides = array<i32>} : memref<2x64x144xf32, #tpu.memory_space<vmem>>, vector<16xf32>,
            %swap3A_1594 = arith.index_cast %rem3A_133 : i32 to index
            %swap3A_1595 = arith.index_cast %add3A_1525 : i32 to index
            %swap3A_1596 = arith.constant 80 : index
            %swap3A_1597 = tpu.vector_load %run_scoped3A_13[%swap3A_1594, %swap3A_1595, %swap3A_1596] {strides = array<i32>} : memref<2x64x144xf32, #tpu.memory_space<vmem>>, vector<16xf32>,
            tpu.vector_store %run_scoped3A_13[%swap3A_1594, %swap3A_1595, %swap3A_1596], %mul3A_1561 {strides = array<i32>} : memref<2x64x144xf32, #tpu.memory_space<vmem>>, vector<16xf32>,
            %swap3A_1598 = arith.index_cast %rem3A_133 : i32 to index
            %swap3A_1599 = arith.index_cast %add3A_1525 : i32 to index
            %swap3A_1600 = arith.constant 96 : index
            %swap3A_1601 = tpu.vector_load %run_scoped3A_13[%swap3A_1598, %swap3A_1599, %swap3A_1600] {strides = array<i32>} : memref<2x64x144xf32, #tpu.memory_space<vmem>>, vector<16xf32>,
            tpu.vector_store %run_scoped3A_13[%swap3A_1598, %swap3A_1599, %swap3A_1600], %mul3A_1567 {strides = array<i32>} : memref<2x64x144xf32, #tpu.memory_space<vmem>>, vector<16xf32>,
            %swap3A_1602 = arith.index_cast %rem3A_133 : i32 to index
            %swap3A_1603 = arith.index_cast %add3A_1525 : i32 to index
            %swap3A_1604 = arith.constant 112 : index
            %swap3A_1605 = tpu.vector_load %run_scoped3A_13[%swap3A_1602, %swap3A_1603, %swap3A_1604] {strides = array<i32>} : memref<2x64x144xf32, #tpu.memory_space<vmem>>, vector<16xf32>,
            tpu.vector_store %run_scoped3A_13[%swap3A_1602, %swap3A_1603, %swap3A_1604], %mul3A_1573 {strides = array<i32>} : memref<2x64x144xf32, #tpu.memory_space<vmem>>, vector<16xf32>,
            %broadcast_in_dim3A_1606 = vector.broadcast %squeeze3A_1523 : f32 to vector<16xf32>
            %swap3A_1607 = arith.index_cast %rem3A_133 : i32 to index
            %swap3A_1608 = arith.index_cast %add3A_1525 : i32 to index
            %swap3A_1609 = arith.constant 128 : index
            %swap3A_1610 = tpu.vector_load %run_scoped3A_13[%swap3A_1607, %swap3A_1608, %swap3A_1609] {strides = array<i32>} : memref<2x64x144xf32, #tpu.memory_space<vmem>>, vector<16xf32>,
            tpu.vector_store %run_scoped3A_13[%swap3A_1607, %swap3A_1608, %swap3A_1609], %broadcast_in_dim3A_1606 {strides = array<i32>} : memref<2x64x144xf32, #tpu.memory_space<vmem>>, vector<16xf32>,
          }
          %scan3A_168 = arith.constant 4 : i32
          %rem3A_169 = arith.constant 2 : i32
          %rem3A_170 = arith.remsi %scan3A_119, %rem3A_169 : i32
          %mul3A_171 = arith.constant 2 : i32
          %mul3A_172 = arith.muli %scan3A_128, %mul3A_171 : i32
          %add3A_173 = arith.constant 1 : i32
          %add3A_174 = arith.addi %mul3A_172, %add3A_173 : i32
          %dma_start3A_175 = arith.constant 0 : i32
          %dma_start3A_176 = arith.constant 0 : i32
          %dma_start3A_177 = tpu.memref_slice %run_scoped3A_13[%rem3A_133, %dma_start3A_175, %dma_start3A_176] : memref<2x64x144xf32, #tpu.memory_space<vmem>> -> memref<1x64x144xf32, #tpu.memory_space<vmem>>
          %dma_start3A_178 = tpu.memref_squeeze %dma_start3A_177 : memref<1x64x144xf32, #tpu.memory_space<vmem>> -> memref<64x144xf32, #tpu.memory_space<vmem>>
          %dma_start3A_179 = arith.constant 0 : i32
          %dma_start3A_180 = tpu.memref_slice %arg9[%rem3A_170, %add3A_174, %dma_start3A_179] : memref<2x8x64xi32, #tpu.memory_space<vmem>> -> memref<1x1x64xi32, #tpu.memory_space<vmem>>
          %dma_start3A_181 = tpu.memref_squeeze %dma_start3A_180 : memref<1x1x64xi32, #tpu.memory_space<vmem>> -> memref<64xi32, #tpu.memory_space<vmem>>
          %dma_start3A_182 = arith.constant 0 : i32
          %dma_start3A_183 = arith.constant 0 : i32
          %dma_start3A_184 = tpu.memref_slice %arg8[%dma_start3A_182, %dma_start3A_183] : memref<10016x144xf32, #tpu.memory_space<vmem_shared>> -> memref<10016x144xf32, #tpu.memory_space<vmem_shared>>
          %dma_start3A_185 = tpu.memref_slice %arg12[%rem3A_133] : memref<2x!tpu.dma_semaphore, #tpu.memory_space<semaphore_mem>> -> memref<1x!tpu.dma_semaphore, #tpu.memory_space<semaphore_mem>>
          %dma_start3A_186 = tpu.memref_squeeze %dma_start3A_185 : memref<1x!tpu.dma_semaphore, #tpu.memory_space<semaphore_mem>> -> memref<!tpu.dma_semaphore, #tpu.memory_space<semaphore_mem>>
          tpu.enqueue_indirect_dma source(%dma_start3A_178 : memref<64x144xf32, #tpu.memory_space<vmem>>) target(%dma_start3A_184 : memref<10016x144xf32, #tpu.memory_space<vmem_shared>>) offsets(%dma_start3A_181 : memref<64xi32, #tpu.memory_space<vmem>>) semaphore(%dma_start3A_186 : memref<!tpu.dma_semaphore, #tpu.memory_space<semaphore_mem>>) {add = true}
        }
        %scan3A_127 = arith.constant 4 : i32
      }
      %scan3A_80 = arith.constant 41 : i32
      %rem3A_81 = arith.constant 2 : i32
      %rem3A_82 = arith.constant 2 : i32
      %rem3A_83 = arith.remsi %rem3A_81, %rem3A_82 : i32
      %rem3A_84 = arith.constant 40 : i32
      %rem3A_85 = arith.constant 2 : i32
      %rem3A_86 = arith.remsi %rem3A_84, %rem3A_85 : i32
      %dma_wait3A_87 = arith.constant 5 : i32
      %dma_wait3A_88 = arith.constant 0 : i32
      %dma_wait3A_89 = arith.constant 0 : i32
      %dma_wait3A_90 = tpu.memref_slice %run_scoped3A_13[%rem3A_83, %dma_wait3A_88, %dma_wait3A_89] : memref<2x64x144xf32, #tpu.memory_space<vmem>> -> memref<1x64x144xf32, #tpu.memory_space<vmem>>
      %dma_wait3A_91 = tpu.memref_squeeze %dma_wait3A_90 : memref<1x64x144xf32, #tpu.memory_space<vmem>> -> memref<64x144xf32, #tpu.memory_space<vmem>>
      %dma_wait3A_92 = arith.constant 0 : i32
      %dma_wait3A_93 = tpu.memref_slice %arg9[%rem3A_86, %dma_wait3A_87, %dma_wait3A_92] : memref<2x8x64xi32, #tpu.memory_space<vmem>> -> memref<1x1x64xi32, #tpu.memory_space<vmem>>
      %dma_wait3A_94 = tpu.memref_squeeze %dma_wait3A_93 : memref<1x1x64xi32, #tpu.memory_space<vmem>> -> memref<64xi32, #tpu.memory_space<vmem>>
      %dma_wait3A_95 = arith.constant 0 : i32
      %dma_wait3A_96 = arith.constant 0 : i32
      %dma_wait3A_97 = tpu.memref_slice %arg8[%dma_wait3A_95, %dma_wait3A_96] : memref<10016x144xf32, #tpu.memory_space<vmem_shared>> -> memref<10016x144xf32, #tpu.memory_space<vmem_shared>>
      %dma_wait3A_98 = tpu.memref_slice %arg12[%rem3A_83] : memref<2x!tpu.dma_semaphore, #tpu.memory_space<semaphore_mem>> -> memref<1x!tpu.dma_semaphore, #tpu.memory_space<semaphore_mem>>
      %dma_wait3A_99 = tpu.memref_squeeze %dma_wait3A_98 : memref<1x!tpu.dma_semaphore, #tpu.memory_space<semaphore_mem>> -> memref<!tpu.dma_semaphore, #tpu.memory_space<semaphore_mem>>
      tpu.wait_indirect_dma semaphore(%dma_wait3A_99 : memref<!tpu.dma_semaphore, #tpu.memory_space<semaphore_mem>>) src(%dma_wait3A_91 : memref<64x144xf32, #tpu.memory_space<vmem>>) dst(%dma_wait3A_97 : memref<10016x144xf32, #tpu.memory_space<vmem_shared>>)
      %rem3A_100 = arith.constant 3 : i32
      %rem3A_101 = arith.constant 2 : i32
      %rem3A_102 = arith.remsi %rem3A_100, %rem3A_101 : i32
      %rem3A_103 = arith.constant 40 : i32
      %rem3A_104 = arith.constant 2 : i32
      %rem3A_105 = arith.remsi %rem3A_103, %rem3A_104 : i32
      %dma_wait3A_106 = arith.constant 7 : i32
      %dma_wait3A_107 = arith.constant 0 : i32
      %dma_wait3A_108 = arith.constant 0 : i32
      %dma_wait3A_109 = tpu.memref_slice %run_scoped3A_13[%rem3A_102, %dma_wait3A_107, %dma_wait3A_108] : memref<2x64x144xf32, #tpu.memory_space<vmem>> -> memref<1x64x144xf32, #tpu.memory_space<vmem>>
      %dma_wait3A_110 = tpu.memref_squeeze %dma_wait3A_109 : memref<1x64x144xf32, #tpu.memory_space<vmem>> -> memref<64x144xf32, #tpu.memory_space<vmem>>
      %dma_wait3A_111 = arith.constant 0 : i32
      %dma_wait3A_112 = tpu.memref_slice %arg9[%rem3A_105, %dma_wait3A_106, %dma_wait3A_111] : memref<2x8x64xi32, #tpu.memory_space<vmem>> -> memref<1x1x64xi32, #tpu.memory_space<vmem>>
      %dma_wait3A_113 = tpu.memref_squeeze %dma_wait3A_112 : memref<1x1x64xi32, #tpu.memory_space<vmem>> -> memref<64xi32, #tpu.memory_space<vmem>>
      %dma_wait3A_114 = arith.constant 0 : i32
      %dma_wait3A_115 = arith.constant 0 : i32
      %dma_wait3A_116 = tpu.memref_slice %arg8[%dma_wait3A_114, %dma_wait3A_115] : memref<10016x144xf32, #tpu.memory_space<vmem_shared>> -> memref<10016x144xf32, #tpu.memory_space<vmem_shared>>
      %dma_wait3A_117 = tpu.memref_slice %arg12[%rem3A_102] : memref<2x!tpu.dma_semaphore, #tpu.memory_space<semaphore_mem>> -> memref<1x!tpu.dma_semaphore, #tpu.memory_space<semaphore_mem>>
      %dma_wait3A_118 = tpu.memref_squeeze %dma_wait3A_117 : memref<1x!tpu.dma_semaphore, #tpu.memory_space<semaphore_mem>> -> memref<!tpu.dma_semaphore, #tpu.memory_space<semaphore_mem>>
      tpu.wait_indirect_dma semaphore(%dma_wait3A_118 : memref<!tpu.dma_semaphore, #tpu.memory_space<semaphore_mem>>) src(%dma_wait3A_110 : memref<64x144xf32, #tpu.memory_space<vmem>>) dst(%dma_wait3A_116 : memref<10016x144xf32, #tpu.memory_space<vmem_shared>>)
      tpu.yield
    }) : () -> ()
    %barrier3A_5 = arith.constant 0 : index
    tpu.barrier barrier_id(%barrier3A_5)
    %eq3A = arith.constant 0 : i32
    %eq3A_6 = arith.cmpi eq, %arg0, %eq3A : i32
    %convert_element_type3A = arith.extui %eq3A_6 : i1 to i32
    %cond3A = arith.constant 0 : i32
    %cond3A_7 = arith.cmpi ne, %convert_element_type3A, %cond3A : i32
    scf.if %cond3A_7 {
      "tpu.region"() ({
        %run_scoped3A = tpu.sem_alloc : memref<!tpu.dma_semaphore, #tpu.memory_space<semaphore_mem>>
        %dma_start3A = arith.constant 0 : i32
        %dma_start3A_13 = tpu.memref_slice %arg6[%mul3A_0, %dma_start3A] : memref<10016x144xf32, #tpu.memory_space<hbm>> -> memref<626x144xf32, #tpu.memory_space<hbm>>
        %dma_start3A_14 = arith.constant 0 : i32
        %dma_start3A_15 = tpu.memref_slice %arg8[%mul3A_0, %dma_start3A_14] : memref<10016x144xf32, #tpu.memory_space<vmem_shared>> -> memref<626x144xf32, #tpu.memory_space<vmem_shared>>
        tpu.enqueue_dma source(%dma_start3A_15 : memref<626x144xf32, #tpu.memory_space<vmem_shared>>) target(%dma_start3A_13 : memref<626x144xf32, #tpu.memory_space<hbm>>) target_semaphore(%run_scoped3A : memref<!tpu.dma_semaphore, #tpu.memory_space<semaphore_mem>>)
        %dma_wait3A = arith.constant 0 : i32
        %dma_wait3A_16 = tpu.memref_slice %arg6[%mul3A_0, %dma_wait3A] : memref<10016x144xf32, #tpu.memory_space<hbm>> -> memref<626x144xf32, #tpu.memory_space<hbm>>
        %dma_wait3A_17 = arith.constant 0 : i32
        %dma_wait3A_18 = tpu.memref_slice %arg8[%mul3A_0, %dma_wait3A_17] : memref<10016x144xf32, #tpu.memory_space<vmem_shared>> -> memref<626x144xf32, #tpu.memory_space<vmem_shared>>
        tpu.wait_dma2 semaphore(%run_scoped3A : memref<!tpu.dma_semaphore, #tpu.memory_space<semaphore_mem>>) src(%dma_wait3A_18 : memref<626x144xf32, #tpu.memory_space<vmem_shared>>) dst(%dma_wait3A_16 : memref<626x144xf32, #tpu.memory_space<hbm>>)
        tpu.yield
      }) : () -> ()
    } else {
    }
    %eq3A_8 = arith.constant 1 : i32
    %eq3A_9 = arith.cmpi eq, %arg0, %eq3A_8 : i32
    %convert_element_type3A_10 = arith.extui %eq3A_9 : i1 to i32
    %cond3A_11 = arith.constant 0 : i32
    %cond3A_12 = arith.cmpi ne, %convert_element_type3A_10, %cond3A_11 : i32
    scf.if %cond3A_12 {
      "tpu.region"() ({
        %run_scoped3A = tpu.sem_alloc : memref<!tpu.dma_semaphore, #tpu.memory_space<semaphore_mem>>
        %dma_start3A = arith.constant 0 : i32
        %dma_start3A_13 = tpu.memref_slice %arg7[%mul3A_0, %dma_start3A] : memref<10016x144xf32, #tpu.memory_space<hbm>> -> memref<626x144xf32, #tpu.memory_space<hbm>>
        %dma_start3A_14 = arith.constant 0 : i32
        %dma_start3A_15 = tpu.memref_slice %arg8[%mul3A_0, %dma_start3A_14] : memref<10016x144xf32, #tpu.memory_space<vmem_shared>> -> memref<626x144xf32, #tpu.memory_space<vmem_shared>>
        tpu.enqueue_dma source(%dma_start3A_15 : memref<626x144xf32, #tpu.memory_space<vmem_shared>>) target(%dma_start3A_13 : memref<626x144xf32, #tpu.memory_space<hbm>>) target_semaphore(%run_scoped3A : memref<!tpu.dma_semaphore, #tpu.memory_space<semaphore_mem>>)
        %dma_wait3A = arith.constant 0 : i32
        %dma_wait3A_16 = tpu.memref_slice %arg7[%mul3A_0, %dma_wait3A] : memref<10016x144xf32, #tpu.memory_space<hbm>> -> memref<626x144xf32, #tpu.memory_space<hbm>>
        %dma_wait3A_17 = arith.constant 0 : i32
        %dma_wait3A_18 = tpu.memref_slice %arg8[%mul3A_0, %dma_wait3A_17] : memref<10016x144xf32, #tpu.memory_space<vmem_shared>> -> memref<626x144xf32, #tpu.memory_space<vmem_shared>>
        tpu.wait_dma2 semaphore(%run_scoped3A : memref<!tpu.dma_semaphore, #tpu.memory_space<semaphore_mem>>) src(%dma_wait3A_18 : memref<626x144xf32, #tpu.memory_space<vmem_shared>>) dst(%dma_wait3A_16 : memref<626x144xf32, #tpu.memory_space<hbm>>)
        tpu.yield
      }) : () -> ()
    } else {
    }
    return
  }
}

#map = affine_map<(d0, d1) -> (0, 0)>
#map1 = affine_map<(d0, d1) -> (0)>
module attributes {stable_mosaic.version = 14 : i64} {
  func.func @k(%arg0: i32, %arg1: i32, %arg2: memref<10000x80xf32, #tpu.memory_space<hbm>>, %arg3: memref<20000xf32, #tpu.memory_space<hbm>>, %arg4: memref<10496x64xi32, #tpu.memory_space<hbm>>, %arg5: memref<626x80xf32, #tpu.memory_space<hbm>>, %arg6: memref<10016x80xf32, #tpu.memory_space<hbm>>, %arg7: memref<10016x80xf32, #tpu.memory_space<hbm>>, %arg8: memref<10016x80xf32, #tpu.memory_space<vmem_shared>>, %arg9: memref<2x8x64xi32, #tpu.memory_space<vmem>>, %arg10: memref<2x!tpu.dma_semaphore, #tpu.memory_space<semaphore_mem>>, %arg11: memref<2x!tpu.dma_semaphore, #tpu.memory_space<semaphore_mem>>, %arg12: memref<2x!tpu.dma_semaphore, #tpu.memory_space<semaphore_mem>>) attributes {dimension_semantics = [#tpu.dimension_semantics<core_parallel>, #tpu.dimension_semantics<subcore_parallel>], iteration_bounds = array<i64: 2, 16>, scalar_prefetch = 0 : i64, scratch_operands = 5 : i64, tpu.core_type = #tpu.core_type<sc_vector_subcore>, window_params = [{transform_indices = #map}, {transform_indices = #map1}, {transform_indices = #map}, {transform_indices = #map}, {transform_indices = #map}, {transform_indices = #map}]} {
    %mul3A = arith.constant 626 : i32
    %mul3A_0 = arith.muli %arg1, %mul3A : i32
    "tpu.region"() ({
      %run_scoped3A = tpu.sem_alloc : memref<!tpu.dma_semaphore, #tpu.memory_space<semaphore_mem>>
      %dma_start3A = arith.constant 0 : i32
      %dma_start3A_13 = tpu.memref_slice %arg8[%mul3A_0, %dma_start3A] : memref<10016x80xf32, #tpu.memory_space<vmem_shared>> -> memref<626x80xf32, #tpu.memory_space<vmem_shared>>
      tpu.enqueue_dma source(%arg5 : memref<626x80xf32, #tpu.memory_space<hbm>>) target(%dma_start3A_13 : memref<626x80xf32, #tpu.memory_space<vmem_shared>>) target_semaphore(%run_scoped3A : memref<!tpu.dma_semaphore, #tpu.memory_space<semaphore_mem>>)
      %dma_wait3A = arith.constant 0 : i32
      %dma_wait3A_14 = tpu.memref_slice %arg8[%mul3A_0, %dma_wait3A] : memref<10016x80xf32, #tpu.memory_space<vmem_shared>> -> memref<626x80xf32, #tpu.memory_space<vmem_shared>>
      tpu.wait_dma2 semaphore(%run_scoped3A : memref<!tpu.dma_semaphore, #tpu.memory_space<semaphore_mem>>) src(%arg5 : memref<626x80xf32, #tpu.memory_space<hbm>>) dst(%dma_wait3A_14 : memref<626x80xf32, #tpu.memory_space<vmem_shared>>)
      tpu.yield
    }) : () -> ()
    %barrier3A = arith.constant 0 : index
    tpu.barrier barrier_id(%barrier3A)
    %mul3A_1 = arith.constant 2 : i32
    %mul3A_2 = arith.muli %arg1, %mul3A_1 : i32
    %add3A = arith.addi %mul3A_2, %arg0 : i32
    %mul3A_3 = arith.constant 164 : i32
    %mul3A_4 = arith.muli %add3A, %mul3A_3 : i32
    "tpu.region"() ({
      %run_scoped3A = memref.alloca() : memref<20000xf32, #tpu.memory_space<vmem>>
      %run_scoped3A_13 = memref.alloca() : memref<2x64x80xf32, #tpu.memory_space<vmem>>
      %run_scoped3A_14 = memref.alloca() : memref<64xf32, #tpu.memory_space<vmem>>
      "tpu.region"() ({
        %run_scoped3A_119 = tpu.sem_alloc : memref<!tpu.dma_semaphore, #tpu.memory_space<semaphore_mem>>
        tpu.enqueue_dma source(%arg3 : memref<20000xf32, #tpu.memory_space<hbm>>) target(%run_scoped3A : memref<20000xf32, #tpu.memory_space<vmem>>) target_semaphore(%run_scoped3A_119 : memref<!tpu.dma_semaphore, #tpu.memory_space<semaphore_mem>>)
        tpu.wait_dma2 semaphore(%run_scoped3A_119 : memref<!tpu.dma_semaphore, #tpu.memory_space<semaphore_mem>>) src(%arg3 : memref<20000xf32, #tpu.memory_space<hbm>>) dst(%run_scoped3A : memref<20000xf32, #tpu.memory_space<vmem>>)
        tpu.yield
      }) : () -> ()
      %add3A_15 = arith.constant 0 : i32
      %add3A_16 = arith.addi %mul3A_4, %add3A_15 : i32
      %mul3A_17 = arith.constant 2 : i32
      %mul3A_18 = arith.muli %add3A_16, %mul3A_17 : i32
      %rem3A = arith.constant 0 : i32
      %rem3A_19 = arith.constant 2 : i32
      %rem3A_20 = arith.remsi %rem3A, %rem3A_19 : i32
      %rem3A_21 = arith.constant 0 : i32
      %rem3A_22 = arith.constant 2 : i32
      %rem3A_23 = arith.remsi %rem3A_21, %rem3A_22 : i32
      %dma_start3A = arith.constant 0 : i32
      %dma_start3A_24 = arith.constant 0 : i32
      %dma_start3A_25 = tpu.memref_slice %arg9[%rem3A_20, %dma_start3A, %dma_start3A_24] : memref<2x8x64xi32, #tpu.memory_space<vmem>> -> memref<1x8x64xi32, #tpu.memory_space<vmem>>
      %dma_start3A_26 = tpu.memref_squeeze %dma_start3A_25 : memref<1x8x64xi32, #tpu.memory_space<vmem>> -> memref<8x64xi32, #tpu.memory_space<vmem>>
      %dma_start3A_27 = arith.constant 0 : i32
      %dma_start3A_28 = tpu.memref_slice %arg4[%mul3A_18, %dma_start3A_27] : memref<10496x64xi32, #tpu.memory_space<hbm>> -> memref<8x64xi32, #tpu.memory_space<hbm>>
      %dma_start3A_29 = tpu.memref_slice %arg10[%rem3A_23] : memref<2x!tpu.dma_semaphore, #tpu.memory_space<semaphore_mem>> -> memref<1x!tpu.dma_semaphore, #tpu.memory_space<semaphore_mem>>
      %dma_start3A_30 = tpu.memref_squeeze %dma_start3A_29 : memref<1x!tpu.dma_semaphore, #tpu.memory_space<semaphore_mem>> -> memref<!tpu.dma_semaphore, #tpu.memory_space<semaphore_mem>>
      %dma_start3A_31 = arith.constant 0 : i32
      %dma_start3A_32 = arith.constant 0 : i32
      %dma_start3A_33 = tpu.memref_slice %arg9[%rem3A_20, %dma_start3A_31, %dma_start3A_32] : memref<2x8x64xi32, #tpu.memory_space<vmem>> -> memref<1x8x64xi32, #tpu.memory_space<vmem>>
      %dma_start3A_34 = tpu.memref_squeeze %dma_start3A_33 : memref<1x8x64xi32, #tpu.memory_space<vmem>> -> memref<8x64xi32, #tpu.memory_space<vmem>>
      %dma_start3A_35 = arith.constant 0 : i32
      %dma_start3A_36 = tpu.memref_slice %arg4[%mul3A_18, %dma_start3A_35] : memref<10496x64xi32, #tpu.memory_space<hbm>> -> memref<8x64xi32, #tpu.memory_space<hbm>>
      tpu.enqueue_dma source(%dma_start3A_36 : memref<8x64xi32, #tpu.memory_space<hbm>>) target(%dma_start3A_34 : memref<8x64xi32, #tpu.memory_space<vmem>>) target_semaphore(%dma_start3A_30 : memref<!tpu.dma_semaphore, #tpu.memory_space<semaphore_mem>>)
      %mul3A_37 = arith.constant 2 : i32
      %mul3A_38 = arith.muli %mul3A_4, %mul3A_37 : i32
      %rem3A_39 = arith.constant 0 : i32
      %rem3A_40 = arith.constant 2 : i32
      %rem3A_41 = arith.remsi %rem3A_39, %rem3A_40 : i32
      %rem3A_42 = arith.constant 0 : i32
      %rem3A_43 = arith.constant 2 : i32
      %rem3A_44 = arith.remsi %rem3A_42, %rem3A_43 : i32
      %dma_wait3A = arith.constant 0 : i32
      %dma_wait3A_45 = arith.constant 0 : i32
      %dma_wait3A_46 = tpu.memref_slice %arg9[%rem3A_41, %dma_wait3A, %dma_wait3A_45] : memref<2x8x64xi32, #tpu.memory_space<vmem>> -> memref<1x8x64xi32, #tpu.memory_space<vmem>>
      %dma_wait3A_47 = tpu.memref_squeeze %dma_wait3A_46 : memref<1x8x64xi32, #tpu.memory_space<vmem>> -> memref<8x64xi32, #tpu.memory_space<vmem>>
      %dma_wait3A_48 = arith.constant 0 : i32
      %dma_wait3A_49 = tpu.memref_slice %arg4[%mul3A_38, %dma_wait3A_48] : memref<10496x64xi32, #tpu.memory_space<hbm>> -> memref<8x64xi32, #tpu.memory_space<hbm>>
      %dma_wait3A_50 = tpu.memref_slice %arg10[%rem3A_44] : memref<2x!tpu.dma_semaphore, #tpu.memory_space<semaphore_mem>> -> memref<1x!tpu.dma_semaphore, #tpu.memory_space<semaphore_mem>>
      %dma_wait3A_51 = tpu.memref_squeeze %dma_wait3A_50 : memref<1x!tpu.dma_semaphore, #tpu.memory_space<semaphore_mem>> -> memref<!tpu.dma_semaphore, #tpu.memory_space<semaphore_mem>>
      %dma_wait3A_52 = arith.constant 0 : i32
      %dma_wait3A_53 = arith.constant 0 : i32
      %dma_wait3A_54 = tpu.memref_slice %arg9[%rem3A_41, %dma_wait3A_52, %dma_wait3A_53] : memref<2x8x64xi32, #tpu.memory_space<vmem>> -> memref<1x8x64xi32, #tpu.memory_space<vmem>>
      %dma_wait3A_55 = tpu.memref_squeeze %dma_wait3A_54 : memref<1x8x64xi32, #tpu.memory_space<vmem>> -> memref<8x64xi32, #tpu.memory_space<vmem>>
      %dma_wait3A_56 = arith.constant 0 : i32
      %dma_wait3A_57 = tpu.memref_slice %arg4[%mul3A_38, %dma_wait3A_56] : memref<10496x64xi32, #tpu.memory_space<hbm>> -> memref<8x64xi32, #tpu.memory_space<hbm>>
      tpu.wait_dma2 semaphore(%dma_wait3A_51 : memref<!tpu.dma_semaphore, #tpu.memory_space<semaphore_mem>>) src(%dma_wait3A_57 : memref<8x64xi32, #tpu.memory_space<hbm>>) dst(%dma_wait3A_55 : memref<8x64xi32, #tpu.memory_space<vmem>>)
      %rem3A_58 = arith.constant 0 : i32
      %rem3A_59 = arith.constant 2 : i32
      %rem3A_60 = arith.remsi %rem3A_58, %rem3A_59 : i32
      %dma_start3A_61 = arith.constant 0 : i32
      %dma_start3A_62 = arith.constant 0 : i32
      %dma_start3A_63 = arith.constant 0 : i32
      %dma_start3A_64 = arith.constant 0 : i32
      %dma_start3A_65 = arith.constant 0 : i32
      %dma_start3A_66 = tpu.memref_slice %run_scoped3A_13[%dma_start3A_62, %dma_start3A_64, %dma_start3A_65] : memref<2x64x80xf32, #tpu.memory_space<vmem>> -> memref<1x64x80xf32, #tpu.memory_space<vmem>>
      %dma_start3A_67 = tpu.memref_squeeze %dma_start3A_66 : memref<1x64x80xf32, #tpu.memory_space<vmem>> -> memref<64x80xf32, #tpu.memory_space<vmem>>
      %dma_start3A_68 = arith.constant 0 : i32
      %dma_start3A_69 = tpu.memref_slice %arg9[%rem3A_60, %dma_start3A_61, %dma_start3A_68] : memref<2x8x64xi32, #tpu.memory_space<vmem>> -> memref<1x1x64xi32, #tpu.memory_space<vmem>>
      %dma_start3A_70 = tpu.memref_squeeze %dma_start3A_69 : memref<1x1x64xi32, #tpu.memory_space<vmem>> -> memref<64xi32, #tpu.memory_space<vmem>>
      %dma_start3A_71 = arith.constant 0 : i32
      %dma_start3A_72 = arith.constant 0 : i32
      %dma_start3A_73 = tpu.memref_slice %arg2[%dma_start3A_71, %dma_start3A_72] : memref<10000x80xf32, #tpu.memory_space<hbm>> -> memref<10000x80xf32, #tpu.memory_space<hbm>>
      %dma_start3A_74 = tpu.memref_slice %arg11[%dma_start3A_63] : memref<2x!tpu.dma_semaphore, #tpu.memory_space<semaphore_mem>> -> memref<1x!tpu.dma_semaphore, #tpu.memory_space<semaphore_mem>>
      %dma_start3A_75 = tpu.memref_squeeze %dma_start3A_74 : memref<1x!tpu.dma_semaphore, #tpu.memory_space<semaphore_mem>> -> memref<!tpu.dma_semaphore, #tpu.memory_space<semaphore_mem>>
      tpu.enqueue_indirect_dma source(%dma_start3A_73 : memref<10000x80xf32, #tpu.memory_space<hbm>>) target(%dma_start3A_67 : memref<64x80xf32, #tpu.memory_space<vmem>>) offsets(%dma_start3A_70 : memref<64xi32, #tpu.memory_space<vmem>>) semaphore(%dma_start3A_75 : memref<!tpu.dma_semaphore, #tpu.memory_space<semaphore_mem>>)
      %scan3A = arith.constant 0 : i32
      %scan3A_76 = arith.constant 0 : i32
      %scan3A_77 = arith.constant 41 : i32
      %scan3A_78 = arith.addi %scan3A_76, %scan3A_77 : i32
      %scan3A_79 = arith.constant 1 : i32
      scf.for %scan3A_119 = %scan3A_76 to %scan3A_78 step %scan3A_79  : i32 {
        %rem3A_120 = arith.constant 2 : i32
        %rem3A_121 = arith.remsi %scan3A_119, %rem3A_120 : i32
        %scan3A_122 = arith.constant 0 : i32
        %scan3A_123 = arith.constant 0 : i32
        %scan3A_124 = arith.constant 4 : i32
        %scan3A_125 = arith.addi %scan3A_123, %scan3A_124 : i32
        %scan3A_126 = arith.constant 1 : i32
        scf.for %scan3A_128 = %scan3A_123 to %scan3A_125 step %scan3A_126  : i32 {
          %mul3A_129 = arith.constant 4 : i32
          %mul3A_130 = arith.muli %scan3A_119, %mul3A_129 : i32
          %add3A_131 = arith.addi %mul3A_130, %scan3A_128 : i32
          %rem3A_132 = arith.constant 2 : i32
          %rem3A_133 = arith.remsi %scan3A_128, %rem3A_132 : i32
          %sub3A = arith.constant 1 : i32
          %sub3A_134 = arith.subi %sub3A, %rem3A_133 : i32
          %add3A_135 = arith.constant 1 : i32
          %add3A_136 = arith.addi %add3A_131, %add3A_135 : i32
          %lt3A = arith.constant 164 : i32
          %lt3A_137 = arith.cmpi slt, %add3A_136, %lt3A : i32
          %convert_element_type3A_138 = arith.extui %lt3A_137 : i1 to i32
          %cond3A_139 = arith.constant 0 : i32
          %cond3A_140 = arith.cmpi ne, %convert_element_type3A_138, %cond3A_139 : i32
          scf.if %cond3A_140 {
            %ge3A = arith.constant 1 : i32
            %ge3A_187 = arith.cmpi sge, %add3A_131, %ge3A : i32
            %convert_element_type3A_188 = arith.extui %ge3A_187 : i1 to i32
            %cond3A_189 = arith.constant 0 : i32
            %cond3A_190 = arith.cmpi ne, %convert_element_type3A_188, %cond3A_189 : i32
            scf.if %cond3A_190 {
              %eq3A_230 = arith.constant 0 : i32
              %eq3A_231 = arith.cmpi eq, %scan3A_128, %eq3A_230 : i32
              %sub3A_232 = arith.constant 1 : i32
              %sub3A_233 = arith.subi %scan3A_119, %sub3A_232 : i32
              %select_n3A_234 = arith.select %eq3A_231, %sub3A_233, %scan3A_119 : i32
              %eq3A_235 = arith.constant 0 : i32
              %eq3A_236 = arith.cmpi eq, %scan3A_128, %eq3A_235 : i32
              %sub3A_237 = arith.constant 1 : i32
              %sub3A_238 = arith.subi %scan3A_128, %sub3A_237 : i32
              %jit3A_239 = arith.constant 3 : i32
              %select_n3A_240 = arith.select %eq3A_236, %jit3A_239, %sub3A_238 : i32
              %rem3A_241 = arith.constant 2 : i32
              %rem3A_242 = arith.remsi %select_n3A_234, %rem3A_241 : i32
              %mul3A_243 = arith.constant 2 : i32
              %mul3A_244 = arith.muli %select_n3A_240, %mul3A_243 : i32
              %add3A_245 = arith.constant 1 : i32
              %add3A_246 = arith.addi %mul3A_244, %add3A_245 : i32
              %dma_wait3A_247 = arith.constant 0 : i32
              %dma_wait3A_248 = arith.constant 0 : i32
              %dma_wait3A_249 = tpu.memref_slice %run_scoped3A_13[%sub3A_134, %dma_wait3A_247, %dma_wait3A_248] : memref<2x64x80xf32, #tpu.memory_space<vmem>> -> memref<1x64x80xf32, #tpu.memory_space<vmem>>
              %dma_wait3A_250 = tpu.memref_squeeze %dma_wait3A_249 : memref<1x64x80xf32, #tpu.memory_space<vmem>> -> memref<64x80xf32, #tpu.memory_space<vmem>>
              %dma_wait3A_251 = arith.constant 0 : i32
              %dma_wait3A_252 = tpu.memref_slice %arg9[%rem3A_242, %add3A_246, %dma_wait3A_251] : memref<2x8x64xi32, #tpu.memory_space<vmem>> -> memref<1x1x64xi32, #tpu.memory_space<vmem>>
              %dma_wait3A_253 = tpu.memref_squeeze %dma_wait3A_252 : memref<1x1x64xi32, #tpu.memory_space<vmem>> -> memref<64xi32, #tpu.memory_space<vmem>>
              %dma_wait3A_254 = arith.constant 0 : i32
              %dma_wait3A_255 = arith.constant 0 : i32
              %dma_wait3A_256 = tpu.memref_slice %arg8[%dma_wait3A_254, %dma_wait3A_255] : memref<10016x80xf32, #tpu.memory_space<vmem_shared>> -> memref<10016x80xf32, #tpu.memory_space<vmem_shared>>
              %dma_wait3A_257 = tpu.memref_slice %arg12[%sub3A_134] : memref<2x!tpu.dma_semaphore, #tpu.memory_space<semaphore_mem>> -> memref<1x!tpu.dma_semaphore, #tpu.memory_space<semaphore_mem>>
              %dma_wait3A_258 = tpu.memref_squeeze %dma_wait3A_257 : memref<1x!tpu.dma_semaphore, #tpu.memory_space<semaphore_mem>> -> memref<!tpu.dma_semaphore, #tpu.memory_space<semaphore_mem>>
              tpu.wait_indirect_dma semaphore(%dma_wait3A_258 : memref<!tpu.dma_semaphore, #tpu.memory_space<semaphore_mem>>) src(%dma_wait3A_250 : memref<64x80xf32, #tpu.memory_space<vmem>>) dst(%dma_wait3A_256 : memref<10016x80xf32, #tpu.memory_space<vmem_shared>>)
            } else {
            }
            %eq3A_191 = arith.constant 0 : i32
            %eq3A_192 = arith.cmpi eq, %scan3A_128, %eq3A_191 : i32
            %add3A_193 = arith.constant 1 : i32
            %add3A_194 = arith.addi %scan3A_119, %add3A_193 : i32
            %lt3A_195 = arith.constant 41 : i32
            %lt3A_196 = arith.cmpi slt, %add3A_194, %lt3A_195 : i32
            %and3A = arith.andi %eq3A_192, %lt3A_196 : i1
            %convert_element_type3A_197 = arith.extui %and3A : i1 to i32
            %cond3A_198 = arith.constant 0 : i32
            %cond3A_199 = arith.cmpi ne, %convert_element_type3A_197, %cond3A_198 : i32
            scf.if %cond3A_199 {
              %add3A_230 = arith.constant 1 : i32
              %add3A_231 = arith.addi %scan3A_119, %add3A_230 : i32
              %mul3A_232 = arith.constant 4 : i32
              %mul3A_233 = arith.muli %add3A_231, %mul3A_232 : i32
              %add3A_234 = arith.addi %mul3A_4, %mul3A_233 : i32
              %mul3A_235 = arith.constant 2 : i32
              %mul3A_236 = arith.muli %add3A_234, %mul3A_235 : i32
              %rem3A_237 = arith.constant 2 : i32
              %rem3A_238 = arith.remsi %add3A_231, %rem3A_237 : i32
              %rem3A_239 = arith.constant 2 : i32
              %rem3A_240 = arith.remsi %add3A_231, %rem3A_239 : i32
              %dma_start3A_241 = arith.constant 0 : i32
              %dma_start3A_242 = arith.constant 0 : i32
              %dma_start3A_243 = tpu.memref_slice %arg9[%rem3A_238, %dma_start3A_241, %dma_start3A_242] : memref<2x8x64xi32, #tpu.memory_space<vmem>> -> memref<1x8x64xi32, #tpu.memory_space<vmem>>
              %dma_start3A_244 = tpu.memref_squeeze %dma_start3A_243 : memref<1x8x64xi32, #tpu.memory_space<vmem>> -> memref<8x64xi32, #tpu.memory_space<vmem>>
              %dma_start3A_245 = arith.constant 0 : i32
              %dma_start3A_246 = tpu.memref_slice %arg4[%mul3A_236, %dma_start3A_245] : memref<10496x64xi32, #tpu.memory_space<hbm>> -> memref<8x64xi32, #tpu.memory_space<hbm>>
              %dma_start3A_247 = tpu.memref_slice %arg10[%rem3A_240] : memref<2x!tpu.dma_semaphore, #tpu.memory_space<semaphore_mem>> -> memref<1x!tpu.dma_semaphore, #tpu.memory_space<semaphore_mem>>
              %dma_start3A_248 = tpu.memref_squeeze %dma_start3A_247 : memref<1x!tpu.dma_semaphore, #tpu.memory_space<semaphore_mem>> -> memref<!tpu.dma_semaphore, #tpu.memory_space<semaphore_mem>>
              %dma_start3A_249 = arith.constant 0 : i32
              %dma_start3A_250 = arith.constant 0 : i32
              %dma_start3A_251 = tpu.memref_slice %arg9[%rem3A_238, %dma_start3A_249, %dma_start3A_250] : memref<2x8x64xi32, #tpu.memory_space<vmem>> -> memref<1x8x64xi32, #tpu.memory_space<vmem>>
              %dma_start3A_252 = tpu.memref_squeeze %dma_start3A_251 : memref<1x8x64xi32, #tpu.memory_space<vmem>> -> memref<8x64xi32, #tpu.memory_space<vmem>>
              %dma_start3A_253 = arith.constant 0 : i32
              %dma_start3A_254 = tpu.memref_slice %arg4[%mul3A_236, %dma_start3A_253] : memref<10496x64xi32, #tpu.memory_space<hbm>> -> memref<8x64xi32, #tpu.memory_space<hbm>>
              tpu.enqueue_dma source(%dma_start3A_254 : memref<8x64xi32, #tpu.memory_space<hbm>>) target(%dma_start3A_252 : memref<8x64xi32, #tpu.memory_space<vmem>>) target_semaphore(%dma_start3A_248 : memref<!tpu.dma_semaphore, #tpu.memory_space<semaphore_mem>>)
            } else {
            }
            %eq3A_200 = arith.constant 3 : i32
            %eq3A_201 = arith.cmpi eq, %scan3A_128, %eq3A_200 : i32
            %convert_element_type3A_202 = arith.extui %eq3A_201 : i1 to i32
            %cond3A_203 = arith.constant 0 : i32
            %cond3A_204 = arith.cmpi ne, %convert_element_type3A_202, %cond3A_203 : i32
            scf.if %cond3A_204 {
              %add3A_230 = arith.constant 1 : i32
              %add3A_231 = arith.addi %scan3A_119, %add3A_230 : i32
              %mul3A_232 = arith.constant 2 : i32
              %mul3A_233 = arith.muli %mul3A_4, %mul3A_232 : i32
              %rem3A_234 = arith.constant 2 : i32
              %rem3A_235 = arith.remsi %add3A_231, %rem3A_234 : i32
              %rem3A_236 = arith.constant 2 : i32
              %rem3A_237 = arith.remsi %add3A_231, %rem3A_236 : i32
              %dma_wait3A_238 = arith.constant 0 : i32
              %dma_wait3A_239 = arith.constant 0 : i32
              %dma_wait3A_240 = tpu.memref_slice %arg9[%rem3A_235, %dma_wait3A_238, %dma_wait3A_239] : memref<2x8x64xi32, #tpu.memory_space<vmem>> -> memref<1x8x64xi32, #tpu.memory_space<vmem>>
              %dma_wait3A_241 = tpu.memref_squeeze %dma_wait3A_240 : memref<1x8x64xi32, #tpu.memory_space<vmem>> -> memref<8x64xi32, #tpu.memory_space<vmem>>
              %dma_wait3A_242 = arith.constant 0 : i32
              %dma_wait3A_243 = tpu.memref_slice %arg4[%mul3A_233, %dma_wait3A_242] : memref<10496x64xi32, #tpu.memory_space<hbm>> -> memref<8x64xi32, #tpu.memory_space<hbm>>
              %dma_wait3A_244 = tpu.memref_slice %arg10[%rem3A_237] : memref<2x!tpu.dma_semaphore, #tpu.memory_space<semaphore_mem>> -> memref<1x!tpu.dma_semaphore, #tpu.memory_space<semaphore_mem>>
              %dma_wait3A_245 = tpu.memref_squeeze %dma_wait3A_244 : memref<1x!tpu.dma_semaphore, #tpu.memory_space<semaphore_mem>> -> memref<!tpu.dma_semaphore, #tpu.memory_space<semaphore_mem>>
              %dma_wait3A_246 = arith.constant 0 : i32
              %dma_wait3A_247 = arith.constant 0 : i32
              %dma_wait3A_248 = tpu.memref_slice %arg9[%rem3A_235, %dma_wait3A_246, %dma_wait3A_247] : memref<2x8x64xi32, #tpu.memory_space<vmem>> -> memref<1x8x64xi32, #tpu.memory_space<vmem>>
              %dma_wait3A_249 = tpu.memref_squeeze %dma_wait3A_248 : memref<1x8x64xi32, #tpu.memory_space<vmem>> -> memref<8x64xi32, #tpu.memory_space<vmem>>
              %dma_wait3A_250 = arith.constant 0 : i32
              %dma_wait3A_251 = tpu.memref_slice %arg4[%mul3A_233, %dma_wait3A_250] : memref<10496x64xi32, #tpu.memory_space<hbm>> -> memref<8x64xi32, #tpu.memory_space<hbm>>
              tpu.wait_dma2 semaphore(%dma_wait3A_245 : memref<!tpu.dma_semaphore, #tpu.memory_space<semaphore_mem>>) src(%dma_wait3A_251 : memref<8x64xi32, #tpu.memory_space<hbm>>) dst(%dma_wait3A_249 : memref<8x64xi32, #tpu.memory_space<vmem>>)
            } else {
            }
            %eq3A_205 = arith.constant 3 : i32
            %eq3A_206 = arith.cmpi eq, %scan3A_128, %eq3A_205 : i32
            %add3A_207 = arith.constant 1 : i32
            %add3A_208 = arith.addi %scan3A_119, %add3A_207 : i32
            %select_n3A = arith.select %eq3A_206, %add3A_208, %scan3A_119 : i32
            %eq3A_209 = arith.constant 3 : i32
            %eq3A_210 = arith.cmpi eq, %scan3A_128, %eq3A_209 : i32
            %add3A_211 = arith.constant 1 : i32
            %add3A_212 = arith.addi %scan3A_128, %add3A_211 : i32
            %jit3A = arith.constant 0 : i32
            %select_n3A_213 = arith.select %eq3A_210, %jit3A, %add3A_212 : i32
            %rem3A_214 = arith.constant 2 : i32
            %rem3A_215 = arith.remsi %select_n3A, %rem3A_214 : i32
            %mul3A_216 = arith.constant 2 : i32
            %mul3A_217 = arith.muli %select_n3A_213, %mul3A_216 : i32
            %dma_start3A_218 = arith.constant 0 : i32
            %dma_start3A_219 = arith.constant 0 : i32
            %dma_start3A_220 = tpu.memref_slice %run_scoped3A_13[%sub3A_134, %dma_start3A_218, %dma_start3A_219] : memref<2x64x80xf32, #tpu.memory_space<vmem>> -> memref<1x64x80xf32, #tpu.memory_space<vmem>>
            %dma_start3A_221 = tpu.memref_squeeze %dma_start3A_220 : memref<1x64x80xf32, #tpu.memory_space<vmem>> -> memref<64x80xf32, #tpu.memory_space<vmem>>
            %dma_start3A_222 = arith.constant 0 : i32
            %dma_start3A_223 = tpu.memref_slice %arg9[%rem3A_215, %mul3A_217, %dma_start3A_222] : memref<2x8x64xi32, #tpu.memory_space<vmem>> -> memref<1x1x64xi32, #tpu.memory_space<vmem>>
            %dma_start3A_224 = tpu.memref_squeeze %dma_start3A_223 : memref<1x1x64xi32, #tpu.memory_space<vmem>> -> memref<64xi32, #tpu.memory_space<vmem>>
            %dma_start3A_225 = arith.constant 0 : i32
            %dma_start3A_226 = arith.constant 0 : i32
            %dma_start3A_227 = tpu.memref_slice %arg2[%dma_start3A_225, %dma_start3A_226] : memref<10000x80xf32, #tpu.memory_space<hbm>> -> memref<10000x80xf32, #tpu.memory_space<hbm>>
            %dma_start3A_228 = tpu.memref_slice %arg11[%sub3A_134] : memref<2x!tpu.dma_semaphore, #tpu.memory_space<semaphore_mem>> -> memref<1x!tpu.dma_semaphore, #tpu.memory_space<semaphore_mem>>
            %dma_start3A_229 = tpu.memref_squeeze %dma_start3A_228 : memref<1x!tpu.dma_semaphore, #tpu.memory_space<semaphore_mem>> -> memref<!tpu.dma_semaphore, #tpu.memory_space<semaphore_mem>>
            tpu.enqueue_indirect_dma source(%dma_start3A_227 : memref<10000x80xf32, #tpu.memory_space<hbm>>) target(%dma_start3A_221 : memref<64x80xf32, #tpu.memory_space<vmem>>) offsets(%dma_start3A_224 : memref<64xi32, #tpu.memory_space<vmem>>) semaphore(%dma_start3A_229 : memref<!tpu.dma_semaphore, #tpu.memory_space<semaphore_mem>>)
          } else {
          }
          %scan3A_141 = arith.constant 0 : i32
          %scan3A_142 = arith.constant 0 : i32
          %scan3A_143 = arith.constant 4 : i32
          %scan3A_144 = arith.addi %scan3A_142, %scan3A_143 : i32
          %scan3A_145 = arith.constant 1 : i32
          scf.for %scan3A_187 = %scan3A_142 to %scan3A_144 step %scan3A_145  : i32 {
            %mul3A_188 = arith.constant 16 : i32
            %mul3A_189 = arith.muli %scan3A_187, %mul3A_188 : i32
            %mul3A_190 = arith.constant 2 : i32
            %mul3A_191 = arith.muli %scan3A_128, %mul3A_190 : i32
            %get3A = arith.index_cast %rem3A_121 : i32 to index
            %get3A_192 = arith.index_cast %mul3A_191 : i32 to index
            %get3A_193 = arith.index_cast %mul3A_189 : i32 to index
            %get3A_194 = tpu.vector_load %arg9[%get3A, %get3A_192, %get3A_193] {strides = array<i32>} : memref<2x8x64xi32, #tpu.memory_space<vmem>>, vector<16xi32>,
            %mul3A_195 = arith.constant 2 : i32
            %mul3A_196 = arith.muli %scan3A_128, %mul3A_195 : i32
            %add3A_197 = arith.constant 1 : i32
            %add3A_198 = arith.addi %mul3A_196, %add3A_197 : i32
            %get3A_199 = arith.index_cast %rem3A_121 : i32 to index
            %get3A_200 = arith.index_cast %add3A_198 : i32 to index
            %get3A_201 = arith.index_cast %mul3A_189 : i32 to index
            %get3A_202 = tpu.vector_load %arg9[%get3A_199, %get3A_200, %get3A_201] {strides = array<i32>} : memref<2x8x64xi32, #tpu.memory_space<vmem>>, vector<16xi32>,
            %mul3A_203 = arith.constant 2 : i32
            %mul3A_204 = vector.broadcast %mul3A_203 : i32 to vector<16xi32>
            %mul3A_205 = arith.muli %get3A_194, %mul3A_204 : vector<16xi32>
            %gather3A = tpu.vector_load_idx %run_scoped3A[%mul3A_205] : memref<20000xf32, #tpu.memory_space<vmem>>[vector<16xi32>], vector<16xf32>,
            %mul3A_206 = arith.constant 2 : i32
            %mul3A_207 = vector.broadcast %mul3A_206 : i32 to vector<16xi32>
            %mul3A_208 = arith.muli %get3A_202, %mul3A_207 : vector<16xi32>
            %add3A_209 = arith.constant 1 : i32
            %add3A_210 = vector.broadcast %add3A_209 : i32 to vector<16xi32>
            %add3A_211 = arith.addi %mul3A_208, %add3A_210 : vector<16xi32>
            %gather3A_212 = tpu.vector_load_idx %run_scoped3A[%add3A_211] : memref<20000xf32, #tpu.memory_space<vmem>>[vector<16xi32>], vector<16xf32>,
            %add3A_213 = arith.addf %gather3A, %gather3A_212 : vector<16xf32>
            %ge3A = arith.constant 0.000000e+00 : f32
            %ge3A_214 = vector.broadcast %ge3A : f32 to vector<16xf32>
            %ge3A_215 = arith.cmpf oge, %add3A_213, %ge3A_214 : vector<16xf32>
            %mul3A_216 = arith.constant 2.000000e-01 : f32
            %mul3A_217 = vector.broadcast %mul3A_216 : f32 to vector<16xf32>
            %mul3A_218 = arith.mulf %add3A_213, %mul3A_217 : vector<16xf32>
            %select_n3A = arith.select %ge3A_215, %add3A_213, %mul3A_218 : vector<16xi1>, vector<16xf32>
            %exp3A = math.exp %select_n3A : vector<16xf32>
            %swap3A = arith.index_cast %mul3A_189 : i32 to index
            %swap3A_219 = tpu.vector_load %run_scoped3A_14[%swap3A] {strides = array<i32>} : memref<64xf32, #tpu.memory_space<vmem>>, vector<16xf32>,
            tpu.vector_store %run_scoped3A_14[%swap3A], %exp3A {strides = array<i32>} : memref<64xf32, #tpu.memory_space<vmem>>, vector<16xf32>,
          }
          %scan3A_146 = arith.constant 4 : i32
          %rem3A_147 = arith.constant 2 : i32
          %rem3A_148 = arith.remsi %scan3A_119, %rem3A_147 : i32
          %mul3A_149 = arith.constant 2 : i32
          %mul3A_150 = arith.muli %scan3A_128, %mul3A_149 : i32
          %dma_wait3A_151 = arith.constant 0 : i32
          %dma_wait3A_152 = arith.constant 0 : i32
          %dma_wait3A_153 = tpu.memref_slice %run_scoped3A_13[%rem3A_133, %dma_wait3A_151, %dma_wait3A_152] : memref<2x64x80xf32, #tpu.memory_space<vmem>> -> memref<1x64x80xf32, #tpu.memory_space<vmem>>
          %dma_wait3A_154 = tpu.memref_squeeze %dma_wait3A_153 : memref<1x64x80xf32, #tpu.memory_space<vmem>> -> memref<64x80xf32, #tpu.memory_space<vmem>>
          %dma_wait3A_155 = arith.constant 0 : i32
          %dma_wait3A_156 = tpu.memref_slice %arg9[%rem3A_148, %mul3A_150, %dma_wait3A_155] : memref<2x8x64xi32, #tpu.memory_space<vmem>> -> memref<1x1x64xi32, #tpu.memory_space<vmem>>
          %dma_wait3A_157 = tpu.memref_squeeze %dma_wait3A_156 : memref<1x1x64xi32, #tpu.memory_space<vmem>> -> memref<64xi32, #tpu.memory_space<vmem>>
          %dma_wait3A_158 = arith.constant 0 : i32
          %dma_wait3A_159 = arith.constant 0 : i32
          %dma_wait3A_160 = tpu.memref_slice %arg2[%dma_wait3A_158, %dma_wait3A_159] : memref<10000x80xf32, #tpu.memory_space<hbm>> -> memref<10000x80xf32, #tpu.memory_space<hbm>>
          %dma_wait3A_161 = tpu.memref_slice %arg11[%rem3A_133] : memref<2x!tpu.dma_semaphore, #tpu.memory_space<semaphore_mem>> -> memref<1x!tpu.dma_semaphore, #tpu.memory_space<semaphore_mem>>
          %dma_wait3A_162 = tpu.memref_squeeze %dma_wait3A_161 : memref<1x!tpu.dma_semaphore, #tpu.memory_space<semaphore_mem>> -> memref<!tpu.dma_semaphore, #tpu.memory_space<semaphore_mem>>
          tpu.wait_indirect_dma semaphore(%dma_wait3A_162 : memref<!tpu.dma_semaphore, #tpu.memory_space<semaphore_mem>>) src(%dma_wait3A_160 : memref<10000x80xf32, #tpu.memory_space<hbm>>) dst(%dma_wait3A_154 : memref<64x80xf32, #tpu.memory_space<vmem>>)
          %scan3A_163 = arith.constant 0 : i32
          %scan3A_164 = arith.constant 0 : i32
          %scan3A_165 = arith.constant 4 : i32
          %scan3A_166 = arith.addi %scan3A_164, %scan3A_165 : i32
          %scan3A_167 = arith.constant 1 : i32
          scf.for %scan3A_187 = %scan3A_164 to %scan3A_166 step %scan3A_167  : i32 {
            %mul3A_188 = arith.constant 16 : i32
            %mul3A_189 = arith.muli %scan3A_187, %mul3A_188 : i32
            %get3A = arith.index_cast %mul3A_189 : i32 to index
            %get3A_190 = tpu.vector_load %run_scoped3A_14[%get3A] {strides = array<i32>} : memref<64xf32, #tpu.memory_space<vmem>>, vector<16xf32>,
            %slice3A = vector.extract_strided_slice %get3A_190 {offsets = [0], sizes = [1], strides = [1]} : vector<16xf32> to vector<1xf32>
            %squeeze3A = vector.extract %slice3A[0] : f32 from vector<1xf32>
            %add3A_191 = arith.constant 0 : i32
            %add3A_192 = arith.addi %mul3A_189, %add3A_191 : i32
            %get3A_193 = arith.index_cast %rem3A_133 : i32 to index
            %get3A_194 = arith.index_cast %add3A_192 : i32 to index
            %get3A_195 = arith.constant 0 : index
            %get3A_196 = tpu.vector_load %run_scoped3A_13[%get3A_193, %get3A_194, %get3A_195] {strides = array<i32>} : memref<2x64x80xf32, #tpu.memory_space<vmem>>, vector<16xf32>,
            %mul3A_197 = vector.broadcast %squeeze3A : f32 to vector<16xf32>
            %mul3A_198 = arith.mulf %get3A_196, %mul3A_197 : vector<16xf32>
            %get3A_199 = arith.index_cast %rem3A_133 : i32 to index
            %get3A_200 = arith.index_cast %add3A_192 : i32 to index
            %get3A_201 = arith.constant 16 : index
            %get3A_202 = tpu.vector_load %run_scoped3A_13[%get3A_199, %get3A_200, %get3A_201] {strides = array<i32>} : memref<2x64x80xf32, #tpu.memory_space<vmem>>, vector<16xf32>,
            %mul3A_203 = vector.broadcast %squeeze3A : f32 to vector<16xf32>
            %mul3A_204 = arith.mulf %get3A_202, %mul3A_203 : vector<16xf32>
            %get3A_205 = arith.index_cast %rem3A_133 : i32 to index
            %get3A_206 = arith.index_cast %add3A_192 : i32 to index
            %get3A_207 = arith.constant 32 : index
            %get3A_208 = tpu.vector_load %run_scoped3A_13[%get3A_205, %get3A_206, %get3A_207] {strides = array<i32>} : memref<2x64x80xf32, #tpu.memory_space<vmem>>, vector<16xf32>,
            %mul3A_209 = vector.broadcast %squeeze3A : f32 to vector<16xf32>
            %mul3A_210 = arith.mulf %get3A_208, %mul3A_209 : vector<16xf32>
            %get3A_211 = arith.index_cast %rem3A_133 : i32 to index
            %get3A_212 = arith.index_cast %add3A_192 : i32 to index
            %get3A_213 = arith.constant 48 : index
            %get3A_214 = tpu.vector_load %run_scoped3A_13[%get3A_211, %get3A_212, %get3A_213] {strides = array<i32>} : memref<2x64x80xf32, #tpu.memory_space<vmem>>, vector<16xf32>,
            %mul3A_215 = vector.broadcast %squeeze3A : f32 to vector<16xf32>
            %mul3A_216 = arith.mulf %get3A_214, %mul3A_215 : vector<16xf32>
            %swap3A = arith.index_cast %rem3A_133 : i32 to index
            %swap3A_217 = arith.index_cast %add3A_192 : i32 to index
            %swap3A_218 = arith.constant 0 : index
            %swap3A_219 = tpu.vector_load %run_scoped3A_13[%swap3A, %swap3A_217, %swap3A_218] {strides = array<i32>} : memref<2x64x80xf32, #tpu.memory_space<vmem>>, vector<16xf32>,
            tpu.vector_store %run_scoped3A_13[%swap3A, %swap3A_217, %swap3A_218], %mul3A_198 {strides = array<i32>} : memref<2x64x80xf32, #tpu.memory_space<vmem>>, vector<16xf32>,
            %swap3A_220 = arith.index_cast %rem3A_133 : i32 to index
            %swap3A_221 = arith.index_cast %add3A_192 : i32 to index
            %swap3A_222 = arith.constant 16 : index
            %swap3A_223 = tpu.vector_load %run_scoped3A_13[%swap3A_220, %swap3A_221, %swap3A_222] {strides = array<i32>} : memref<2x64x80xf32, #tpu.memory_space<vmem>>, vector<16xf32>,
            tpu.vector_store %run_scoped3A_13[%swap3A_220, %swap3A_221, %swap3A_222], %mul3A_204 {strides = array<i32>} : memref<2x64x80xf32, #tpu.memory_space<vmem>>, vector<16xf32>,
            %swap3A_224 = arith.index_cast %rem3A_133 : i32 to index
            %swap3A_225 = arith.index_cast %add3A_192 : i32 to index
            %swap3A_226 = arith.constant 32 : index
            %swap3A_227 = tpu.vector_load %run_scoped3A_13[%swap3A_224, %swap3A_225, %swap3A_226] {strides = array<i32>} : memref<2x64x80xf32, #tpu.memory_space<vmem>>, vector<16xf32>,
            tpu.vector_store %run_scoped3A_13[%swap3A_224, %swap3A_225, %swap3A_226], %mul3A_210 {strides = array<i32>} : memref<2x64x80xf32, #tpu.memory_space<vmem>>, vector<16xf32>,
            %swap3A_228 = arith.index_cast %rem3A_133 : i32 to index
            %swap3A_229 = arith.index_cast %add3A_192 : i32 to index
            %swap3A_230 = arith.constant 48 : index
            %swap3A_231 = tpu.vector_load %run_scoped3A_13[%swap3A_228, %swap3A_229, %swap3A_230] {strides = array<i32>} : memref<2x64x80xf32, #tpu.memory_space<vmem>>, vector<16xf32>,
            tpu.vector_store %run_scoped3A_13[%swap3A_228, %swap3A_229, %swap3A_230], %mul3A_216 {strides = array<i32>} : memref<2x64x80xf32, #tpu.memory_space<vmem>>, vector<16xf32>,
            %broadcast_in_dim3A = vector.broadcast %squeeze3A : f32 to vector<16xf32>
            %swap3A_232 = arith.index_cast %rem3A_133 : i32 to index
            %swap3A_233 = arith.index_cast %add3A_192 : i32 to index
            %swap3A_234 = arith.constant 64 : index
            %swap3A_235 = tpu.vector_load %run_scoped3A_13[%swap3A_232, %swap3A_233, %swap3A_234] {strides = array<i32>} : memref<2x64x80xf32, #tpu.memory_space<vmem>>, vector<16xf32>,
            tpu.vector_store %run_scoped3A_13[%swap3A_232, %swap3A_233, %swap3A_234], %broadcast_in_dim3A {strides = array<i32>} : memref<2x64x80xf32, #tpu.memory_space<vmem>>, vector<16xf32>,
            %slice3A_236 = vector.extract_strided_slice %get3A_190 {offsets = [1], sizes = [1], strides = [1]} : vector<16xf32> to vector<1xf32>
            %squeeze3A_237 = vector.extract %slice3A_236[0] : f32 from vector<1xf32>
            %add3A_238 = arith.constant 1 : i32
            %add3A_239 = arith.addi %mul3A_189, %add3A_238 : i32
            %get3A_240 = arith.index_cast %rem3A_133 : i32 to index
            %get3A_241 = arith.index_cast %add3A_239 : i32 to index
            %get3A_242 = arith.constant 0 : index
            %get3A_243 = tpu.vector_load %run_scoped3A_13[%get3A_240, %get3A_241, %get3A_242] {strides = array<i32>} : memref<2x64x80xf32, #tpu.memory_space<vmem>>, vector<16xf32>,
            %mul3A_244 = vector.broadcast %squeeze3A_237 : f32 to vector<16xf32>
            %mul3A_245 = arith.mulf %get3A_243, %mul3A_244 : vector<16xf32>
            %get3A_246 = arith.index_cast %rem3A_133 : i32 to index
            %get3A_247 = arith.index_cast %add3A_239 : i32 to index
            %get3A_248 = arith.constant 16 : index
            %get3A_249 = tpu.vector_load %run_scoped3A_13[%get3A_246, %get3A_247, %get3A_248] {strides = array<i32>} : memref<2x64x80xf32, #tpu.memory_space<vmem>>, vector<16xf32>,
            %mul3A_250 = vector.broadcast %squeeze3A_237 : f32 to vector<16xf32>
            %mul3A_251 = arith.mulf %get3A_249, %mul3A_250 : vector<16xf32>
            %get3A_252 = arith.index_cast %rem3A_133 : i32 to index
            %get3A_253 = arith.index_cast %add3A_239 : i32 to index
            %get3A_254 = arith.constant 32 : index
            %get3A_255 = tpu.vector_load %run_scoped3A_13[%get3A_252, %get3A_253, %get3A_254] {strides = array<i32>} : memref<2x64x80xf32, #tpu.memory_space<vmem>>, vector<16xf32>,
            %mul3A_256 = vector.broadcast %squeeze3A_237 : f32 to vector<16xf32>
            %mul3A_257 = arith.mulf %get3A_255, %mul3A_256 : vector<16xf32>
            %get3A_258 = arith.index_cast %rem3A_133 : i32 to index
            %get3A_259 = arith.index_cast %add3A_239 : i32 to index
            %get3A_260 = arith.constant 48 : index
            %get3A_261 = tpu.vector_load %run_scoped3A_13[%get3A_258, %get3A_259, %get3A_260] {strides = array<i32>} : memref<2x64x80xf32, #tpu.memory_space<vmem>>, vector<16xf32>,
            %mul3A_262 = vector.broadcast %squeeze3A_237 : f32 to vector<16xf32>
            %mul3A_263 = arith.mulf %get3A_261, %mul3A_262 : vector<16xf32>
            %swap3A_264 = arith.index_cast %rem3A_133 : i32 to index
            %swap3A_265 = arith.index_cast %add3A_239 : i32 to index
            %swap3A_266 = arith.constant 0 : index
            %swap3A_267 = tpu.vector_load %run_scoped3A_13[%swap3A_264, %swap3A_265, %swap3A_266] {strides = array<i32>} : memref<2x64x80xf32, #tpu.memory_space<vmem>>, vector<16xf32>,
            tpu.vector_store %run_scoped3A_13[%swap3A_264, %swap3A_265, %swap3A_266], %mul3A_245 {strides = array<i32>} : memref<2x64x80xf32, #tpu.memory_space<vmem>>, vector<16xf32>,
            %swap3A_268 = arith.index_cast %rem3A_133 : i32 to index
            %swap3A_269 = arith.index_cast %add3A_239 : i32 to index
            %swap3A_270 = arith.constant 16 : index
            %swap3A_271 = tpu.vector_load %run_scoped3A_13[%swap3A_268, %swap3A_269, %swap3A_270] {strides = array<i32>} : memref<2x64x80xf32, #tpu.memory_space<vmem>>, vector<16xf32>,
            tpu.vector_store %run_scoped3A_13[%swap3A_268, %swap3A_269, %swap3A_270], %mul3A_251 {strides = array<i32>} : memref<2x64x80xf32, #tpu.memory_space<vmem>>, vector<16xf32>,
            %swap3A_272 = arith.index_cast %rem3A_133 : i32 to index
            %swap3A_273 = arith.index_cast %add3A_239 : i32 to index
            %swap3A_274 = arith.constant 32 : index
            %swap3A_275 = tpu.vector_load %run_scoped3A_13[%swap3A_272, %swap3A_273, %swap3A_274] {strides = array<i32>} : memref<2x64x80xf32, #tpu.memory_space<vmem>>, vector<16xf32>,
            tpu.vector_store %run_scoped3A_13[%swap3A_272, %swap3A_273, %swap3A_274], %mul3A_257 {strides = array<i32>} : memref<2x64x80xf32, #tpu.memory_space<vmem>>, vector<16xf32>,
            %swap3A_276 = arith.index_cast %rem3A_133 : i32 to index
            %swap3A_277 = arith.index_cast %add3A_239 : i32 to index
            %swap3A_278 = arith.constant 48 : index
            %swap3A_279 = tpu.vector_load %run_scoped3A_13[%swap3A_276, %swap3A_277, %swap3A_278] {strides = array<i32>} : memref<2x64x80xf32, #tpu.memory_space<vmem>>, vector<16xf32>,
            tpu.vector_store %run_scoped3A_13[%swap3A_276, %swap3A_277, %swap3A_278], %mul3A_263 {strides = array<i32>} : memref<2x64x80xf32, #tpu.memory_space<vmem>>, vector<16xf32>,
            %broadcast_in_dim3A_280 = vector.broadcast %squeeze3A_237 : f32 to vector<16xf32>
            %swap3A_281 = arith.index_cast %rem3A_133 : i32 to index
            %swap3A_282 = arith.index_cast %add3A_239 : i32 to index
            %swap3A_283 = arith.constant 64 : index
            %swap3A_284 = tpu.vector_load %run_scoped3A_13[%swap3A_281, %swap3A_282, %swap3A_283] {strides = array<i32>} : memref<2x64x80xf32, #tpu.memory_space<vmem>>, vector<16xf32>,
            tpu.vector_store %run_scoped3A_13[%swap3A_281, %swap3A_282, %swap3A_283], %broadcast_in_dim3A_280 {strides = array<i32>} : memref<2x64x80xf32, #tpu.memory_space<vmem>>, vector<16xf32>,
            %slice3A_285 = vector.extract_strided_slice %get3A_190 {offsets = [2], sizes = [1], strides = [1]} : vector<16xf32> to vector<1xf32>
            %squeeze3A_286 = vector.extract %slice3A_285[0] : f32 from vector<1xf32>
            %add3A_287 = arith.constant 2 : i32
            %add3A_288 = arith.addi %mul3A_189, %add3A_287 : i32
            %get3A_289 = arith.index_cast %rem3A_133 : i32 to index
            %get3A_290 = arith.index_cast %add3A_288 : i32 to index
            %get3A_291 = arith.constant 0 : index
            %get3A_292 = tpu.vector_load %run_scoped3A_13[%get3A_289, %get3A_290, %get3A_291] {strides = array<i32>} : memref<2x64x80xf32, #tpu.memory_space<vmem>>, vector<16xf32>,
            %mul3A_293 = vector.broadcast %squeeze3A_286 : f32 to vector<16xf32>
            %mul3A_294 = arith.mulf %get3A_292, %mul3A_293 : vector<16xf32>
            %get3A_295 = arith.index_cast %rem3A_133 : i32 to index
            %get3A_296 = arith.index_cast %add3A_288 : i32 to index
            %get3A_297 = arith.constant 16 : index
            %get3A_298 = tpu.vector_load %run_scoped3A_13[%get3A_295, %get3A_296, %get3A_297] {strides = array<i32>} : memref<2x64x80xf32, #tpu.memory_space<vmem>>, vector<16xf32>,
            %mul3A_299 = vector.broadcast %squeeze3A_286 : f32 to vector<16xf32>
            %mul3A_300 = arith.mulf %get3A_298, %mul3A_299 : vector<16xf32>
            %get3A_301 = arith.index_cast %rem3A_133 : i32 to index
            %get3A_302 = arith.index_cast %add3A_288 : i32 to index
            %get3A_303 = arith.constant 32 : index
            %get3A_304 = tpu.vector_load %run_scoped3A_13[%get3A_301, %get3A_302, %get3A_303] {strides = array<i32>} : memref<2x64x80xf32, #tpu.memory_space<vmem>>, vector<16xf32>,
            %mul3A_305 = vector.broadcast %squeeze3A_286 : f32 to vector<16xf32>
            %mul3A_306 = arith.mulf %get3A_304, %mul3A_305 : vector<16xf32>
            %get3A_307 = arith.index_cast %rem3A_133 : i32 to index
            %get3A_308 = arith.index_cast %add3A_288 : i32 to index
            %get3A_309 = arith.constant 48 : index
            %get3A_310 = tpu.vector_load %run_scoped3A_13[%get3A_307, %get3A_308, %get3A_309] {strides = array<i32>} : memref<2x64x80xf32, #tpu.memory_space<vmem>>, vector<16xf32>,
            %mul3A_311 = vector.broadcast %squeeze3A_286 : f32 to vector<16xf32>
            %mul3A_312 = arith.mulf %get3A_310, %mul3A_311 : vector<16xf32>
            %swap3A_313 = arith.index_cast %rem3A_133 : i32 to index
            %swap3A_314 = arith.index_cast %add3A_288 : i32 to index
            %swap3A_315 = arith.constant 0 : index
            %swap3A_316 = tpu.vector_load %run_scoped3A_13[%swap3A_313, %swap3A_314, %swap3A_315] {strides = array<i32>} : memref<2x64x80xf32, #tpu.memory_space<vmem>>, vector<16xf32>,
            tpu.vector_store %run_scoped3A_13[%swap3A_313, %swap3A_314, %swap3A_315], %mul3A_294 {strides = array<i32>} : memref<2x64x80xf32, #tpu.memory_space<vmem>>, vector<16xf32>,
            %swap3A_317 = arith.index_cast %rem3A_133 : i32 to index
            %swap3A_318 = arith.index_cast %add3A_288 : i32 to index
            %swap3A_319 = arith.constant 16 : index
            %swap3A_320 = tpu.vector_load %run_scoped3A_13[%swap3A_317, %swap3A_318, %swap3A_319] {strides = array<i32>} : memref<2x64x80xf32, #tpu.memory_space<vmem>>, vector<16xf32>,
            tpu.vector_store %run_scoped3A_13[%swap3A_317, %swap3A_318, %swap3A_319], %mul3A_300 {strides = array<i32>} : memref<2x64x80xf32, #tpu.memory_space<vmem>>, vector<16xf32>,
            %swap3A_321 = arith.index_cast %rem3A_133 : i32 to index
            %swap3A_322 = arith.index_cast %add3A_288 : i32 to index
            %swap3A_323 = arith.constant 32 : index
            %swap3A_324 = tpu.vector_load %run_scoped3A_13[%swap3A_321, %swap3A_322, %swap3A_323] {strides = array<i32>} : memref<2x64x80xf32, #tpu.memory_space<vmem>>, vector<16xf32>,
            tpu.vector_store %run_scoped3A_13[%swap3A_321, %swap3A_322, %swap3A_323], %mul3A_306 {strides = array<i32>} : memref<2x64x80xf32, #tpu.memory_space<vmem>>, vector<16xf32>,
            %swap3A_325 = arith.index_cast %rem3A_133 : i32 to index
            %swap3A_326 = arith.index_cast %add3A_288 : i32 to index
            %swap3A_327 = arith.constant 48 : index
            %swap3A_328 = tpu.vector_load %run_scoped3A_13[%swap3A_325, %swap3A_326, %swap3A_327] {strides = array<i32>} : memref<2x64x80xf32, #tpu.memory_space<vmem>>, vector<16xf32>,
            tpu.vector_store %run_scoped3A_13[%swap3A_325, %swap3A_326, %swap3A_327], %mul3A_312 {strides = array<i32>} : memref<2x64x80xf32, #tpu.memory_space<vmem>>, vector<16xf32>,
            %broadcast_in_dim3A_329 = vector.broadcast %squeeze3A_286 : f32 to vector<16xf32>
            %swap3A_330 = arith.index_cast %rem3A_133 : i32 to index
            %swap3A_331 = arith.index_cast %add3A_288 : i32 to index
            %swap3A_332 = arith.constant 64 : index
            %swap3A_333 = tpu.vector_load %run_scoped3A_13[%swap3A_330, %swap3A_331, %swap3A_332] {strides = array<i32>} : memref<2x64x80xf32, #tpu.memory_space<vmem>>, vector<16xf32>,
            tpu.vector_store %run_scoped3A_13[%swap3A_330, %swap3A_331, %swap3A_332], %broadcast_in_dim3A_329 {strides = array<i32>} : memref<2x64x80xf32, #tpu.memory_space<vmem>>, vector<16xf32>,
            %slice3A_334 = vector.extract_strided_slice %get3A_190 {offsets = [3], sizes = [1], strides = [1]} : vector<16xf32> to vector<1xf32>
            %squeeze3A_335 = vector.extract %slice3A_334[0] : f32 from vector<1xf32>
            %add3A_336 = arith.constant 3 : i32
            %add3A_337 = arith.addi %mul3A_189, %add3A_336 : i32
            %get3A_338 = arith.index_cast %rem3A_133 : i32 to index
            %get3A_339 = arith.index_cast %add3A_337 : i32 to index
            %get3A_340 = arith.constant 0 : index
            %get3A_341 = tpu.vector_load %run_scoped3A_13[%get3A_338, %get3A_339, %get3A_340] {strides = array<i32>} : memref<2x64x80xf32, #tpu.memory_space<vmem>>, vector<16xf32>,
            %mul3A_342 = vector.broadcast %squeeze3A_335 : f32 to vector<16xf32>
            %mul3A_343 = arith.mulf %get3A_341, %mul3A_342 : vector<16xf32>
            %get3A_344 = arith.index_cast %rem3A_133 : i32 to index
            %get3A_345 = arith.index_cast %add3A_337 : i32 to index
            %get3A_346 = arith.constant 16 : index
            %get3A_347 = tpu.vector_load %run_scoped3A_13[%get3A_344, %get3A_345, %get3A_346] {strides = array<i32>} : memref<2x64x80xf32, #tpu.memory_space<vmem>>, vector<16xf32>,
            %mul3A_348 = vector.broadcast %squeeze3A_335 : f32 to vector<16xf32>
            %mul3A_349 = arith.mulf %get3A_347, %mul3A_348 : vector<16xf32>
            %get3A_350 = arith.index_cast %rem3A_133 : i32 to index
            %get3A_351 = arith.index_cast %add3A_337 : i32 to index
            %get3A_352 = arith.constant 32 : index
            %get3A_353 = tpu.vector_load %run_scoped3A_13[%get3A_350, %get3A_351, %get3A_352] {strides = array<i32>} : memref<2x64x80xf32, #tpu.memory_space<vmem>>, vector<16xf32>,
            %mul3A_354 = vector.broadcast %squeeze3A_335 : f32 to vector<16xf32>
            %mul3A_355 = arith.mulf %get3A_353, %mul3A_354 : vector<16xf32>
            %get3A_356 = arith.index_cast %rem3A_133 : i32 to index
            %get3A_357 = arith.index_cast %add3A_337 : i32 to index
            %get3A_358 = arith.constant 48 : index
            %get3A_359 = tpu.vector_load %run_scoped3A_13[%get3A_356, %get3A_357, %get3A_358] {strides = array<i32>} : memref<2x64x80xf32, #tpu.memory_space<vmem>>, vector<16xf32>,
            %mul3A_360 = vector.broadcast %squeeze3A_335 : f32 to vector<16xf32>
            %mul3A_361 = arith.mulf %get3A_359, %mul3A_360 : vector<16xf32>
            %swap3A_362 = arith.index_cast %rem3A_133 : i32 to index
            %swap3A_363 = arith.index_cast %add3A_337 : i32 to index
            %swap3A_364 = arith.constant 0 : index
            %swap3A_365 = tpu.vector_load %run_scoped3A_13[%swap3A_362, %swap3A_363, %swap3A_364] {strides = array<i32>} : memref<2x64x80xf32, #tpu.memory_space<vmem>>, vector<16xf32>,
            tpu.vector_store %run_scoped3A_13[%swap3A_362, %swap3A_363, %swap3A_364], %mul3A_343 {strides = array<i32>} : memref<2x64x80xf32, #tpu.memory_space<vmem>>, vector<16xf32>,
            %swap3A_366 = arith.index_cast %rem3A_133 : i32 to index
            %swap3A_367 = arith.index_cast %add3A_337 : i32 to index
            %swap3A_368 = arith.constant 16 : index
            %swap3A_369 = tpu.vector_load %run_scoped3A_13[%swap3A_366, %swap3A_367, %swap3A_368] {strides = array<i32>} : memref<2x64x80xf32, #tpu.memory_space<vmem>>, vector<16xf32>,
            tpu.vector_store %run_scoped3A_13[%swap3A_366, %swap3A_367, %swap3A_368], %mul3A_349 {strides = array<i32>} : memref<2x64x80xf32, #tpu.memory_space<vmem>>, vector<16xf32>,
            %swap3A_370 = arith.index_cast %rem3A_133 : i32 to index
            %swap3A_371 = arith.index_cast %add3A_337 : i32 to index
            %swap3A_372 = arith.constant 32 : index
            %swap3A_373 = tpu.vector_load %run_scoped3A_13[%swap3A_370, %swap3A_371, %swap3A_372] {strides = array<i32>} : memref<2x64x80xf32, #tpu.memory_space<vmem>>, vector<16xf32>,
            tpu.vector_store %run_scoped3A_13[%swap3A_370, %swap3A_371, %swap3A_372], %mul3A_355 {strides = array<i32>} : memref<2x64x80xf32, #tpu.memory_space<vmem>>, vector<16xf32>,
            %swap3A_374 = arith.index_cast %rem3A_133 : i32 to index
            %swap3A_375 = arith.index_cast %add3A_337 : i32 to index
            %swap3A_376 = arith.constant 48 : index
            %swap3A_377 = tpu.vector_load %run_scoped3A_13[%swap3A_374, %swap3A_375, %swap3A_376] {strides = array<i32>} : memref<2x64x80xf32, #tpu.memory_space<vmem>>, vector<16xf32>,
            tpu.vector_store %run_scoped3A_13[%swap3A_374, %swap3A_375, %swap3A_376], %mul3A_361 {strides = array<i32>} : memref<2x64x80xf32, #tpu.memory_space<vmem>>, vector<16xf32>,
            %broadcast_in_dim3A_378 = vector.broadcast %squeeze3A_335 : f32 to vector<16xf32>
            %swap3A_379 = arith.index_cast %rem3A_133 : i32 to index
            %swap3A_380 = arith.index_cast %add3A_337 : i32 to index
            %swap3A_381 = arith.constant 64 : index
            %swap3A_382 = tpu.vector_load %run_scoped3A_13[%swap3A_379, %swap3A_380, %swap3A_381] {strides = array<i32>} : memref<2x64x80xf32, #tpu.memory_space<vmem>>, vector<16xf32>,
            tpu.vector_store %run_scoped3A_13[%swap3A_379, %swap3A_380, %swap3A_381], %broadcast_in_dim3A_378 {strides = array<i32>} : memref<2x64x80xf32, #tpu.memory_space<vmem>>, vector<16xf32>,
            %slice3A_383 = vector.extract_strided_slice %get3A_190 {offsets = [4], sizes = [1], strides = [1]} : vector<16xf32> to vector<1xf32>
            %squeeze3A_384 = vector.extract %slice3A_383[0] : f32 from vector<1xf32>
            %add3A_385 = arith.constant 4 : i32
            %add3A_386 = arith.addi %mul3A_189, %add3A_385 : i32
            %get3A_387 = arith.index_cast %rem3A_133 : i32 to index
            %get3A_388 = arith.index_cast %add3A_386 : i32 to index
            %get3A_389 = arith.constant 0 : index
            %get3A_390 = tpu.vector_load %run_scoped3A_13[%get3A_387, %get3A_388, %get3A_389] {strides = array<i32>} : memref<2x64x80xf32, #tpu.memory_space<vmem>>, vector<16xf32>,
            %mul3A_391 = vector.broadcast %squeeze3A_384 : f32 to vector<16xf32>
            %mul3A_392 = arith.mulf %get3A_390, %mul3A_391 : vector<16xf32>
            %get3A_393 = arith.index_cast %rem3A_133 : i32 to index
            %get3A_394 = arith.index_cast %add3A_386 : i32 to index
            %get3A_395 = arith.constant 16 : index
            %get3A_396 = tpu.vector_load %run_scoped3A_13[%get3A_393, %get3A_394, %get3A_395] {strides = array<i32>} : memref<2x64x80xf32, #tpu.memory_space<vmem>>, vector<16xf32>,
            %mul3A_397 = vector.broadcast %squeeze3A_384 : f32 to vector<16xf32>
            %mul3A_398 = arith.mulf %get3A_396, %mul3A_397 : vector<16xf32>
            %get3A_399 = arith.index_cast %rem3A_133 : i32 to index
            %get3A_400 = arith.index_cast %add3A_386 : i32 to index
            %get3A_401 = arith.constant 32 : index
            %get3A_402 = tpu.vector_load %run_scoped3A_13[%get3A_399, %get3A_400, %get3A_401] {strides = array<i32>} : memref<2x64x80xf32, #tpu.memory_space<vmem>>, vector<16xf32>,
            %mul3A_403 = vector.broadcast %squeeze3A_384 : f32 to vector<16xf32>
            %mul3A_404 = arith.mulf %get3A_402, %mul3A_403 : vector<16xf32>
            %get3A_405 = arith.index_cast %rem3A_133 : i32 to index
            %get3A_406 = arith.index_cast %add3A_386 : i32 to index
            %get3A_407 = arith.constant 48 : index
            %get3A_408 = tpu.vector_load %run_scoped3A_13[%get3A_405, %get3A_406, %get3A_407] {strides = array<i32>} : memref<2x64x80xf32, #tpu.memory_space<vmem>>, vector<16xf32>,
            %mul3A_409 = vector.broadcast %squeeze3A_384 : f32 to vector<16xf32>
            %mul3A_410 = arith.mulf %get3A_408, %mul3A_409 : vector<16xf32>
            %swap3A_411 = arith.index_cast %rem3A_133 : i32 to index
            %swap3A_412 = arith.index_cast %add3A_386 : i32 to index
            %swap3A_413 = arith.constant 0 : index
            %swap3A_414 = tpu.vector_load %run_scoped3A_13[%swap3A_411, %swap3A_412, %swap3A_413] {strides = array<i32>} : memref<2x64x80xf32, #tpu.memory_space<vmem>>, vector<16xf32>,
            tpu.vector_store %run_scoped3A_13[%swap3A_411, %swap3A_412, %swap3A_413], %mul3A_392 {strides = array<i32>} : memref<2x64x80xf32, #tpu.memory_space<vmem>>, vector<16xf32>,
            %swap3A_415 = arith.index_cast %rem3A_133 : i32 to index
            %swap3A_416 = arith.index_cast %add3A_386 : i32 to index
            %swap3A_417 = arith.constant 16 : index
            %swap3A_418 = tpu.vector_load %run_scoped3A_13[%swap3A_415, %swap3A_416, %swap3A_417] {strides = array<i32>} : memref<2x64x80xf32, #tpu.memory_space<vmem>>, vector<16xf32>,
            tpu.vector_store %run_scoped3A_13[%swap3A_415, %swap3A_416, %swap3A_417], %mul3A_398 {strides = array<i32>} : memref<2x64x80xf32, #tpu.memory_space<vmem>>, vector<16xf32>,
            %swap3A_419 = arith.index_cast %rem3A_133 : i32 to index
            %swap3A_420 = arith.index_cast %add3A_386 : i32 to index
            %swap3A_421 = arith.constant 32 : index
            %swap3A_422 = tpu.vector_load %run_scoped3A_13[%swap3A_419, %swap3A_420, %swap3A_421] {strides = array<i32>} : memref<2x64x80xf32, #tpu.memory_space<vmem>>, vector<16xf32>,
            tpu.vector_store %run_scoped3A_13[%swap3A_419, %swap3A_420, %swap3A_421], %mul3A_404 {strides = array<i32>} : memref<2x64x80xf32, #tpu.memory_space<vmem>>, vector<16xf32>,
            %swap3A_423 = arith.index_cast %rem3A_133 : i32 to index
            %swap3A_424 = arith.index_cast %add3A_386 : i32 to index
            %swap3A_425 = arith.constant 48 : index
            %swap3A_426 = tpu.vector_load %run_scoped3A_13[%swap3A_423, %swap3A_424, %swap3A_425] {strides = array<i32>} : memref<2x64x80xf32, #tpu.memory_space<vmem>>, vector<16xf32>,
            tpu.vector_store %run_scoped3A_13[%swap3A_423, %swap3A_424, %swap3A_425], %mul3A_410 {strides = array<i32>} : memref<2x64x80xf32, #tpu.memory_space<vmem>>, vector<16xf32>,
            %broadcast_in_dim3A_427 = vector.broadcast %squeeze3A_384 : f32 to vector<16xf32>
            %swap3A_428 = arith.index_cast %rem3A_133 : i32 to index
            %swap3A_429 = arith.index_cast %add3A_386 : i32 to index
            %swap3A_430 = arith.constant 64 : index
            %swap3A_431 = tpu.vector_load %run_scoped3A_13[%swap3A_428, %swap3A_429, %swap3A_430] {strides = array<i32>} : memref<2x64x80xf32, #tpu.memory_space<vmem>>, vector<16xf32>,
            tpu.vector_store %run_scoped3A_13[%swap3A_428, %swap3A_429, %swap3A_430], %broadcast_in_dim3A_427 {strides = array<i32>} : memref<2x64x80xf32, #tpu.memory_space<vmem>>, vector<16xf32>,
            %slice3A_432 = vector.extract_strided_slice %get3A_190 {offsets = [5], sizes = [1], strides = [1]} : vector<16xf32> to vector<1xf32>
            %squeeze3A_433 = vector.extract %slice3A_432[0] : f32 from vector<1xf32>
            %add3A_434 = arith.constant 5 : i32
            %add3A_435 = arith.addi %mul3A_189, %add3A_434 : i32
            %get3A_436 = arith.index_cast %rem3A_133 : i32 to index
            %get3A_437 = arith.index_cast %add3A_435 : i32 to index
            %get3A_438 = arith.constant 0 : index
            %get3A_439 = tpu.vector_load %run_scoped3A_13[%get3A_436, %get3A_437, %get3A_438] {strides = array<i32>} : memref<2x64x80xf32, #tpu.memory_space<vmem>>, vector<16xf32>,
            %mul3A_440 = vector.broadcast %squeeze3A_433 : f32 to vector<16xf32>
            %mul3A_441 = arith.mulf %get3A_439, %mul3A_440 : vector<16xf32>
            %get3A_442 = arith.index_cast %rem3A_133 : i32 to index
            %get3A_443 = arith.index_cast %add3A_435 : i32 to index
            %get3A_444 = arith.constant 16 : index
            %get3A_445 = tpu.vector_load %run_scoped3A_13[%get3A_442, %get3A_443, %get3A_444] {strides = array<i32>} : memref<2x64x80xf32, #tpu.memory_space<vmem>>, vector<16xf32>,
            %mul3A_446 = vector.broadcast %squeeze3A_433 : f32 to vector<16xf32>
            %mul3A_447 = arith.mulf %get3A_445, %mul3A_446 : vector<16xf32>
            %get3A_448 = arith.index_cast %rem3A_133 : i32 to index
            %get3A_449 = arith.index_cast %add3A_435 : i32 to index
            %get3A_450 = arith.constant 32 : index
            %get3A_451 = tpu.vector_load %run_scoped3A_13[%get3A_448, %get3A_449, %get3A_450] {strides = array<i32>} : memref<2x64x80xf32, #tpu.memory_space<vmem>>, vector<16xf32>,
            %mul3A_452 = vector.broadcast %squeeze3A_433 : f32 to vector<16xf32>
            %mul3A_453 = arith.mulf %get3A_451, %mul3A_452 : vector<16xf32>
            %get3A_454 = arith.index_cast %rem3A_133 : i32 to index
            %get3A_455 = arith.index_cast %add3A_435 : i32 to index
            %get3A_456 = arith.constant 48 : index
            %get3A_457 = tpu.vector_load %run_scoped3A_13[%get3A_454, %get3A_455, %get3A_456] {strides = array<i32>} : memref<2x64x80xf32, #tpu.memory_space<vmem>>, vector<16xf32>,
            %mul3A_458 = vector.broadcast %squeeze3A_433 : f32 to vector<16xf32>
            %mul3A_459 = arith.mulf %get3A_457, %mul3A_458 : vector<16xf32>
            %swap3A_460 = arith.index_cast %rem3A_133 : i32 to index
            %swap3A_461 = arith.index_cast %add3A_435 : i32 to index
            %swap3A_462 = arith.constant 0 : index
            %swap3A_463 = tpu.vector_load %run_scoped3A_13[%swap3A_460, %swap3A_461, %swap3A_462] {strides = array<i32>} : memref<2x64x80xf32, #tpu.memory_space<vmem>>, vector<16xf32>,
            tpu.vector_store %run_scoped3A_13[%swap3A_460, %swap3A_461, %swap3A_462], %mul3A_441 {strides = array<i32>} : memref<2x64x80xf32, #tpu.memory_space<vmem>>, vector<16xf32>,
            %swap3A_464 = arith.index_cast %rem3A_133 : i32 to index
            %swap3A_465 = arith.index_cast %add3A_435 : i32 to index
            %swap3A_466 = arith.constant 16 : index
            %swap3A_467 = tpu.vector_load %run_scoped3A_13[%swap3A_464, %swap3A_465, %swap3A_466] {strides = array<i32>} : memref<2x64x80xf32, #tpu.memory_space<vmem>>, vector<16xf32>,
            tpu.vector_store %run_scoped3A_13[%swap3A_464, %swap3A_465, %swap3A_466], %mul3A_447 {strides = array<i32>} : memref<2x64x80xf32, #tpu.memory_space<vmem>>, vector<16xf32>,
            %swap3A_468 = arith.index_cast %rem3A_133 : i32 to index
            %swap3A_469 = arith.index_cast %add3A_435 : i32 to index
            %swap3A_470 = arith.constant 32 : index
            %swap3A_471 = tpu.vector_load %run_scoped3A_13[%swap3A_468, %swap3A_469, %swap3A_470] {strides = array<i32>} : memref<2x64x80xf32, #tpu.memory_space<vmem>>, vector<16xf32>,
            tpu.vector_store %run_scoped3A_13[%swap3A_468, %swap3A_469, %swap3A_470], %mul3A_453 {strides = array<i32>} : memref<2x64x80xf32, #tpu.memory_space<vmem>>, vector<16xf32>,
            %swap3A_472 = arith.index_cast %rem3A_133 : i32 to index
            %swap3A_473 = arith.index_cast %add3A_435 : i32 to index
            %swap3A_474 = arith.constant 48 : index
            %swap3A_475 = tpu.vector_load %run_scoped3A_13[%swap3A_472, %swap3A_473, %swap3A_474] {strides = array<i32>} : memref<2x64x80xf32, #tpu.memory_space<vmem>>, vector<16xf32>,
            tpu.vector_store %run_scoped3A_13[%swap3A_472, %swap3A_473, %swap3A_474], %mul3A_459 {strides = array<i32>} : memref<2x64x80xf32, #tpu.memory_space<vmem>>, vector<16xf32>,
            %broadcast_in_dim3A_476 = vector.broadcast %squeeze3A_433 : f32 to vector<16xf32>
            %swap3A_477 = arith.index_cast %rem3A_133 : i32 to index
            %swap3A_478 = arith.index_cast %add3A_435 : i32 to index
            %swap3A_479 = arith.constant 64 : index
            %swap3A_480 = tpu.vector_load %run_scoped3A_13[%swap3A_477, %swap3A_478, %swap3A_479] {strides = array<i32>} : memref<2x64x80xf32, #tpu.memory_space<vmem>>, vector<16xf32>,
            tpu.vector_store %run_scoped3A_13[%swap3A_477, %swap3A_478, %swap3A_479], %broadcast_in_dim3A_476 {strides = array<i32>} : memref<2x64x80xf32, #tpu.memory_space<vmem>>, vector<16xf32>,
            %slice3A_481 = vector.extract_strided_slice %get3A_190 {offsets = [6], sizes = [1], strides = [1]} : vector<16xf32> to vector<1xf32>
            %squeeze3A_482 = vector.extract %slice3A_481[0] : f32 from vector<1xf32>
            %add3A_483 = arith.constant 6 : i32
            %add3A_484 = arith.addi %mul3A_189, %add3A_483 : i32
            %get3A_485 = arith.index_cast %rem3A_133 : i32 to index
            %get3A_486 = arith.index_cast %add3A_484 : i32 to index
            %get3A_487 = arith.constant 0 : index
            %get3A_488 = tpu.vector_load %run_scoped3A_13[%get3A_485, %get3A_486, %get3A_487] {strides = array<i32>} : memref<2x64x80xf32, #tpu.memory_space<vmem>>, vector<16xf32>,
            %mul3A_489 = vector.broadcast %squeeze3A_482 : f32 to vector<16xf32>
            %mul3A_490 = arith.mulf %get3A_488, %mul3A_489 : vector<16xf32>
            %get3A_491 = arith.index_cast %rem3A_133 : i32 to index
            %get3A_492 = arith.index_cast %add3A_484 : i32 to index
            %get3A_493 = arith.constant 16 : index
            %get3A_494 = tpu.vector_load %run_scoped3A_13[%get3A_491, %get3A_492, %get3A_493] {strides = array<i32>} : memref<2x64x80xf32, #tpu.memory_space<vmem>>, vector<16xf32>,
            %mul3A_495 = vector.broadcast %squeeze3A_482 : f32 to vector<16xf32>
            %mul3A_496 = arith.mulf %get3A_494, %mul3A_495 : vector<16xf32>
            %get3A_497 = arith.index_cast %rem3A_133 : i32 to index
            %get3A_498 = arith.index_cast %add3A_484 : i32 to index
            %get3A_499 = arith.constant 32 : index
            %get3A_500 = tpu.vector_load %run_scoped3A_13[%get3A_497, %get3A_498, %get3A_499] {strides = array<i32>} : memref<2x64x80xf32, #tpu.memory_space<vmem>>, vector<16xf32>,
            %mul3A_501 = vector.broadcast %squeeze3A_482 : f32 to vector<16xf32>
            %mul3A_502 = arith.mulf %get3A_500, %mul3A_501 : vector<16xf32>
            %get3A_503 = arith.index_cast %rem3A_133 : i32 to index
            %get3A_504 = arith.index_cast %add3A_484 : i32 to index
            %get3A_505 = arith.constant 48 : index
            %get3A_506 = tpu.vector_load %run_scoped3A_13[%get3A_503, %get3A_504, %get3A_505] {strides = array<i32>} : memref<2x64x80xf32, #tpu.memory_space<vmem>>, vector<16xf32>,
            %mul3A_507 = vector.broadcast %squeeze3A_482 : f32 to vector<16xf32>
            %mul3A_508 = arith.mulf %get3A_506, %mul3A_507 : vector<16xf32>
            %swap3A_509 = arith.index_cast %rem3A_133 : i32 to index
            %swap3A_510 = arith.index_cast %add3A_484 : i32 to index
            %swap3A_511 = arith.constant 0 : index
            %swap3A_512 = tpu.vector_load %run_scoped3A_13[%swap3A_509, %swap3A_510, %swap3A_511] {strides = array<i32>} : memref<2x64x80xf32, #tpu.memory_space<vmem>>, vector<16xf32>,
            tpu.vector_store %run_scoped3A_13[%swap3A_509, %swap3A_510, %swap3A_511], %mul3A_490 {strides = array<i32>} : memref<2x64x80xf32, #tpu.memory_space<vmem>>, vector<16xf32>,
            %swap3A_513 = arith.index_cast %rem3A_133 : i32 to index
            %swap3A_514 = arith.index_cast %add3A_484 : i32 to index
            %swap3A_515 = arith.constant 16 : index
            %swap3A_516 = tpu.vector_load %run_scoped3A_13[%swap3A_513, %swap3A_514, %swap3A_515] {strides = array<i32>} : memref<2x64x80xf32, #tpu.memory_space<vmem>>, vector<16xf32>,
            tpu.vector_store %run_scoped3A_13[%swap3A_513, %swap3A_514, %swap3A_515], %mul3A_496 {strides = array<i32>} : memref<2x64x80xf32, #tpu.memory_space<vmem>>, vector<16xf32>,
            %swap3A_517 = arith.index_cast %rem3A_133 : i32 to index
            %swap3A_518 = arith.index_cast %add3A_484 : i32 to index
            %swap3A_519 = arith.constant 32 : index
            %swap3A_520 = tpu.vector_load %run_scoped3A_13[%swap3A_517, %swap3A_518, %swap3A_519] {strides = array<i32>} : memref<2x64x80xf32, #tpu.memory_space<vmem>>, vector<16xf32>,
            tpu.vector_store %run_scoped3A_13[%swap3A_517, %swap3A_518, %swap3A_519], %mul3A_502 {strides = array<i32>} : memref<2x64x80xf32, #tpu.memory_space<vmem>>, vector<16xf32>,
            %swap3A_521 = arith.index_cast %rem3A_133 : i32 to index
            %swap3A_522 = arith.index_cast %add3A_484 : i32 to index
            %swap3A_523 = arith.constant 48 : index
            %swap3A_524 = tpu.vector_load %run_scoped3A_13[%swap3A_521, %swap3A_522, %swap3A_523] {strides = array<i32>} : memref<2x64x80xf32, #tpu.memory_space<vmem>>, vector<16xf32>,
            tpu.vector_store %run_scoped3A_13[%swap3A_521, %swap3A_522, %swap3A_523], %mul3A_508 {strides = array<i32>} : memref<2x64x80xf32, #tpu.memory_space<vmem>>, vector<16xf32>,
            %broadcast_in_dim3A_525 = vector.broadcast %squeeze3A_482 : f32 to vector<16xf32>
            %swap3A_526 = arith.index_cast %rem3A_133 : i32 to index
            %swap3A_527 = arith.index_cast %add3A_484 : i32 to index
            %swap3A_528 = arith.constant 64 : index
            %swap3A_529 = tpu.vector_load %run_scoped3A_13[%swap3A_526, %swap3A_527, %swap3A_528] {strides = array<i32>} : memref<2x64x80xf32, #tpu.memory_space<vmem>>, vector<16xf32>,
            tpu.vector_store %run_scoped3A_13[%swap3A_526, %swap3A_527, %swap3A_528], %broadcast_in_dim3A_525 {strides = array<i32>} : memref<2x64x80xf32, #tpu.memory_space<vmem>>, vector<16xf32>,
            %slice3A_530 = vector.extract_strided_slice %get3A_190 {offsets = [7], sizes = [1], strides = [1]} : vector<16xf32> to vector<1xf32>
            %squeeze3A_531 = vector.extract %slice3A_530[0] : f32 from vector<1xf32>
            %add3A_532 = arith.constant 7 : i32
            %add3A_533 = arith.addi %mul3A_189, %add3A_532 : i32
            %get3A_534 = arith.index_cast %rem3A_133 : i32 to index
            %get3A_535 = arith.index_cast %add3A_533 : i32 to index
            %get3A_536 = arith.constant 0 : index
            %get3A_537 = tpu.vector_load %run_scoped3A_13[%get3A_534, %get3A_535, %get3A_536] {strides = array<i32>} : memref<2x64x80xf32, #tpu.memory_space<vmem>>, vector<16xf32>,
            %mul3A_538 = vector.broadcast %squeeze3A_531 : f32 to vector<16xf32>
            %mul3A_539 = arith.mulf %get3A_537, %mul3A_538 : vector<16xf32>
            %get3A_540 = arith.index_cast %rem3A_133 : i32 to index
            %get3A_541 = arith.index_cast %add3A_533 : i32 to index
            %get3A_542 = arith.constant 16 : index
            %get3A_543 = tpu.vector_load %run_scoped3A_13[%get3A_540, %get3A_541, %get3A_542] {strides = array<i32>} : memref<2x64x80xf32, #tpu.memory_space<vmem>>, vector<16xf32>,
            %mul3A_544 = vector.broadcast %squeeze3A_531 : f32 to vector<16xf32>
            %mul3A_545 = arith.mulf %get3A_543, %mul3A_544 : vector<16xf32>
            %get3A_546 = arith.index_cast %rem3A_133 : i32 to index
            %get3A_547 = arith.index_cast %add3A_533 : i32 to index
            %get3A_548 = arith.constant 32 : index
            %get3A_549 = tpu.vector_load %run_scoped3A_13[%get3A_546, %get3A_547, %get3A_548] {strides = array<i32>} : memref<2x64x80xf32, #tpu.memory_space<vmem>>, vector<16xf32>,
            %mul3A_550 = vector.broadcast %squeeze3A_531 : f32 to vector<16xf32>
            %mul3A_551 = arith.mulf %get3A_549, %mul3A_550 : vector<16xf32>
            %get3A_552 = arith.index_cast %rem3A_133 : i32 to index
            %get3A_553 = arith.index_cast %add3A_533 : i32 to index
            %get3A_554 = arith.constant 48 : index
            %get3A_555 = tpu.vector_load %run_scoped3A_13[%get3A_552, %get3A_553, %get3A_554] {strides = array<i32>} : memref<2x64x80xf32, #tpu.memory_space<vmem>>, vector<16xf32>,
            %mul3A_556 = vector.broadcast %squeeze3A_531 : f32 to vector<16xf32>
            %mul3A_557 = arith.mulf %get3A_555, %mul3A_556 : vector<16xf32>
            %swap3A_558 = arith.index_cast %rem3A_133 : i32 to index
            %swap3A_559 = arith.index_cast %add3A_533 : i32 to index
            %swap3A_560 = arith.constant 0 : index
            %swap3A_561 = tpu.vector_load %run_scoped3A_13[%swap3A_558, %swap3A_559, %swap3A_560] {strides = array<i32>} : memref<2x64x80xf32, #tpu.memory_space<vmem>>, vector<16xf32>,
            tpu.vector_store %run_scoped3A_13[%swap3A_558, %swap3A_559, %swap3A_560], %mul3A_539 {strides = array<i32>} : memref<2x64x80xf32, #tpu.memory_space<vmem>>, vector<16xf32>,
            %swap3A_562 = arith.index_cast %rem3A_133 : i32 to index
            %swap3A_563 = arith.index_cast %add3A_533 : i32 to index
            %swap3A_564 = arith.constant 16 : index
            %swap3A_565 = tpu.vector_load %run_scoped3A_13[%swap3A_562, %swap3A_563, %swap3A_564] {strides = array<i32>} : memref<2x64x80xf32, #tpu.memory_space<vmem>>, vector<16xf32>,
            tpu.vector_store %run_scoped3A_13[%swap3A_562, %swap3A_563, %swap3A_564], %mul3A_545 {strides = array<i32>} : memref<2x64x80xf32, #tpu.memory_space<vmem>>, vector<16xf32>,
            %swap3A_566 = arith.index_cast %rem3A_133 : i32 to index
            %swap3A_567 = arith.index_cast %add3A_533 : i32 to index
            %swap3A_568 = arith.constant 32 : index
            %swap3A_569 = tpu.vector_load %run_scoped3A_13[%swap3A_566, %swap3A_567, %swap3A_568] {strides = array<i32>} : memref<2x64x80xf32, #tpu.memory_space<vmem>>, vector<16xf32>,
            tpu.vector_store %run_scoped3A_13[%swap3A_566, %swap3A_567, %swap3A_568], %mul3A_551 {strides = array<i32>} : memref<2x64x80xf32, #tpu.memory_space<vmem>>, vector<16xf32>,
            %swap3A_570 = arith.index_cast %rem3A_133 : i32 to index
            %swap3A_571 = arith.index_cast %add3A_533 : i32 to index
            %swap3A_572 = arith.constant 48 : index
            %swap3A_573 = tpu.vector_load %run_scoped3A_13[%swap3A_570, %swap3A_571, %swap3A_572] {strides = array<i32>} : memref<2x64x80xf32, #tpu.memory_space<vmem>>, vector<16xf32>,
            tpu.vector_store %run_scoped3A_13[%swap3A_570, %swap3A_571, %swap3A_572], %mul3A_557 {strides = array<i32>} : memref<2x64x80xf32, #tpu.memory_space<vmem>>, vector<16xf32>,
            %broadcast_in_dim3A_574 = vector.broadcast %squeeze3A_531 : f32 to vector<16xf32>
            %swap3A_575 = arith.index_cast %rem3A_133 : i32 to index
            %swap3A_576 = arith.index_cast %add3A_533 : i32 to index
            %swap3A_577 = arith.constant 64 : index
            %swap3A_578 = tpu.vector_load %run_scoped3A_13[%swap3A_575, %swap3A_576, %swap3A_577] {strides = array<i32>} : memref<2x64x80xf32, #tpu.memory_space<vmem>>, vector<16xf32>,
            tpu.vector_store %run_scoped3A_13[%swap3A_575, %swap3A_576, %swap3A_577], %broadcast_in_dim3A_574 {strides = array<i32>} : memref<2x64x80xf32, #tpu.memory_space<vmem>>, vector<16xf32>,
            %slice3A_579 = vector.extract_strided_slice %get3A_190 {offsets = [8], sizes = [1], strides = [1]} : vector<16xf32> to vector<1xf32>
            %squeeze3A_580 = vector.extract %slice3A_579[0] : f32 from vector<1xf32>
            %add3A_581 = arith.constant 8 : i32
            %add3A_582 = arith.addi %mul3A_189, %add3A_581 : i32
            %get3A_583 = arith.index_cast %rem3A_133 : i32 to index
            %get3A_584 = arith.index_cast %add3A_582 : i32 to index
            %get3A_585 = arith.constant 0 : index
            %get3A_586 = tpu.vector_load %run_scoped3A_13[%get3A_583, %get3A_584, %get3A_585] {strides = array<i32>} : memref<2x64x80xf32, #tpu.memory_space<vmem>>, vector<16xf32>,
            %mul3A_587 = vector.broadcast %squeeze3A_580 : f32 to vector<16xf32>
            %mul3A_588 = arith.mulf %get3A_586, %mul3A_587 : vector<16xf32>
            %get3A_589 = arith.index_cast %rem3A_133 : i32 to index
            %get3A_590 = arith.index_cast %add3A_582 : i32 to index
            %get3A_591 = arith.constant 16 : index
            %get3A_592 = tpu.vector_load %run_scoped3A_13[%get3A_589, %get3A_590, %get3A_591] {strides = array<i32>} : memref<2x64x80xf32, #tpu.memory_space<vmem>>, vector<16xf32>,
            %mul3A_593 = vector.broadcast %squeeze3A_580 : f32 to vector<16xf32>
            %mul3A_594 = arith.mulf %get3A_592, %mul3A_593 : vector<16xf32>
            %get3A_595 = arith.index_cast %rem3A_133 : i32 to index
            %get3A_596 = arith.index_cast %add3A_582 : i32 to index
            %get3A_597 = arith.constant 32 : index
            %get3A_598 = tpu.vector_load %run_scoped3A_13[%get3A_595, %get3A_596, %get3A_597] {strides = array<i32>} : memref<2x64x80xf32, #tpu.memory_space<vmem>>, vector<16xf32>,
            %mul3A_599 = vector.broadcast %squeeze3A_580 : f32 to vector<16xf32>
            %mul3A_600 = arith.mulf %get3A_598, %mul3A_599 : vector<16xf32>
            %get3A_601 = arith.index_cast %rem3A_133 : i32 to index
            %get3A_602 = arith.index_cast %add3A_582 : i32 to index
            %get3A_603 = arith.constant 48 : index
            %get3A_604 = tpu.vector_load %run_scoped3A_13[%get3A_601, %get3A_602, %get3A_603] {strides = array<i32>} : memref<2x64x80xf32, #tpu.memory_space<vmem>>, vector<16xf32>,
            %mul3A_605 = vector.broadcast %squeeze3A_580 : f32 to vector<16xf32>
            %mul3A_606 = arith.mulf %get3A_604, %mul3A_605 : vector<16xf32>
            %swap3A_607 = arith.index_cast %rem3A_133 : i32 to index
            %swap3A_608 = arith.index_cast %add3A_582 : i32 to index
            %swap3A_609 = arith.constant 0 : index
            %swap3A_610 = tpu.vector_load %run_scoped3A_13[%swap3A_607, %swap3A_608, %swap3A_609] {strides = array<i32>} : memref<2x64x80xf32, #tpu.memory_space<vmem>>, vector<16xf32>,
            tpu.vector_store %run_scoped3A_13[%swap3A_607, %swap3A_608, %swap3A_609], %mul3A_588 {strides = array<i32>} : memref<2x64x80xf32, #tpu.memory_space<vmem>>, vector<16xf32>,
            %swap3A_611 = arith.index_cast %rem3A_133 : i32 to index
            %swap3A_612 = arith.index_cast %add3A_582 : i32 to index
            %swap3A_613 = arith.constant 16 : index
            %swap3A_614 = tpu.vector_load %run_scoped3A_13[%swap3A_611, %swap3A_612, %swap3A_613] {strides = array<i32>} : memref<2x64x80xf32, #tpu.memory_space<vmem>>, vector<16xf32>,
            tpu.vector_store %run_scoped3A_13[%swap3A_611, %swap3A_612, %swap3A_613], %mul3A_594 {strides = array<i32>} : memref<2x64x80xf32, #tpu.memory_space<vmem>>, vector<16xf32>,
            %swap3A_615 = arith.index_cast %rem3A_133 : i32 to index
            %swap3A_616 = arith.index_cast %add3A_582 : i32 to index
            %swap3A_617 = arith.constant 32 : index
            %swap3A_618 = tpu.vector_load %run_scoped3A_13[%swap3A_615, %swap3A_616, %swap3A_617] {strides = array<i32>} : memref<2x64x80xf32, #tpu.memory_space<vmem>>, vector<16xf32>,
            tpu.vector_store %run_scoped3A_13[%swap3A_615, %swap3A_616, %swap3A_617], %mul3A_600 {strides = array<i32>} : memref<2x64x80xf32, #tpu.memory_space<vmem>>, vector<16xf32>,
            %swap3A_619 = arith.index_cast %rem3A_133 : i32 to index
            %swap3A_620 = arith.index_cast %add3A_582 : i32 to index
            %swap3A_621 = arith.constant 48 : index
            %swap3A_622 = tpu.vector_load %run_scoped3A_13[%swap3A_619, %swap3A_620, %swap3A_621] {strides = array<i32>} : memref<2x64x80xf32, #tpu.memory_space<vmem>>, vector<16xf32>,
            tpu.vector_store %run_scoped3A_13[%swap3A_619, %swap3A_620, %swap3A_621], %mul3A_606 {strides = array<i32>} : memref<2x64x80xf32, #tpu.memory_space<vmem>>, vector<16xf32>,
            %broadcast_in_dim3A_623 = vector.broadcast %squeeze3A_580 : f32 to vector<16xf32>
            %swap3A_624 = arith.index_cast %rem3A_133 : i32 to index
            %swap3A_625 = arith.index_cast %add3A_582 : i32 to index
            %swap3A_626 = arith.constant 64 : index
            %swap3A_627 = tpu.vector_load %run_scoped3A_13[%swap3A_624, %swap3A_625, %swap3A_626] {strides = array<i32>} : memref<2x64x80xf32, #tpu.memory_space<vmem>>, vector<16xf32>,
            tpu.vector_store %run_scoped3A_13[%swap3A_624, %swap3A_625, %swap3A_626], %broadcast_in_dim3A_623 {strides = array<i32>} : memref<2x64x80xf32, #tpu.memory_space<vmem>>, vector<16xf32>,
            %slice3A_628 = vector.extract_strided_slice %get3A_190 {offsets = [9], sizes = [1], strides = [1]} : vector<16xf32> to vector<1xf32>
            %squeeze3A_629 = vector.extract %slice3A_628[0] : f32 from vector<1xf32>
            %add3A_630 = arith.constant 9 : i32
            %add3A_631 = arith.addi %mul3A_189, %add3A_630 : i32
            %get3A_632 = arith.index_cast %rem3A_133 : i32 to index
            %get3A_633 = arith.index_cast %add3A_631 : i32 to index
            %get3A_634 = arith.constant 0 : index
            %get3A_635 = tpu.vector_load %run_scoped3A_13[%get3A_632, %get3A_633, %get3A_634] {strides = array<i32>} : memref<2x64x80xf32, #tpu.memory_space<vmem>>, vector<16xf32>,
            %mul3A_636 = vector.broadcast %squeeze3A_629 : f32 to vector<16xf32>
            %mul3A_637 = arith.mulf %get3A_635, %mul3A_636 : vector<16xf32>
            %get3A_638 = arith.index_cast %rem3A_133 : i32 to index
            %get3A_639 = arith.index_cast %add3A_631 : i32 to index
            %get3A_640 = arith.constant 16 : index
            %get3A_641 = tpu.vector_load %run_scoped3A_13[%get3A_638, %get3A_639, %get3A_640] {strides = array<i32>} : memref<2x64x80xf32, #tpu.memory_space<vmem>>, vector<16xf32>,
            %mul3A_642 = vector.broadcast %squeeze3A_629 : f32 to vector<16xf32>
            %mul3A_643 = arith.mulf %get3A_641, %mul3A_642 : vector<16xf32>
            %get3A_644 = arith.index_cast %rem3A_133 : i32 to index
            %get3A_645 = arith.index_cast %add3A_631 : i32 to index
            %get3A_646 = arith.constant 32 : index
            %get3A_647 = tpu.vector_load %run_scoped3A_13[%get3A_644, %get3A_645, %get3A_646] {strides = array<i32>} : memref<2x64x80xf32, #tpu.memory_space<vmem>>, vector<16xf32>,
            %mul3A_648 = vector.broadcast %squeeze3A_629 : f32 to vector<16xf32>
            %mul3A_649 = arith.mulf %get3A_647, %mul3A_648 : vector<16xf32>
            %get3A_650 = arith.index_cast %rem3A_133 : i32 to index
            %get3A_651 = arith.index_cast %add3A_631 : i32 to index
            %get3A_652 = arith.constant 48 : index
            %get3A_653 = tpu.vector_load %run_scoped3A_13[%get3A_650, %get3A_651, %get3A_652] {strides = array<i32>} : memref<2x64x80xf32, #tpu.memory_space<vmem>>, vector<16xf32>,
            %mul3A_654 = vector.broadcast %squeeze3A_629 : f32 to vector<16xf32>
            %mul3A_655 = arith.mulf %get3A_653, %mul3A_654 : vector<16xf32>
            %swap3A_656 = arith.index_cast %rem3A_133 : i32 to index
            %swap3A_657 = arith.index_cast %add3A_631 : i32 to index
            %swap3A_658 = arith.constant 0 : index
            %swap3A_659 = tpu.vector_load %run_scoped3A_13[%swap3A_656, %swap3A_657, %swap3A_658] {strides = array<i32>} : memref<2x64x80xf32, #tpu.memory_space<vmem>>, vector<16xf32>,
            tpu.vector_store %run_scoped3A_13[%swap3A_656, %swap3A_657, %swap3A_658], %mul3A_637 {strides = array<i32>} : memref<2x64x80xf32, #tpu.memory_space<vmem>>, vector<16xf32>,
            %swap3A_660 = arith.index_cast %rem3A_133 : i32 to index
            %swap3A_661 = arith.index_cast %add3A_631 : i32 to index
            %swap3A_662 = arith.constant 16 : index
            %swap3A_663 = tpu.vector_load %run_scoped3A_13[%swap3A_660, %swap3A_661, %swap3A_662] {strides = array<i32>} : memref<2x64x80xf32, #tpu.memory_space<vmem>>, vector<16xf32>,
            tpu.vector_store %run_scoped3A_13[%swap3A_660, %swap3A_661, %swap3A_662], %mul3A_643 {strides = array<i32>} : memref<2x64x80xf32, #tpu.memory_space<vmem>>, vector<16xf32>,
            %swap3A_664 = arith.index_cast %rem3A_133 : i32 to index
            %swap3A_665 = arith.index_cast %add3A_631 : i32 to index
            %swap3A_666 = arith.constant 32 : index
            %swap3A_667 = tpu.vector_load %run_scoped3A_13[%swap3A_664, %swap3A_665, %swap3A_666] {strides = array<i32>} : memref<2x64x80xf32, #tpu.memory_space<vmem>>, vector<16xf32>,
            tpu.vector_store %run_scoped3A_13[%swap3A_664, %swap3A_665, %swap3A_666], %mul3A_649 {strides = array<i32>} : memref<2x64x80xf32, #tpu.memory_space<vmem>>, vector<16xf32>,
            %swap3A_668 = arith.index_cast %rem3A_133 : i32 to index
            %swap3A_669 = arith.index_cast %add3A_631 : i32 to index
            %swap3A_670 = arith.constant 48 : index
            %swap3A_671 = tpu.vector_load %run_scoped3A_13[%swap3A_668, %swap3A_669, %swap3A_670] {strides = array<i32>} : memref<2x64x80xf32, #tpu.memory_space<vmem>>, vector<16xf32>,
            tpu.vector_store %run_scoped3A_13[%swap3A_668, %swap3A_669, %swap3A_670], %mul3A_655 {strides = array<i32>} : memref<2x64x80xf32, #tpu.memory_space<vmem>>, vector<16xf32>,
            %broadcast_in_dim3A_672 = vector.broadcast %squeeze3A_629 : f32 to vector<16xf32>
            %swap3A_673 = arith.index_cast %rem3A_133 : i32 to index
            %swap3A_674 = arith.index_cast %add3A_631 : i32 to index
            %swap3A_675 = arith.constant 64 : index
            %swap3A_676 = tpu.vector_load %run_scoped3A_13[%swap3A_673, %swap3A_674, %swap3A_675] {strides = array<i32>} : memref<2x64x80xf32, #tpu.memory_space<vmem>>, vector<16xf32>,
            tpu.vector_store %run_scoped3A_13[%swap3A_673, %swap3A_674, %swap3A_675], %broadcast_in_dim3A_672 {strides = array<i32>} : memref<2x64x80xf32, #tpu.memory_space<vmem>>, vector<16xf32>,
            %slice3A_677 = vector.extract_strided_slice %get3A_190 {offsets = [10], sizes = [1], strides = [1]} : vector<16xf32> to vector<1xf32>
            %squeeze3A_678 = vector.extract %slice3A_677[0] : f32 from vector<1xf32>
            %add3A_679 = arith.constant 10 : i32
            %add3A_680 = arith.addi %mul3A_189, %add3A_679 : i32
            %get3A_681 = arith.index_cast %rem3A_133 : i32 to index
            %get3A_682 = arith.index_cast %add3A_680 : i32 to index
            %get3A_683 = arith.constant 0 : index
            %get3A_684 = tpu.vector_load %run_scoped3A_13[%get3A_681, %get3A_682, %get3A_683] {strides = array<i32>} : memref<2x64x80xf32, #tpu.memory_space<vmem>>, vector<16xf32>,
            %mul3A_685 = vector.broadcast %squeeze3A_678 : f32 to vector<16xf32>
            %mul3A_686 = arith.mulf %get3A_684, %mul3A_685 : vector<16xf32>
            %get3A_687 = arith.index_cast %rem3A_133 : i32 to index
            %get3A_688 = arith.index_cast %add3A_680 : i32 to index
            %get3A_689 = arith.constant 16 : index
            %get3A_690 = tpu.vector_load %run_scoped3A_13[%get3A_687, %get3A_688, %get3A_689] {strides = array<i32>} : memref<2x64x80xf32, #tpu.memory_space<vmem>>, vector<16xf32>,
            %mul3A_691 = vector.broadcast %squeeze3A_678 : f32 to vector<16xf32>
            %mul3A_692 = arith.mulf %get3A_690, %mul3A_691 : vector<16xf32>
            %get3A_693 = arith.index_cast %rem3A_133 : i32 to index
            %get3A_694 = arith.index_cast %add3A_680 : i32 to index
            %get3A_695 = arith.constant 32 : index
            %get3A_696 = tpu.vector_load %run_scoped3A_13[%get3A_693, %get3A_694, %get3A_695] {strides = array<i32>} : memref<2x64x80xf32, #tpu.memory_space<vmem>>, vector<16xf32>,
            %mul3A_697 = vector.broadcast %squeeze3A_678 : f32 to vector<16xf32>
            %mul3A_698 = arith.mulf %get3A_696, %mul3A_697 : vector<16xf32>
            %get3A_699 = arith.index_cast %rem3A_133 : i32 to index
            %get3A_700 = arith.index_cast %add3A_680 : i32 to index
            %get3A_701 = arith.constant 48 : index
            %get3A_702 = tpu.vector_load %run_scoped3A_13[%get3A_699, %get3A_700, %get3A_701] {strides = array<i32>} : memref<2x64x80xf32, #tpu.memory_space<vmem>>, vector<16xf32>,
            %mul3A_703 = vector.broadcast %squeeze3A_678 : f32 to vector<16xf32>
            %mul3A_704 = arith.mulf %get3A_702, %mul3A_703 : vector<16xf32>
            %swap3A_705 = arith.index_cast %rem3A_133 : i32 to index
            %swap3A_706 = arith.index_cast %add3A_680 : i32 to index
            %swap3A_707 = arith.constant 0 : index
            %swap3A_708 = tpu.vector_load %run_scoped3A_13[%swap3A_705, %swap3A_706, %swap3A_707] {strides = array<i32>} : memref<2x64x80xf32, #tpu.memory_space<vmem>>, vector<16xf32>,
            tpu.vector_store %run_scoped3A_13[%swap3A_705, %swap3A_706, %swap3A_707], %mul3A_686 {strides = array<i32>} : memref<2x64x80xf32, #tpu.memory_space<vmem>>, vector<16xf32>,
            %swap3A_709 = arith.index_cast %rem3A_133 : i32 to index
            %swap3A_710 = arith.index_cast %add3A_680 : i32 to index
            %swap3A_711 = arith.constant 16 : index
            %swap3A_712 = tpu.vector_load %run_scoped3A_13[%swap3A_709, %swap3A_710, %swap3A_711] {strides = array<i32>} : memref<2x64x80xf32, #tpu.memory_space<vmem>>, vector<16xf32>,
            tpu.vector_store %run_scoped3A_13[%swap3A_709, %swap3A_710, %swap3A_711], %mul3A_692 {strides = array<i32>} : memref<2x64x80xf32, #tpu.memory_space<vmem>>, vector<16xf32>,
            %swap3A_713 = arith.index_cast %rem3A_133 : i32 to index
            %swap3A_714 = arith.index_cast %add3A_680 : i32 to index
            %swap3A_715 = arith.constant 32 : index
            %swap3A_716 = tpu.vector_load %run_scoped3A_13[%swap3A_713, %swap3A_714, %swap3A_715] {strides = array<i32>} : memref<2x64x80xf32, #tpu.memory_space<vmem>>, vector<16xf32>,
            tpu.vector_store %run_scoped3A_13[%swap3A_713, %swap3A_714, %swap3A_715], %mul3A_698 {strides = array<i32>} : memref<2x64x80xf32, #tpu.memory_space<vmem>>, vector<16xf32>,
            %swap3A_717 = arith.index_cast %rem3A_133 : i32 to index
            %swap3A_718 = arith.index_cast %add3A_680 : i32 to index
            %swap3A_719 = arith.constant 48 : index
            %swap3A_720 = tpu.vector_load %run_scoped3A_13[%swap3A_717, %swap3A_718, %swap3A_719] {strides = array<i32>} : memref<2x64x80xf32, #tpu.memory_space<vmem>>, vector<16xf32>,
            tpu.vector_store %run_scoped3A_13[%swap3A_717, %swap3A_718, %swap3A_719], %mul3A_704 {strides = array<i32>} : memref<2x64x80xf32, #tpu.memory_space<vmem>>, vector<16xf32>,
            %broadcast_in_dim3A_721 = vector.broadcast %squeeze3A_678 : f32 to vector<16xf32>
            %swap3A_722 = arith.index_cast %rem3A_133 : i32 to index
            %swap3A_723 = arith.index_cast %add3A_680 : i32 to index
            %swap3A_724 = arith.constant 64 : index
            %swap3A_725 = tpu.vector_load %run_scoped3A_13[%swap3A_722, %swap3A_723, %swap3A_724] {strides = array<i32>} : memref<2x64x80xf32, #tpu.memory_space<vmem>>, vector<16xf32>,
            tpu.vector_store %run_scoped3A_13[%swap3A_722, %swap3A_723, %swap3A_724], %broadcast_in_dim3A_721 {strides = array<i32>} : memref<2x64x80xf32, #tpu.memory_space<vmem>>, vector<16xf32>,
            %slice3A_726 = vector.extract_strided_slice %get3A_190 {offsets = [11], sizes = [1], strides = [1]} : vector<16xf32> to vector<1xf32>
            %squeeze3A_727 = vector.extract %slice3A_726[0] : f32 from vector<1xf32>
            %add3A_728 = arith.constant 11 : i32
            %add3A_729 = arith.addi %mul3A_189, %add3A_728 : i32
            %get3A_730 = arith.index_cast %rem3A_133 : i32 to index
            %get3A_731 = arith.index_cast %add3A_729 : i32 to index
            %get3A_732 = arith.constant 0 : index
            %get3A_733 = tpu.vector_load %run_scoped3A_13[%get3A_730, %get3A_731, %get3A_732] {strides = array<i32>} : memref<2x64x80xf32, #tpu.memory_space<vmem>>, vector<16xf32>,
            %mul3A_734 = vector.broadcast %squeeze3A_727 : f32 to vector<16xf32>
            %mul3A_735 = arith.mulf %get3A_733, %mul3A_734 : vector<16xf32>
            %get3A_736 = arith.index_cast %rem3A_133 : i32 to index
            %get3A_737 = arith.index_cast %add3A_729 : i32 to index
            %get3A_738 = arith.constant 16 : index
            %get3A_739 = tpu.vector_load %run_scoped3A_13[%get3A_736, %get3A_737, %get3A_738] {strides = array<i32>} : memref<2x64x80xf32, #tpu.memory_space<vmem>>, vector<16xf32>,
            %mul3A_740 = vector.broadcast %squeeze3A_727 : f32 to vector<16xf32>
            %mul3A_741 = arith.mulf %get3A_739, %mul3A_740 : vector<16xf32>
            %get3A_742 = arith.index_cast %rem3A_133 : i32 to index
            %get3A_743 = arith.index_cast %add3A_729 : i32 to index
            %get3A_744 = arith.constant 32 : index
            %get3A_745 = tpu.vector_load %run_scoped3A_13[%get3A_742, %get3A_743, %get3A_744] {strides = array<i32>} : memref<2x64x80xf32, #tpu.memory_space<vmem>>, vector<16xf32>,
            %mul3A_746 = vector.broadcast %squeeze3A_727 : f32 to vector<16xf32>
            %mul3A_747 = arith.mulf %get3A_745, %mul3A_746 : vector<16xf32>
            %get3A_748 = arith.index_cast %rem3A_133 : i32 to index
            %get3A_749 = arith.index_cast %add3A_729 : i32 to index
            %get3A_750 = arith.constant 48 : index
            %get3A_751 = tpu.vector_load %run_scoped3A_13[%get3A_748, %get3A_749, %get3A_750] {strides = array<i32>} : memref<2x64x80xf32, #tpu.memory_space<vmem>>, vector<16xf32>,
            %mul3A_752 = vector.broadcast %squeeze3A_727 : f32 to vector<16xf32>
            %mul3A_753 = arith.mulf %get3A_751, %mul3A_752 : vector<16xf32>
            %swap3A_754 = arith.index_cast %rem3A_133 : i32 to index
            %swap3A_755 = arith.index_cast %add3A_729 : i32 to index
            %swap3A_756 = arith.constant 0 : index
            %swap3A_757 = tpu.vector_load %run_scoped3A_13[%swap3A_754, %swap3A_755, %swap3A_756] {strides = array<i32>} : memref<2x64x80xf32, #tpu.memory_space<vmem>>, vector<16xf32>,
            tpu.vector_store %run_scoped3A_13[%swap3A_754, %swap3A_755, %swap3A_756], %mul3A_735 {strides = array<i32>} : memref<2x64x80xf32, #tpu.memory_space<vmem>>, vector<16xf32>,
            %swap3A_758 = arith.index_cast %rem3A_133 : i32 to index
            %swap3A_759 = arith.index_cast %add3A_729 : i32 to index
            %swap3A_760 = arith.constant 16 : index
            %swap3A_761 = tpu.vector_load %run_scoped3A_13[%swap3A_758, %swap3A_759, %swap3A_760] {strides = array<i32>} : memref<2x64x80xf32, #tpu.memory_space<vmem>>, vector<16xf32>,
            tpu.vector_store %run_scoped3A_13[%swap3A_758, %swap3A_759, %swap3A_760], %mul3A_741 {strides = array<i32>} : memref<2x64x80xf32, #tpu.memory_space<vmem>>, vector<16xf32>,
            %swap3A_762 = arith.index_cast %rem3A_133 : i32 to index
            %swap3A_763 = arith.index_cast %add3A_729 : i32 to index
            %swap3A_764 = arith.constant 32 : index
            %swap3A_765 = tpu.vector_load %run_scoped3A_13[%swap3A_762, %swap3A_763, %swap3A_764] {strides = array<i32>} : memref<2x64x80xf32, #tpu.memory_space<vmem>>, vector<16xf32>,
            tpu.vector_store %run_scoped3A_13[%swap3A_762, %swap3A_763, %swap3A_764], %mul3A_747 {strides = array<i32>} : memref<2x64x80xf32, #tpu.memory_space<vmem>>, vector<16xf32>,
            %swap3A_766 = arith.index_cast %rem3A_133 : i32 to index
            %swap3A_767 = arith.index_cast %add3A_729 : i32 to index
            %swap3A_768 = arith.constant 48 : index
            %swap3A_769 = tpu.vector_load %run_scoped3A_13[%swap3A_766, %swap3A_767, %swap3A_768] {strides = array<i32>} : memref<2x64x80xf32, #tpu.memory_space<vmem>>, vector<16xf32>,
            tpu.vector_store %run_scoped3A_13[%swap3A_766, %swap3A_767, %swap3A_768], %mul3A_753 {strides = array<i32>} : memref<2x64x80xf32, #tpu.memory_space<vmem>>, vector<16xf32>,
            %broadcast_in_dim3A_770 = vector.broadcast %squeeze3A_727 : f32 to vector<16xf32>
            %swap3A_771 = arith.index_cast %rem3A_133 : i32 to index
            %swap3A_772 = arith.index_cast %add3A_729 : i32 to index
            %swap3A_773 = arith.constant 64 : index
            %swap3A_774 = tpu.vector_load %run_scoped3A_13[%swap3A_771, %swap3A_772, %swap3A_773] {strides = array<i32>} : memref<2x64x80xf32, #tpu.memory_space<vmem>>, vector<16xf32>,
            tpu.vector_store %run_scoped3A_13[%swap3A_771, %swap3A_772, %swap3A_773], %broadcast_in_dim3A_770 {strides = array<i32>} : memref<2x64x80xf32, #tpu.memory_space<vmem>>, vector<16xf32>,
            %slice3A_775 = vector.extract_strided_slice %get3A_190 {offsets = [12], sizes = [1], strides = [1]} : vector<16xf32> to vector<1xf32>
            %squeeze3A_776 = vector.extract %slice3A_775[0] : f32 from vector<1xf32>
            %add3A_777 = arith.constant 12 : i32
            %add3A_778 = arith.addi %mul3A_189, %add3A_777 : i32
            %get3A_779 = arith.index_cast %rem3A_133 : i32 to index
            %get3A_780 = arith.index_cast %add3A_778 : i32 to index
            %get3A_781 = arith.constant 0 : index
            %get3A_782 = tpu.vector_load %run_scoped3A_13[%get3A_779, %get3A_780, %get3A_781] {strides = array<i32>} : memref<2x64x80xf32, #tpu.memory_space<vmem>>, vector<16xf32>,
            %mul3A_783 = vector.broadcast %squeeze3A_776 : f32 to vector<16xf32>
            %mul3A_784 = arith.mulf %get3A_782, %mul3A_783 : vector<16xf32>
            %get3A_785 = arith.index_cast %rem3A_133 : i32 to index
            %get3A_786 = arith.index_cast %add3A_778 : i32 to index
            %get3A_787 = arith.constant 16 : index
            %get3A_788 = tpu.vector_load %run_scoped3A_13[%get3A_785, %get3A_786, %get3A_787] {strides = array<i32>} : memref<2x64x80xf32, #tpu.memory_space<vmem>>, vector<16xf32>,
            %mul3A_789 = vector.broadcast %squeeze3A_776 : f32 to vector<16xf32>
            %mul3A_790 = arith.mulf %get3A_788, %mul3A_789 : vector<16xf32>
            %get3A_791 = arith.index_cast %rem3A_133 : i32 to index
            %get3A_792 = arith.index_cast %add3A_778 : i32 to index
            %get3A_793 = arith.constant 32 : index
            %get3A_794 = tpu.vector_load %run_scoped3A_13[%get3A_791, %get3A_792, %get3A_793] {strides = array<i32>} : memref<2x64x80xf32, #tpu.memory_space<vmem>>, vector<16xf32>,
            %mul3A_795 = vector.broadcast %squeeze3A_776 : f32 to vector<16xf32>
            %mul3A_796 = arith.mulf %get3A_794, %mul3A_795 : vector<16xf32>
            %get3A_797 = arith.index_cast %rem3A_133 : i32 to index
            %get3A_798 = arith.index_cast %add3A_778 : i32 to index
            %get3A_799 = arith.constant 48 : index
            %get3A_800 = tpu.vector_load %run_scoped3A_13[%get3A_797, %get3A_798, %get3A_799] {strides = array<i32>} : memref<2x64x80xf32, #tpu.memory_space<vmem>>, vector<16xf32>,
            %mul3A_801 = vector.broadcast %squeeze3A_776 : f32 to vector<16xf32>
            %mul3A_802 = arith.mulf %get3A_800, %mul3A_801 : vector<16xf32>
            %swap3A_803 = arith.index_cast %rem3A_133 : i32 to index
            %swap3A_804 = arith.index_cast %add3A_778 : i32 to index
            %swap3A_805 = arith.constant 0 : index
            %swap3A_806 = tpu.vector_load %run_scoped3A_13[%swap3A_803, %swap3A_804, %swap3A_805] {strides = array<i32>} : memref<2x64x80xf32, #tpu.memory_space<vmem>>, vector<16xf32>,
            tpu.vector_store %run_scoped3A_13[%swap3A_803, %swap3A_804, %swap3A_805], %mul3A_784 {strides = array<i32>} : memref<2x64x80xf32, #tpu.memory_space<vmem>>, vector<16xf32>,
            %swap3A_807 = arith.index_cast %rem3A_133 : i32 to index
            %swap3A_808 = arith.index_cast %add3A_778 : i32 to index
            %swap3A_809 = arith.constant 16 : index
            %swap3A_810 = tpu.vector_load %run_scoped3A_13[%swap3A_807, %swap3A_808, %swap3A_809] {strides = array<i32>} : memref<2x64x80xf32, #tpu.memory_space<vmem>>, vector<16xf32>,
            tpu.vector_store %run_scoped3A_13[%swap3A_807, %swap3A_808, %swap3A_809], %mul3A_790 {strides = array<i32>} : memref<2x64x80xf32, #tpu.memory_space<vmem>>, vector<16xf32>,
            %swap3A_811 = arith.index_cast %rem3A_133 : i32 to index
            %swap3A_812 = arith.index_cast %add3A_778 : i32 to index
            %swap3A_813 = arith.constant 32 : index
            %swap3A_814 = tpu.vector_load %run_scoped3A_13[%swap3A_811, %swap3A_812, %swap3A_813] {strides = array<i32>} : memref<2x64x80xf32, #tpu.memory_space<vmem>>, vector<16xf32>,
            tpu.vector_store %run_scoped3A_13[%swap3A_811, %swap3A_812, %swap3A_813], %mul3A_796 {strides = array<i32>} : memref<2x64x80xf32, #tpu.memory_space<vmem>>, vector<16xf32>,
            %swap3A_815 = arith.index_cast %rem3A_133 : i32 to index
            %swap3A_816 = arith.index_cast %add3A_778 : i32 to index
            %swap3A_817 = arith.constant 48 : index
            %swap3A_818 = tpu.vector_load %run_scoped3A_13[%swap3A_815, %swap3A_816, %swap3A_817] {strides = array<i32>} : memref<2x64x80xf32, #tpu.memory_space<vmem>>, vector<16xf32>,
            tpu.vector_store %run_scoped3A_13[%swap3A_815, %swap3A_816, %swap3A_817], %mul3A_802 {strides = array<i32>} : memref<2x64x80xf32, #tpu.memory_space<vmem>>, vector<16xf32>,
            %broadcast_in_dim3A_819 = vector.broadcast %squeeze3A_776 : f32 to vector<16xf32>
            %swap3A_820 = arith.index_cast %rem3A_133 : i32 to index
            %swap3A_821 = arith.index_cast %add3A_778 : i32 to index
            %swap3A_822 = arith.constant 64 : index
            %swap3A_823 = tpu.vector_load %run_scoped3A_13[%swap3A_820, %swap3A_821, %swap3A_822] {strides = array<i32>} : memref<2x64x80xf32, #tpu.memory_space<vmem>>, vector<16xf32>,
            tpu.vector_store %run_scoped3A_13[%swap3A_820, %swap3A_821, %swap3A_822], %broadcast_in_dim3A_819 {strides = array<i32>} : memref<2x64x80xf32, #tpu.memory_space<vmem>>, vector<16xf32>,
            %slice3A_824 = vector.extract_strided_slice %get3A_190 {offsets = [13], sizes = [1], strides = [1]} : vector<16xf32> to vector<1xf32>
            %squeeze3A_825 = vector.extract %slice3A_824[0] : f32 from vector<1xf32>
            %add3A_826 = arith.constant 13 : i32
            %add3A_827 = arith.addi %mul3A_189, %add3A_826 : i32
            %get3A_828 = arith.index_cast %rem3A_133 : i32 to index
            %get3A_829 = arith.index_cast %add3A_827 : i32 to index
            %get3A_830 = arith.constant 0 : index
            %get3A_831 = tpu.vector_load %run_scoped3A_13[%get3A_828, %get3A_829, %get3A_830] {strides = array<i32>} : memref<2x64x80xf32, #tpu.memory_space<vmem>>, vector<16xf32>,
            %mul3A_832 = vector.broadcast %squeeze3A_825 : f32 to vector<16xf32>
            %mul3A_833 = arith.mulf %get3A_831, %mul3A_832 : vector<16xf32>
            %get3A_834 = arith.index_cast %rem3A_133 : i32 to index
            %get3A_835 = arith.index_cast %add3A_827 : i32 to index
            %get3A_836 = arith.constant 16 : index
            %get3A_837 = tpu.vector_load %run_scoped3A_13[%get3A_834, %get3A_835, %get3A_836] {strides = array<i32>} : memref<2x64x80xf32, #tpu.memory_space<vmem>>, vector<16xf32>,
            %mul3A_838 = vector.broadcast %squeeze3A_825 : f32 to vector<16xf32>
            %mul3A_839 = arith.mulf %get3A_837, %mul3A_838 : vector<16xf32>
            %get3A_840 = arith.index_cast %rem3A_133 : i32 to index
            %get3A_841 = arith.index_cast %add3A_827 : i32 to index
            %get3A_842 = arith.constant 32 : index
            %get3A_843 = tpu.vector_load %run_scoped3A_13[%get3A_840, %get3A_841, %get3A_842] {strides = array<i32>} : memref<2x64x80xf32, #tpu.memory_space<vmem>>, vector<16xf32>,
            %mul3A_844 = vector.broadcast %squeeze3A_825 : f32 to vector<16xf32>
            %mul3A_845 = arith.mulf %get3A_843, %mul3A_844 : vector<16xf32>
            %get3A_846 = arith.index_cast %rem3A_133 : i32 to index
            %get3A_847 = arith.index_cast %add3A_827 : i32 to index
            %get3A_848 = arith.constant 48 : index
            %get3A_849 = tpu.vector_load %run_scoped3A_13[%get3A_846, %get3A_847, %get3A_848] {strides = array<i32>} : memref<2x64x80xf32, #tpu.memory_space<vmem>>, vector<16xf32>,
            %mul3A_850 = vector.broadcast %squeeze3A_825 : f32 to vector<16xf32>
            %mul3A_851 = arith.mulf %get3A_849, %mul3A_850 : vector<16xf32>
            %swap3A_852 = arith.index_cast %rem3A_133 : i32 to index
            %swap3A_853 = arith.index_cast %add3A_827 : i32 to index
            %swap3A_854 = arith.constant 0 : index
            %swap3A_855 = tpu.vector_load %run_scoped3A_13[%swap3A_852, %swap3A_853, %swap3A_854] {strides = array<i32>} : memref<2x64x80xf32, #tpu.memory_space<vmem>>, vector<16xf32>,
            tpu.vector_store %run_scoped3A_13[%swap3A_852, %swap3A_853, %swap3A_854], %mul3A_833 {strides = array<i32>} : memref<2x64x80xf32, #tpu.memory_space<vmem>>, vector<16xf32>,
            %swap3A_856 = arith.index_cast %rem3A_133 : i32 to index
            %swap3A_857 = arith.index_cast %add3A_827 : i32 to index
            %swap3A_858 = arith.constant 16 : index
            %swap3A_859 = tpu.vector_load %run_scoped3A_13[%swap3A_856, %swap3A_857, %swap3A_858] {strides = array<i32>} : memref<2x64x80xf32, #tpu.memory_space<vmem>>, vector<16xf32>,
            tpu.vector_store %run_scoped3A_13[%swap3A_856, %swap3A_857, %swap3A_858], %mul3A_839 {strides = array<i32>} : memref<2x64x80xf32, #tpu.memory_space<vmem>>, vector<16xf32>,
            %swap3A_860 = arith.index_cast %rem3A_133 : i32 to index
            %swap3A_861 = arith.index_cast %add3A_827 : i32 to index
            %swap3A_862 = arith.constant 32 : index
            %swap3A_863 = tpu.vector_load %run_scoped3A_13[%swap3A_860, %swap3A_861, %swap3A_862] {strides = array<i32>} : memref<2x64x80xf32, #tpu.memory_space<vmem>>, vector<16xf32>,
            tpu.vector_store %run_scoped3A_13[%swap3A_860, %swap3A_861, %swap3A_862], %mul3A_845 {strides = array<i32>} : memref<2x64x80xf32, #tpu.memory_space<vmem>>, vector<16xf32>,
            %swap3A_864 = arith.index_cast %rem3A_133 : i32 to index
            %swap3A_865 = arith.index_cast %add3A_827 : i32 to index
            %swap3A_866 = arith.constant 48 : index
            %swap3A_867 = tpu.vector_load %run_scoped3A_13[%swap3A_864, %swap3A_865, %swap3A_866] {strides = array<i32>} : memref<2x64x80xf32, #tpu.memory_space<vmem>>, vector<16xf32>,
            tpu.vector_store %run_scoped3A_13[%swap3A_864, %swap3A_865, %swap3A_866], %mul3A_851 {strides = array<i32>} : memref<2x64x80xf32, #tpu.memory_space<vmem>>, vector<16xf32>,
            %broadcast_in_dim3A_868 = vector.broadcast %squeeze3A_825 : f32 to vector<16xf32>
            %swap3A_869 = arith.index_cast %rem3A_133 : i32 to index
            %swap3A_870 = arith.index_cast %add3A_827 : i32 to index
            %swap3A_871 = arith.constant 64 : index
            %swap3A_872 = tpu.vector_load %run_scoped3A_13[%swap3A_869, %swap3A_870, %swap3A_871] {strides = array<i32>} : memref<2x64x80xf32, #tpu.memory_space<vmem>>, vector<16xf32>,
            tpu.vector_store %run_scoped3A_13[%swap3A_869, %swap3A_870, %swap3A_871], %broadcast_in_dim3A_868 {strides = array<i32>} : memref<2x64x80xf32, #tpu.memory_space<vmem>>, vector<16xf32>,
            %slice3A_873 = vector.extract_strided_slice %get3A_190 {offsets = [14], sizes = [1], strides = [1]} : vector<16xf32> to vector<1xf32>
            %squeeze3A_874 = vector.extract %slice3A_873[0] : f32 from vector<1xf32>
            %add3A_875 = arith.constant 14 : i32
            %add3A_876 = arith.addi %mul3A_189, %add3A_875 : i32
            %get3A_877 = arith.index_cast %rem3A_133 : i32 to index
            %get3A_878 = arith.index_cast %add3A_876 : i32 to index
            %get3A_879 = arith.constant 0 : index
            %get3A_880 = tpu.vector_load %run_scoped3A_13[%get3A_877, %get3A_878, %get3A_879] {strides = array<i32>} : memref<2x64x80xf32, #tpu.memory_space<vmem>>, vector<16xf32>,
            %mul3A_881 = vector.broadcast %squeeze3A_874 : f32 to vector<16xf32>
            %mul3A_882 = arith.mulf %get3A_880, %mul3A_881 : vector<16xf32>
            %get3A_883 = arith.index_cast %rem3A_133 : i32 to index
            %get3A_884 = arith.index_cast %add3A_876 : i32 to index
            %get3A_885 = arith.constant 16 : index
            %get3A_886 = tpu.vector_load %run_scoped3A_13[%get3A_883, %get3A_884, %get3A_885] {strides = array<i32>} : memref<2x64x80xf32, #tpu.memory_space<vmem>>, vector<16xf32>,
            %mul3A_887 = vector.broadcast %squeeze3A_874 : f32 to vector<16xf32>
            %mul3A_888 = arith.mulf %get3A_886, %mul3A_887 : vector<16xf32>
            %get3A_889 = arith.index_cast %rem3A_133 : i32 to index
            %get3A_890 = arith.index_cast %add3A_876 : i32 to index
            %get3A_891 = arith.constant 32 : index
            %get3A_892 = tpu.vector_load %run_scoped3A_13[%get3A_889, %get3A_890, %get3A_891] {strides = array<i32>} : memref<2x64x80xf32, #tpu.memory_space<vmem>>, vector<16xf32>,
            %mul3A_893 = vector.broadcast %squeeze3A_874 : f32 to vector<16xf32>
            %mul3A_894 = arith.mulf %get3A_892, %mul3A_893 : vector<16xf32>
            %get3A_895 = arith.index_cast %rem3A_133 : i32 to index
            %get3A_896 = arith.index_cast %add3A_876 : i32 to index
            %get3A_897 = arith.constant 48 : index
            %get3A_898 = tpu.vector_load %run_scoped3A_13[%get3A_895, %get3A_896, %get3A_897] {strides = array<i32>} : memref<2x64x80xf32, #tpu.memory_space<vmem>>, vector<16xf32>,
            %mul3A_899 = vector.broadcast %squeeze3A_874 : f32 to vector<16xf32>
            %mul3A_900 = arith.mulf %get3A_898, %mul3A_899 : vector<16xf32>
            %swap3A_901 = arith.index_cast %rem3A_133 : i32 to index
            %swap3A_902 = arith.index_cast %add3A_876 : i32 to index
            %swap3A_903 = arith.constant 0 : index
            %swap3A_904 = tpu.vector_load %run_scoped3A_13[%swap3A_901, %swap3A_902, %swap3A_903] {strides = array<i32>} : memref<2x64x80xf32, #tpu.memory_space<vmem>>, vector<16xf32>,
            tpu.vector_store %run_scoped3A_13[%swap3A_901, %swap3A_902, %swap3A_903], %mul3A_882 {strides = array<i32>} : memref<2x64x80xf32, #tpu.memory_space<vmem>>, vector<16xf32>,
            %swap3A_905 = arith.index_cast %rem3A_133 : i32 to index
            %swap3A_906 = arith.index_cast %add3A_876 : i32 to index
            %swap3A_907 = arith.constant 16 : index
            %swap3A_908 = tpu.vector_load %run_scoped3A_13[%swap3A_905, %swap3A_906, %swap3A_907] {strides = array<i32>} : memref<2x64x80xf32, #tpu.memory_space<vmem>>, vector<16xf32>,
            tpu.vector_store %run_scoped3A_13[%swap3A_905, %swap3A_906, %swap3A_907], %mul3A_888 {strides = array<i32>} : memref<2x64x80xf32, #tpu.memory_space<vmem>>, vector<16xf32>,
            %swap3A_909 = arith.index_cast %rem3A_133 : i32 to index
            %swap3A_910 = arith.index_cast %add3A_876 : i32 to index
            %swap3A_911 = arith.constant 32 : index
            %swap3A_912 = tpu.vector_load %run_scoped3A_13[%swap3A_909, %swap3A_910, %swap3A_911] {strides = array<i32>} : memref<2x64x80xf32, #tpu.memory_space<vmem>>, vector<16xf32>,
            tpu.vector_store %run_scoped3A_13[%swap3A_909, %swap3A_910, %swap3A_911], %mul3A_894 {strides = array<i32>} : memref<2x64x80xf32, #tpu.memory_space<vmem>>, vector<16xf32>,
            %swap3A_913 = arith.index_cast %rem3A_133 : i32 to index
            %swap3A_914 = arith.index_cast %add3A_876 : i32 to index
            %swap3A_915 = arith.constant 48 : index
            %swap3A_916 = tpu.vector_load %run_scoped3A_13[%swap3A_913, %swap3A_914, %swap3A_915] {strides = array<i32>} : memref<2x64x80xf32, #tpu.memory_space<vmem>>, vector<16xf32>,
            tpu.vector_store %run_scoped3A_13[%swap3A_913, %swap3A_914, %swap3A_915], %mul3A_900 {strides = array<i32>} : memref<2x64x80xf32, #tpu.memory_space<vmem>>, vector<16xf32>,
            %broadcast_in_dim3A_917 = vector.broadcast %squeeze3A_874 : f32 to vector<16xf32>
            %swap3A_918 = arith.index_cast %rem3A_133 : i32 to index
            %swap3A_919 = arith.index_cast %add3A_876 : i32 to index
            %swap3A_920 = arith.constant 64 : index
            %swap3A_921 = tpu.vector_load %run_scoped3A_13[%swap3A_918, %swap3A_919, %swap3A_920] {strides = array<i32>} : memref<2x64x80xf32, #tpu.memory_space<vmem>>, vector<16xf32>,
            tpu.vector_store %run_scoped3A_13[%swap3A_918, %swap3A_919, %swap3A_920], %broadcast_in_dim3A_917 {strides = array<i32>} : memref<2x64x80xf32, #tpu.memory_space<vmem>>, vector<16xf32>,
            %slice3A_922 = vector.extract_strided_slice %get3A_190 {offsets = [15], sizes = [1], strides = [1]} : vector<16xf32> to vector<1xf32>
            %squeeze3A_923 = vector.extract %slice3A_922[0] : f32 from vector<1xf32>
            %add3A_924 = arith.constant 15 : i32
            %add3A_925 = arith.addi %mul3A_189, %add3A_924 : i32
            %get3A_926 = arith.index_cast %rem3A_133 : i32 to index
            %get3A_927 = arith.index_cast %add3A_925 : i32 to index
            %get3A_928 = arith.constant 0 : index
            %get3A_929 = tpu.vector_load %run_scoped3A_13[%get3A_926, %get3A_927, %get3A_928] {strides = array<i32>} : memref<2x64x80xf32, #tpu.memory_space<vmem>>, vector<16xf32>,
            %mul3A_930 = vector.broadcast %squeeze3A_923 : f32 to vector<16xf32>
            %mul3A_931 = arith.mulf %get3A_929, %mul3A_930 : vector<16xf32>
            %get3A_932 = arith.index_cast %rem3A_133 : i32 to index
            %get3A_933 = arith.index_cast %add3A_925 : i32 to index
            %get3A_934 = arith.constant 16 : index
            %get3A_935 = tpu.vector_load %run_scoped3A_13[%get3A_932, %get3A_933, %get3A_934] {strides = array<i32>} : memref<2x64x80xf32, #tpu.memory_space<vmem>>, vector<16xf32>,
            %mul3A_936 = vector.broadcast %squeeze3A_923 : f32 to vector<16xf32>
            %mul3A_937 = arith.mulf %get3A_935, %mul3A_936 : vector<16xf32>
            %get3A_938 = arith.index_cast %rem3A_133 : i32 to index
            %get3A_939 = arith.index_cast %add3A_925 : i32 to index
            %get3A_940 = arith.constant 32 : index
            %get3A_941 = tpu.vector_load %run_scoped3A_13[%get3A_938, %get3A_939, %get3A_940] {strides = array<i32>} : memref<2x64x80xf32, #tpu.memory_space<vmem>>, vector<16xf32>,
            %mul3A_942 = vector.broadcast %squeeze3A_923 : f32 to vector<16xf32>
            %mul3A_943 = arith.mulf %get3A_941, %mul3A_942 : vector<16xf32>
            %get3A_944 = arith.index_cast %rem3A_133 : i32 to index
            %get3A_945 = arith.index_cast %add3A_925 : i32 to index
            %get3A_946 = arith.constant 48 : index
            %get3A_947 = tpu.vector_load %run_scoped3A_13[%get3A_944, %get3A_945, %get3A_946] {strides = array<i32>} : memref<2x64x80xf32, #tpu.memory_space<vmem>>, vector<16xf32>,
            %mul3A_948 = vector.broadcast %squeeze3A_923 : f32 to vector<16xf32>
            %mul3A_949 = arith.mulf %get3A_947, %mul3A_948 : vector<16xf32>
            %swap3A_950 = arith.index_cast %rem3A_133 : i32 to index
            %swap3A_951 = arith.index_cast %add3A_925 : i32 to index
            %swap3A_952 = arith.constant 0 : index
            %swap3A_953 = tpu.vector_load %run_scoped3A_13[%swap3A_950, %swap3A_951, %swap3A_952] {strides = array<i32>} : memref<2x64x80xf32, #tpu.memory_space<vmem>>, vector<16xf32>,
            tpu.vector_store %run_scoped3A_13[%swap3A_950, %swap3A_951, %swap3A_952], %mul3A_931 {strides = array<i32>} : memref<2x64x80xf32, #tpu.memory_space<vmem>>, vector<16xf32>,
            %swap3A_954 = arith.index_cast %rem3A_133 : i32 to index
            %swap3A_955 = arith.index_cast %add3A_925 : i32 to index
            %swap3A_956 = arith.constant 16 : index
            %swap3A_957 = tpu.vector_load %run_scoped3A_13[%swap3A_954, %swap3A_955, %swap3A_956] {strides = array<i32>} : memref<2x64x80xf32, #tpu.memory_space<vmem>>, vector<16xf32>,
            tpu.vector_store %run_scoped3A_13[%swap3A_954, %swap3A_955, %swap3A_956], %mul3A_937 {strides = array<i32>} : memref<2x64x80xf32, #tpu.memory_space<vmem>>, vector<16xf32>,
            %swap3A_958 = arith.index_cast %rem3A_133 : i32 to index
            %swap3A_959 = arith.index_cast %add3A_925 : i32 to index
            %swap3A_960 = arith.constant 32 : index
            %swap3A_961 = tpu.vector_load %run_scoped3A_13[%swap3A_958, %swap3A_959, %swap3A_960] {strides = array<i32>} : memref<2x64x80xf32, #tpu.memory_space<vmem>>, vector<16xf32>,
            tpu.vector_store %run_scoped3A_13[%swap3A_958, %swap3A_959, %swap3A_960], %mul3A_943 {strides = array<i32>} : memref<2x64x80xf32, #tpu.memory_space<vmem>>, vector<16xf32>,
            %swap3A_962 = arith.index_cast %rem3A_133 : i32 to index
            %swap3A_963 = arith.index_cast %add3A_925 : i32 to index
            %swap3A_964 = arith.constant 48 : index
            %swap3A_965 = tpu.vector_load %run_scoped3A_13[%swap3A_962, %swap3A_963, %swap3A_964] {strides = array<i32>} : memref<2x64x80xf32, #tpu.memory_space<vmem>>, vector<16xf32>,
            tpu.vector_store %run_scoped3A_13[%swap3A_962, %swap3A_963, %swap3A_964], %mul3A_949 {strides = array<i32>} : memref<2x64x80xf32, #tpu.memory_space<vmem>>, vector<16xf32>,
            %broadcast_in_dim3A_966 = vector.broadcast %squeeze3A_923 : f32 to vector<16xf32>
            %swap3A_967 = arith.index_cast %rem3A_133 : i32 to index
            %swap3A_968 = arith.index_cast %add3A_925 : i32 to index
            %swap3A_969 = arith.constant 64 : index
            %swap3A_970 = tpu.vector_load %run_scoped3A_13[%swap3A_967, %swap3A_968, %swap3A_969] {strides = array<i32>} : memref<2x64x80xf32, #tpu.memory_space<vmem>>, vector<16xf32>,
            tpu.vector_store %run_scoped3A_13[%swap3A_967, %swap3A_968, %swap3A_969], %broadcast_in_dim3A_966 {strides = array<i32>} : memref<2x64x80xf32, #tpu.memory_space<vmem>>, vector<16xf32>,
          }
          %scan3A_168 = arith.constant 4 : i32
          %rem3A_169 = arith.constant 2 : i32
          %rem3A_170 = arith.remsi %scan3A_119, %rem3A_169 : i32
          %mul3A_171 = arith.constant 2 : i32
          %mul3A_172 = arith.muli %scan3A_128, %mul3A_171 : i32
          %add3A_173 = arith.constant 1 : i32
          %add3A_174 = arith.addi %mul3A_172, %add3A_173 : i32
          %dma_start3A_175 = arith.constant 0 : i32
          %dma_start3A_176 = arith.constant 0 : i32
          %dma_start3A_177 = tpu.memref_slice %run_scoped3A_13[%rem3A_133, %dma_start3A_175, %dma_start3A_176] : memref<2x64x80xf32, #tpu.memory_space<vmem>> -> memref<1x64x80xf32, #tpu.memory_space<vmem>>
          %dma_start3A_178 = tpu.memref_squeeze %dma_start3A_177 : memref<1x64x80xf32, #tpu.memory_space<vmem>> -> memref<64x80xf32, #tpu.memory_space<vmem>>
          %dma_start3A_179 = arith.constant 0 : i32
          %dma_start3A_180 = tpu.memref_slice %arg9[%rem3A_170, %add3A_174, %dma_start3A_179] : memref<2x8x64xi32, #tpu.memory_space<vmem>> -> memref<1x1x64xi32, #tpu.memory_space<vmem>>
          %dma_start3A_181 = tpu.memref_squeeze %dma_start3A_180 : memref<1x1x64xi32, #tpu.memory_space<vmem>> -> memref<64xi32, #tpu.memory_space<vmem>>
          %dma_start3A_182 = arith.constant 0 : i32
          %dma_start3A_183 = arith.constant 0 : i32
          %dma_start3A_184 = tpu.memref_slice %arg8[%dma_start3A_182, %dma_start3A_183] : memref<10016x80xf32, #tpu.memory_space<vmem_shared>> -> memref<10016x80xf32, #tpu.memory_space<vmem_shared>>
          %dma_start3A_185 = tpu.memref_slice %arg12[%rem3A_133] : memref<2x!tpu.dma_semaphore, #tpu.memory_space<semaphore_mem>> -> memref<1x!tpu.dma_semaphore, #tpu.memory_space<semaphore_mem>>
          %dma_start3A_186 = tpu.memref_squeeze %dma_start3A_185 : memref<1x!tpu.dma_semaphore, #tpu.memory_space<semaphore_mem>> -> memref<!tpu.dma_semaphore, #tpu.memory_space<semaphore_mem>>
          tpu.enqueue_indirect_dma source(%dma_start3A_178 : memref<64x80xf32, #tpu.memory_space<vmem>>) target(%dma_start3A_184 : memref<10016x80xf32, #tpu.memory_space<vmem_shared>>) offsets(%dma_start3A_181 : memref<64xi32, #tpu.memory_space<vmem>>) semaphore(%dma_start3A_186 : memref<!tpu.dma_semaphore, #tpu.memory_space<semaphore_mem>>) {add = true}
        }
        %scan3A_127 = arith.constant 4 : i32
      }
      %scan3A_80 = arith.constant 41 : i32
      %rem3A_81 = arith.constant 2 : i32
      %rem3A_82 = arith.constant 2 : i32
      %rem3A_83 = arith.remsi %rem3A_81, %rem3A_82 : i32
      %rem3A_84 = arith.constant 40 : i32
      %rem3A_85 = arith.constant 2 : i32
      %rem3A_86 = arith.remsi %rem3A_84, %rem3A_85 : i32
      %dma_wait3A_87 = arith.constant 5 : i32
      %dma_wait3A_88 = arith.constant 0 : i32
      %dma_wait3A_89 = arith.constant 0 : i32
      %dma_wait3A_90 = tpu.memref_slice %run_scoped3A_13[%rem3A_83, %dma_wait3A_88, %dma_wait3A_89] : memref<2x64x80xf32, #tpu.memory_space<vmem>> -> memref<1x64x80xf32, #tpu.memory_space<vmem>>
      %dma_wait3A_91 = tpu.memref_squeeze %dma_wait3A_90 : memref<1x64x80xf32, #tpu.memory_space<vmem>> -> memref<64x80xf32, #tpu.memory_space<vmem>>
      %dma_wait3A_92 = arith.constant 0 : i32
      %dma_wait3A_93 = tpu.memref_slice %arg9[%rem3A_86, %dma_wait3A_87, %dma_wait3A_92] : memref<2x8x64xi32, #tpu.memory_space<vmem>> -> memref<1x1x64xi32, #tpu.memory_space<vmem>>
      %dma_wait3A_94 = tpu.memref_squeeze %dma_wait3A_93 : memref<1x1x64xi32, #tpu.memory_space<vmem>> -> memref<64xi32, #tpu.memory_space<vmem>>
      %dma_wait3A_95 = arith.constant 0 : i32
      %dma_wait3A_96 = arith.constant 0 : i32
      %dma_wait3A_97 = tpu.memref_slice %arg8[%dma_wait3A_95, %dma_wait3A_96] : memref<10016x80xf32, #tpu.memory_space<vmem_shared>> -> memref<10016x80xf32, #tpu.memory_space<vmem_shared>>
      %dma_wait3A_98 = tpu.memref_slice %arg12[%rem3A_83] : memref<2x!tpu.dma_semaphore, #tpu.memory_space<semaphore_mem>> -> memref<1x!tpu.dma_semaphore, #tpu.memory_space<semaphore_mem>>
      %dma_wait3A_99 = tpu.memref_squeeze %dma_wait3A_98 : memref<1x!tpu.dma_semaphore, #tpu.memory_space<semaphore_mem>> -> memref<!tpu.dma_semaphore, #tpu.memory_space<semaphore_mem>>
      tpu.wait_indirect_dma semaphore(%dma_wait3A_99 : memref<!tpu.dma_semaphore, #tpu.memory_space<semaphore_mem>>) src(%dma_wait3A_91 : memref<64x80xf32, #tpu.memory_space<vmem>>) dst(%dma_wait3A_97 : memref<10016x80xf32, #tpu.memory_space<vmem_shared>>)
      %rem3A_100 = arith.constant 3 : i32
      %rem3A_101 = arith.constant 2 : i32
      %rem3A_102 = arith.remsi %rem3A_100, %rem3A_101 : i32
      %rem3A_103 = arith.constant 40 : i32
      %rem3A_104 = arith.constant 2 : i32
      %rem3A_105 = arith.remsi %rem3A_103, %rem3A_104 : i32
      %dma_wait3A_106 = arith.constant 7 : i32
      %dma_wait3A_107 = arith.constant 0 : i32
      %dma_wait3A_108 = arith.constant 0 : i32
      %dma_wait3A_109 = tpu.memref_slice %run_scoped3A_13[%rem3A_102, %dma_wait3A_107, %dma_wait3A_108] : memref<2x64x80xf32, #tpu.memory_space<vmem>> -> memref<1x64x80xf32, #tpu.memory_space<vmem>>
      %dma_wait3A_110 = tpu.memref_squeeze %dma_wait3A_109 : memref<1x64x80xf32, #tpu.memory_space<vmem>> -> memref<64x80xf32, #tpu.memory_space<vmem>>
      %dma_wait3A_111 = arith.constant 0 : i32
      %dma_wait3A_112 = tpu.memref_slice %arg9[%rem3A_105, %dma_wait3A_106, %dma_wait3A_111] : memref<2x8x64xi32, #tpu.memory_space<vmem>> -> memref<1x1x64xi32, #tpu.memory_space<vmem>>
      %dma_wait3A_113 = tpu.memref_squeeze %dma_wait3A_112 : memref<1x1x64xi32, #tpu.memory_space<vmem>> -> memref<64xi32, #tpu.memory_space<vmem>>
      %dma_wait3A_114 = arith.constant 0 : i32
      %dma_wait3A_115 = arith.constant 0 : i32
      %dma_wait3A_116 = tpu.memref_slice %arg8[%dma_wait3A_114, %dma_wait3A_115] : memref<10016x80xf32, #tpu.memory_space<vmem_shared>> -> memref<10016x80xf32, #tpu.memory_space<vmem_shared>>
      %dma_wait3A_117 = tpu.memref_slice %arg12[%rem3A_102] : memref<2x!tpu.dma_semaphore, #tpu.memory_space<semaphore_mem>> -> memref<1x!tpu.dma_semaphore, #tpu.memory_space<semaphore_mem>>
      %dma_wait3A_118 = tpu.memref_squeeze %dma_wait3A_117 : memref<1x!tpu.dma_semaphore, #tpu.memory_space<semaphore_mem>> -> memref<!tpu.dma_semaphore, #tpu.memory_space<semaphore_mem>>
      tpu.wait_indirect_dma semaphore(%dma_wait3A_118 : memref<!tpu.dma_semaphore, #tpu.memory_space<semaphore_mem>>) src(%dma_wait3A_110 : memref<64x80xf32, #tpu.memory_space<vmem>>) dst(%dma_wait3A_116 : memref<10016x80xf32, #tpu.memory_space<vmem_shared>>)
      tpu.yield
    }) : () -> ()
    %barrier3A_5 = arith.constant 0 : index
    tpu.barrier barrier_id(%barrier3A_5)
    %eq3A = arith.constant 0 : i32
    %eq3A_6 = arith.cmpi eq, %arg0, %eq3A : i32
    %convert_element_type3A = arith.extui %eq3A_6 : i1 to i32
    %cond3A = arith.constant 0 : i32
    %cond3A_7 = arith.cmpi ne, %convert_element_type3A, %cond3A : i32
    scf.if %cond3A_7 {
      "tpu.region"() ({
        %run_scoped3A = tpu.sem_alloc : memref<!tpu.dma_semaphore, #tpu.memory_space<semaphore_mem>>
        %dma_start3A = arith.constant 0 : i32
        %dma_start3A_13 = tpu.memref_slice %arg6[%mul3A_0, %dma_start3A] : memref<10016x80xf32, #tpu.memory_space<hbm>> -> memref<626x80xf32, #tpu.memory_space<hbm>>
        %dma_start3A_14 = arith.constant 0 : i32
        %dma_start3A_15 = tpu.memref_slice %arg8[%mul3A_0, %dma_start3A_14] : memref<10016x80xf32, #tpu.memory_space<vmem_shared>> -> memref<626x80xf32, #tpu.memory_space<vmem_shared>>
        tpu.enqueue_dma source(%dma_start3A_15 : memref<626x80xf32, #tpu.memory_space<vmem_shared>>) target(%dma_start3A_13 : memref<626x80xf32, #tpu.memory_space<hbm>>) target_semaphore(%run_scoped3A : memref<!tpu.dma_semaphore, #tpu.memory_space<semaphore_mem>>)
        %dma_wait3A = arith.constant 0 : i32
        %dma_wait3A_16 = tpu.memref_slice %arg6[%mul3A_0, %dma_wait3A] : memref<10016x80xf32, #tpu.memory_space<hbm>> -> memref<626x80xf32, #tpu.memory_space<hbm>>
        %dma_wait3A_17 = arith.constant 0 : i32
        %dma_wait3A_18 = tpu.memref_slice %arg8[%mul3A_0, %dma_wait3A_17] : memref<10016x80xf32, #tpu.memory_space<vmem_shared>> -> memref<626x80xf32, #tpu.memory_space<vmem_shared>>
        tpu.wait_dma2 semaphore(%run_scoped3A : memref<!tpu.dma_semaphore, #tpu.memory_space<semaphore_mem>>) src(%dma_wait3A_18 : memref<626x80xf32, #tpu.memory_space<vmem_shared>>) dst(%dma_wait3A_16 : memref<626x80xf32, #tpu.memory_space<hbm>>)
        tpu.yield
      }) : () -> ()
    } else {
    }
    %eq3A_8 = arith.constant 1 : i32
    %eq3A_9 = arith.cmpi eq, %arg0, %eq3A_8 : i32
    %convert_element_type3A_10 = arith.extui %eq3A_9 : i1 to i32
    %cond3A_11 = arith.constant 0 : i32
    %cond3A_12 = arith.cmpi ne, %convert_element_type3A_10, %cond3A_11 : i32
    scf.if %cond3A_12 {
      "tpu.region"() ({
        %run_scoped3A = tpu.sem_alloc : memref<!tpu.dma_semaphore, #tpu.memory_space<semaphore_mem>>
        %dma_start3A = arith.constant 0 : i32
        %dma_start3A_13 = tpu.memref_slice %arg7[%mul3A_0, %dma_start3A] : memref<10016x80xf32, #tpu.memory_space<hbm>> -> memref<626x80xf32, #tpu.memory_space<hbm>>
        %dma_start3A_14 = arith.constant 0 : i32
        %dma_start3A_15 = tpu.memref_slice %arg8[%mul3A_0, %dma_start3A_14] : memref<10016x80xf32, #tpu.memory_space<vmem_shared>> -> memref<626x80xf32, #tpu.memory_space<vmem_shared>>
        tpu.enqueue_dma source(%dma_start3A_15 : memref<626x80xf32, #tpu.memory_space<vmem_shared>>) target(%dma_start3A_13 : memref<626x80xf32, #tpu.memory_space<hbm>>) target_semaphore(%run_scoped3A : memref<!tpu.dma_semaphore, #tpu.memory_space<semaphore_mem>>)
        %dma_wait3A = arith.constant 0 : i32
        %dma_wait3A_16 = tpu.memref_slice %arg7[%mul3A_0, %dma_wait3A] : memref<10016x80xf32, #tpu.memory_space<hbm>> -> memref<626x80xf32, #tpu.memory_space<hbm>>
        %dma_wait3A_17 = arith.constant 0 : i32
        %dma_wait3A_18 = tpu.memref_slice %arg8[%mul3A_0, %dma_wait3A_17] : memref<10016x80xf32, #tpu.memory_space<vmem_shared>> -> memref<626x80xf32, #tpu.memory_space<vmem_shared>>
        tpu.wait_dma2 semaphore(%run_scoped3A : memref<!tpu.dma_semaphore, #tpu.memory_space<semaphore_mem>>) src(%dma_wait3A_18 : memref<626x80xf32, #tpu.memory_space<vmem_shared>>) dst(%dma_wait3A_16 : memref<626x80xf32, #tpu.memory_space<hbm>>)
        tpu.yield
      }) : () -> ()
    } else {
    }
    return
  }
}

module attributes {stable_mosaic.version = 14 : i64} {
  func.func @body(%arg0: i32, %arg1: memref<2000x128xf32, #tpu.memory_space<vmem>>, %arg2: memref<128x128xf32, #tpu.memory_space<vmem>>, %arg3: memref<128x144xf32, #tpu.memory_space<vmem>>, %arg4: memref<1x144xf32, #tpu.memory_space<vmem>>, %arg5: memref<128x2xf32, #tpu.memory_space<vmem>>, %arg6: memref<2000x144xf32, #tpu.memory_space<vmem>>, %arg7: memref<2000x2xf32, #tpu.memory_space<vmem>>) attributes {dimension_semantics = [#tpu.dimension_semantics<arbitrary>], iteration_bounds = array<i64: 5>, scalar_prefetch = 0 : i64, scratch_operands = 0 : i64, tpu.core_type = #tpu.core_type<tc>, window_params = [{transform_indices = @transform_0, window_bounds = array<i64: 2000, 128>}, {pipeline_mode = #tpu.pipeline_mode<synchronous>, transform_indices = @transform_1, window_bounds = array<i64: 128, 128>}, {pipeline_mode = #tpu.pipeline_mode<synchronous>, transform_indices = @transform_2, window_bounds = array<i64: 128, 144>}, {pipeline_mode = #tpu.pipeline_mode<synchronous>, transform_indices = @transform_3, window_bounds = array<i64: 1, 144>}, {pipeline_mode = #tpu.pipeline_mode<synchronous>, transform_indices = @transform_4, window_bounds = array<i64: 128, 2>}, {transform_indices = @transform_5, window_bounds = array<i64: 2000, 144>}, {transform_indices = @transform_6, window_bounds = array<i64: 2000, 2>}]} {
    %get3A = arith.constant 0 : index
    %get3A_0 = arith.constant 0 : index
    %get3A_1 = vector.load %arg1[%get3A, %get3A_0] : memref<2000x128xf32, #tpu.memory_space<vmem>>, vector<2000x128xf32>
    %get3A_2 = arith.constant 0 : index
    %get3A_3 = arith.constant 0 : index
    %get3A_4 = vector.load %arg2[%get3A_2, %get3A_3] : memref<128x128xf32, #tpu.memory_space<vmem>>, vector<128x128xf32>
    %dot_general3A = arith.constant dense<0.000000e+00> : vector<2000x128xf32>
    %dot_general3A_5 = tpu.matmul %get3A_1, %get3A_4, %dot_general3A {dimension_numbers = #tpu.dot_dimension_numbers<[1], [0], [0], [1], [0, 0, 1, 1], [], []>, transpose_lhs_hint = false} : vector<2000x128xf32>, vector<128x128xf32>, vector<2000x128xf32> -> vector<2000x128xf32>
    %get3A_6 = arith.constant 0 : index
    %get3A_7 = arith.constant 0 : index
    %get3A_8 = vector.load %arg3[%get3A_6, %get3A_7] : memref<128x144xf32, #tpu.memory_space<vmem>>, vector<128x144xf32>
    %dot_general3A_9 = arith.constant dense<0.000000e+00> : vector<2000x144xf32>
    %dot_general3A_10 = tpu.matmul %dot_general3A_5, %get3A_8, %dot_general3A_9 {dimension_numbers = #tpu.dot_dimension_numbers<[1], [0], [0], [1], [0, 0, 1, 1], [], []>, transpose_lhs_hint = false} : vector<2000x128xf32>, vector<128x144xf32>, vector<2000x144xf32> -> vector<2000x144xf32>
    %get3A_11 = arith.constant 0 : index
    %get3A_12 = arith.constant 0 : index
    %get3A_13 = vector.load %arg4[%get3A_11, %get3A_12] : memref<1x144xf32, #tpu.memory_space<vmem>>, vector<1x144xf32>
    %add3A = vector.broadcast %get3A_13 : vector<1x144xf32> to vector<2000x144xf32>
    %add3A_14 = arith.addf %dot_general3A_10, %add3A : vector<2000x144xf32>
    %swap3A = arith.constant 0 : index
    %swap3A_15 = arith.constant 0 : index
    %swap3A_16 = vector.load %arg6[%swap3A, %swap3A_15] : memref<2000x144xf32, #tpu.memory_space<vmem>>, vector<2000x144xf32>
    tpu.vector_store %arg6[%swap3A, %swap3A_15], %add3A_14 {strides = array<i32>} : memref<2000x144xf32, #tpu.memory_space<vmem>>, vector<2000x144xf32>,
    %get3A_17 = arith.constant 0 : index
    %get3A_18 = arith.constant 0 : index
    %get3A_19 = vector.load %arg5[%get3A_17, %get3A_18] : memref<128x2xf32, #tpu.memory_space<vmem>>, vector<128x2xf32>
    %dot_general3A_20 = arith.constant dense<0.000000e+00> : vector<2000x2xf32>
    %dot_general3A_21 = tpu.matmul %dot_general3A_5, %get3A_19, %dot_general3A_20 {dimension_numbers = #tpu.dot_dimension_numbers<[1], [0], [0], [1], [0, 0, 1, 1], [], []>, transpose_lhs_hint = false} : vector<2000x128xf32>, vector<128x2xf32>, vector<2000x2xf32> -> vector<2000x2xf32>
    %swap3A_22 = arith.constant 0 : index
    %swap3A_23 = arith.constant 0 : index
    %swap3A_24 = vector.load %arg7[%swap3A_22, %swap3A_23] : memref<2000x2xf32, #tpu.memory_space<vmem>>, vector<2000x2xf32>
    tpu.vector_store %arg7[%swap3A_22, %swap3A_23], %dot_general3A_21 {strides = array<i32>} : memref<2000x2xf32, #tpu.memory_space<vmem>>, vector<2000x2xf32>,
    return
  }
  func.func @transform_0(%arg0: i32) -> (i32, i32) {
    %c0_i32 = arith.constant 0 : i32
    %c0_i32_0 = arith.constant 0 : i32
    return %arg0, %c0_i32 : i32, i32
  }
  func.func @transform_1(%arg0: i32) -> (i32, i32) {
    %c0_i32 = arith.constant 0 : i32
    %c0_i32_0 = arith.constant 0 : i32
    %c0_i32_1 = arith.constant 0 : i32
    return %c0_i32, %c0_i32_0 : i32, i32
  }
  func.func @transform_2(%arg0: i32) -> (i32, i32) {
    %c0_i32 = arith.constant 0 : i32
    %c0_i32_0 = arith.constant 0 : i32
    %c0_i32_1 = arith.constant 0 : i32
    return %c0_i32, %c0_i32_0 : i32, i32
  }
  func.func @transform_3(%arg0: i32) -> (i32, i32) {
    %c0_i32 = arith.constant 0 : i32
    %c0_i32_0 = arith.constant 0 : i32
    %c0_i32_1 = arith.constant 0 : i32
    return %c0_i32, %c0_i32_0 : i32, i32
  }
  func.func @transform_4(%arg0: i32) -> (i32, i32) {
    %c0_i32 = arith.constant 0 : i32
    %c0_i32_0 = arith.constant 0 : i32
    %c0_i32_1 = arith.constant 0 : i32
    return %c0_i32, %c0_i32_0 : i32, i32
  }
  func.func @transform_5(%arg0: i32) -> (i32, i32) {
    %c0_i32 = arith.constant 0 : i32
    %c0_i32_0 = arith.constant 0 : i32
    return %arg0, %c0_i32 : i32, i32
  }
  func.func @transform_6(%arg0: i32) -> (i32, i32) {
    %c0_i32 = arith.constant 0 : i32
    %c0_i32_0 = arith.constant 0 : i32
    return %arg0, %c0_i32 : i32, i32
  }
}

module attributes {stable_mosaic.version = 14 : i64} {
  func.func @body(%arg0: i32, %arg1: memref<2000x144xf32, #tpu.memory_space<vmem>>, %arg2: memref<2000x144xf32, #tpu.memory_space<vmem>>, %arg3: memref<1x128xf32, #tpu.memory_space<vmem>>, %arg4: memref<128x64xf32, #tpu.memory_space<vmem>>, %arg5: memref<64x80xf32, #tpu.memory_space<vmem>>, %arg6: memref<1x80xf32, #tpu.memory_space<vmem>>, %arg7: memref<64x2xf32, #tpu.memory_space<vmem>>, %arg8: memref<2000x80xf32, #tpu.memory_space<vmem>>, %arg9: memref<2000x2xf32, #tpu.memory_space<vmem>>) attributes {dimension_semantics = [#tpu.dimension_semantics<arbitrary>], iteration_bounds = array<i64: 5>, scalar_prefetch = 0 : i64, scratch_operands = 0 : i64, tpu.core_type = #tpu.core_type<tc>, window_params = [{transform_indices = @transform_0, window_bounds = array<i64: 2000, 144>}, {transform_indices = @transform_1, window_bounds = array<i64: 2000, 144>}, {pipeline_mode = #tpu.pipeline_mode<synchronous>, transform_indices = @transform_2, window_bounds = array<i64: 1, 128>}, {pipeline_mode = #tpu.pipeline_mode<synchronous>, transform_indices = @transform_3, window_bounds = array<i64: 128, 64>}, {pipeline_mode = #tpu.pipeline_mode<synchronous>, transform_indices = @transform_4, window_bounds = array<i64: 64, 80>}, {pipeline_mode = #tpu.pipeline_mode<synchronous>, transform_indices = @transform_5, window_bounds = array<i64: 1, 80>}, {pipeline_mode = #tpu.pipeline_mode<synchronous>, transform_indices = @transform_6, window_bounds = array<i64: 64, 2>}, {transform_indices = @transform_7, window_bounds = array<i64: 2000, 80>}, {transform_indices = @transform_8, window_bounds = array<i64: 2000, 2>}]} {
    %get3A = arith.constant 0 : index
    %get3A_0 = arith.constant 0 : index
    %get3A_1 = vector.load %arg1[%get3A, %get3A_0] : memref<2000x144xf32, #tpu.memory_space<vmem>>, vector<2000x144xf32>
    %get3A_2 = arith.constant 0 : index
    %get3A_3 = arith.constant 0 : index
    %get3A_4 = vector.load %arg2[%get3A_2, %get3A_3] : memref<2000x144xf32, #tpu.memory_space<vmem>>, vector<2000x144xf32>
    %add3A = arith.addf %get3A_1, %get3A_4 : vector<2000x144xf32>
    %slice3A = vector.extract_strided_slice %add3A {offsets = [0, 0], sizes = [2000, 128], strides = [1, 1]} : vector<2000x144xf32> to vector<2000x128xf32>
    %slice3A_5 = vector.extract_strided_slice %add3A {offsets = [0, 128], sizes = [2000, 1], strides = [1, 1]} : vector<2000x144xf32> to vector<2000x1xf32>
    %div3A = vector.broadcast %slice3A_5 : vector<2000x1xf32> to vector<2000x128xf32>
    %div3A_6 = arith.divf %slice3A, %div3A : vector<2000x128xf32>
    %get3A_7 = arith.constant 0 : index
    %get3A_8 = arith.constant 0 : index
    %get3A_9 = vector.load %arg3[%get3A_7, %get3A_8] : memref<1x128xf32, #tpu.memory_space<vmem>>, vector<1x128xf32>
    %add3A_10 = vector.broadcast %get3A_9 : vector<1x128xf32> to vector<2000x128xf32>
    %add3A_11 = arith.addf %div3A_6, %add3A_10 : vector<2000x128xf32>
    %max3A = arith.constant 0.000000e+00 : f32
    %max3A_12 = vector.broadcast %max3A : f32 to vector<2000x128xf32>
    %max3A_13 = arith.maximumf %add3A_11, %max3A_12 : vector<2000x128xf32>
    %get3A_14 = arith.constant 0 : index
    %get3A_15 = arith.constant 0 : index
    %get3A_16 = vector.load %arg4[%get3A_14, %get3A_15] : memref<128x64xf32, #tpu.memory_space<vmem>>, vector<128x64xf32>
    %dot_general3A = arith.constant dense<0.000000e+00> : vector<2000x64xf32>
    %dot_general3A_17 = tpu.matmul %max3A_13, %get3A_16, %dot_general3A {dimension_numbers = #tpu.dot_dimension_numbers<[1], [0], [0], [1], [0, 0, 1, 1], [], []>, transpose_lhs_hint = false} : vector<2000x128xf32>, vector<128x64xf32>, vector<2000x64xf32> -> vector<2000x64xf32>
    %get3A_18 = arith.constant 0 : index
    %get3A_19 = arith.constant 0 : index
    %get3A_20 = vector.load %arg5[%get3A_18, %get3A_19] : memref<64x80xf32, #tpu.memory_space<vmem>>, vector<64x80xf32>
    %dot_general3A_21 = arith.constant dense<0.000000e+00> : vector<2000x80xf32>
    %dot_general3A_22 = tpu.matmul %dot_general3A_17, %get3A_20, %dot_general3A_21 {dimension_numbers = #tpu.dot_dimension_numbers<[1], [0], [0], [1], [0, 0, 1, 1], [], []>, transpose_lhs_hint = false} : vector<2000x64xf32>, vector<64x80xf32>, vector<2000x80xf32> -> vector<2000x80xf32>
    %get3A_23 = arith.constant 0 : index
    %get3A_24 = arith.constant 0 : index
    %get3A_25 = vector.load %arg6[%get3A_23, %get3A_24] : memref<1x80xf32, #tpu.memory_space<vmem>>, vector<1x80xf32>
    %add3A_26 = vector.broadcast %get3A_25 : vector<1x80xf32> to vector<2000x80xf32>
    %add3A_27 = arith.addf %dot_general3A_22, %add3A_26 : vector<2000x80xf32>
    %swap3A = arith.constant 0 : index
    %swap3A_28 = arith.constant 0 : index
    %swap3A_29 = vector.load %arg8[%swap3A, %swap3A_28] : memref<2000x80xf32, #tpu.memory_space<vmem>>, vector<2000x80xf32>
    tpu.vector_store %arg8[%swap3A, %swap3A_28], %add3A_27 {strides = array<i32>} : memref<2000x80xf32, #tpu.memory_space<vmem>>, vector<2000x80xf32>,
    %get3A_30 = arith.constant 0 : index
    %get3A_31 = arith.constant 0 : index
    %get3A_32 = vector.load %arg7[%get3A_30, %get3A_31] : memref<64x2xf32, #tpu.memory_space<vmem>>, vector<64x2xf32>
    %dot_general3A_33 = arith.constant dense<0.000000e+00> : vector<2000x2xf32>
    %dot_general3A_34 = tpu.matmul %dot_general3A_17, %get3A_32, %dot_general3A_33 {dimension_numbers = #tpu.dot_dimension_numbers<[1], [0], [0], [1], [0, 0, 1, 1], [], []>, transpose_lhs_hint = false} : vector<2000x64xf32>, vector<64x2xf32>, vector<2000x2xf32> -> vector<2000x2xf32>
    %swap3A_35 = arith.constant 0 : index
    %swap3A_36 = arith.constant 0 : index
    %swap3A_37 = vector.load %arg9[%swap3A_35, %swap3A_36] : memref<2000x2xf32, #tpu.memory_space<vmem>>, vector<2000x2xf32>
    tpu.vector_store %arg9[%swap3A_35, %swap3A_36], %dot_general3A_34 {strides = array<i32>} : memref<2000x2xf32, #tpu.memory_space<vmem>>, vector<2000x2xf32>,
    return
  }
  func.func @transform_0(%arg0: i32) -> (i32, i32) {
    %c0_i32 = arith.constant 0 : i32
    %c0_i32_0 = arith.constant 0 : i32
    return %arg0, %c0_i32 : i32, i32
  }
  func.func @transform_1(%arg0: i32) -> (i32, i32) {
    %c0_i32 = arith.constant 0 : i32
    %c0_i32_0 = arith.constant 0 : i32
    return %arg0, %c0_i32 : i32, i32
  }
  func.func @transform_2(%arg0: i32) -> (i32, i32) {
    %c0_i32 = arith.constant 0 : i32
    %c0_i32_0 = arith.constant 0 : i32
    %c0_i32_1 = arith.constant 0 : i32
    return %c0_i32, %c0_i32_0 : i32, i32
  }
  func.func @transform_3(%arg0: i32) -> (i32, i32) {
    %c0_i32 = arith.constant 0 : i32
    %c0_i32_0 = arith.constant 0 : i32
    %c0_i32_1 = arith.constant 0 : i32
    return %c0_i32, %c0_i32_0 : i32, i32
  }
  func.func @transform_4(%arg0: i32) -> (i32, i32) {
    %c0_i32 = arith.constant 0 : i32
    %c0_i32_0 = arith.constant 0 : i32
    %c0_i32_1 = arith.constant 0 : i32
    return %c0_i32, %c0_i32_0 : i32, i32
  }
  func.func @transform_5(%arg0: i32) -> (i32, i32) {
    %c0_i32 = arith.constant 0 : i32
    %c0_i32_0 = arith.constant 0 : i32
    %c0_i32_1 = arith.constant 0 : i32
    return %c0_i32, %c0_i32_0 : i32, i32
  }
  func.func @transform_6(%arg0: i32) -> (i32, i32) {
    %c0_i32 = arith.constant 0 : i32
    %c0_i32_0 = arith.constant 0 : i32
    %c0_i32_1 = arith.constant 0 : i32
    return %c0_i32, %c0_i32_0 : i32, i32
  }
  func.func @transform_7(%arg0: i32) -> (i32, i32) {
    %c0_i32 = arith.constant 0 : i32
    %c0_i32_0 = arith.constant 0 : i32
    return %arg0, %c0_i32 : i32, i32
  }
  func.func @transform_8(%arg0: i32) -> (i32, i32) {
    %c0_i32 = arith.constant 0 : i32
    %c0_i32_0 = arith.constant 0 : i32
    return %arg0, %c0_i32 : i32, i32
  }
}

module attributes {stable_mosaic.version = 14 : i64} {
  func.func @body(%arg0: i32, %arg1: memref<2504x80xf32, #tpu.memory_space<vmem>>, %arg2: memref<2504x80xf32, #tpu.memory_space<vmem>>, %arg3: memref<1x64xf32, #tpu.memory_space<vmem>>, %arg4: memref<1x64xf32, #tpu.memory_space<vmem>>) attributes {dimension_semantics = [#tpu.dimension_semantics<arbitrary>], iteration_bounds = array<i64: 4>, scalar_prefetch = 0 : i64, scratch_operands = 0 : i64, tpu.core_type = #tpu.core_type<tc>, window_params = [{transform_indices = @transform_0, window_bounds = array<i64: 2504, 80>}, {transform_indices = @transform_1, window_bounds = array<i64: 2504, 80>}, {pipeline_mode = #tpu.pipeline_mode<synchronous>, transform_indices = @transform_2, window_bounds = array<i64: 1, 64>}, {pipeline_mode = #tpu.pipeline_mode<synchronous>, transform_indices = @transform_3, window_bounds = array<i64: 1, 64>}]} {
    %get3A = arith.constant 0 : index
    %get3A_0 = arith.constant 0 : index
    %get3A_1 = vector.load %arg1[%get3A, %get3A_0] : memref<2504x80xf32, #tpu.memory_space<vmem>>, vector<2504x80xf32>
    %get3A_2 = arith.constant 0 : index
    %get3A_3 = arith.constant 0 : index
    %get3A_4 = vector.load %arg2[%get3A_2, %get3A_3] : memref<2504x80xf32, #tpu.memory_space<vmem>>, vector<2504x80xf32>
    %add3A = arith.addf %get3A_1, %get3A_4 : vector<2504x80xf32>
    %iota3A = tpu.iota {dimensions = array<i32: 0>} : vector<2504x1xi32>
    %mul3A = arith.constant 2504 : i32
    %mul3A_5 = arith.muli %arg0, %mul3A : i32
    %add3A_6 = vector.broadcast %mul3A_5 : i32 to vector<2504x1xi32>
    %add3A_7 = arith.addi %iota3A, %add3A_6 : vector<2504x1xi32>
    %lt3A = arith.constant 10000 : i32
    %lt3A_8 = vector.broadcast %lt3A : i32 to vector<2504x1xi32>
    %lt3A_9 = arith.cmpi slt, %add3A_7, %lt3A_8 : vector<2504x1xi32>
    %slice3A = vector.extract_strided_slice %add3A {offsets = [0, 64], sizes = [2504, 1], strides = [1, 1]} : vector<2504x80xf32> to vector<2504x1xf32>
    %jit3A = arith.constant 1.000000e+00 : f32
    %broadcast_in_dim3A = vector.broadcast %jit3A : f32 to vector<2504x1xf32>
    %select_n3A = arith.select %lt3A_9, %slice3A, %broadcast_in_dim3A : vector<2504x1xi1>, vector<2504x1xf32>
    %slice3A_10 = vector.extract_strided_slice %add3A {offsets = [0, 0], sizes = [2504, 64], strides = [1, 1]} : vector<2504x80xf32> to vector<2504x64xf32>
    %div3A = vector.broadcast %select_n3A : vector<2504x1xf32> to vector<2504x64xf32>
    %div3A_11 = arith.divf %slice3A_10, %div3A : vector<2504x64xf32>
    %jit3A_12 = arith.constant 0.000000e+00 : f32
    %broadcast_in_dim3A_13 = vector.shape_cast %lt3A_9 : vector<2504x1xi1> to vector<2504x1xi1>
    %broadcast_in_dim3A_14 = vector.broadcast %broadcast_in_dim3A_13 : vector<2504x1xi1> to vector<2504x64xi1>
    %broadcast_in_dim3A_15 = vector.broadcast %jit3A_12 : f32 to vector<2504x64xf32>
    %select_n3A_16 = arith.select %broadcast_in_dim3A_14, %div3A_11, %broadcast_in_dim3A_15 : vector<2504x64xi1>, vector<2504x64xf32>
    %reduce_sum3A = arith.constant dense<0.000000e+00> : vector<64xf32>
    %reduce_sum3A_17 = vector.multi_reduction <add>, %select_n3A_16, %reduce_sum3A [0] : vector<2504x64xf32> to vector<64xf32>
    %broadcast_in_dim3A_18 = vector.shape_cast %reduce_sum3A_17 : vector<64xf32> to vector<1x64xf32>
    %eq3A = arith.constant 0 : i32
    %eq3A_19 = arith.cmpi eq, %arg0, %eq3A : i32
    %convert_element_type3A = arith.extui %eq3A_19 : i1 to i32
    %cond3A = arith.constant 0 : i32
    %cond3A_20 = arith.cmpi ne, %convert_element_type3A, %cond3A : i32
    scf.if %cond3A_20 {
      %broadcast_in_dim3A_32 = arith.constant 0.000000e+00 : f32
      %broadcast_in_dim3A_33 = vector.broadcast %broadcast_in_dim3A_32 : f32 to vector<1x64xf32>
      %swap3A_34 = arith.constant 0 : index
      %swap3A_35 = arith.constant 0 : index
      %swap3A_36 = vector.load %arg4[%swap3A_34, %swap3A_35] : memref<1x64xf32, #tpu.memory_space<vmem>>, vector<1x64xf32>
      tpu.vector_store %arg4[%swap3A_34, %swap3A_35], %broadcast_in_dim3A_33 {strides = array<i32>} : memref<1x64xf32, #tpu.memory_space<vmem>>, vector<1x64xf32>,
    } else {
    }
    %get3A_21 = arith.constant 0 : index
    %get3A_22 = arith.constant 0 : index
    %get3A_23 = vector.load %arg4[%get3A_21, %get3A_22] : memref<1x64xf32, #tpu.memory_space<vmem>>, vector<1x64xf32>
    %add3A_24 = arith.addf %get3A_23, %broadcast_in_dim3A_18 : vector<1x64xf32>
    %swap3A = arith.constant 0 : index
    %swap3A_25 = arith.constant 0 : index
    %swap3A_26 = vector.load %arg4[%swap3A, %swap3A_25] : memref<1x64xf32, #tpu.memory_space<vmem>>, vector<1x64xf32>
    tpu.vector_store %arg4[%swap3A, %swap3A_25], %add3A_24 {strides = array<i32>} : memref<1x64xf32, #tpu.memory_space<vmem>>, vector<1x64xf32>,
    %eq3A_27 = arith.constant 3 : i32
    %eq3A_28 = arith.cmpi eq, %arg0, %eq3A_27 : i32
    %convert_element_type3A_29 = arith.extui %eq3A_28 : i1 to i32
    %cond3A_30 = arith.constant 0 : i32
    %cond3A_31 = arith.cmpi ne, %convert_element_type3A_29, %cond3A_30 : i32
    scf.if %cond3A_31 {
      %get3A_32 = arith.constant 0 : index
      %get3A_33 = arith.constant 0 : index
      %get3A_34 = vector.load %arg4[%get3A_32, %get3A_33] : memref<1x64xf32, #tpu.memory_space<vmem>>, vector<1x64xf32>
      %mul3A_35 = arith.constant 9.99999974E-5 : f32
      %mul3A_36 = vector.broadcast %mul3A_35 : f32 to vector<1x64xf32>
      %mul3A_37 = arith.mulf %get3A_34, %mul3A_36 : vector<1x64xf32>
      %get3A_38 = arith.constant 0 : index
      %get3A_39 = arith.constant 0 : index
      %get3A_40 = vector.load %arg3[%get3A_38, %get3A_39] : memref<1x64xf32, #tpu.memory_space<vmem>>, vector<1x64xf32>
      %add3A_41 = arith.addf %mul3A_37, %get3A_40 : vector<1x64xf32>
      %swap3A_42 = arith.constant 0 : index
      %swap3A_43 = arith.constant 0 : index
      %swap3A_44 = vector.load %arg4[%swap3A_42, %swap3A_43] : memref<1x64xf32, #tpu.memory_space<vmem>>, vector<1x64xf32>
      tpu.vector_store %arg4[%swap3A_42, %swap3A_43], %add3A_41 {strides = array<i32>} : memref<1x64xf32, #tpu.memory_space<vmem>>, vector<1x64xf32>,
    } else {
    }
    return
  }
  func.func @transform_0(%arg0: i32) -> (i32, i32) {
    %c0_i32 = arith.constant 0 : i32
    %c0_i32_0 = arith.constant 0 : i32
    return %arg0, %c0_i32 : i32, i32
  }
  func.func @transform_1(%arg0: i32) -> (i32, i32) {
    %c0_i32 = arith.constant 0 : i32
    %c0_i32_0 = arith.constant 0 : i32
    return %arg0, %c0_i32 : i32, i32
  }
  func.func @transform_2(%arg0: i32) -> (i32, i32) {
    %c0_i32 = arith.constant 0 : i32
    %c0_i32_0 = arith.constant 0 : i32
    %c0_i32_1 = arith.constant 0 : i32
    return %c0_i32, %c0_i32_0 : i32, i32
  }
  func.func @transform_3(%arg0: i32) -> (i32, i32) {
    %c0_i32 = arith.constant 0 : i32
    %c0_i32_0 = arith.constant 0 : i32
    %c0_i32_1 = arith.constant 0 : i32
    return %c0_i32, %c0_i32_0 : i32, i32
  }
}

</mosaic_0001>

<sc_bundles>
// kernel: kernel.10.cloned.1.call-start
scs
__scs_entry_jumppad:
0x0: {  	(pc) =	sbr.rel $0x88, $3  }
0x1: {  	(tag) =	ssettag $0x0;
	lr =	simm.s32 $0x1  }
0x2: {  	[smem:$0x3F97] =	sst lr;
	_ =	strace $0xD0000000  }
0x3: {  	_ = 	snop  }
0x4: {  	_ = 	snop  }
0x5: {  	_ = 	snop  }
0x6: {  	_ = 	snop  }
0x7: {  	_ = 	snop  }
__scs_overlays_trampoline_lowered:
0x8: {  	[smem:$0x3FA6] =	sst s0  }
0x9: {  	[smem:$0x3FA7] =	sst s1  }
0xa: {  	[smem:$0x3FA8] =	sst s2  }
0xb: {  	[smem:$0x3FA9] =	sst s3  }
0xc: {  	[smem:$0x3FAA] =	sst s4  }
0xd: {  	[smem:$0x3FAB] =	sst s5  }
0xe: {  	[smem:$0x3FAC] =	sst s6  }
0xf: {  	[smem:$0x3FAD] =	sst s7  }
0x10: {  	[smem:$0x3FAE] =	sst s8  }
0x11: {  	[smem:$0x3FAF] =	sst s9;
	s0 =	simm.s32 @!p0 $0x0  }
0x12: {  	s1 =	sld [smem:$0x3F95];
	s0 =	simm.s32 @p0 $0x1  }
0x13: {  	[smem:$0x3FB0] =	sst s0;
	s0 =	simm.s32 @!p1 $0x0  }
0x14: {  	s2 =	sld [smem:$0x3F94];
	s0 =	simm.s32 @p1 $0x1  }
0x15: {  	[smem:$0x3FB1] =	sst s0;
	s0 =	simm.s32 @!p2 $0x0  }
0x16: {  	s3 =	sld [smem:$0x3FDB];
	s0 =	simm.s32 @p2 $0x1  }
0x17: {  	s4 =	simm.s32 $0x1BF5;
	[smem:$0x3FB3] =	sst s0  }
0x18: {  	s0 =	sld [smem:$0x3F96];
	_ =	swait.ge [sflag:s4], $0x0  }
0x19: {  	s7 =	sld [smem:$0x3F97]  }
0x1a: {  	s8 =	sadd.s32 $0xFFFFE003, lr  }
0x1b: {  	s9 =	sadd.s32 $0xFFFFFEF7, lr;
	s5 =	simm.s32 $0xFFFFFFFF;
	p2 =	slt.u32 s8, $0xFFFFF086  }
0x1c: {  	p1 =	slt.u32 s9, $0xF7A;
	s5 =	simm.s32 @!p2 $0x0  }
0x1d: {  	s5 =	simm.s32 @p1 $0x1;
	p0 =	seq.s32 s7, s2  }
0x1e: {  	s7 =	smul.u32 @!p0 $0xF7A, s2;
	p2 =	seq.s32 @!p0 s5, $0x0  }
0x1f: {  	s9 =	smul.u32 $0xF7A, s1;
	s8 =	simm.s32 @!p0 $0x1BF5;
	p2 =	por !p2, p0  }
0x20: {  	[sflag:s8] =	ssyncset.s32 @!p0 $0xFFFFF086;
	s6 =	sadd.s32 @!p0 s3, s7;
	s7 =	simm.s32 @!p0 $0x108  }
0x21: {  	s3 =	sadd.s32 s3, s9;
	s6 =	sadd.s32 @!p0 $0x88, s6;
	s7 =	simm.s32 @p2 $0x1082  }
0x22: {  	[simem:s7], [sflag:s8] =	dma.local @!p0 [hbm:s6], $0xF7A  }
0x23: {  	s9 =	sor.u32 $0xD0000000, s2;
	s6 =	simm.s32 $0x108;
	_ =	swait.ge @!p0 [sflag:s8], $0x0  }
0x24: {  	s3 =	sadd.s32 $0x88, s3;
	s6 =	simm.s32 @!p1 $0x1082;
	[sflag:s4] =	ssyncset.s32 $0xFFFFF086  }
0x25: {  	[simem:s6], [sflag:s4] =	dma.local [hbm:s3], $0xF7A  }
0x26: {  	[smem:$0x3F97] =	sst s1;
	(tag) =	ssettag s2;
	_ =	strace s9  }
0x27: {  	s1 =	sld [smem:$0x3FA7]  }
0x28: {  	s2 =	sld [smem:$0x3FA8]  }
0x29: {  	s4 =	sld [smem:$0x3FAA]  }
0x2a: {  	p0 =	seq.s32 s5, $0x0;
	s5 =	sld [smem:$0x3FAB]  }
0x2b: {  	s6 =	sld [smem:$0x3FAC]  }
0x2c: {  	s7 =	sld [smem:$0x3FAD]  }
0x2d: {  	s3 =	simm.s32 $0x108;
	s8 =	sld [smem:$0x3FAE]  }
0x2e: {  	s3 =	simm.s32 @!p0 $0x1082;
	s9 =	sld [smem:$0x3FAF]  }
0x2f: {  	lr =	sadd.s32 s0, s3;
	s0 =	sld [smem:$0x3FA6]  }
0x30: {  	s3 =	sld [smem:$0x3FA9]  }
0x31: {  	[smem:$0x3FB2] =	sst s10  }
0x32: {  	s10 =	sld [smem:$0x3FB0];
	_ =	sdelay $0x3  }
0x33: {  	p0 =	seq.s32 s10, $0x1;
	s10 =	sld [smem:$0x3FB2];
	_ =	sdelay $0x3  }
0x34: {  	[smem:$0x3FB2] =	sst s10  }
0x35: {  	s10 =	sld [smem:$0x3FB1];
	_ =	sdelay $0x3  }
0x36: {  	p1 =	seq.s32 s10, $0x1;
	s10 =	sld [smem:$0x3FB2];
	_ =	sdelay $0x3  }
0x37: {  	[smem:$0x3FB2] =	sst s10  }
0x38: {  	s10 =	sld [smem:$0x3FB3]  }
0x39: {  	_ = 	snop;
	(pc) =	sbr.ind lr, $3  }
0x3a: {  	_ = 	snop  }
0x3b: {  	_ = 	snop  }
0x3c: {  	p2 =	seq.s32 s10, $0x1;
	s10 =	sld [smem:$0x3FB2]  }
0x3d: {  	_ =	shalt  }
0x3e: {  	_ =	shalt  }
0x3f: {  	_ =	shalt  }
0x40: {  	_ =	shalt  }
0x41: {  	_ =	shalt  }
0x42: {  	_ =	shalt  }
0x43: {  	_ =	shalt  }
0x44: {  	_ =	shalt  }
0x45: {  	_ =	shalt  }
0x46: {  	_ =	shalt  }
0x47: {  	_ =	shalt  }
0x48: {  	_ =	shalt  }
0x49: {  	_ =	shalt  }
0x4a: {  	_ =	shalt  }
0x4b: {  	_ =	shalt  }
0x4c: {  	_ =	shalt  }
0x4d: {  	_ =	shalt  }
0x4e: {  	_ =	shalt  }
0x4f: {  	_ =	shalt  }
0x50: {  	_ =	shalt  }
0x51: {  	_ =	shalt  }
0x52: {  	_ =	shalt  }
0x53: {  	_ =	shalt  }
0x54: {  	_ =	shalt  }
0x55: {  	_ =	shalt  }
0x56: {  	_ =	shalt  }
0x57: {  	_ =	shalt  }
0x58: {  	_ =	shalt  }
0x59: {  	_ =	shalt  }
0x5a: {  	_ =	shalt  }
0x5b: {  	_ =	shalt  }
0x5c: {  	_ =	shalt  }
0x5d: {  	_ =	shalt  }
0x5e: {  	_ =	shalt  }
0x5f: {  	_ =	shalt  }
0x60: {  	_ =	shalt  }
0x61: {  	_ =	shalt  }
0x62: {  	_ =	shalt  }
0x63: {  	_ =	shalt  }
0x64: {  	_ =	shalt  }
0x65: {  	_ =	shalt  }
0x66: {  	_ =	shalt  }
0x67: {  	_ =	shalt  }
0x68: {  	_ =	shalt  }
0x69: {  	_ =	shalt  }
0x6a: {  	_ =	shalt  }
0x6b: {  	_ =	shalt  }
0x6c: {  	_ =	shalt  }
0x6d: {  	_ =	shalt  }
0x6e: {  	_ =	shalt  }
0x6f: {  	_ =	shalt  }
0x70: {  	_ =	shalt  }
0x71: {  	_ =	shalt  }
0x72: {  	_ =	shalt  }
0x73: {  	_ =	shalt  }
0x74: {  	_ =	shalt  }
0x75: {  	_ =	shalt  }
0x76: {  	_ =	shalt  }
0x77: {  	_ =	shalt  }
0x78: {  	_ =	shalt  }
0x79: {  	_ =	shalt  }
0x7a: {  	_ =	shalt  }
0x7b: {  	_ =	shalt  }
0x7c: {  	_ =	shalt  }
0x7d: {  	_ =	shalt  }
0x7e: {  	_ =	shalt  }
0x7f: {  	_ =	shalt  }
0x80: {  	_ =	shalt  }
0x81: {  	_ =	shalt  }
0x82: {  	_ =	shalt  }
0x83: {  	_ =	shalt  }
0x84: {  	_ =	shalt  }
0x85: {  	_ =	shalt  }
0x86: {  	_ =	shalt  }
0x87: {  	_ =	shalt  }
.Lfunc_end0:
.L_simem_size_0:
called_computation.1_lowered:
.L_overlay_start_0:
0x88: {  	s2 =	sld [smem:$0x3FD9]  }
0x89: {  	s3 =	sld [smem:$0x3FFE];
	_ =	sdelay $0x1  }
0x8a: {  	s1 =	srdreg.scid  }
0x8b: {  	s0 =	sand.u32 $0x1, s1  }
0x8c: {  	s16 =	sshll.u32 s0, $0xA;
	s2 =	sadd.s32 s3, s2  }
0x8d: {  	s2 =	sadd.s32 s2, s16  }
0x8e: {  	[smem:$0x3FBE] =	sst s2  }
0x8f: {  	_ = 	snop  }
0x90: {  	(tm) =	ssettm $0x1  }
0x91: {  	s17 =	sld [smem:$0x3FFB];
	_ =	sdelay $0x3  }
0x92: {  	_ =	strace s17  }
0x93: {  	s2 =	sld [smem:$0x3FFC];
	_ =	sdelay $0x3  }
0x94: {  	_ =	strace s2  }
0x95: {  	s2 =	sld [smem:$0x3FFD];
	_ =	sdelay $0x3  }
0x96: {  	_ =	strace s2  }
0x97: {  	_ =	strace $0x8FFFFFFF  }
0x98: {  	s18 =	sld [smem:$0x3FDB];
	_ =	sdelay $0x1  }
0x99: {  	s19 =	simm.s32 $_scs_section_size  }
0x9a: {  	s4 =	simm.s32 $_size__tile_overlayer_lowered;
	s5 =	simm.s32 $_tile_overlayer_lowered  }
0x9b: {  	s22 =	simm.s32 $0x1BFF;
	s21 =	sshll.u32 s5, $0x1;
	s2 =	sadd.s32 s19, s18  }
0x9c: {  	s6 =	simm.s32 $0x0;
	s20 =	sshll.u32 s4, $0x1;
	s4 =	sadd.s32 s21, s2  }
0x9d: {  	[timem:s6], [sflag:s22] =	dma.local [hbm:s4], s20  }
0x9e: {  	_ =	swait.ge [sflag:s22], s20  }
0x9f: {  	s3 =	ssub.s32 $0x0, s20;
	[sflag:s22] =	ssyncset.done $0x0  }
0xa0: {  	[sflag:s22] =	ssyncadd.s32 s3;
	_ =	sdelay $0x1  }
0xa1: {  	s23 =	simm.s32 $0x1B8B  }
0xa2: {  	_ =	swait.ge [sflag:s23], $0x1  }
0xa3: {  	[sflag:s23] =	ssyncset.done $0x0  }
0xa4: {  	s25 =	simm.s32 $0x1B8E;
	s24 =	sld [smem:$0x3FFE];
	[sflag:s23] =	ssyncadd.s32 $0xFFFFFFFF  }
0xa5: {  	s26 =	simm.s32 $execute0_lowered;
	[smem:$0x3FD2] =	sst s25  }
0xa6: {  	s4 =	sshll.u32 s26, $0x1;
	_ =	strace $0x80000049;
	[dreg:$0x1] =	wrdreg $0xFFFFFFFF  }
0xa7: {  	s28 =	simm.s32 $_size_execute0_lowered;
	s2 =	sadd.s32 s2, s4;
	[dreg:$0x0] =	wrdreg $0x0  }
0xa8: {  	s4 =	sshll.u32 s28, $0x1;
	[dreg:$0x2] =	wrdreg s2  }
0xa9: {  	[dreg:$0x3] =	wrdreg s4  }
0xaa: {  	[dreg:$0x4] =	wrdreg $0xC0  }
0xab: {  	_ =	task [dreg:s6], $0x5FFFF  }
0xac: {  	[dreg:$0x1] =	wrdreg $0xFFFFFFFF  }
0xad: {  	[dreg:$0x0] =	wrdreg $0x60  }
0xae: {  	[dreg:$0x2] =	wrdreg s24  }
0xaf: {  	[dreg:$0x3] =	wrdreg $0x0  }
0xb0: {  	[dreg:$0x4] =	wrdreg $0x9  }
0xb1: {  	_ =	task.clear_ibuf [dreg:s6], $0x5FFFF;
	_ =	strace $0x90000049  }
0xb2: {  	s29 =	simm.s32 $0x9;
	_ =	strace $0x8000004B  }
0xb3: {  	_ =	swait.ge [sflag:s29], $0x1  }
0xb4: {  	[sflag:s29] =	ssyncadd.s32 $0xFFFFFFFF  }
0xb5: {  	_ =	strace $0x9000004B  }
0xb6: {  	_ =	sfence  }
0xb7: {  	s30 =	sld [smem:$0x0];
	_ =	sdelay $0x2  }
0xb8: {  	s31 =	sshll.u32 s1, $0xD;
	s1 =	sshrl.u32 s1, $0x2  }
0xb9: {  	s3 =	sand.u32 $0x4000, s31;
	s1 =	sadd.s32 s1, s30  }
0xba: {  	s0 =	sor.u32 s3, s0;
	s1 =	sshll.u32 s1, $0x11  }
0xbb: {  	s0 =	sor.u32 s1, s0  }
0xbc: {  	s0 =	sadd.s32 $0x8F2B, s0  }
0xbd: {  	[sflag:s0] =	ssyncadd.remote.s32 $0x1  }
0xbe: {  	_ =	sfence.sel $0xFFFF  }
0xbf: {  	[dreg:$0x0] =	wrdreg $0xFFFFFFFF;
	(pc) =	sbr.abs _section_cstart, $3  }
0xc0: {  	[dreg:$0x1] =	wrdreg $0xFFFFFFFF  }
0xc1: {  	_ =	task.clear_ibuf [dreg:s6], $0x2FFFF;
	_ =	strace $0x9FFFFFFF  }
0xc2: {  	(tm) =	ssettm $0x7FFFFFFF  }
0xc3: {  	_ =	shalt  }
tec
execute0_lowered:
.L_overlay_start_1:
0x0: {  	(tag) =	ssettag $0x1  }
0x1: {  	s0 =	rddreg [dreg:$0x0]  }
0x2: {  	s1 =	rddreg [dreg:$0x1];
	s2 =	simm.s32 $0x0;
	s28 =	srdreg.scid  }
0x3: {  	s11 =	stileid.u32;
	s14 =	simm.s32 $0x7;
	s15 =	simm.s32 $0xC7A0  }
0x4: {  	s17 =	simm.s32 $0x1;
	s18 =	simm.s32 $0x40;
	s20 =	simm.s32 $0x5  }
0x5: {  	s21 =	simm.s32 $0x6;
	s22 =	simm.s32 $0x0;
	[smem:$0x7FF] =	sst s2  }
0x6: {  	s4 =	sadd.s32 $0x17000, s0;
	s3 =	sadd.s32 $0x2F800, s0;
	s6 =	sadd.s32 $0x2800, s0  }
0x7: {  	s7 =	smul.u32 $0xC3A0, s11;
	s8 =	sshll.u32 s11, $0x1;
	s9 =	sadd.s32 $0x30200, s0  }
0x8: {  	_ =	strace $0x8000004A;
	[dreg:$0x3] =	wrdreg s3;
	s3 =	sand.u32 $0x1, s28  }
0x9: {  	s31 =	sshll.u32 s11, $0x6;
	[dreg:$0x4] =	wrdreg s9;
	s5 =	ssub.s32 $0x2, s3  }
0xa: {  	s10 =	sor.u32 s3, s8;
	s13 =	sadd.s32 s7, s1;
	p0 =	seq.s32 s3, $0x1  }
.Ltmp0:
0xb: {  	s3 =	simm.s32 $0x31C00;
	s8 =	sor.u32 $0x1C07, s31;
	(pc) =	sbr.rel .LBB2_1-.Ltmp0, $4  }
0xc: {  	s7 =	sshrl.u32 s7, $0x3;
	s29 =	sshrl.u32 s5, $0x1;
	s30 =	smul.u32 $0xA40, s10  }
0xd: {  	s3 =	simm.s32 @!p0 $0x4A400;
	s10 =	smul.u32 $0x5200, s10;
	s13 =	sshrl.u32 s13, $0x3  }
0xe: {  	s5 =	ssub.s32 s5, s29;
	s0 =	sadd.s32 s3, s0;
	s9 =	sadd.s32 s6, s30  }
0xf: {  	s11 =	smax.u32 s5, $0x1;
	s12 =	sadd.s32 s0, s7;
	[dreg:$0x5] =	wrdreg s9  }
.LBB2_14:
0x10: {  	_ =	swait.ge [sflag:s20], $0x1400  }
0x11: {  	[sflag:s20] =	ssyncset.done $0x0  }
0x12: {  	[sflag:s20] =	ssyncadd.s32 $0xFFFFEC00  }
0x13: {  	_ =	swait.ge [sflag:s21], $0x1400  }
0x14: {  	s22 =	sadd.s32 $0x1, s22;
	[sflag:s21] =	ssyncset.done $0x0  }
0x15: {  	p0 =	sne.s32 s22, s11;
	[sflag:s21] =	ssyncadd.s32 $0xFFFFEC00  }
.Ltmp1:
0x16: {  	[bflag:$0x0] =	sbarrier.arrive $0xFFFF;
	(pc) =	sbr.rel @!p0 .LBB2_15-.Ltmp1, $4  }
0x17: {  	[hbm:s12], [sflag:s8] =	dma.local [spmem:s13], $0x1874  }
0x18: {  	_ =	swait.ge [sflag:s14], $0x1874  }
0x19: {  	[sflag:s14] =	ssyncset.done $0x0  }
0x1a: {  	[sflag:s14] =	ssyncadd.s32 $0xFFFFE78C  }
.LBB2_1:
0x1b: {  	s0 =	rddreg [dreg:$0x4]  }
0x1c: {  	[spmem:s13], [sflag:s8] =	dma.local [hbm:s0], $0x1874  }
0x1d: {  	_ =	swait.ge [sflag:s14], $0x1874  }
0x1e: {  	[sflag:s14] =	ssyncset.done $0x0  }
0x1f: {  	[sflag:s14] =	ssyncadd.s32 $0xFFFFE78C  }
0x20: {  	[bflag:$0x0] =	sbarrier.arrive $0xFFFF  }
0x21: {  	s29 =	rddreg [dreg:$0x3]  }
0x22: {  	[tilespmem:s15], [sflag:$0x7] =	stream.linear.gather [hbm4b:s29+s2], $0x4E20, $0x38;
	[tilespmem:$0x13E00] =	vst v63  }
0x23: {  	_ =	swait.ge [sflag:s14], $0x4E20  }
0x24: {  	[sflag:s14] =	ssyncset.done $0x0  }
0x25: {  	s3 =	simm.s32 $0xC3A0;
	s30 =	rddreg [dreg:$0x5];
	[sflag:s14] =	ssyncadd.s32 $0xFFFFB1E0  }
0x26: {  	[tilespmem:s3], [sflag:$0x1] =	stream.linear.gather [hbm4b:s30+s2], $0x200, $0x38;
	[tilespmem:$0x13E00] =	vst v63  }
.Ltmp2:
0x27: {  	_ = 	snop;
	(pc) =	sbr.rel .LBB2_2-.Ltmp2, $4  }
0x28: {  	_ =	swait.ge [sflag:s17], $0x200  }
0x29: {  	[sflag:s17] =	ssyncset.done $0x0  }
0x2a: {  	s31 =	simm.s32 $0x115C0;
	s23 =	simm.s32 $0x0;
	[sflag:s17] =	ssyncadd.s32 $0xFFFFFE00  }
0x2b: {  	[tilespmem:s31], [sflag:$0x3] =	stream.indirect.gather [hbm4b:s4+s18], $0x50, s3, s18, $0xb8;
	[tilespmem:$0x13E00] =	vst v63  }
.LBB2_13:
0x2c: {  	p0 =	sne.s32 s24, $0x29  }
.Ltmp3:
0x2d: {  	_ = 	snop;
	(pc) =	sbr.rel @!p0 .LBB2_14-.Ltmp3, $2  }
0x2e: {  	_ =	sdelay $0x2  }
0x2f: {  	s23 =	smov.u32 s24  }
.LBB2_2:
0x30: {  	s24 =	sadd.s32 $0x1, s23  }
0x31: {  	s25 =	sshll.u32 s23, $0x2;
	s5 =	sshll.u32 s23, $0x9;
	s31 =	simm.s32 $0x0  }
0x32: {  	p0 =	por $0x0, $0x0;
	s0 =	sand.u32 $0x1, s24;
	s3 =	sshll.u32 s24, $0x9  }
0x33: {  	s5 =	sand.u32 $0x200, s5;
	s26 =	sadd.s32 $0x1, s0;
	s3 =	sadd.s32 s10, s3  }
0x34: {  	s0 =	sshll.u32 s0, $0x9;
	s30 =	sadd.s32 $0xC3A0, s5;
	s3 =	sshrl.u32 s3, $0x3  }
0x35: {  	p1 =	seq.s32 s23, $0x28;
	s28 =	sadd.s32 $0xC3A0, s0;
	v0 =	vmov s30;
	s29 =	sadd.s32 s6, s3  }
.LBB2_3:
0x36: {  	s5 =	sadd.s32 s25, s31  }
0x37: {  	p2 =	sgt.u32 s5, $0xA2  }
.Ltmp4:
0x38: {  	_ = 	snop;
	(pc) =	sbr.rel @p2 .LBB2_10-.Ltmp4, $2  }
0x39: {  	_ =	sdelay $0x2  }
0x3a: {  	s0 =	sand.u32 $0x1, s31  }
0x3b: {  	p3 =	sne.s32 @!p1 s31, $0x0  }
0x3c: {  	p3 =	por p1, p3  }
.Ltmp5:
0x3d: {  	s3 =	sxor.u32 $0x1, s0;
	p2 =	seq.s32 s5, $0x0;
	(pc) =	sbr.rel @p3 .LBB2_6-.Ltmp5, $4  }
0x3e: {  	s5 =	sadd.s32 @!p2 $0x5, s3  }
0x3f: {  	_ =	swait.ge @!p2 [sflag:s5], $0x1400  }
0x40: {  	[sflag:s5] =	ssyncset.done @!p2 $0x0  }
0x41: {  	[sflag:s5] =	ssyncadd.s32 @!p2 $0xFFFFEC00  }
0x42: {  	[tilespmem:s28], [sflag:s26] =	stream.linear.gather [hbm4b:s29+s2], $0x200, $0x38;
	[tilespmem:$0x13E00] =	vst v63  }
.LBB2_7:
0x43: {  	s5 =	sshll.u32 s31, $0x7  }
0x44: {  	s7 =	smov.u32 s23;
	s5 =	sadd.s32 $0x80, s5  }
.LBB2_9:
0x45: {  	s16 =	smul.u32 $0x5000, s3;
	s7 =	sshll.u32 s7, $0x9  }
0x46: {  	s7 =	sand.u32 $0x200, s7  }
0x47: {  	s16 =	sshrl.u32 s16, $0x2;
	s5 =	sadd.s32 s5, s7  }
0x48: {  	s19 =	sadd.s32 $0x3, s3;
	s16 =	sadd.s32 $0x115C0, s16;
	s5 =	sadd.s32 $0xC3A0, s5  }
0x49: {  	[tilespmem:s16], [sflag:s19] =	stream.indirect.gather [hbm4b:s4+s18], $0x50, s5, s18, $0xb8;
	[tilespmem:$0x13E00] =	vst v63  }
.LBB2_10:
0x4a: {  	_ =	sdelay $0x1  }
0x4b: {  	s3 =	sshll.u32 s31, $0x7  }
0x4c: {  	s5 =	sand.u32 $0x3FFFFF80, s3  }
0x4d: {  	v1 =	vld.idx.msk [tilespmem:v0+s5+$0x0 ss:$0x1], $0xffff  }
0x4e: {  	v2 =	vld.idx.msk [tilespmem:v0+s5+$0x40 ss:$0x1], $0xffff;
	_ =	sdelay $0x4  }
0x4f: {  	v1 =	vshll.u32 v1, $0x1;
	v2 =	vshll.u32 v2, $0x1  }
0x50: {  	v2 =	vor.u32 $0x1, v2;
	_ =	sdelay $0x3  }
0x51: {  	v1 =	vld.idx.msk [tilespmem:v1+s15+$0x0], $0xffff  }
0x52: {  	v2 =	vld.idx.msk [tilespmem:v2+s15+$0x0], $0xffff;
	_ =	sdelay $0x4  }
0x53: {  	v1 =	vadd.f32 v2, v1;
	_ =	sdelay $0x1  }
0x54: {  	v2 =	vmul.f32 $2.000000030e-01, v1  }
0x55: {  	vm0 =	vge.f32 v1, $0.0e+00  }
0x56: {  	v1 =	vsel vm0, v1, v2  }
0x57: {  	v1 =	vmul.f32 $1.442695020e+00, v1;
	_ =	sdelay $0x1  }
0x58: {  	(erf) = vpow2.f32 v1;
	_ =	sdelay $0x8  }
0x59: {  	v1 =	vpop (erf)  }
0x5a: {  	[tilespmem:$0x13DC0] =	vst v1  }
0x5b: {  	v1 =	vld.idx.msk [tilespmem:v0+s5+$0x10 ss:$0x1], $0xffff  }
0x5c: {  	v2 =	vld.idx.msk [tilespmem:v0+s5+$0x50 ss:$0x1], $0xffff;
	_ =	sdelay $0x4  }
0x5d: {  	v1 =	vshll.u32 v1, $0x1;
	v2 =	vshll.u32 v2, $0x1  }
0x5e: {  	v2 =	vor.u32 $0x1, v2;
	_ =	sdelay $0x3  }
0x5f: {  	v1 =	vld.idx.msk [tilespmem:v1+s15+$0x0], $0xffff  }
0x60: {  	v2 =	vld.idx.msk [tilespmem:v2+s15+$0x0], $0xffff;
	_ =	sdelay $0x4  }
0x61: {  	v1 =	vadd.f32 v2, v1;
	_ =	sdelay $0x1  }
0x62: {  	v2 =	vmul.f32 $2.000000030e-01, v1  }
0x63: {  	vm13 =	vge.f32 v1, $0.0e+00  }
0x64: {  	v1 =	vsel vm13, v1, v2  }
0x65: {  	v1 =	vmul.f32 $1.442695020e+00, v1;
	_ =	sdelay $0x1  }
0x66: {  	(erf) = vpow2.f32 v1;
	_ =	sdelay $0x8  }
0x67: {  	v1 =	vpop (erf)  }
0x68: {  	[tilespmem:$0x13DD0] =	vst v1  }
0x69: {  	v1 =	vld.idx.msk [tilespmem:v0+s5+$0x20 ss:$0x1], $0xffff  }
0x6a: {  	v2 =	vld.idx.msk [tilespmem:v0+s5+$0x60 ss:$0x1], $0xffff;
	_ =	sdelay $0x4  }
0x6b: {  	v1 =	vshll.u32 v1, $0x1;
	v2 =	vshll.u32 v2, $0x1  }
0x6c: {  	v2 =	vor.u32 $0x1, v2;
	_ =	sdelay $0x3  }
0x6d: {  	v1 =	vld.idx.msk [tilespmem:v1+s15+$0x0], $0xffff  }
0x6e: {  	v2 =	vld.idx.msk [tilespmem:v2+s15+$0x0], $0xffff;
	_ =	sdelay $0x4  }
0x6f: {  	v1 =	vadd.f32 v2, v1;
	_ =	sdelay $0x1  }
0x70: {  	v2 =	vmul.f32 $2.000000030e-01, v1  }
0x71: {  	vm14 =	vge.f32 v1, $0.0e+00  }
0x72: {  	v1 =	vsel vm14, v1, v2  }
0x73: {  	v1 =	vmul.f32 $1.442695020e+00, v1;
	_ =	sdelay $0x1  }
0x74: {  	(erf) = vpow2.f32 v1;
	_ =	sdelay $0x8  }
0x75: {  	v1 =	vpop (erf)  }
0x76: {  	[tilespmem:$0x13DE0] =	vst v1  }
0x77: {  	v1 =	vld.idx.msk [tilespmem:v0+s5+$0x30 ss:$0x1], $0xffff  }
0x78: {  	v2 =	vld.idx.msk [tilespmem:v0+s5+$0x70 ss:$0x1], $0xffff;
	_ =	sdelay $0x4  }
0x79: {  	v1 =	vshll.u32 v1, $0x1;
	v2 =	vshll.u32 v2, $0x1  }
0x7a: {  	v2 =	vor.u32 $0x1, v2;
	_ =	sdelay $0x3  }
0x7b: {  	v1 =	vld.idx.msk [tilespmem:v1+s15+$0x0], $0xffff  }
0x7c: {  	v2 =	vld.idx.msk [tilespmem:v2+s15+$0x0], $0xffff;
	_ =	sdelay $0x4  }
0x7d: {  	v1 =	vadd.f32 v2, v1;
	_ =	sdelay $0x1  }
0x7e: {  	v2 =	vmul.f32 $2.000000030e-01, v1  }
0x7f: {  	vm15 =	vge.f32 v1, $0.0e+00  }
0x80: {  	v1 =	vsel vm15, v1, v2  }
0x81: {  	v1 =	vmul.f32 $1.442695020e+00, v1;
	_ =	sdelay $0x1  }
0x82: {  	(erf) = vpow2.f32 v1;
	_ =	sdelay $0x8  }
0x83: {  	v1 =	vpop (erf)  }
0x84: {  	s7 =	sadd.s32 $0x3, s0;
	s3 =	simm.s32 $0x1;
	[tilespmem:$0x13DF0] =	vst v1  }
0x85: {  	s3 =	simm.s32 @!p0 $0x0;
	_ =	swait.ge [sflag:s7], $0x1400  }
0x86: {  	s3 =	smul.u32 $0x5000, s3;
	[sflag:s7] =	ssyncset.done $0x0  }
0x87: {  	s16 =	simm.s32 $0x0;
	[sflag:s7] =	ssyncadd.s32 $0xFFFFEC00  }
0x88: {  	s3 =	sshrl.u32 s3, $0x2;
	v1 =	vld [tilespmem:s16+$0x13DC0]  }
0x89: {  	s3 =	sadd.s32 $0x11840, s3  }
0x8a: {  	v2 =	vld [tilespmem:s3+$0xFFFFFD80]  }
0x8b: {  	v3 =	vld [tilespmem:s3+$0xFFFFFD90]  }
0x8c: {  	v4 =	vld [tilespmem:s3+$0xFFFFFDA0]  }
0x8d: {  	v6 =	vld [tilespmem:s3+$0xFFFFFDB0];
	v5 =	vbroadcast v1, $0x0  }
0x8e: {  	v7 =	vld [tilespmem:s3+$0xFFFFFDD0]  }
0x8f: {  	v8 =	vld [tilespmem:s3+$0xFFFFFDE0];
	v2 =	vmul.f32 v5, v2  }
0x90: {  	v9 =	vld [tilespmem:s3+$0xFFFFFDF0];
	[tilespmem:s3+$0xFFFFFDC0] =	vst v5;
	v3 =	vmul.f32 v3, v5  }
0x91: {  	v10 =	vld [tilespmem:s3+$0xFFFFFE00];
	v4 =	vmul.f32 v4, v5;
	[tilespmem:s3+$0xFFFFFD80] =	vst v2;
	v2 =	vbroadcast v1, $0x1  }
0x92: {  	v5 =	vmul.f32 v6, v5;
	v6 =	vld [tilespmem:s3+$0xFFFFFE20];
	[tilespmem:s3+$0xFFFFFD90] =	vst v3  }
0x93: {  	[tilespmem:s3+$0xFFFFFDA0] =	vst v4;
	v4 =	vld [tilespmem:s3+$0xFFFFFE30];
	v3 =	vmul.f32 v7, v2  }
0x94: {  	[tilespmem:s3+$0xFFFFFDB0] =	vst v5;
	v5 =	vmul.f32 v8, v2;
	v7 =	vld [tilespmem:s3+$0xFFFFFE40]  }
0x95: {  	v8 =	vmul.f32 v9, v2;
	v9 =	vld [tilespmem:s3+$0xFFFFFE50];
	[tilespmem:s3+$0xFFFFFDD0] =	vst v3;
	v3 =	vbroadcast v1, $0x2  }
0x96: {  	v10 =	vmul.f32 v10, v2;
	[tilespmem:s3+$0xFFFFFDE0] =	vst v5;
	v5 =	vld [tilespmem:s3+$0xFFFFFE70]  }
0x97: {  	[tilespmem:s3+$0xFFFFFDF0] =	vst v8;
	v8 =	vld [tilespmem:s3+$0xFFFFFE80];
	v6 =	vmul.f32 v6, v3  }
0x98: {  	v11 =	vld [tilespmem:s3+$0xFFFFFE90];
	[tilespmem:s3+$0xFFFFFE00] =	vst v10;
	v10 =	vmul.f32 v4, v3  }
0x99: {  	v4 =	vbroadcast v1, $0x3;
	v7 =	vmul.f32 v7, v3;
	[tilespmem:s3+$0xFFFFFE20] =	vst v6;
	v6 =	vld [tilespmem:s3+$0xFFFFFEA0]  }
0x9a: {  	v9 =	vmul.f32 v9, v3;
	[tilespmem:s3+$0xFFFFFE30] =	vst v10;
	v10 =	vld [tilespmem:s3+$0xFFFFFEC0]  }
0x9b: {  	v12 =	vld [tilespmem:s3+$0xFFFFFEF0];
	[tilespmem:s3+$0xFFFFFE40] =	vst v7;
	v5 =	vmul.f32 v5, v4  }
0x9c: {  	v7 =	vld [tilespmem:s3+$0xFFFFFED0];
	[tilespmem:s3+$0xFFFFFE50] =	vst v9;
	v8 =	vmul.f32 v8, v4  }
0x9d: {  	v11 =	vmul.f32 v11, v4;
	v9 =	vld [tilespmem:s3+$0xFFFFFEE0];
	[tilespmem:s3+$0xFFFFFE70] =	vst v5;
	v5 =	vbroadcast v1, $0x4  }
0x9e: {  	[tilespmem:s3+$0xFFFFFE80] =	vst v8;
	v8 =	vld [tilespmem:s3+$0xFFFFFF10];
	v6 =	vmul.f32 v6, v4  }
0x9f: {  	[tilespmem:s3+$0xFFFFFE90] =	vst v11;
	v11 =	vld [tilespmem:s3+$0xFFFFFF20];
	v10 =	vmul.f32 v10, v5  }
0xa0: {  	v13 =	vld [tilespmem:s3+$0xFFFFFF30];
	v12 =	vmul.f32 v12, v5;
	[tilespmem:s3+$0xFFFFFEA0] =	vst v6  }
0xa1: {  	v7 =	vmul.f32 v7, v5;
	[tilespmem:s3+$0xFFFFFEC0] =	vst v10;
	v6 =	vbroadcast v1, $0x5;
	v10 =	vld [tilespmem:s3+$0xFFFFFF40]  }
0xa2: {  	v14 =	vld [tilespmem:s3+$0xFFFFFF60];
	v9 =	vmul.f32 v9, v5;
	[tilespmem:s3+$0xFFFFFEF0] =	vst v12  }
0xa3: {  	[tilespmem:s3+$0xFFFFFED0] =	vst v7;
	v7 =	vmul.f32 v8, v6;
	v8 =	vld [tilespmem:s3+$0xFFFFFF70]  }
0xa4: {  	[tilespmem:s3+$0xFFFFFEE0] =	vst v9;
	v9 =	vmul.f32 v11, v6;
	v11 =	vld [tilespmem:s3+$0xFFFFFF80]  }
0xa5: {  	v12 =	vmul.f32 v13, v6;
	v13 =	vld [tilespmem:s3+$0xFFFFFF90];
	[tilespmem:s3+$0xFFFFFF10] =	vst v7;
	v7 =	vbroadcast v1, $0x6  }
0xa6: {  	[tilespmem:s3+$0xFFFFFF20] =	vst v9;
	v9 =	vld [tilespmem:s3+$0xFFFFFFB0];
	v10 =	vmul.f32 v10, v6  }
0xa7: {  	[tilespmem:s3+$0xFFFFFF30] =	vst v12;
	v12 =	vmul.f32 v14, v7;
	v14 =	vld [tilespmem:s3+$0xFFFFFFC0]  }
0xa8: {  	v15 =	vld [tilespmem:s3+$0xFFFFFFD0];
	[tilespmem:s3+$0xFFFFFF40] =	vst v10;
	v10 =	vmul.f32 v8, v7  }
0xa9: {  	v11 =	vmul.f32 v11, v7;
	v8 =	vbroadcast v1, $0x7;
	[tilespmem:s3+$0xFFFFFF60] =	vst v12;
	v12 =	vld [tilespmem:s3+$0xFFFFFFE0]  }
0xaa: {  	v13 =	vmul.f32 v13, v7;
	[tilespmem:s3+$0xFFFFFF70] =	vst v10;
	v10 =	vld [tilespmem:s3+$0x0]  }
0xab: {  	v16 =	vld [tilespmem:s3+$0x30];
	[tilespmem:s3+$0xFFFFFF80] =	vst v11;
	v9 =	vmul.f32 v9, v8  }
0xac: {  	v11 =	vld [tilespmem:s3+$0x10];
	[tilespmem:s3+$0xFFFFFF90] =	vst v13;
	v13 =	vmul.f32 v14, v8  }
0xad: {  	v15 =	vmul.f32 v15, v8;
	v14 =	vld [tilespmem:s3+$0x20];
	[tilespmem:s3+$0xFFFFFFB0] =	vst v9;
	v9 =	vbroadcast v1, $0x8  }
0xae: {  	v12 =	vmul.f32 v12, v8;
	[tilespmem:s3+$0xFFFFFFC0] =	vst v13;
	v13 =	vld [tilespmem:s3+$0x50]  }
0xaf: {  	[tilespmem:s3+$0xFFFFFFD0] =	vst v15;
	v15 =	vld [tilespmem:s3+$0x60];
	v10 =	vmul.f32 v10, v9  }
0xb0: {  	v16 =	vmul.f32 v16, v9;
	[tilespmem:s3+$0xFFFFFFE0] =	vst v12;
	v12 =	vld [tilespmem:s3+$0x70]  }
0xb1: {  	v17 =	vld [tilespmem:s3+$0x80];
	v11 =	vmul.f32 v11, v9;
	[tilespmem:s3+$0x0] =	vst v10;
	v10 =	vbroadcast v1, $0x9  }
0xb2: {  	v18 =	vld [tilespmem:s3+$0xA0];
	[tilespmem:s3+$0x30] =	vst v16;
	v14 =	vmul.f32 v14, v9  }
0xb3: {  	v16 =	vld [tilespmem:s3+$0xD0];
	[tilespmem:s3+$0x10] =	vst v11;
	v11 =	vmul.f32 v13, v10  }
0xb4: {  	[tilespmem:s3+$0x20] =	vst v14;
	v13 =	vld [tilespmem:s3+$0xB0];
	v14 =	vmul.f32 v15, v10  }
0xb5: {  	v15 =	vld [tilespmem:s3+$0xC0];
	v12 =	vmul.f32 v12, v10;
	[tilespmem:s3+$0x50] =	vst v11;
	v11 =	vbroadcast v1, $0xA  }
0xb6: {  	v17 =	vmul.f32 v17, v10;
	[tilespmem:s3+$0x60] =	vst v14;
	v14 =	vld [tilespmem:s3+$0xF0]  }
0xb7: {  	[tilespmem:s3+$0x70] =	vst v12;
	v12 =	vmul.f32 v18, v11;
	v18 =	vld [tilespmem:s3+$0x100]  }
0xb8: {  	[tilespmem:s3+$0x80] =	vst v17;
	v17 =	vld [tilespmem:s3+$0x110];
	v16 =	vmul.f32 v16, v11  }
0xb9: {  	v19 =	vld [tilespmem:s3+$0x120];
	v13 =	vmul.f32 v13, v11;
	[tilespmem:s3+$0xA0] =	vst v12;
	v12 =	vbroadcast v1, $0xB  }
0xba: {  	v20 =	vld [tilespmem:s3+$0x140];
	v15 =	vmul.f32 v15, v11;
	[tilespmem:s3+$0xD0] =	vst v16  }
0xbb: {  	v16 =	vld [tilespmem:s3+$0x160];
	[tilespmem:s3+$0xB0] =	vst v13;
	v13 =	vmul.f32 v14, v12  }
0xbc: {  	[tilespmem:s3+$0xC0] =	vst v15;
	v14 =	vld [tilespmem:s3+$0x150];
	v15 =	vmul.f32 v18, v12  }
0xbd: {  	v17 =	vmul.f32 v17, v12;
	v18 =	vld [tilespmem:s3+$0x170];
	[tilespmem:s3+$0xF0] =	vst v13;
	v13 =	vbroadcast v1, $0xC  }
0xbe: {  	v19 =	vmul.f32 v19, v12;
	[tilespmem:s3+$0x100] =	vst v15;
	v15 =	vld [tilespmem:s3+$0x190]  }
0xbf: {  	[tilespmem:s3+$0x110] =	vst v17;
	v17 =	vmul.f32 v20, v13;
	v20 =	vld [tilespmem:s3+$0x1A0]  }
0xc0: {  	v21 =	vld [tilespmem:s3+$0x1B0];
	[tilespmem:s3+$0x120] =	vst v19;
	v22 =	vmul.f32 v16, v13  }
0xc1: {  	v23 =	vld [tilespmem:s3+$0x1C0];
	v19 =	vmul.f32 v14, v13;
	v14 =	vbroadcast v1, $0xD;
	[tilespmem:s3+$0x140] =	vst v17  }
0xc2: {  	v16 =	vld [tilespmem:s3+$0x1E0];
	v18 =	vmul.f32 v18, v13;
	[tilespmem:s3+$0x160] =	vst v22  }
0xc3: {  	s19 =	smul.u32 $0x5000, s0;
	v17 =	vld [tilespmem:s3+$0x1F0];
	[tilespmem:s3+$0x150] =	vst v19;
	v15 =	vmul.f32 v15, v14  }
0xc4: {  	s5 =	sadd.s32 s5, s30;
	[tilespmem:s3+$0x170] =	vst v18;
	v18 =	vld [tilespmem:s3+$0x200];
	v20 =	vmul.f32 v20, v14  }
0xc5: {  	s7 =	sshrl.u32 s19, $0x2;
	s19 =	sadd.s32 $0x40, s5;
	v21 =	vmul.f32 v21, v14;
	v19 =	vld [tilespmem:s3+$0x210];
	[tilespmem:s3+$0x190] =	vst v15;
	v15 =	vbroadcast v1, $0xE  }
0xc6: {  	s5 =	sadd.s32 $0x115C0, s7;
	s16 =	simm.s32 $0x40;
	s7 =	smov.u32 s3;
	v22 =	vmul.f32 v23, v14;
	[tilespmem:s3+$0x1A0] =	vst v20;
	v20 =	vld [tilespmem:s3+$0x230]  }
.LBB2_11:
0xc7: {  	p2 =	sne.s32 s16, $0xC0;
	[tilespmem:s3+$0x1B0] =	vst v21;
	v16 =	vmul.f32 v16, v15;
	v21 =	vld [tilespmem:s3+$0x240]  }
0xc8: {  	[tilespmem:s3+$0x1C0] =	vst v22;
	v17 =	vmul.f32 v17, v15;
	v22 =	vld [tilespmem:s3+$0x250]  }
0xc9: {  	v18 =	vmul.f32 v18, v15;
	[tilespmem:s3+$0x1E0] =	vst v16;
	v16 =	vbroadcast v1, $0xF;
	v1 =	vld [tilespmem:s3+$0x260]  }
0xca: {  	v19 =	vmul.f32 v19, v15;
	[tilespmem:s3+$0x1F0] =	vst v17  }
0xcb: {  	[tilespmem:s3+$0x200] =	vst v18;
	v17 =	vmul.f32 v20, v16  }
0xcc: {  	[tilespmem:s3+$0x210] =	vst v19;
	v18 =	vmul.f32 v21, v16  }
0xcd: {  	v19 =	vmul.f32 v22, v16;
	[tilespmem:s3+$0x230] =	vst v17  }
0xce: {  	v1 =	vmul.f32 v1, v16;
	[tilespmem:s3+$0x240] =	vst v18  }
0xcf: {  	[tilespmem:s3+$0x250] =	vst v19  }
0xd0: {  	[tilespmem:s3+$0x260] =	vst v1  }
0xd1: {  	[tilespmem:s3+$0xFFFFFE10] =	vst v2  }
0xd2: {  	[tilespmem:s3+$0xFFFFFE60] =	vst v3  }
0xd3: {  	[tilespmem:s3+$0xFFFFFEB0] =	vst v4  }
0xd4: {  	[tilespmem:s3+$0xFFFFFF00] =	vst v5  }
0xd5: {  	[tilespmem:s3+$0xFFFFFF50] =	vst v6  }
0xd6: {  	[tilespmem:s3+$0xFFFFFFA0] =	vst v7  }
0xd7: {  	s9 =	sshra.s32 s16, $0x2;
	[tilespmem:s3+$0xFFFFFFF0] =	vst v8  }
0xd8: {  	v1 =	vld [tilespmem:s9+$0x13DC0];
	[tilespmem:s3+$0x40] =	vst v9  }
0xd9: {  	s3 =	sadd.s32 $0x500, s3;
	[tilespmem:s7+$0x90] =	vst v10  }
0xda: {  	v2 =	vld [tilespmem:s3+$0xFFFFFD80];
	[tilespmem:s7+$0xE0] =	vst v11  }
0xdb: {  	v3 =	vld [tilespmem:s3+$0xFFFFFD90];
	[tilespmem:s7+$0x130] =	vst v12  }
0xdc: {  	v4 =	vld [tilespmem:s3+$0xFFFFFDA0];
	[tilespmem:s7+$0x180] =	vst v13  }
0xdd: {  	v5 =	vbroadcast v1, $0x0;
	v6 =	vld [tilespmem:s3+$0xFFFFFDB0];
	[tilespmem:s7+$0x1D0] =	vst v14  }
0xde: {  	v7 =	vld [tilespmem:s3+$0xFFFFFDD0];
	[tilespmem:s7+$0x220] =	vst v15  }
0xdf: {  	v2 =	vmul.f32 v5, v2;
	[tilespmem:s3+$0xFFFFFDC0] =	vst v5;
	v8 =	vld [tilespmem:s3+$0xFFFFFDE0]  }
0xe0: {  	v3 =	vmul.f32 v3, v5;
	v9 =	vld [tilespmem:s3+$0xFFFFFDF0];
	[tilespmem:s7+$0x270] =	vst v16;
	s7 =	smov.u32 s3  }
0xe1: {  	v4 =	vmul.f32 v4, v5;
	[tilespmem:s3+$0xFFFFFD80] =	vst v2;
	v2 =	vbroadcast v1, $0x1;
	v10 =	vld [tilespmem:s3+$0xFFFFFE00]  }
0xe2: {  	v5 =	vmul.f32 v6, v5;
	[tilespmem:s3+$0xFFFFFD90] =	vst v3;
	v6 =	vld [tilespmem:s3+$0xFFFFFE20]  }
0xe3: {  	[tilespmem:s3+$0xFFFFFDA0] =	vst v4;
	v3 =	vmul.f32 v7, v2;
	v4 =	vld [tilespmem:s3+$0xFFFFFE30]  }
0xe4: {  	[tilespmem:s3+$0xFFFFFDB0] =	vst v5;
	v5 =	vmul.f32 v8, v2;
	v7 =	vld [tilespmem:s3+$0xFFFFFE40]  }
0xe5: {  	v8 =	vmul.f32 v9, v2;
	[tilespmem:s3+$0xFFFFFDD0] =	vst v3;
	v3 =	vbroadcast v1, $0x2;
	v9 =	vld [tilespmem:s3+$0xFFFFFE50]  }
0xe6: {  	v10 =	vmul.f32 v10, v2;
	[tilespmem:s3+$0xFFFFFDE0] =	vst v5;
	v5 =	vld [tilespmem:s3+$0xFFFFFE70]  }
0xe7: {  	[tilespmem:s3+$0xFFFFFDF0] =	vst v8;
	v6 =	vmul.f32 v6, v3;
	v8 =	vld [tilespmem:s3+$0xFFFFFE80]  }
0xe8: {  	[tilespmem:s3+$0xFFFFFE00] =	vst v10;
	v10 =	vmul.f32 v4, v3;
	v11 =	vld [tilespmem:s3+$0xFFFFFE90]  }
0xe9: {  	v4 =	vbroadcast v1, $0x3;
	v7 =	vmul.f32 v7, v3;
	[tilespmem:s3+$0xFFFFFE20] =	vst v6;
	v6 =	vld [tilespmem:s3+$0xFFFFFEA0]  }
0xea: {  	v9 =	vmul.f32 v9, v3;
	[tilespmem:s3+$0xFFFFFE30] =	vst v10;
	v10 =	vld [tilespmem:s3+$0xFFFFFEC0]  }
0xeb: {  	[tilespmem:s3+$0xFFFFFE40] =	vst v7;
	v5 =	vmul.f32 v5, v4;
	v7 =	vld [tilespmem:s3+$0xFFFFFED0]  }
0xec: {  	[tilespmem:s3+$0xFFFFFE50] =	vst v9;
	v8 =	vmul.f32 v8, v4;
	v9 =	vld [tilespmem:s3+$0xFFFFFEE0]  }
0xed: {  	v11 =	vmul.f32 v11, v4;
	[tilespmem:s3+$0xFFFFFE70] =	vst v5;
	v5 =	vbroadcast v1, $0x4;
	v12 =	vld [tilespmem:s3+$0xFFFFFEF0]  }
0xee: {  	v6 =	vmul.f32 v6, v4;
	[tilespmem:s3+$0xFFFFFE80] =	vst v8;
	v8 =	vld [tilespmem:s3+$0xFFFFFF10]  }
0xef: {  	[tilespmem:s3+$0xFFFFFE90] =	vst v11;
	v10 =	vmul.f32 v10, v5;
	v11 =	vld [tilespmem:s3+$0xFFFFFF20]  }
0xf0: {  	[tilespmem:s3+$0xFFFFFEA0] =	vst v6;
	v7 =	vmul.f32 v7, v5;
	v13 =	vld [tilespmem:s3+$0xFFFFFF30]  }
0xf1: {  	v6 =	vbroadcast v1, $0x5;
	v9 =	vmul.f32 v9, v5;
	[tilespmem:s3+$0xFFFFFEC0] =	vst v10;
	v10 =	vld [tilespmem:s3+$0xFFFFFF40]  }
0xf2: {  	v12 =	vmul.f32 v12, v5;
	[tilespmem:s3+$0xFFFFFED0] =	vst v7;
	v14 =	vld [tilespmem:s3+$0xFFFFFF60]  }
0xf3: {  	[tilespmem:s3+$0xFFFFFEE0] =	vst v9;
	v7 =	vmul.f32 v8, v6;
	v8 =	vld [tilespmem:s3+$0xFFFFFF70]  }
0xf4: {  	[tilespmem:s3+$0xFFFFFEF0] =	vst v12;
	v9 =	vmul.f32 v11, v6;
	v11 =	vld [tilespmem:s3+$0xFFFFFF80]  }
0xf5: {  	v12 =	vmul.f32 v13, v6;
	[tilespmem:s3+$0xFFFFFF10] =	vst v7;
	v7 =	vbroadcast v1, $0x6;
	v13 =	vld [tilespmem:s3+$0xFFFFFF90]  }
0xf6: {  	v10 =	vmul.f32 v10, v6;
	[tilespmem:s3+$0xFFFFFF20] =	vst v9;
	v9 =	vld [tilespmem:s3+$0xFFFFFFB0]  }
0xf7: {  	[tilespmem:s3+$0xFFFFFF30] =	vst v12;
	v12 =	vmul.f32 v14, v7;
	v14 =	vld [tilespmem:s3+$0xFFFFFFC0]  }
0xf8: {  	[tilespmem:s3+$0xFFFFFF40] =	vst v10;
	v10 =	vmul.f32 v8, v7;
	v15 =	vld [tilespmem:s3+$0xFFFFFFD0]  }
0xf9: {  	v8 =	vbroadcast v1, $0x7;
	v11 =	vmul.f32 v11, v7;
	[tilespmem:s3+$0xFFFFFF60] =	vst v12;
	v12 =	vld [tilespmem:s3+$0xFFFFFFE0]  }
0xfa: {  	v13 =	vmul.f32 v13, v7;
	[tilespmem:s3+$0xFFFFFF70] =	vst v10;
	v10 =	vld [tilespmem:s3+$0x0]  }
0xfb: {  	[tilespmem:s3+$0xFFFFFF80] =	vst v11;
	v9 =	vmul.f32 v9, v8;
	v11 =	vld [tilespmem:s3+$0x10]  }
0xfc: {  	[tilespmem:s3+$0xFFFFFF90] =	vst v13;
	v13 =	vmul.f32 v14, v8;
	v14 =	vld [tilespmem:s3+$0x20]  }
0xfd: {  	v15 =	vmul.f32 v15, v8;
	[tilespmem:s3+$0xFFFFFFB0] =	vst v9;
	v9 =	vbroadcast v1, $0x8;
	v16 =	vld [tilespmem:s3+$0x30]  }
0xfe: {  	v12 =	vmul.f32 v12, v8;
	[tilespmem:s3+$0xFFFFFFC0] =	vst v13;
	v13 =	vld [tilespmem:s3+$0x50]  }
0xff: {  	[tilespmem:s3+$0xFFFFFFD0] =	vst v15;
	v10 =	vmul.f32 v10, v9;
	v15 =	vld [tilespmem:s3+$0x60]  }
0x100: {  	[tilespmem:s3+$0xFFFFFFE0] =	vst v12;
	v11 =	vmul.f32 v11, v9;
	v12 =	vld [tilespmem:s3+$0x70]  }
0x101: {  	v14 =	vmul.f32 v14, v9;
	[tilespmem:s3+$0x0] =	vst v10;
	v10 =	vbroadcast v1, $0x9;
	v17 =	vld [tilespmem:s3+$0x80]  }
0x102: {  	v16 =	vmul.f32 v16, v9;
	[tilespmem:s3+$0x10] =	vst v11;
	v18 =	vld [tilespmem:s3+$0xA0]  }
0x103: {  	[tilespmem:s3+$0x20] =	vst v14;
	v11 =	vmul.f32 v13, v10;
	v13 =	vld [tilespmem:s3+$0xB0]  }
0x104: {  	[tilespmem:s3+$0x30] =	vst v16;
	v14 =	vmul.f32 v15, v10;
	v15 =	vld [tilespmem:s3+$0xC0]  }
0x105: {  	v12 =	vmul.f32 v12, v10;
	[tilespmem:s3+$0x50] =	vst v11;
	v11 =	vbroadcast v1, $0xA;
	v16 =	vld [tilespmem:s3+$0xD0]  }
0x106: {  	v17 =	vmul.f32 v17, v10;
	[tilespmem:s3+$0x60] =	vst v14;
	v14 =	vld [tilespmem:s3+$0xF0]  }
0x107: {  	[tilespmem:s3+$0x70] =	vst v12;
	v12 =	vmul.f32 v18, v11;
	v18 =	vld [tilespmem:s3+$0x100]  }
0x108: {  	[tilespmem:s3+$0x80] =	vst v17;
	v13 =	vmul.f32 v13, v11;
	v17 =	vld [tilespmem:s3+$0x110]  }
0x109: {  	v15 =	vmul.f32 v15, v11;
	[tilespmem:s3+$0xA0] =	vst v12;
	v12 =	vbroadcast v1, $0xB;
	v19 =	vld [tilespmem:s3+$0x120]  }
0x10a: {  	v16 =	vmul.f32 v16, v11;
	[tilespmem:s3+$0xB0] =	vst v13;
	v20 =	vld [tilespmem:s3+$0x140]  }
0x10b: {  	[tilespmem:s3+$0xC0] =	vst v15;
	v13 =	vmul.f32 v14, v12;
	v14 =	vld [tilespmem:s3+$0x150]  }
0x10c: {  	[tilespmem:s3+$0xD0] =	vst v16;
	v15 =	vmul.f32 v18, v12;
	v16 =	vld [tilespmem:s3+$0x160]  }
0x10d: {  	v17 =	vmul.f32 v17, v12;
	[tilespmem:s3+$0xF0] =	vst v13;
	v13 =	vbroadcast v1, $0xC;
	v18 =	vld [tilespmem:s3+$0x170]  }
0x10e: {  	v19 =	vmul.f32 v19, v12;
	[tilespmem:s3+$0x100] =	vst v15;
	v15 =	vld [tilespmem:s3+$0x190]  }
0x10f: {  	[tilespmem:s3+$0x110] =	vst v17;
	v17 =	vmul.f32 v20, v13;
	v20 =	vld [tilespmem:s3+$0x1A0]  }
0x110: {  	[tilespmem:s3+$0x120] =	vst v19;
	v19 =	vmul.f32 v14, v13;
	v21 =	vld [tilespmem:s3+$0x1B0]  }
0x111: {  	v14 =	vbroadcast v1, $0xD;
	v22 =	vmul.f32 v16, v13;
	[tilespmem:s3+$0x140] =	vst v17;
	v23 =	vld [tilespmem:s3+$0x1C0]  }
.Ltmp6:
0x112: {  	v18 =	vmul.f32 v18, v13;
	[tilespmem:s3+$0x150] =	vst v19;
	v16 =	vld [tilespmem:s3+$0x1E0];
	(pc) =	sbr.rel @p2 .LBB2_11-.Ltmp6, $4  }
0x113: {  	[tilespmem:s3+$0x160] =	vst v22;
	v15 =	vmul.f32 v15, v14;
	v17 =	vld [tilespmem:s3+$0x1F0]  }
0x114: {  	[tilespmem:s3+$0x170] =	vst v18;
	v20 =	vmul.f32 v20, v14;
	v18 =	vld [tilespmem:s3+$0x200]  }
0x115: {  	v21 =	vmul.f32 v21, v14;
	[tilespmem:s3+$0x190] =	vst v15;
	v15 =	vbroadcast v1, $0xE;
	v19 =	vld [tilespmem:s3+$0x210]  }
0x116: {  	s16 =	sadd.s32 $0x40, s16;
	v22 =	vmul.f32 v23, v14;
	[tilespmem:s3+$0x1A0] =	vst v20;
	v20 =	vld [tilespmem:s3+$0x230]  }
0x117: {  	[tilespmem:s3+$0x1B0] =	vst v21  }
0x118: {  	[tilespmem:s3+$0xFFFFFE10] =	vst v2  }
0x119: {  	[tilespmem:s3+$0xFFFFFE60] =	vst v3  }
0x11a: {  	[tilespmem:s3+$0xFFFFFEB0] =	vst v4  }
0x11b: {  	[tilespmem:s3+$0xFFFFFF00] =	vst v5  }
0x11c: {  	[tilespmem:s3+$0xFFFFFF50] =	vst v6  }
0x11d: {  	[tilespmem:s3+$0xFFFFFFA0] =	vst v7  }
0x11e: {  	[tilespmem:s3+$0xFFFFFFF0] =	vst v8  }
0x11f: {  	[tilespmem:s3+$0x40] =	vst v9  }
0x120: {  	[tilespmem:s7+$0x90] =	vst v10  }
0x121: {  	[tilespmem:s7+$0xE0] =	vst v11  }
0x122: {  	[tilespmem:s7+$0x130] =	vst v12  }
0x123: {  	v16 =	vmul.f32 v16, v15;
	[tilespmem:s3+$0x1C0] =	vst v22  }
0x124: {  	v58 =	vld [tilespmem:s3+$0x240];
	v17 =	vmul.f32 v17, v15;
	[tilespmem:s7+$0x180] =	vst v13  }
0x125: {  	v59 =	vld [tilespmem:s3+$0x250];
	v18 =	vmul.f32 v18, v15;
	[tilespmem:s3+$0x1E0] =	vst v16  }
0x126: {  	v1 =	vbroadcast v1, $0xF;
	v60 =	vld [tilespmem:s3+$0x260];
	v19 =	vmul.f32 v19, v15;
	[tilespmem:s3+$0x1F0] =	vst v17  }
0x127: {  	[tilespmem:s3+$0x200] =	vst v18  }
0x128: {  	v61 =	vmul.f32 v20, v1;
	[tilespmem:s3+$0x210] =	vst v19  }
0x129: {  	v62 =	vmul.f32 v58, v1;
	[tilespmem:s7+$0x1D0] =	vst v14  }
0x12a: {  	s31 =	sadd.s32 $0x1, s31;
	v63 =	vmul.f32 v59, v1;
	[tilespmem:s3+$0x230] =	vst v61  }
0x12b: {  	p2 =	sne.s32 s31, $0x4;
	v16 =	vmul.f32 v60, v1;
	[tilespmem:s3+$0x240] =	vst v62  }
.Ltmp7:
0x12c: {  	[tilespmem:s3+$0x250] =	vst v63;
	(pc) =	sbr.rel @p2 .LBB2_3-.Ltmp7, $4  }
.Ltmp8:
0x12d: {  	[tilespmem:s3+$0x260] =	vst v16;
	(pc) =	sbr.rel @!p2 .LBB2_13-.Ltmp8, $4  }
0x12e: {  	[tilespmem:s7+$0x220] =	vst v15  }
0x12f: {  	s0 =	sadd.s32 $0x5, s0;
	p0 =	por !p0, !p0;
	[tilespmem:s7+$0x270] =	vst v1  }
0x130: {  	[spmem:s1] =	stream.indirect.scatter.add.f32 [tilespmem:s5], [sflag:s0], $0x50, s19, s18, $0xb8;
	[tilespmem:$0x13E00] =	vst v63  }
0x131: {  	_ = 	snop  }
.LBB2_6:
0x132: {  	p2 =	seq.s32 s31, $0x3  }
.Ltmp9:
0x133: {  	_ = 	snop;
	(pc) =	sbr.rel @!p2 .LBB2_7-.Ltmp9, $1  }
0x134: {  	_ =	sdelay $0x3  }
.Ltmp10:
0x135: {  	(pc) =	sbr.rel .LBB2_9-.Ltmp10, $4  }
0x136: {  	_ = 	snop  }
0x137: {  	_ =	swait.ge [sflag:s26], $0x200  }
0x138: {  	[sflag:s26] =	ssyncset.done $0x0  }
0x139: {  	s5 =	simm.s32 $0x0;
	s7 =	smov.u32 s24;
	[sflag:s26] =	ssyncadd.s32 $0xFFFFFE00  }
.LBB2_15:
0x13a: {  	_ =	sfence.sel $0x180000  }
0x13b: {  	[bflag:$0x0] =	sbarrier.arrive $0xFFFF  }
0x13c: {  	_ =	strace $0x9000004A  }
0x13d: {  	s0 =	stileid.u32;
	[bflag:$0x2] =	sbarrier.arrive $0xFFFF  }
0x13e: {  	p0 =	sne.s32 s0, $0x0;
	s0 =	rddreg [dreg:$0x2]  }
0x13f: {  	s0 =	sadd.s32 @!p0 $0x100000, s0  }
0x140: {  	[sflag:s0] =	ssyncadd.tile.s32 @!p0 $0x1;
	_ =	shalt  }
.Lfunc_end2:
_tile_overlayer_lowered:
.L_overlay_start_2:
0x141: {  	(tag) =	ssettag $0x2  }
0x142: {  	s0 =	rddreg [dreg:$0x0];
	s2 =	stileid.u32  }
0x143: {  	s1 =	rddreg [dreg:$0x1];
	p0 =	sne.s32 s2, $0x0  }
0x144: {  	s3 =	rddreg [dreg:$0x2];
	[bflag:$0x3] =	sbarrier.arrive $0xFFFF;
	s2 =	simm.s32 @!p0 $0x1C07  }
0x145: {  	[timem:s3], [sflag:s2] =	dma.local @!p0 [hbm:s0], s1  }
0x146: {  	s0 =	simm.s32 @!p0 $0x7  }
0x147: {  	_ =	swait.ge @!p0 [sflag:s0], s1  }
0x148: {  	s1 =	ssub.s32 @!p0 $0x0, s1;
	[sflag:s0] =	ssyncset.done @!p0 $0x0  }
0x149: {  	[sflag:s0] =	ssyncadd.s32 @!p0 s1  }
0x14a: {  	[bflag:$0x3] =	sbarrier.arrive $0xFFFF  }
0x14b: {  	_ =	shalt  }

// kernel: kernel.7.cloned.1.call-start
scs
__scs_entry_jumppad:
0x0: {  	(pc) =	sbr.rel $0x88, $3  }
0x1: {  	(tag) =	ssettag $0x0;
	lr =	simm.s32 $0x1  }
0x2: {  	[smem:$0x3F97] =	sst lr;
	_ =	strace $0xD0000000  }
0x3: {  	_ = 	snop  }
0x4: {  	_ = 	snop  }
0x5: {  	_ = 	snop  }
0x6: {  	_ = 	snop  }
0x7: {  	_ = 	snop  }
__scs_overlays_trampoline_lowered:
0x8: {  	[smem:$0x3FA6] =	sst s0  }
0x9: {  	[smem:$0x3FA7] =	sst s1  }
0xa: {  	[smem:$0x3FA8] =	sst s2  }
0xb: {  	[smem:$0x3FA9] =	sst s3  }
0xc: {  	[smem:$0x3FAA] =	sst s4  }
0xd: {  	[smem:$0x3FAB] =	sst s5  }
0xe: {  	[smem:$0x3FAC] =	sst s6  }
0xf: {  	[smem:$0x3FAD] =	sst s7  }
0x10: {  	[smem:$0x3FAE] =	sst s8  }
0x11: {  	[smem:$0x3FAF] =	sst s9;
	s0 =	simm.s32 @!p0 $0x0  }
0x12: {  	s1 =	sld [smem:$0x3F95];
	s0 =	simm.s32 @p0 $0x1  }
0x13: {  	[smem:$0x3FB0] =	sst s0;
	s0 =	simm.s32 @!p1 $0x0  }
0x14: {  	s2 =	sld [smem:$0x3F94];
	s0 =	simm.s32 @p1 $0x1  }
0x15: {  	[smem:$0x3FB1] =	sst s0;
	s0 =	simm.s32 @!p2 $0x0  }
0x16: {  	s3 =	sld [smem:$0x3FDB];
	s0 =	simm.s32 @p2 $0x1  }
0x17: {  	s4 =	simm.s32 $0x1BF5;
	[smem:$0x3FB3] =	sst s0  }
0x18: {  	s0 =	sld [smem:$0x3F96];
	_ =	swait.ge [sflag:s4], $0x0  }
0x19: {  	s7 =	sld [smem:$0x3F97]  }
0x1a: {  	s8 =	sadd.s32 $0xFFFFE003, lr  }
0x1b: {  	s9 =	sadd.s32 $0xFFFFFEF7, lr;
	s5 =	simm.s32 $0xFFFFFFFF;
	p2 =	slt.u32 s8, $0xFFFFF086  }
0x1c: {  	p1 =	slt.u32 s9, $0xF7A;
	s5 =	simm.s32 @!p2 $0x0  }
0x1d: {  	s5 =	simm.s32 @p1 $0x1;
	p0 =	seq.s32 s7, s2  }
0x1e: {  	s7 =	smul.u32 @!p0 $0xF7A, s2;
	p2 =	seq.s32 @!p0 s5, $0x0  }
0x1f: {  	s9 =	smul.u32 $0xF7A, s1;
	s8 =	simm.s32 @!p0 $0x1BF5;
	p2 =	por !p2, p0  }
0x20: {  	[sflag:s8] =	ssyncset.s32 @!p0 $0xFFFFF086;
	s6 =	sadd.s32 @!p0 s3, s7;
	s7 =	simm.s32 @!p0 $0x108  }
0x21: {  	s3 =	sadd.s32 s3, s9;
	s6 =	sadd.s32 @!p0 $0x88, s6;
	s7 =	simm.s32 @p2 $0x1082  }
0x22: {  	[simem:s7], [sflag:s8] =	dma.local @!p0 [hbm:s6], $0xF7A  }
0x23: {  	s9 =	sor.u32 $0xD0000000, s2;
	s6 =	simm.s32 $0x108;
	_ =	swait.ge @!p0 [sflag:s8], $0x0  }
0x24: {  	s3 =	sadd.s32 $0x88, s3;
	s6 =	simm.s32 @!p1 $0x1082;
	[sflag:s4] =	ssyncset.s32 $0xFFFFF086  }
0x25: {  	[simem:s6], [sflag:s4] =	dma.local [hbm:s3], $0xF7A  }
0x26: {  	[smem:$0x3F97] =	sst s1;
	(tag) =	ssettag s2;
	_ =	strace s9  }
0x27: {  	s1 =	sld [smem:$0x3FA7]  }
0x28: {  	s2 =	sld [smem:$0x3FA8]  }
0x29: {  	s4 =	sld [smem:$0x3FAA]  }
0x2a: {  	p0 =	seq.s32 s5, $0x0;
	s5 =	sld [smem:$0x3FAB]  }
0x2b: {  	s6 =	sld [smem:$0x3FAC]  }
0x2c: {  	s7 =	sld [smem:$0x3FAD]  }
0x2d: {  	s3 =	simm.s32 $0x108;
	s8 =	sld [smem:$0x3FAE]  }
0x2e: {  	s3 =	simm.s32 @!p0 $0x1082;
	s9 =	sld [smem:$0x3FAF]  }
0x2f: {  	lr =	sadd.s32 s0, s3;
	s0 =	sld [smem:$0x3FA6]  }
0x30: {  	s3 =	sld [smem:$0x3FA9]  }
0x31: {  	[smem:$0x3FB2] =	sst s10  }
0x32: {  	s10 =	sld [smem:$0x3FB0];
	_ =	sdelay $0x3  }
0x33: {  	p0 =	seq.s32 s10, $0x1;
	s10 =	sld [smem:$0x3FB2];
	_ =	sdelay $0x3  }
0x34: {  	[smem:$0x3FB2] =	sst s10  }
0x35: {  	s10 =	sld [smem:$0x3FB1];
	_ =	sdelay $0x3  }
0x36: {  	p1 =	seq.s32 s10, $0x1;
	s10 =	sld [smem:$0x3FB2];
	_ =	sdelay $0x3  }
0x37: {  	[smem:$0x3FB2] =	sst s10  }
0x38: {  	s10 =	sld [smem:$0x3FB3]  }
0x39: {  	_ = 	snop;
	(pc) =	sbr.ind lr, $3  }
0x3a: {  	_ = 	snop  }
0x3b: {  	_ = 	snop  }
0x3c: {  	p2 =	seq.s32 s10, $0x1;
	s10 =	sld [smem:$0x3FB2]  }
0x3d: {  	_ =	shalt  }
0x3e: {  	_ =	shalt  }
0x3f: {  	_ =	shalt  }
0x40: {  	_ =	shalt  }
0x41: {  	_ =	shalt  }
0x42: {  	_ =	shalt  }
0x43: {  	_ =	shalt  }
0x44: {  	_ =	shalt  }
0x45: {  	_ =	shalt  }
0x46: {  	_ =	shalt  }
0x47: {  	_ =	shalt  }
0x48: {  	_ =	shalt  }
0x49: {  	_ =	shalt  }
0x4a: {  	_ =	shalt  }
0x4b: {  	_ =	shalt  }
0x4c: {  	_ =	shalt  }
0x4d: {  	_ =	shalt  }
0x4e: {  	_ =	shalt  }
0x4f: {  	_ =	shalt  }
0x50: {  	_ =	shalt  }
0x51: {  	_ =	shalt  }
0x52: {  	_ =	shalt  }
0x53: {  	_ =	shalt  }
0x54: {  	_ =	shalt  }
0x55: {  	_ =	shalt  }
0x56: {  	_ =	shalt  }
0x57: {  	_ =	shalt  }
0x58: {  	_ =	shalt  }
0x59: {  	_ =	shalt  }
0x5a: {  	_ =	shalt  }
0x5b: {  	_ =	shalt  }
0x5c: {  	_ =	shalt  }
0x5d: {  	_ =	shalt  }
0x5e: {  	_ =	shalt  }
0x5f: {  	_ =	shalt  }
0x60: {  	_ =	shalt  }
0x61: {  	_ =	shalt  }
0x62: {  	_ =	shalt  }
0x63: {  	_ =	shalt  }
0x64: {  	_ =	shalt  }
0x65: {  	_ =	shalt  }
0x66: {  	_ =	shalt  }
0x67: {  	_ =	shalt  }
0x68: {  	_ =	shalt  }
0x69: {  	_ =	shalt  }
0x6a: {  	_ =	shalt  }
0x6b: {  	_ =	shalt  }
0x6c: {  	_ =	shalt  }
0x6d: {  	_ =	shalt  }
0x6e: {  	_ =	shalt  }
0x6f: {  	_ =	shalt  }
0x70: {  	_ =	shalt  }
0x71: {  	_ =	shalt  }
0x72: {  	_ =	shalt  }
0x73: {  	_ =	shalt  }
0x74: {  	_ =	shalt  }
0x75: {  	_ =	shalt  }
0x76: {  	_ =	shalt  }
0x77: {  	_ =	shalt  }
0x78: {  	_ =	shalt  }
0x79: {  	_ =	shalt  }
0x7a: {  	_ =	shalt  }
0x7b: {  	_ =	shalt  }
0x7c: {  	_ =	shalt  }
0x7d: {  	_ =	shalt  }
0x7e: {  	_ =	shalt  }
0x7f: {  	_ =	shalt  }
0x80: {  	_ =	shalt  }
0x81: {  	_ =	shalt  }
0x82: {  	_ =	shalt  }
0x83: {  	_ =	shalt  }
0x84: {  	_ =	shalt  }
0x85: {  	_ =	shalt  }
0x86: {  	_ =	shalt  }
0x87: {  	_ =	shalt  }
.Lfunc_end0:
.L_simem_size_0:
called_computation_lowered:
.L_overlay_start_0:
0x88: {  	s2 =	sld [smem:$0x3FD9]  }
0x89: {  	s3 =	sld [smem:$0x3FFE];
	_ =	sdelay $0x1  }
0x8a: {  	s1 =	srdreg.scid  }
0x8b: {  	s0 =	sand.u32 $0x1, s1  }
0x8c: {  	s16 =	sshll.u32 s0, $0xA;
	s2 =	sadd.s32 s3, s2  }
0x8d: {  	s2 =	sadd.s32 s2, s16  }
0x8e: {  	[smem:$0x3FBE] =	sst s2  }
0x8f: {  	_ = 	snop  }
0x90: {  	(tm) =	ssettm $0x1  }
0x91: {  	s17 =	sld [smem:$0x3FFB];
	_ =	sdelay $0x3  }
0x92: {  	_ =	strace s17  }
0x93: {  	s2 =	sld [smem:$0x3FFC];
	_ =	sdelay $0x3  }
0x94: {  	_ =	strace s2  }
0x95: {  	s2 =	sld [smem:$0x3FFD];
	_ =	sdelay $0x3  }
0x96: {  	_ =	strace s2  }
0x97: {  	_ =	strace $0x8FFFFFFF  }
0x98: {  	s18 =	sld [smem:$0x3FDB];
	_ =	sdelay $0x1  }
0x99: {  	s19 =	simm.s32 $_scs_section_size  }
0x9a: {  	s4 =	simm.s32 $_size__tile_overlayer_lowered;
	s5 =	simm.s32 $_tile_overlayer_lowered  }
0x9b: {  	s22 =	simm.s32 $0x1BFF;
	s21 =	sshll.u32 s5, $0x1;
	s2 =	sadd.s32 s19, s18  }
0x9c: {  	s6 =	simm.s32 $0x0;
	s20 =	sshll.u32 s4, $0x1;
	s4 =	sadd.s32 s21, s2  }
0x9d: {  	[timem:s6], [sflag:s22] =	dma.local [hbm:s4], s20  }
0x9e: {  	_ =	swait.ge [sflag:s22], s20  }
0x9f: {  	s3 =	ssub.s32 $0x0, s20;
	[sflag:s22] =	ssyncset.done $0x0  }
0xa0: {  	[sflag:s22] =	ssyncadd.s32 s3;
	_ =	sdelay $0x1  }
0xa1: {  	s23 =	simm.s32 $0x1B8B  }
0xa2: {  	_ =	swait.ge [sflag:s23], $0x1  }
0xa3: {  	[sflag:s23] =	ssyncset.done $0x0  }
0xa4: {  	s25 =	simm.s32 $0x1B8E;
	s24 =	sld [smem:$0x3FFE];
	[sflag:s23] =	ssyncadd.s32 $0xFFFFFFFF  }
0xa5: {  	s26 =	simm.s32 $execute0_lowered;
	[smem:$0x3FD2] =	sst s25  }
0xa6: {  	s4 =	sshll.u32 s26, $0x1;
	_ =	strace $0x80000046;
	[dreg:$0x1] =	wrdreg $0xFFFFFFFF  }
0xa7: {  	s28 =	simm.s32 $_size_execute0_lowered;
	s2 =	sadd.s32 s2, s4;
	[dreg:$0x0] =	wrdreg $0x0  }
0xa8: {  	s4 =	sshll.u32 s28, $0x1;
	[dreg:$0x2] =	wrdreg s2  }
0xa9: {  	[dreg:$0x3] =	wrdreg s4  }
0xaa: {  	[dreg:$0x4] =	wrdreg $0xC0  }
0xab: {  	_ =	task [dreg:s6], $0x5FFFF  }
0xac: {  	[dreg:$0x1] =	wrdreg $0xFFFFFFFF  }
0xad: {  	[dreg:$0x0] =	wrdreg $0x60  }
0xae: {  	[dreg:$0x2] =	wrdreg s24  }
0xaf: {  	[dreg:$0x3] =	wrdreg $0x0  }
0xb0: {  	[dreg:$0x4] =	wrdreg $0x9  }
0xb1: {  	_ =	task.clear_ibuf [dreg:s6], $0x5FFFF;
	_ =	strace $0x90000046  }
0xb2: {  	s29 =	simm.s32 $0x9;
	_ =	strace $0x80000048  }
0xb3: {  	_ =	swait.ge [sflag:s29], $0x1  }
0xb4: {  	[sflag:s29] =	ssyncadd.s32 $0xFFFFFFFF  }
0xb5: {  	_ =	strace $0x90000048  }
0xb6: {  	_ =	sfence  }
0xb7: {  	s30 =	sld [smem:$0x0];
	_ =	sdelay $0x2  }
0xb8: {  	s31 =	sshll.u32 s1, $0xD;
	s1 =	sshrl.u32 s1, $0x2  }
0xb9: {  	s3 =	sand.u32 $0x4000, s31;
	s1 =	sadd.s32 s1, s30  }
0xba: {  	s0 =	sor.u32 s3, s0;
	s1 =	sshll.u32 s1, $0x11  }
0xbb: {  	s0 =	sor.u32 s1, s0  }
0xbc: {  	s0 =	sadd.s32 $0x8F2B, s0  }
0xbd: {  	[sflag:s0] =	ssyncadd.remote.s32 $0x1  }
0xbe: {  	_ =	sfence.sel $0xFFFF  }
0xbf: {  	[dreg:$0x0] =	wrdreg $0xFFFFFFFF;
	(pc) =	sbr.abs _section_cstart, $3  }
0xc0: {  	[dreg:$0x1] =	wrdreg $0xFFFFFFFF  }
0xc1: {  	_ =	task.clear_ibuf [dreg:s6], $0x2FFFF;
	_ =	strace $0x9FFFFFFF  }
0xc2: {  	(tm) =	ssettm $0x7FFFFFFF  }
0xc3: {  	_ =	shalt  }
tec
execute0_lowered:
.L_overlay_start_1:
0x0: {  	(tag) =	ssettag $0x1  }
0x1: {  	s0 =	rddreg [dreg:$0x0]  }
0x2: {  	s1 =	rddreg [dreg:$0x1];
	s2 =	simm.s32 $0x0;
	s28 =	srdreg.scid  }
0x3: {  	s12 =	stileid.u32;
	s14 =	simm.s32 $0x7;
	s15 =	simm.s32 $0x16420  }
0x4: {  	s17 =	simm.s32 $0x1;
	s18 =	simm.s32 $0x40;
	s20 =	simm.s32 $0x5  }
0x5: {  	s21 =	simm.s32 $0x6;
	s22 =	simm.s32 $0x0;
	[smem:$0x7FF] =	sst s2  }
0x6: {  	s4 =	sadd.s32 $0x17000, s0;
	s3 =	sadd.s32 $0x43000, s0;
	s6 =	sadd.s32 $0x2800, s0  }
0x7: {  	s7 =	smul.u32 $0x16020, s12;
	s8 =	sshll.u32 s12, $0x1;
	s9 =	sadd.s32 $0x43A00, s0  }
0x8: {  	_ =	strace $0x80000047;
	[dreg:$0x3] =	wrdreg s3;
	s3 =	sand.u32 $0x1, s28  }
0x9: {  	s31 =	sshll.u32 s12, $0x6;
	[dreg:$0x4] =	wrdreg s9;
	s5 =	ssub.s32 $0x2, s3  }
0xa: {  	s10 =	sor.u32 s3, s8;
	s30 =	sadd.s32 s7, s1;
	p0 =	seq.s32 s3, $0x1  }
.Ltmp0:
0xb: {  	s3 =	simm.s32 $0x46800;
	s8 =	sor.u32 $0x1C07, s31;
	(pc) =	sbr.rel .LBB2_1-.Ltmp0, $4  }
0xc: {  	s7 =	sshrl.u32 s7, $0x3;
	s29 =	sshrl.u32 s5, $0x1;
	s11 =	smul.u32 $0xA40, s10  }
0xd: {  	s3 =	simm.s32 @!p0 $0x72A00;
	s10 =	smul.u32 $0x5200, s10;
	s13 =	sshrl.u32 s30, $0x3  }
0xe: {  	s5 =	ssub.s32 s5, s29;
	s0 =	sadd.s32 s3, s0;
	s11 =	sadd.s32 s6, s11  }
0xf: {  	s12 =	sadd.s32 s0, s7;
	[dreg:$0x5] =	wrdreg s11;
	s11 =	smax.u32 s5, $0x1  }
.LBB2_14:
0x10: {  	_ =	swait.ge [sflag:s20], $0x2400  }
0x11: {  	[sflag:s20] =	ssyncset.done $0x0  }
0x12: {  	[sflag:s20] =	ssyncadd.s32 $0xFFFFDC00  }
0x13: {  	_ =	swait.ge [sflag:s21], $0x2400  }
0x14: {  	s22 =	sadd.s32 $0x1, s22;
	[sflag:s21] =	ssyncset.done $0x0  }
0x15: {  	p0 =	sne.s32 s22, s11;
	[sflag:s21] =	ssyncadd.s32 $0xFFFFDC00  }
.Ltmp1:
0x16: {  	[bflag:$0x0] =	sbarrier.arrive $0xFFFF;
	(pc) =	sbr.rel @!p0 .LBB2_15-.Ltmp1, $4  }
0x17: {  	[hbm:s12], [sflag:s8] =	dma.local [spmem:s13], $0x2C04  }
0x18: {  	_ =	swait.ge [sflag:s14], $0x2C04  }
0x19: {  	[sflag:s14] =	ssyncset.done $0x0  }
0x1a: {  	[sflag:s14] =	ssyncadd.s32 $0xFFFFD3FC  }
.LBB2_1:
0x1b: {  	s0 =	rddreg [dreg:$0x4]  }
0x1c: {  	[spmem:s13], [sflag:s8] =	dma.local [hbm:s0], $0x2C04  }
0x1d: {  	_ =	swait.ge [sflag:s14], $0x2C04  }
0x1e: {  	[sflag:s14] =	ssyncset.done $0x0  }
0x1f: {  	[sflag:s14] =	ssyncadd.s32 $0xFFFFD3FC  }
0x20: {  	[bflag:$0x0] =	sbarrier.arrive $0xFFFF  }
0x21: {  	s29 =	rddreg [dreg:$0x3]  }
0x22: {  	[tilespmem:s15], [sflag:$0x7] =	stream.linear.gather [hbm4b:s29+s2], $0x4E20, $0x38;
	[tilespmem:$0x1FA80] =	vst v63  }
0x23: {  	_ =	swait.ge [sflag:s14], $0x4E20  }
0x24: {  	[sflag:s14] =	ssyncset.done $0x0  }
0x25: {  	s3 =	simm.s32 $0x16020;
	s30 =	rddreg [dreg:$0x5];
	[sflag:s14] =	ssyncadd.s32 $0xFFFFB1E0  }
0x26: {  	[tilespmem:s3], [sflag:$0x1] =	stream.linear.gather [hbm4b:s30+s2], $0x200, $0x38;
	[tilespmem:$0x1FA80] =	vst v63  }
.Ltmp2:
0x27: {  	_ = 	snop;
	(pc) =	sbr.rel .LBB2_2-.Ltmp2, $4  }
0x28: {  	_ =	swait.ge [sflag:s17], $0x200  }
0x29: {  	[sflag:s17] =	ssyncset.done $0x0  }
0x2a: {  	s31 =	simm.s32 $0x1B240;
	s23 =	simm.s32 $0x0;
	[sflag:s17] =	ssyncadd.s32 $0xFFFFFE00  }
0x2b: {  	[tilespmem:s31], [sflag:$0x3] =	stream.indirect.gather [hbm4b:s4+s18], $0x90, s3, s18, $0xb8;
	[tilespmem:$0x1FA80] =	vst v63  }
.LBB2_13:
0x2c: {  	p0 =	sne.s32 s24, $0x29  }
.Ltmp3:
0x2d: {  	_ = 	snop;
	(pc) =	sbr.rel @!p0 .LBB2_14-.Ltmp3, $2  }
0x2e: {  	_ =	sdelay $0x2  }
0x2f: {  	s23 =	smov.u32 s24  }
.LBB2_2:
0x30: {  	s24 =	sadd.s32 $0x1, s23;
	s25 =	sshll.u32 s23, $0x2;
	s5 =	sshll.u32 s23, $0x9  }
0x31: {  	s31 =	simm.s32 $0x0;
	s0 =	sand.u32 $0x1, s24;
	s3 =	sshll.u32 s24, $0x9  }
0x32: {  	s5 =	sand.u32 $0x200, s5;
	s26 =	sadd.s32 $0x1, s0;
	s3 =	sadd.s32 s10, s3  }
0x33: {  	s0 =	sshll.u32 s0, $0x9;
	s29 =	sor.u32 $0x16020, s5;
	s19 =	sshrl.u32 s3, $0x3  }
0x34: {  	p0 =	seq.s32 s23, $0x28;
	s28 =	sor.u32 $0x16020, s0;
	v0 =	vmov s29;
	s30 =	sadd.s32 s6, s19  }
.LBB2_3:
0x35: {  	s5 =	sadd.s32 s25, s31  }
0x36: {  	p1 =	sgt.u32 s5, $0xA2  }
.Ltmp4:
0x37: {  	_ = 	snop;
	(pc) =	sbr.rel @p1 .LBB2_10-.Ltmp4, $2  }
0x38: {  	_ =	sdelay $0x2  }
0x39: {  	s0 =	sand.u32 $0x1, s31  }
0x3a: {  	p2 =	sne.s32 @!p0 s31, $0x0  }
0x3b: {  	p2 =	por p0, p2  }
.Ltmp5:
0x3c: {  	s3 =	sxor.u32 $0x1, s0;
	p1 =	seq.s32 s5, $0x0;
	(pc) =	sbr.rel @p2 .LBB2_6-.Ltmp5, $4  }
0x3d: {  	s5 =	sadd.s32 @!p1 $0x5, s3  }
0x3e: {  	_ =	swait.ge @!p1 [sflag:s5], $0x2400  }
0x3f: {  	[sflag:s5] =	ssyncset.done @!p1 $0x0  }
0x40: {  	[sflag:s5] =	ssyncadd.s32 @!p1 $0xFFFFDC00  }
0x41: {  	[tilespmem:s28], [sflag:s26] =	stream.linear.gather [hbm4b:s30+s2], $0x200, $0x38;
	[tilespmem:$0x1FA80] =	vst v63  }
.LBB2_7:
0x42: {  	s5 =	sshll.u32 s31, $0x7  }
0x43: {  	s7 =	smov.u32 s23;
	s5 =	sadd.s32 $0x80, s5  }
.LBB2_9:
0x44: {  	s9 =	smul.u32 $0x9000, s3;
	s7 =	sshll.u32 s7, $0x9  }
0x45: {  	s7 =	sand.u32 $0x200, s7  }
0x46: {  	s9 =	sshrl.u32 s9, $0x2;
	s5 =	sadd.s32 s5, s7  }
0x47: {  	s19 =	sadd.s32 $0x3, s3;
	s16 =	sadd.s32 $0x1B240, s9;
	s5 =	sadd.s32 $0x16020, s5  }
0x48: {  	[tilespmem:s16], [sflag:s19] =	stream.indirect.gather [hbm4b:s4+s18], $0x90, s5, s18, $0xb8;
	[tilespmem:$0x1FA80] =	vst v63  }
.LBB2_10:
0x49: {  	_ =	sdelay $0x1  }
0x4a: {  	s3 =	sshll.u32 s31, $0x7  }
0x4b: {  	s7 =	sand.u32 $0x3FFFFF80, s3  }
0x4c: {  	v1 =	vld.idx.msk [tilespmem:v0+s7+$0x0 ss:$0x1], $0xffff  }
0x4d: {  	v2 =	vld.idx.msk [tilespmem:v0+s7+$0x40 ss:$0x1], $0xffff;
	_ =	sdelay $0x4  }
0x4e: {  	v1 =	vshll.u32 v1, $0x1;
	v2 =	vshll.u32 v2, $0x1  }
0x4f: {  	v2 =	vor.u32 $0x1, v2;
	_ =	sdelay $0x3  }
0x50: {  	v1 =	vld.idx.msk [tilespmem:v1+s15+$0x0], $0xffff  }
0x51: {  	v2 =	vld.idx.msk [tilespmem:v2+s15+$0x0], $0xffff;
	_ =	sdelay $0x4  }
0x52: {  	v1 =	vadd.f32 v2, v1;
	_ =	sdelay $0x1  }
0x53: {  	v2 =	vmul.f32 $2.000000030e-01, v1  }
0x54: {  	vm0 =	vge.f32 v1, $0.0e+00  }
0x55: {  	v1 =	vsel vm0, v1, v2  }
0x56: {  	v1 =	vmul.f32 $1.442695020e+00, v1;
	_ =	sdelay $0x1  }
0x57: {  	(erf) = vpow2.f32 v1;
	_ =	sdelay $0x8  }
0x58: {  	v1 =	vpop (erf)  }
0x59: {  	[tilespmem:$0x1FA40] =	vst v1  }
0x5a: {  	v1 =	vld.idx.msk [tilespmem:v0+s7+$0x10 ss:$0x1], $0xffff  }
0x5b: {  	v2 =	vld.idx.msk [tilespmem:v0+s7+$0x50 ss:$0x1], $0xffff;
	_ =	sdelay $0x4  }
0x5c: {  	v1 =	vshll.u32 v1, $0x1;
	v2 =	vshll.u32 v2, $0x1  }
0x5d: {  	v2 =	vor.u32 $0x1, v2;
	_ =	sdelay $0x3  }
0x5e: {  	v1 =	vld.idx.msk [tilespmem:v1+s15+$0x0], $0xffff  }
0x5f: {  	v2 =	vld.idx.msk [tilespmem:v2+s15+$0x0], $0xffff;
	_ =	sdelay $0x4  }
0x60: {  	v1 =	vadd.f32 v2, v1;
	_ =	sdelay $0x1  }
0x61: {  	v2 =	vmul.f32 $2.000000030e-01, v1  }
0x62: {  	vm13 =	vge.f32 v1, $0.0e+00  }
0x63: {  	v1 =	vsel vm13, v1, v2  }
0x64: {  	v1 =	vmul.f32 $1.442695020e+00, v1;
	_ =	sdelay $0x1  }
0x65: {  	(erf) = vpow2.f32 v1;
	_ =	sdelay $0x8  }
0x66: {  	v1 =	vpop (erf)  }
0x67: {  	[tilespmem:$0x1FA50] =	vst v1  }
0x68: {  	v1 =	vld.idx.msk [tilespmem:v0+s7+$0x20 ss:$0x1], $0xffff  }
0x69: {  	v2 =	vld.idx.msk [tilespmem:v0+s7+$0x60 ss:$0x1], $0xffff;
	_ =	sdelay $0x4  }
0x6a: {  	v1 =	vshll.u32 v1, $0x1;
	v2 =	vshll.u32 v2, $0x1  }
0x6b: {  	v2 =	vor.u32 $0x1, v2;
	_ =	sdelay $0x3  }
0x6c: {  	v1 =	vld.idx.msk [tilespmem:v1+s15+$0x0], $0xffff  }
0x6d: {  	v2 =	vld.idx.msk [tilespmem:v2+s15+$0x0], $0xffff;
	_ =	sdelay $0x4  }
0x6e: {  	v1 =	vadd.f32 v2, v1;
	_ =	sdelay $0x1  }
0x6f: {  	v2 =	vmul.f32 $2.000000030e-01, v1  }
0x70: {  	vm14 =	vge.f32 v1, $0.0e+00  }
0x71: {  	v1 =	vsel vm14, v1, v2  }
0x72: {  	v1 =	vmul.f32 $1.442695020e+00, v1;
	_ =	sdelay $0x1  }
0x73: {  	(erf) = vpow2.f32 v1;
	_ =	sdelay $0x8  }
0x74: {  	v1 =	vpop (erf)  }
0x75: {  	[tilespmem:$0x1FA60] =	vst v1  }
0x76: {  	v1 =	vld.idx.msk [tilespmem:v0+s7+$0x30 ss:$0x1], $0xffff  }
0x77: {  	v2 =	vld.idx.msk [tilespmem:v0+s7+$0x70 ss:$0x1], $0xffff;
	_ =	sdelay $0x4  }
0x78: {  	v1 =	vshll.u32 v1, $0x1;
	v2 =	vshll.u32 v2, $0x1  }
0x79: {  	v2 =	vor.u32 $0x1, v2;
	_ =	sdelay $0x3  }
0x7a: {  	v1 =	vld.idx.msk [tilespmem:v1+s15+$0x0], $0xffff  }
0x7b: {  	v2 =	vld.idx.msk [tilespmem:v2+s15+$0x0], $0xffff;
	_ =	sdelay $0x4  }
0x7c: {  	v1 =	vadd.f32 v2, v1;
	_ =	sdelay $0x1  }
0x7d: {  	v2 =	vmul.f32 $2.000000030e-01, v1  }
0x7e: {  	vm15 =	vge.f32 v1, $0.0e+00  }
0x7f: {  	v1 =	vsel vm15, v1, v2  }
0x80: {  	v1 =	vmul.f32 $1.442695020e+00, v1;
	_ =	sdelay $0x1  }
0x81: {  	(erf) = vpow2.f32 v1;
	_ =	sdelay $0x6  }
0x82: {  	s16 =	smul.u32 $0x9000, s0;
	_ =	sdelay $0x1  }
0x83: {  	s3 =	sshrl.u32 s16, $0x2;
	v1 =	vpop (erf)  }
0x84: {  	s5 =	sadd.s32 $0x3, s0;
	s3 =	sadd.s32 $0x1B240, s3;
	[tilespmem:$0x1FA70] =	vst v1  }
0x85: {  	v1 =	vmov s3;
	_ =	swait.ge [sflag:s5], $0x2400  }
0x86: {  	s9 =	simm.s32 $0x0;
	s16 =	simm.s32 $0x0;
	[sflag:s5] =	ssyncset.done $0x0  }
0x87: {  	s19 =	sand.u32 $0x3FFFFFF0, s16;
	[sflag:s5] =	ssyncadd.s32 $0xFFFFDC00;
	s5 =	smul.u32 $0x2400, s9  }
0x88: {  	v4 =	vld [tilespmem:s19+$0x1FA40]  }
0x89: {  	s19 =	sshra.s32 s5, $0x2  }
0x8a: {  	v2 =	vld.idx.msk [tilespmem:v1+s19+$0x0 ss:$0x1], $0xffff  }
0x8b: {  	v3 =	vld.idx.msk [tilespmem:v1+s19+$0x10 ss:$0x1], $0xffff  }
0x8c: {  	v5 =	vld.idx.msk [tilespmem:v1+s19+$0x20 ss:$0x1], $0xffff  }
0x8d: {  	v6 =	vld.idx.msk [tilespmem:v1+s19+$0x30 ss:$0x1], $0xffff;
	v7 =	vbroadcast v4, $0x0  }
0x8e: {  	v8 =	vld.idx.msk [tilespmem:v1+s19+$0x40 ss:$0x1], $0xffff  }
0x8f: {  	v9 =	vld.idx.msk [tilespmem:v1+s19+$0x50 ss:$0x1], $0xffff;
	v2 =	vmul.f32 v7, v2  }
0x90: {  	v10 =	vld.idx.msk [tilespmem:v1+s19+$0x60 ss:$0x1], $0xffff;
	v3 =	vmul.f32 v3, v7  }
0x91: {  	v11 =	vld.idx.msk [tilespmem:v1+s19+$0x70 ss:$0x1], $0xffff;
	v5 =	vmul.f32 v5, v7;
	[tilespmem:v1+s19+$0x0 ss:$0x1] =	vst.idx.msk $0xffff, v2  }
0x92: {  	v2 =	vmul.f32 v6, v7;
	[tilespmem:v1+s19+$0x10 ss:$0x1] =	vst.idx.msk $0xffff, v3  }
0x93: {  	v3 =	vmul.f32 v8, v7;
	[tilespmem:v1+s19+$0x20 ss:$0x1] =	vst.idx.msk $0xffff, v5  }
0x94: {  	v5 =	vmul.f32 v9, v7;
	[tilespmem:v1+s19+$0x30 ss:$0x1] =	vst.idx.msk $0xffff, v2  }
0x95: {  	v2 =	vmul.f32 v10, v7;
	[tilespmem:v1+s19+$0x40 ss:$0x1] =	vst.idx.msk $0xffff, v3  }
0x96: {  	v3 =	vmul.f32 v11, v7;
	[tilespmem:v1+s19+$0x50 ss:$0x1] =	vst.idx.msk $0xffff, v5  }
0x97: {  	[tilespmem:v1+s19+$0x60 ss:$0x1] =	vst.idx.msk $0xffff, v2  }
0x98: {  	[tilespmem:v1+s19+$0x70 ss:$0x1] =	vst.idx.msk $0xffff, v3  }
0x99: {  	[tilespmem:v1+s19+$0x80 ss:$0x1] =	vst.idx.msk $0xffff, v7  }
0x9a: {  	v2 =	vld.idx.msk [tilespmem:v1+s19+$0x90 ss:$0x1], $0xffff  }
0x9b: {  	v3 =	vld.idx.msk [tilespmem:v1+s19+$0xA0 ss:$0x1], $0xffff  }
0x9c: {  	v5 =	vld.idx.msk [tilespmem:v1+s19+$0xB0 ss:$0x1], $0xffff  }
0x9d: {  	v6 =	vld.idx.msk [tilespmem:v1+s19+$0xC0 ss:$0x1], $0xffff;
	v7 =	vbroadcast v4, $0x1  }
0x9e: {  	v8 =	vld.idx.msk [tilespmem:v1+s19+$0xD0 ss:$0x1], $0xffff  }
0x9f: {  	v9 =	vld.idx.msk [tilespmem:v1+s19+$0xE0 ss:$0x1], $0xffff;
	v2 =	vmul.f32 v2, v7  }
0xa0: {  	v10 =	vld.idx.msk [tilespmem:v1+s19+$0xF0 ss:$0x1], $0xffff;
	v3 =	vmul.f32 v3, v7  }
0xa1: {  	v11 =	vld.idx.msk [tilespmem:v1+s19+$0x100 ss:$0x1], $0xffff;
	v5 =	vmul.f32 v5, v7;
	[tilespmem:v1+s19+$0x90 ss:$0x1] =	vst.idx.msk $0xffff, v2  }
0xa2: {  	v2 =	vmul.f32 v6, v7;
	[tilespmem:v1+s19+$0xA0 ss:$0x1] =	vst.idx.msk $0xffff, v3  }
0xa3: {  	v3 =	vmul.f32 v8, v7;
	[tilespmem:v1+s19+$0xB0 ss:$0x1] =	vst.idx.msk $0xffff, v5  }
0xa4: {  	v5 =	vmul.f32 v9, v7;
	[tilespmem:v1+s19+$0xC0 ss:$0x1] =	vst.idx.msk $0xffff, v2  }
0xa5: {  	v2 =	vmul.f32 v10, v7;
	[tilespmem:v1+s19+$0xD0 ss:$0x1] =	vst.idx.msk $0xffff, v3  }
0xa6: {  	v3 =	vmul.f32 v11, v7;
	[tilespmem:v1+s19+$0xE0 ss:$0x1] =	vst.idx.msk $0xffff, v5  }
0xa7: {  	[tilespmem:v1+s19+$0xF0 ss:$0x1] =	vst.idx.msk $0xffff, v2  }
0xa8: {  	[tilespmem:v1+s19+$0x100 ss:$0x1] =	vst.idx.msk $0xffff, v3  }
0xa9: {  	[tilespmem:v1+s19+$0x110 ss:$0x1] =	vst.idx.msk $0xffff, v7  }
0xaa: {  	v2 =	vld.idx.msk [tilespmem:v1+s19+$0x120 ss:$0x1], $0xffff  }
0xab: {  	v3 =	vld.idx.msk [tilespmem:v1+s19+$0x130 ss:$0x1], $0xffff  }
0xac: {  	v5 =	vld.idx.msk [tilespmem:v1+s19+$0x140 ss:$0x1], $0xffff  }
0xad: {  	v6 =	vld.idx.msk [tilespmem:v1+s19+$0x150 ss:$0x1], $0xffff;
	v7 =	vbroadcast v4, $0x2  }
0xae: {  	v8 =	vld.idx.msk [tilespmem:v1+s19+$0x160 ss:$0x1], $0xffff  }
0xaf: {  	v9 =	vld.idx.msk [tilespmem:v1+s19+$0x170 ss:$0x1], $0xffff;
	v2 =	vmul.f32 v2, v7  }
0xb0: {  	v10 =	vld.idx.msk [tilespmem:v1+s19+$0x180 ss:$0x1], $0xffff;
	v3 =	vmul.f32 v3, v7  }
0xb1: {  	v11 =	vld.idx.msk [tilespmem:v1+s19+$0x190 ss:$0x1], $0xffff;
	v5 =	vmul.f32 v5, v7;
	[tilespmem:v1+s19+$0x120 ss:$0x1] =	vst.idx.msk $0xffff, v2  }
0xb2: {  	v2 =	vmul.f32 v6, v7;
	[tilespmem:v1+s19+$0x130 ss:$0x1] =	vst.idx.msk $0xffff, v3  }
0xb3: {  	v3 =	vmul.f32 v8, v7;
	[tilespmem:v1+s19+$0x140 ss:$0x1] =	vst.idx.msk $0xffff, v5  }
0xb4: {  	v5 =	vmul.f32 v9, v7;
	[tilespmem:v1+s19+$0x150 ss:$0x1] =	vst.idx.msk $0xffff, v2  }
0xb5: {  	v2 =	vmul.f32 v10, v7;
	[tilespmem:v1+s19+$0x160 ss:$0x1] =	vst.idx.msk $0xffff, v3  }
0xb6: {  	v3 =	vmul.f32 v11, v7;
	[tilespmem:v1+s19+$0x170 ss:$0x1] =	vst.idx.msk $0xffff, v5  }
0xb7: {  	[tilespmem:v1+s19+$0x180 ss:$0x1] =	vst.idx.msk $0xffff, v2  }
0xb8: {  	[tilespmem:v1+s19+$0x190 ss:$0x1] =	vst.idx.msk $0xffff, v3  }
0xb9: {  	[tilespmem:v1+s19+$0x1A0 ss:$0x1] =	vst.idx.msk $0xffff, v7  }
0xba: {  	v2 =	vld.idx.msk [tilespmem:v1+s19+$0x1B0 ss:$0x1], $0xffff  }
0xbb: {  	v3 =	vld.idx.msk [tilespmem:v1+s19+$0x1C0 ss:$0x1], $0xffff  }
0xbc: {  	v5 =	vld.idx.msk [tilespmem:v1+s19+$0x1D0 ss:$0x1], $0xffff  }
0xbd: {  	v6 =	vld.idx.msk [tilespmem:v1+s19+$0x1E0 ss:$0x1], $0xffff;
	v7 =	vbroadcast v4, $0x3  }
0xbe: {  	v8 =	vld.idx.msk [tilespmem:v1+s19+$0x1F0 ss:$0x1], $0xffff  }
0xbf: {  	v9 =	vld.idx.msk [tilespmem:v1+s19+$0x200 ss:$0x1], $0xffff;
	v2 =	vmul.f32 v2, v7  }
0xc0: {  	v10 =	vld.idx.msk [tilespmem:v1+s19+$0x210 ss:$0x1], $0xffff;
	v3 =	vmul.f32 v3, v7  }
0xc1: {  	v11 =	vld.idx.msk [tilespmem:v1+s19+$0x220 ss:$0x1], $0xffff;
	v5 =	vmul.f32 v5, v7;
	[tilespmem:v1+s19+$0x1B0 ss:$0x1] =	vst.idx.msk $0xffff, v2  }
0xc2: {  	v2 =	vmul.f32 v6, v7;
	[tilespmem:v1+s19+$0x1C0 ss:$0x1] =	vst.idx.msk $0xffff, v3  }
0xc3: {  	v3 =	vmul.f32 v8, v7;
	[tilespmem:v1+s19+$0x1D0 ss:$0x1] =	vst.idx.msk $0xffff, v5  }
0xc4: {  	v5 =	vmul.f32 v9, v7;
	[tilespmem:v1+s19+$0x1E0 ss:$0x1] =	vst.idx.msk $0xffff, v2  }
0xc5: {  	v2 =	vmul.f32 v10, v7;
	[tilespmem:v1+s19+$0x1F0 ss:$0x1] =	vst.idx.msk $0xffff, v3  }
0xc6: {  	v3 =	vmul.f32 v11, v7;
	[tilespmem:v1+s19+$0x200 ss:$0x1] =	vst.idx.msk $0xffff, v5  }
0xc7: {  	[tilespmem:v1+s19+$0x210 ss:$0x1] =	vst.idx.msk $0xffff, v2  }
0xc8: {  	[tilespmem:v1+s19+$0x220 ss:$0x1] =	vst.idx.msk $0xffff, v3  }
0xc9: {  	[tilespmem:v1+s19+$0x230 ss:$0x1] =	vst.idx.msk $0xffff, v7  }
0xca: {  	v2 =	vld.idx.msk [tilespmem:v1+s19+$0x240 ss:$0x1], $0xffff  }
0xcb: {  	v3 =	vld.idx.msk [tilespmem:v1+s19+$0x250 ss:$0x1], $0xffff  }
0xcc: {  	v5 =	vld.idx.msk [tilespmem:v1+s19+$0x260 ss:$0x1], $0xffff  }
0xcd: {  	v6 =	vld.idx.msk [tilespmem:v1+s19+$0x270 ss:$0x1], $0xffff;
	v7 =	vbroadcast v4, $0x4  }
0xce: {  	v8 =	vld.idx.msk [tilespmem:v1+s19+$0x280 ss:$0x1], $0xffff  }
0xcf: {  	v9 =	vld.idx.msk [tilespmem:v1+s19+$0x290 ss:$0x1], $0xffff;
	v2 =	vmul.f32 v2, v7  }
0xd0: {  	v10 =	vld.idx.msk [tilespmem:v1+s19+$0x2A0 ss:$0x1], $0xffff;
	v3 =	vmul.f32 v3, v7  }
0xd1: {  	v11 =	vld.idx.msk [tilespmem:v1+s19+$0x2B0 ss:$0x1], $0xffff;
	v5 =	vmul.f32 v5, v7;
	[tilespmem:v1+s19+$0x240 ss:$0x1] =	vst.idx.msk $0xffff, v2  }
0xd2: {  	v2 =	vmul.f32 v6, v7;
	[tilespmem:v1+s19+$0x250 ss:$0x1] =	vst.idx.msk $0xffff, v3  }
0xd3: {  	v3 =	vmul.f32 v8, v7;
	[tilespmem:v1+s19+$0x260 ss:$0x1] =	vst.idx.msk $0xffff, v5  }
0xd4: {  	v5 =	vmul.f32 v9, v7;
	[tilespmem:v1+s19+$0x270 ss:$0x1] =	vst.idx.msk $0xffff, v2  }
0xd5: {  	v2 =	vmul.f32 v10, v7;
	[tilespmem:v1+s19+$0x280 ss:$0x1] =	vst.idx.msk $0xffff, v3  }
0xd6: {  	v3 =	vmul.f32 v11, v7;
	[tilespmem:v1+s19+$0x290 ss:$0x1] =	vst.idx.msk $0xffff, v5  }
0xd7: {  	[tilespmem:v1+s19+$0x2A0 ss:$0x1] =	vst.idx.msk $0xffff, v2  }
0xd8: {  	[tilespmem:v1+s19+$0x2B0 ss:$0x1] =	vst.idx.msk $0xffff, v3  }
0xd9: {  	[tilespmem:v1+s19+$0x2C0 ss:$0x1] =	vst.idx.msk $0xffff, v7  }
0xda: {  	v2 =	vld.idx.msk [tilespmem:v1+s19+$0x2D0 ss:$0x1], $0xffff  }
0xdb: {  	v3 =	vld.idx.msk [tilespmem:v1+s19+$0x2E0 ss:$0x1], $0xffff  }
0xdc: {  	v5 =	vld.idx.msk [tilespmem:v1+s19+$0x2F0 ss:$0x1], $0xffff  }
0xdd: {  	v6 =	vld.idx.msk [tilespmem:v1+s19+$0x300 ss:$0x1], $0xffff;
	v7 =	vbroadcast v4, $0x5  }
0xde: {  	v8 =	vld.idx.msk [tilespmem:v1+s19+$0x310 ss:$0x1], $0xffff  }
0xdf: {  	v9 =	vld.idx.msk [tilespmem:v1+s19+$0x320 ss:$0x1], $0xffff;
	v2 =	vmul.f32 v2, v7  }
0xe0: {  	v10 =	vld.idx.msk [tilespmem:v1+s19+$0x330 ss:$0x1], $0xffff;
	v3 =	vmul.f32 v3, v7  }
0xe1: {  	v11 =	vld.idx.msk [tilespmem:v1+s19+$0x340 ss:$0x1], $0xffff;
	v5 =	vmul.f32 v5, v7;
	[tilespmem:v1+s19+$0x2D0 ss:$0x1] =	vst.idx.msk $0xffff, v2  }
0xe2: {  	v2 =	vmul.f32 v6, v7;
	[tilespmem:v1+s19+$0x2E0 ss:$0x1] =	vst.idx.msk $0xffff, v3  }
0xe3: {  	v3 =	vmul.f32 v8, v7;
	[tilespmem:v1+s19+$0x2F0 ss:$0x1] =	vst.idx.msk $0xffff, v5  }
0xe4: {  	v5 =	vmul.f32 v9, v7;
	[tilespmem:v1+s19+$0x300 ss:$0x1] =	vst.idx.msk $0xffff, v2  }
0xe5: {  	v2 =	vmul.f32 v10, v7;
	[tilespmem:v1+s19+$0x310 ss:$0x1] =	vst.idx.msk $0xffff, v3  }
0xe6: {  	v3 =	vmul.f32 v11, v7;
	[tilespmem:v1+s19+$0x320 ss:$0x1] =	vst.idx.msk $0xffff, v5  }
0xe7: {  	[tilespmem:v1+s19+$0x330 ss:$0x1] =	vst.idx.msk $0xffff, v2  }
0xe8: {  	[tilespmem:v1+s19+$0x340 ss:$0x1] =	vst.idx.msk $0xffff, v3  }
0xe9: {  	[tilespmem:v1+s19+$0x350 ss:$0x1] =	vst.idx.msk $0xffff, v7  }
0xea: {  	v2 =	vld.idx.msk [tilespmem:v1+s19+$0x360 ss:$0x1], $0xffff  }
0xeb: {  	v3 =	vld.idx.msk [tilespmem:v1+s19+$0x370 ss:$0x1], $0xffff  }
0xec: {  	v5 =	vld.idx.msk [tilespmem:v1+s19+$0x380 ss:$0x1], $0xffff  }
0xed: {  	v6 =	vld.idx.msk [tilespmem:v1+s19+$0x390 ss:$0x1], $0xffff;
	v7 =	vbroadcast v4, $0x6  }
0xee: {  	v8 =	vld.idx.msk [tilespmem:v1+s19+$0x3A0 ss:$0x1], $0xffff  }
0xef: {  	v9 =	vld.idx.msk [tilespmem:v1+s19+$0x3B0 ss:$0x1], $0xffff;
	v2 =	vmul.f32 v2, v7  }
0xf0: {  	v10 =	vld.idx.msk [tilespmem:v1+s19+$0x3C0 ss:$0x1], $0xffff;
	v3 =	vmul.f32 v3, v7  }
0xf1: {  	v11 =	vld.idx.msk [tilespmem:v1+s19+$0x3D0 ss:$0x1], $0xffff;
	v5 =	vmul.f32 v5, v7;
	[tilespmem:v1+s19+$0x360 ss:$0x1] =	vst.idx.msk $0xffff, v2  }
0xf2: {  	v2 =	vmul.f32 v6, v7;
	[tilespmem:v1+s19+$0x370 ss:$0x1] =	vst.idx.msk $0xffff, v3  }
0xf3: {  	v3 =	vmul.f32 v8, v7;
	[tilespmem:v1+s19+$0x380 ss:$0x1] =	vst.idx.msk $0xffff, v5  }
0xf4: {  	v5 =	vmul.f32 v9, v7;
	[tilespmem:v1+s19+$0x390 ss:$0x1] =	vst.idx.msk $0xffff, v2  }
0xf5: {  	v2 =	vmul.f32 v10, v7;
	[tilespmem:v1+s19+$0x3A0 ss:$0x1] =	vst.idx.msk $0xffff, v3  }
0xf6: {  	v3 =	vmul.f32 v11, v7;
	[tilespmem:v1+s19+$0x3B0 ss:$0x1] =	vst.idx.msk $0xffff, v5  }
0xf7: {  	[tilespmem:v1+s19+$0x3C0 ss:$0x1] =	vst.idx.msk $0xffff, v2  }
0xf8: {  	[tilespmem:v1+s19+$0x3D0 ss:$0x1] =	vst.idx.msk $0xffff, v3  }
0xf9: {  	[tilespmem:v1+s19+$0x3E0 ss:$0x1] =	vst.idx.msk $0xffff, v7  }
0xfa: {  	v2 =	vld.idx.msk [tilespmem:v1+s19+$0x3F0 ss:$0x1], $0xffff  }
0xfb: {  	v3 =	vld.idx.msk [tilespmem:v1+s19+$0x400 ss:$0x1], $0xffff  }
0xfc: {  	v5 =	vld.idx.msk [tilespmem:v1+s19+$0x410 ss:$0x1], $0xffff  }
0xfd: {  	v6 =	vld.idx.msk [tilespmem:v1+s19+$0x420 ss:$0x1], $0xffff;
	v7 =	vbroadcast v4, $0x7  }
0xfe: {  	v8 =	vld.idx.msk [tilespmem:v1+s19+$0x430 ss:$0x1], $0xffff  }
0xff: {  	v9 =	vld.idx.msk [tilespmem:v1+s19+$0x440 ss:$0x1], $0xffff;
	v2 =	vmul.f32 v2, v7  }
0x100: {  	v10 =	vld.idx.msk [tilespmem:v1+s19+$0x450 ss:$0x1], $0xffff;
	v3 =	vmul.f32 v3, v7  }
0x101: {  	v11 =	vld.idx.msk [tilespmem:v1+s19+$0x460 ss:$0x1], $0xffff;
	v5 =	vmul.f32 v5, v7;
	[tilespmem:v1+s19+$0x3F0 ss:$0x1] =	vst.idx.msk $0xffff, v2  }
0x102: {  	v2 =	vmul.f32 v6, v7;
	[tilespmem:v1+s19+$0x400 ss:$0x1] =	vst.idx.msk $0xffff, v3  }
0x103: {  	v3 =	vmul.f32 v8, v7;
	[tilespmem:v1+s19+$0x410 ss:$0x1] =	vst.idx.msk $0xffff, v5  }
0x104: {  	v5 =	vmul.f32 v9, v7;
	[tilespmem:v1+s19+$0x420 ss:$0x1] =	vst.idx.msk $0xffff, v2  }
0x105: {  	v2 =	vmul.f32 v10, v7;
	[tilespmem:v1+s19+$0x430 ss:$0x1] =	vst.idx.msk $0xffff, v3  }
0x106: {  	v3 =	vmul.f32 v11, v7;
	[tilespmem:v1+s19+$0x440 ss:$0x1] =	vst.idx.msk $0xffff, v5  }
0x107: {  	[tilespmem:v1+s19+$0x450 ss:$0x1] =	vst.idx.msk $0xffff, v2  }
0x108: {  	[tilespmem:v1+s19+$0x460 ss:$0x1] =	vst.idx.msk $0xffff, v3  }
0x109: {  	[tilespmem:v1+s19+$0x470 ss:$0x1] =	vst.idx.msk $0xffff, v7  }
0x10a: {  	v2 =	vld.idx.msk [tilespmem:v1+s19+$0x480 ss:$0x1], $0xffff  }
0x10b: {  	v3 =	vld.idx.msk [tilespmem:v1+s19+$0x490 ss:$0x1], $0xffff  }
0x10c: {  	v5 =	vld.idx.msk [tilespmem:v1+s19+$0x4A0 ss:$0x1], $0xffff  }
0x10d: {  	v6 =	vld.idx.msk [tilespmem:v1+s19+$0x4B0 ss:$0x1], $0xffff;
	v7 =	vbroadcast v4, $0x8  }
0x10e: {  	v8 =	vld.idx.msk [tilespmem:v1+s19+$0x4C0 ss:$0x1], $0xffff  }
0x10f: {  	v9 =	vld.idx.msk [tilespmem:v1+s19+$0x4D0 ss:$0x1], $0xffff;
	v2 =	vmul.f32 v2, v7  }
0x110: {  	v10 =	vld.idx.msk [tilespmem:v1+s19+$0x4E0 ss:$0x1], $0xffff;
	v3 =	vmul.f32 v3, v7  }
0x111: {  	v11 =	vld.idx.msk [tilespmem:v1+s19+$0x4F0 ss:$0x1], $0xffff;
	v5 =	vmul.f32 v5, v7;
	[tilespmem:v1+s19+$0x480 ss:$0x1] =	vst.idx.msk $0xffff, v2  }
0x112: {  	v2 =	vmul.f32 v6, v7;
	[tilespmem:v1+s19+$0x490 ss:$0x1] =	vst.idx.msk $0xffff, v3  }
0x113: {  	v3 =	vmul.f32 v8, v7;
	[tilespmem:v1+s19+$0x4A0 ss:$0x1] =	vst.idx.msk $0xffff, v5  }
0x114: {  	v5 =	vmul.f32 v9, v7;
	[tilespmem:v1+s19+$0x4B0 ss:$0x1] =	vst.idx.msk $0xffff, v2  }
0x115: {  	v2 =	vmul.f32 v10, v7;
	[tilespmem:v1+s19+$0x4C0 ss:$0x1] =	vst.idx.msk $0xffff, v3  }
0x116: {  	v3 =	vmul.f32 v11, v7;
	[tilespmem:v1+s19+$0x4D0 ss:$0x1] =	vst.idx.msk $0xffff, v5  }
0x117: {  	[tilespmem:v1+s19+$0x4E0 ss:$0x1] =	vst.idx.msk $0xffff, v2  }
0x118: {  	[tilespmem:v1+s19+$0x4F0 ss:$0x1] =	vst.idx.msk $0xffff, v3  }
0x119: {  	[tilespmem:v1+s19+$0x500 ss:$0x1] =	vst.idx.msk $0xffff, v7  }
0x11a: {  	v2 =	vld.idx.msk [tilespmem:v1+s19+$0x510 ss:$0x1], $0xffff  }
0x11b: {  	v3 =	vld.idx.msk [tilespmem:v1+s19+$0x520 ss:$0x1], $0xffff  }
0x11c: {  	v5 =	vld.idx.msk [tilespmem:v1+s19+$0x530 ss:$0x1], $0xffff  }
0x11d: {  	v6 =	vld.idx.msk [tilespmem:v1+s19+$0x540 ss:$0x1], $0xffff;
	v7 =	vbroadcast v4, $0x9  }
0x11e: {  	v8 =	vld.idx.msk [tilespmem:v1+s19+$0x550 ss:$0x1], $0xffff  }
0x11f: {  	v9 =	vld.idx.msk [tilespmem:v1+s19+$0x560 ss:$0x1], $0xffff;
	v2 =	vmul.f32 v2, v7  }
0x120: {  	v10 =	vld.idx.msk [tilespmem:v1+s19+$0x570 ss:$0x1], $0xffff;
	v3 =	vmul.f32 v3, v7  }
0x121: {  	v11 =	vld.idx.msk [tilespmem:v1+s19+$0x580 ss:$0x1], $0xffff;
	v5 =	vmul.f32 v5, v7;
	[tilespmem:v1+s19+$0x510 ss:$0x1] =	vst.idx.msk $0xffff, v2  }
0x122: {  	v2 =	vmul.f32 v6, v7;
	[tilespmem:v1+s19+$0x520 ss:$0x1] =	vst.idx.msk $0xffff, v3  }
0x123: {  	v3 =	vmul.f32 v8, v7;
	[tilespmem:v1+s19+$0x530 ss:$0x1] =	vst.idx.msk $0xffff, v5  }
0x124: {  	v5 =	vmul.f32 v9, v7;
	[tilespmem:v1+s19+$0x540 ss:$0x1] =	vst.idx.msk $0xffff, v2  }
0x125: {  	v2 =	vmul.f32 v10, v7;
	[tilespmem:v1+s19+$0x550 ss:$0x1] =	vst.idx.msk $0xffff, v3  }
0x126: {  	v3 =	vmul.f32 v11, v7;
	[tilespmem:v1+s19+$0x560 ss:$0x1] =	vst.idx.msk $0xffff, v5  }
0x127: {  	[tilespmem:v1+s19+$0x570 ss:$0x1] =	vst.idx.msk $0xffff, v2  }
0x128: {  	[tilespmem:v1+s19+$0x580 ss:$0x1] =	vst.idx.msk $0xffff, v3  }
0x129: {  	v6 =	vld.idx.msk [tilespmem:v1+s19+$0x5D0 ss:$0x1], $0xffff;
	[tilespmem:v1+s19+$0x590 ss:$0x1] =	vst.idx.msk $0xffff, v7  }
0x12a: {  	v2 =	vld.idx.msk [tilespmem:v1+s19+$0x5A0 ss:$0x1], $0xffff  }
0x12b: {  	v3 =	vld.idx.msk [tilespmem:v1+s19+$0x5B0 ss:$0x1], $0xffff  }
0x12c: {  	v5 =	vld.idx.msk [tilespmem:v1+s19+$0x5C0 ss:$0x1], $0xffff  }
0x12d: {  	v8 =	vld.idx.msk [tilespmem:v1+s19+$0x5E0 ss:$0x1], $0xffff;
	v7 =	vbroadcast v4, $0xA  }
0x12e: {  	v9 =	vld.idx.msk [tilespmem:v1+s19+$0x5F0 ss:$0x1], $0xffff  }
0x12f: {  	s16 =	simm.s32 $0x10;
	s9 =	simm.s32 $0x1;
	v10 =	vld.idx.msk [tilespmem:v1+s19+$0x600 ss:$0x1], $0xffff;
	v2 =	vmul.f32 v2, v7  }
0x130: {  	s5 =	smul.u32 $0x2400, s9;
	s9 =	sand.u32 $0x3FFFFFF0, s16;
	v11 =	vld.idx.msk [tilespmem:v1+s19+$0x610 ss:$0x1], $0xffff;
	v3 =	vmul.f32 v3, v7  }
0x131: {  	v5 =	vmul.f32 v5, v7;
	[tilespmem:v1+s19+$0x5A0 ss:$0x1] =	vst.idx.msk $0xffff, v2;
	v2 =	vld [tilespmem:s9+$0x1FA40]  }
0x132: {  	s5 =	sshra.s32 s5, $0x2;
	v6 =	vmul.f32 v6, v7;
	[tilespmem:v1+s19+$0x5B0 ss:$0x1] =	vst.idx.msk $0xffff, v3  }
0x133: {  	v3 =	vmul.f32 v8, v7;
	[tilespmem:v1+s19+$0x5C0 ss:$0x1] =	vst.idx.msk $0xffff, v5;
	v5 =	vld.idx.msk [tilespmem:v1+s5+$0x0 ss:$0x1], $0xffff  }
0x134: {  	v8 =	vmul.f32 v9, v7;
	[tilespmem:v1+s19+$0x5D0 ss:$0x1] =	vst.idx.msk $0xffff, v6;
	v6 =	vld.idx.msk [tilespmem:v1+s5+$0x10 ss:$0x1], $0xffff  }
0x135: {  	v9 =	vmul.f32 v10, v7;
	[tilespmem:v1+s19+$0x5E0 ss:$0x1] =	vst.idx.msk $0xffff, v3;
	v3 =	vld.idx.msk [tilespmem:v1+s5+$0x20 ss:$0x1], $0xffff  }
0x136: {  	v10 =	vmul.f32 v11, v7;
	[tilespmem:v1+s19+$0x5F0 ss:$0x1] =	vst.idx.msk $0xffff, v8;
	v8 =	vld.idx.msk [tilespmem:v1+s5+$0x30 ss:$0x1], $0xffff;
	v11 =	vbroadcast v2, $0x0  }
0x137: {  	[tilespmem:v1+s19+$0x600 ss:$0x1] =	vst.idx.msk $0xffff, v9;
	v9 =	vld.idx.msk [tilespmem:v1+s5+$0x40 ss:$0x1], $0xffff  }
0x138: {  	[tilespmem:v1+s19+$0x610 ss:$0x1] =	vst.idx.msk $0xffff, v10;
	v10 =	vld.idx.msk [tilespmem:v1+s5+$0x50 ss:$0x1], $0xffff;
	v5 =	vmul.f32 v11, v5  }
0x139: {  	[tilespmem:v1+s19+$0x620 ss:$0x1] =	vst.idx.msk $0xffff, v7;
	v7 =	vld.idx.msk [tilespmem:v1+s5+$0x60 ss:$0x1], $0xffff;
	v6 =	vmul.f32 v6, v11  }
0x13a: {  	v3 =	vmul.f32 v3, v11;
	v12 =	vld.idx.msk [tilespmem:v1+s19+$0x630 ss:$0x1], $0xffff;
	[tilespmem:v1+s5+$0x0 ss:$0x1] =	vst.idx.msk $0xffff, v5  }
0x13b: {  	v5 =	vld.idx.msk [tilespmem:v1+s5+$0x70 ss:$0x1], $0xffff;
	v8 =	vmul.f32 v8, v11;
	[tilespmem:v1+s5+$0x10 ss:$0x1] =	vst.idx.msk $0xffff, v6  }
0x13c: {  	v6 =	vmul.f32 v9, v11;
	[tilespmem:v1+s5+$0x20 ss:$0x1] =	vst.idx.msk $0xffff, v3  }
0x13d: {  	v9 =	vld.idx.msk [tilespmem:v1+s19+$0x640 ss:$0x1], $0xffff;
	v3 =	vmul.f32 v10, v11;
	[tilespmem:v1+s5+$0x30 ss:$0x1] =	vst.idx.msk $0xffff, v8;
	v8 =	vbroadcast v4, $0xB  }
0x13e: {  	v10 =	vld.idx.msk [tilespmem:v1+s19+$0x650 ss:$0x1], $0xffff;
	v7 =	vmul.f32 v7, v11;
	[tilespmem:v1+s5+$0x40 ss:$0x1] =	vst.idx.msk $0xffff, v6  }
0x13f: {  	v6 =	vld.idx.msk [tilespmem:v1+s19+$0x660 ss:$0x1], $0xffff;
	[tilespmem:v1+s5+$0x50 ss:$0x1] =	vst.idx.msk $0xffff, v3;
	v3 =	vmul.f32 v12, v8  }
0x140: {  	v12 =	vld.idx.msk [tilespmem:v1+s19+$0x670 ss:$0x1], $0xffff;
	v5 =	vmul.f32 v5, v11;
	[tilespmem:v1+s5+$0x60 ss:$0x1] =	vst.idx.msk $0xffff, v7  }
0x141: {  	v7 =	vld.idx.msk [tilespmem:v1+s19+$0x680 ss:$0x1], $0xffff;
	[tilespmem:v1+s19+$0x630 ss:$0x1] =	vst.idx.msk $0xffff, v3  }
0x142: {  	v3 =	vld.idx.msk [tilespmem:v1+s19+$0x690 ss:$0x1], $0xffff;
	[tilespmem:v1+s5+$0x70 ss:$0x1] =	vst.idx.msk $0xffff, v5;
	v5 =	vmul.f32 v9, v8  }
0x143: {  	v9 =	vld.idx.msk [tilespmem:v1+s19+$0x6A0 ss:$0x1], $0xffff;
	[tilespmem:v1+s5+$0x80 ss:$0x1] =	vst.idx.msk $0xffff, v11;
	v10 =	vmul.f32 v10, v8  }
0x144: {  	v6 =	vmul.f32 v6, v8;
	[tilespmem:v1+s19+$0x640 ss:$0x1] =	vst.idx.msk $0xffff, v5  }
0x145: {  	v5 =	vld.idx.msk [tilespmem:v1+s5+$0x90 ss:$0x1], $0xffff;
	v11 =	vmul.f32 v12, v8;
	[tilespmem:v1+s19+$0x650 ss:$0x1] =	vst.idx.msk $0xffff, v10  }
0x146: {  	v10 =	vld.idx.msk [tilespmem:v1+s5+$0xA0 ss:$0x1], $0xffff;
	v7 =	vmul.f32 v7, v8;
	[tilespmem:v1+s19+$0x660 ss:$0x1] =	vst.idx.msk $0xffff, v6  }
0x147: {  	v6 =	vld.idx.msk [tilespmem:v1+s5+$0xB0 ss:$0x1], $0xffff;
	v3 =	vmul.f32 v3, v8;
	[tilespmem:v1+s19+$0x670 ss:$0x1] =	vst.idx.msk $0xffff, v11  }
0x148: {  	v12 =	vbroadcast v2, $0x1;
	v11 =	vld.idx.msk [tilespmem:v1+s5+$0xC0 ss:$0x1], $0xffff;
	v9 =	vmul.f32 v9, v8;
	[tilespmem:v1+s19+$0x680 ss:$0x1] =	vst.idx.msk $0xffff, v7  }
0x149: {  	v7 =	vld.idx.msk [tilespmem:v1+s5+$0xD0 ss:$0x1], $0xffff;
	[tilespmem:v1+s19+$0x690 ss:$0x1] =	vst.idx.msk $0xffff, v3  }
0x14a: {  	v3 =	vld.idx.msk [tilespmem:v1+s5+$0xE0 ss:$0x1], $0xffff;
	v5 =	vmul.f32 v5, v12;
	[tilespmem:v1+s19+$0x6A0 ss:$0x1] =	vst.idx.msk $0xffff, v9  }
0x14b: {  	v9 =	vld.idx.msk [tilespmem:v1+s5+$0xF0 ss:$0x1], $0xffff;
	v10 =	vmul.f32 v10, v12;
	[tilespmem:v1+s19+$0x6B0 ss:$0x1] =	vst.idx.msk $0xffff, v8  }
0x14c: {  	v8 =	vld.idx.msk [tilespmem:v1+s5+$0x100 ss:$0x1], $0xffff;
	v6 =	vmul.f32 v6, v12;
	[tilespmem:v1+s5+$0x90 ss:$0x1] =	vst.idx.msk $0xffff, v5  }
0x14d: {  	v5 =	vmul.f32 v11, v12;
	[tilespmem:v1+s5+$0xA0 ss:$0x1] =	vst.idx.msk $0xffff, v10  }
0x14e: {  	v10 =	vld.idx.msk [tilespmem:v1+s19+$0x6C0 ss:$0x1], $0xffff;
	v7 =	vmul.f32 v7, v12;
	[tilespmem:v1+s5+$0xB0 ss:$0x1] =	vst.idx.msk $0xffff, v6  }
0x14f: {  	v6 =	vld.idx.msk [tilespmem:v1+s19+$0x6D0 ss:$0x1], $0xffff;
	v3 =	vmul.f32 v3, v12;
	[tilespmem:v1+s5+$0xC0 ss:$0x1] =	vst.idx.msk $0xffff, v5  }
0x150: {  	v5 =	vmul.f32 v9, v12;
	v9 =	vld.idx.msk [tilespmem:v1+s19+$0x6E0 ss:$0x1], $0xffff;
	[tilespmem:v1+s5+$0xD0 ss:$0x1] =	vst.idx.msk $0xffff, v7  }
0x151: {  	v11 =	vbroadcast v4, $0xC;
	v7 =	vld.idx.msk [tilespmem:v1+s19+$0x6F0 ss:$0x1], $0xffff;
	v8 =	vmul.f32 v8, v12;
	[tilespmem:v1+s5+$0xE0 ss:$0x1] =	vst.idx.msk $0xffff, v3  }
0x152: {  	v3 =	vld.idx.msk [tilespmem:v1+s19+$0x700 ss:$0x1], $0xffff;
	[tilespmem:v1+s5+$0xF0 ss:$0x1] =	vst.idx.msk $0xffff, v5  }
0x153: {  	v5 =	vld.idx.msk [tilespmem:v1+s19+$0x710 ss:$0x1], $0xffff;
	v10 =	vmul.f32 v10, v11;
	[tilespmem:v1+s5+$0x100 ss:$0x1] =	vst.idx.msk $0xffff, v8  }
0x154: {  	v8 =	vld.idx.msk [tilespmem:v1+s19+$0x720 ss:$0x1], $0xffff;
	v6 =	vmul.f32 v6, v11;
	[tilespmem:v1+s5+$0x110 ss:$0x1] =	vst.idx.msk $0xffff, v12  }
0x155: {  	v12 =	vld.idx.msk [tilespmem:v1+s19+$0x730 ss:$0x1], $0xffff;
	[tilespmem:v1+s19+$0x6C0 ss:$0x1] =	vst.idx.msk $0xffff, v10;
	v9 =	vmul.f32 v9, v11  }
0x156: {  	v7 =	vmul.f32 v7, v11;
	[tilespmem:v1+s19+$0x6D0 ss:$0x1] =	vst.idx.msk $0xffff, v6  }
0x157: {  	v6 =	vld.idx.msk [tilespmem:v1+s5+$0x120 ss:$0x1], $0xffff;
	v3 =	vmul.f32 v3, v11;
	[tilespmem:v1+s19+$0x6E0 ss:$0x1] =	vst.idx.msk $0xffff, v9  }
0x158: {  	v9 =	vld.idx.msk [tilespmem:v1+s5+$0x130 ss:$0x1], $0xffff;
	v5 =	vmul.f32 v5, v11;
	[tilespmem:v1+s19+$0x6F0 ss:$0x1] =	vst.idx.msk $0xffff, v7  }
0x159: {  	v7 =	vld.idx.msk [tilespmem:v1+s5+$0x140 ss:$0x1], $0xffff;
	v8 =	vmul.f32 v8, v11;
	[tilespmem:v1+s19+$0x700 ss:$0x1] =	vst.idx.msk $0xffff, v3  }
0x15a: {  	v3 =	vld.idx.msk [tilespmem:v1+s5+$0x150 ss:$0x1], $0xffff;
	v10 =	vmul.f32 v12, v11;
	[tilespmem:v1+s19+$0x710 ss:$0x1] =	vst.idx.msk $0xffff, v5;
	v5 =	vbroadcast v2, $0x2  }
0x15b: {  	v12 =	vld.idx.msk [tilespmem:v1+s5+$0x160 ss:$0x1], $0xffff;
	[tilespmem:v1+s19+$0x720 ss:$0x1] =	vst.idx.msk $0xffff, v8  }
0x15c: {  	v8 =	vld.idx.msk [tilespmem:v1+s5+$0x170 ss:$0x1], $0xffff;
	[tilespmem:v1+s19+$0x730 ss:$0x1] =	vst.idx.msk $0xffff, v10;
	v6 =	vmul.f32 v6, v5  }
0x15d: {  	v10 =	vld.idx.msk [tilespmem:v1+s5+$0x180 ss:$0x1], $0xffff;
	v9 =	vmul.f32 v9, v5;
	[tilespmem:v1+s19+$0x740 ss:$0x1] =	vst.idx.msk $0xffff, v11  }
0x15e: {  	v7 =	vmul.f32 v7, v5;
	v11 =	vld.idx.msk [tilespmem:v1+s5+$0x190 ss:$0x1], $0xffff;
	[tilespmem:v1+s5+$0x120 ss:$0x1] =	vst.idx.msk $0xffff, v6  }
0x15f: {  	v6 =	vld.idx.msk [tilespmem:v1+s19+$0x780 ss:$0x1], $0xffff;
	v3 =	vmul.f32 v3, v5;
	[tilespmem:v1+s5+$0x130 ss:$0x1] =	vst.idx.msk $0xffff, v9  }
0x160: {  	v12 =	vmul.f32 v12, v5;
	v9 =	vld.idx.msk [tilespmem:v1+s19+$0x7B0 ss:$0x1], $0xffff;
	[tilespmem:v1+s5+$0x140 ss:$0x1] =	vst.idx.msk $0xffff, v7  }
0x161: {  	v7 =	vld.idx.msk [tilespmem:v1+s19+$0x750 ss:$0x1], $0xffff;
	v8 =	vmul.f32 v8, v5;
	[tilespmem:v1+s5+$0x150 ss:$0x1] =	vst.idx.msk $0xffff, v3  }
0x162: {  	v3 =	vld.idx.msk [tilespmem:v1+s19+$0x760 ss:$0x1], $0xffff;
	v10 =	vmul.f32 v10, v5;
	[tilespmem:v1+s5+$0x160 ss:$0x1] =	vst.idx.msk $0xffff, v12  }
0x163: {  	v12 =	vld.idx.msk [tilespmem:v1+s19+$0x770 ss:$0x1], $0xffff;
	v11 =	vmul.f32 v11, v5;
	[tilespmem:v1+s5+$0x170 ss:$0x1] =	vst.idx.msk $0xffff, v8  }
0x164: {  	v15 =	vbroadcast v4, $0xD;
	v8 =	vld.idx.msk [tilespmem:v1+s19+$0x790 ss:$0x1], $0xffff;
	[tilespmem:v1+s5+$0x180 ss:$0x1] =	vst.idx.msk $0xffff, v10  }
0x165: {  	v10 =	vld.idx.msk [tilespmem:v1+s19+$0x7A0 ss:$0x1], $0xffff;
	[tilespmem:v1+s5+$0x190 ss:$0x1] =	vst.idx.msk $0xffff, v11  }
0x166: {  	v11 =	vld.idx.msk [tilespmem:v1+s19+$0x7C0 ss:$0x1], $0xffff;
	v7 =	vmul.f32 v7, v15;
	[tilespmem:v1+s5+$0x1A0 ss:$0x1] =	vst.idx.msk $0xffff, v5  }
0x167: {  	v3 =	vmul.f32 v3, v15;
	v5 =	vld.idx.msk [tilespmem:v1+s5+$0x1B0 ss:$0x1], $0xffff  }
0x168: {  	v12 =	vmul.f32 v12, v15;
	[tilespmem:v1+s19+$0x750 ss:$0x1] =	vst.idx.msk $0xffff, v7;
	v7 =	vld.idx.msk [tilespmem:v1+s5+$0x1C0 ss:$0x1], $0xffff  }
0x169: {  	v6 =	vmul.f32 v6, v15;
	[tilespmem:v1+s19+$0x760 ss:$0x1] =	vst.idx.msk $0xffff, v3;
	v3 =	vld.idx.msk [tilespmem:v1+s5+$0x1D0 ss:$0x1], $0xffff  }
0x16a: {  	v14 =	vbroadcast v2, $0x3;
	v8 =	vmul.f32 v8, v15;
	[tilespmem:v1+s19+$0x770 ss:$0x1] =	vst.idx.msk $0xffff, v12;
	v12 =	vld.idx.msk [tilespmem:v1+s5+$0x1E0 ss:$0x1], $0xffff  }
0x16b: {  	v10 =	vmul.f32 v10, v15;
	[tilespmem:v1+s19+$0x780 ss:$0x1] =	vst.idx.msk $0xffff, v6;
	v6 =	vld.idx.msk [tilespmem:v1+s5+$0x1F0 ss:$0x1], $0xffff  }
0x16c: {  	[tilespmem:v1+s19+$0x790 ss:$0x1] =	vst.idx.msk $0xffff, v8;
	v8 =	vld.idx.msk [tilespmem:v1+s5+$0x200 ss:$0x1], $0xffff;
	v5 =	vmul.f32 v5, v14  }
0x16d: {  	[tilespmem:v1+s19+$0x7A0 ss:$0x1] =	vst.idx.msk $0xffff, v10;
	v10 =	vld.idx.msk [tilespmem:v1+s5+$0x210 ss:$0x1], $0xffff;
	v7 =	vmul.f32 v7, v14  }
0x16e: {  	v13 =	vld.idx.msk [tilespmem:v1+s5+$0x220 ss:$0x1], $0xffff;
	v3 =	vmul.f32 v3, v14;
	[tilespmem:v1+s5+$0x1B0 ss:$0x1] =	vst.idx.msk $0xffff, v5  }
0x16f: {  	v5 =	vmul.f32 v12, v14;
	[tilespmem:v1+s5+$0x1C0 ss:$0x1] =	vst.idx.msk $0xffff, v7  }
0x170: {  	v6 =	vmul.f32 v6, v14;
	[tilespmem:v1+s5+$0x1D0 ss:$0x1] =	vst.idx.msk $0xffff, v3  }
0x171: {  	v3 =	vmul.f32 v8, v14;
	[tilespmem:v1+s5+$0x1E0 ss:$0x1] =	vst.idx.msk $0xffff, v5  }
0x172: {  	v16 =	vld.idx.msk [tilespmem:v1+s19+$0x8E0 ss:$0x1], $0xffff;
	v5 =	vmul.f32 v10, v14;
	[tilespmem:v1+s5+$0x1F0 ss:$0x1] =	vst.idx.msk $0xffff, v6  }
0x173: {  	v17 =	vld.idx.msk [tilespmem:v1+s5+$0x270 ss:$0x1], $0xffff;
	v6 =	vmul.f32 v13, v14;
	[tilespmem:v1+s5+$0x200 ss:$0x1] =	vst.idx.msk $0xffff, v3  }
0x174: {  	v7 =	vld.idx.msk [tilespmem:v1+s19+$0x8D0 ss:$0x1], $0xffff;
	[tilespmem:v1+s5+$0x210 ss:$0x1] =	vst.idx.msk $0xffff, v5  }
0x175: {  	v8 =	vld.idx.msk [tilespmem:v1+s5+$0x2A0 ss:$0x1], $0xffff;
	v3 =	vmul.f32 v9, v15;
	[tilespmem:v1+s5+$0x220 ss:$0x1] =	vst.idx.msk $0xffff, v6  }
0x176: {  	v13 =	vld.idx.msk [tilespmem:v1+s5+$0x280 ss:$0x1], $0xffff;
	v5 =	vmul.f32 v11, v15;
	[tilespmem:v1+s5+$0x230 ss:$0x1] =	vst.idx.msk $0xffff, v14  }
0x177: {  	[tilespmem:v1+s19+$0x7B0 ss:$0x1] =	vst.idx.msk $0xffff, v3;
	v18 =	vld.idx.msk [tilespmem:v1+s5+$0x240 ss:$0x1], $0xffff  }
0x178: {  	[tilespmem:v1+s19+$0x7C0 ss:$0x1] =	vst.idx.msk $0xffff, v5;
	v14 =	vld.idx.msk [tilespmem:v1+s5+$0x250 ss:$0x1], $0xffff  }
0x179: {  	[tilespmem:v1+s19+$0x7D0 ss:$0x1] =	vst.idx.msk $0xffff, v15;
	v15 =	vld.idx.msk [tilespmem:v1+s5+$0x260 ss:$0x1], $0xffff  }
0x17a: {  	v12 =	vbroadcast v2, $0x4;
	v5 =	vbroadcast v4, $0xF;
	v10 =	vld.idx.msk [tilespmem:v1+s19+$0x7E0 ss:$0x1], $0xffff  }
0x17b: {  	v3 =	vbroadcast v4, $0xE;
	v4 =	vbroadcast v2, $0xE;
	v11 =	vld.idx.msk [tilespmem:v1+s19+$0x7F0 ss:$0x1], $0xffff  }
0x17c: {  	s7 =	sadd.s32 s7, s29;
	v7 =	vmul.f32 v7, v5;
	v6 =	vmul.f32 v16, v5;
	v9 =	vld.idx.msk [tilespmem:v1+s19+$0x800 ss:$0x1], $0xffff  }
0x17d: {  	s16 =	sadd.s32 $0x40, s7;
	s7 =	simm.s32 $0x2;
	v16 =	vmul.f32 v17, v12;
	v17 =	vld.idx.msk [tilespmem:v1+s5+$0x290 ss:$0x1], $0xffff;
	v18 =	vmul.f32 v18, v12  }
.LBB2_11:
0x17e: {  	p1 =	sne.s32 s7, $0x3;
	v14 =	vmul.f32 v14, v12;
	s9 =	smov.u32 s7;
	s7 =	sadd.s32 $0x1, s7  }
0x17f: {  	v15 =	vmul.f32 v15, v12;
	v19 =	vld.idx.msk [tilespmem:v1+s5+$0x2B0 ss:$0x1], $0xffff  }
0x180: {  	v10 =	vmul.f32 v10, v3;
	[tilespmem:v1+s5+$0x240 ss:$0x1] =	vst.idx.msk $0xffff, v18  }
0x181: {  	v11 =	vmul.f32 v11, v3;
	[tilespmem:v1+s5+$0x250 ss:$0x1] =	vst.idx.msk $0xffff, v14  }
0x182: {  	v13 =	vmul.f32 v13, v12;
	v9 =	vmul.f32 v9, v3;
	[tilespmem:v1+s5+$0x260 ss:$0x1] =	vst.idx.msk $0xffff, v15  }
0x183: {  	v14 =	vmul.f32 v17, v12;
	[tilespmem:v1+s5+$0x270 ss:$0x1] =	vst.idx.msk $0xffff, v16  }
0x184: {  	v8 =	vmul.f32 v8, v12;
	[tilespmem:v1+s5+$0x280 ss:$0x1] =	vst.idx.msk $0xffff, v13;
	v13 =	vld.idx.msk [tilespmem:v1+s19+$0x810 ss:$0x1], $0xffff  }
0x185: {  	v15 =	vmul.f32 v19, v12;
	[tilespmem:v1+s5+$0x290 ss:$0x1] =	vst.idx.msk $0xffff, v14;
	v14 =	vld.idx.msk [tilespmem:v1+s19+$0x820 ss:$0x1], $0xffff  }
0x186: {  	[tilespmem:v1+s5+$0x2A0 ss:$0x1] =	vst.idx.msk $0xffff, v8;
	v8 =	vld.idx.msk [tilespmem:v1+s19+$0x830 ss:$0x1], $0xffff  }
0x187: {  	[tilespmem:v1+s5+$0x2B0 ss:$0x1] =	vst.idx.msk $0xffff, v15;
	v15 =	vld.idx.msk [tilespmem:v1+s19+$0x840 ss:$0x1], $0xffff  }
0x188: {  	[tilespmem:v1+s5+$0x2C0 ss:$0x1] =	vst.idx.msk $0xffff, v12;
	v12 =	vld.idx.msk [tilespmem:v1+s19+$0x850 ss:$0x1], $0xffff  }
0x189: {  	v16 =	vld.idx.msk [tilespmem:v1+s5+$0x2D0 ss:$0x1], $0xffff;
	[tilespmem:v1+s19+$0x7E0 ss:$0x1] =	vst.idx.msk $0xffff, v10  }
0x18a: {  	v13 =	vmul.f32 v13, v3;
	v10 =	vld.idx.msk [tilespmem:v1+s5+$0x2E0 ss:$0x1], $0xffff;
	[tilespmem:v1+s19+$0x7F0 ss:$0x1] =	vst.idx.msk $0xffff, v11  }
0x18b: {  	v14 =	vmul.f32 v14, v3;
	v11 =	vld.idx.msk [tilespmem:v1+s5+$0x2F0 ss:$0x1], $0xffff;
	[tilespmem:v1+s19+$0x800 ss:$0x1] =	vst.idx.msk $0xffff, v9  }
0x18c: {  	v8 =	vmul.f32 v8, v3;
	v9 =	vld.idx.msk [tilespmem:v1+s5+$0x300 ss:$0x1], $0xffff;
	[tilespmem:v1+s19+$0x810 ss:$0x1] =	vst.idx.msk $0xffff, v13  }
0x18d: {  	v13 =	vbroadcast v2, $0x5;
	v15 =	vmul.f32 v15, v3;
	v17 =	vld.idx.msk [tilespmem:v1+s5+$0x310 ss:$0x1], $0xffff;
	[tilespmem:v1+s19+$0x820 ss:$0x1] =	vst.idx.msk $0xffff, v14  }
0x18e: {  	v12 =	vmul.f32 v12, v3;
	v14 =	vld.idx.msk [tilespmem:v1+s5+$0x320 ss:$0x1], $0xffff;
	[tilespmem:v1+s19+$0x830 ss:$0x1] =	vst.idx.msk $0xffff, v8  }
0x18f: {  	v8 =	vmul.f32 v16, v13;
	v16 =	vld.idx.msk [tilespmem:v1+s5+$0x330 ss:$0x1], $0xffff;
	[tilespmem:v1+s19+$0x840 ss:$0x1] =	vst.idx.msk $0xffff, v15  }
0x190: {  	v10 =	vmul.f32 v10, v13;
	v15 =	vld.idx.msk [tilespmem:v1+s5+$0x340 ss:$0x1], $0xffff;
	[tilespmem:v1+s19+$0x850 ss:$0x1] =	vst.idx.msk $0xffff, v12  }
0x191: {  	v11 =	vmul.f32 v11, v13;
	[tilespmem:v1+s5+$0x2D0 ss:$0x1] =	vst.idx.msk $0xffff, v8  }
0x192: {  	v8 =	vmul.f32 v9, v13;
	[tilespmem:v1+s5+$0x2E0 ss:$0x1] =	vst.idx.msk $0xffff, v10  }
0x193: {  	v9 =	vmul.f32 v17, v13;
	[tilespmem:v1+s5+$0x2F0 ss:$0x1] =	vst.idx.msk $0xffff, v11  }
0x194: {  	v10 =	vmul.f32 v14, v13;
	[tilespmem:v1+s5+$0x300 ss:$0x1] =	vst.idx.msk $0xffff, v8  }
0x195: {  	v8 =	vmul.f32 v16, v13;
	[tilespmem:v1+s5+$0x310 ss:$0x1] =	vst.idx.msk $0xffff, v9  }
0x196: {  	v9 =	vmul.f32 v15, v13;
	[tilespmem:v1+s5+$0x320 ss:$0x1] =	vst.idx.msk $0xffff, v10  }
0x197: {  	[tilespmem:v1+s5+$0x330 ss:$0x1] =	vst.idx.msk $0xffff, v8  }
0x198: {  	[tilespmem:v1+s5+$0x340 ss:$0x1] =	vst.idx.msk $0xffff, v9;
	v8 =	vld.idx.msk [tilespmem:v1+s5+$0x3A0 ss:$0x1], $0xffff  }
0x199: {  	[tilespmem:v1+s5+$0x350 ss:$0x1] =	vst.idx.msk $0xffff, v13;
	v9 =	vld.idx.msk [tilespmem:v1+s5+$0x390 ss:$0x1], $0xffff  }
0x19a: {  	v10 =	vld.idx.msk [tilespmem:v1+s5+$0x360 ss:$0x1], $0xffff;
	[tilespmem:v1+s19+$0x860 ss:$0x1] =	vst.idx.msk $0xffff, v3;
	v3 =	vmov v4  }
0x19b: {  	v4 =	vld.idx.msk [tilespmem:v1+s5+$0x370 ss:$0x1], $0xffff  }
0x19c: {  	v11 =	vld.idx.msk [tilespmem:v1+s5+$0x380 ss:$0x1], $0xffff  }
0x19d: {  	v12 =	vld.idx.msk [tilespmem:v1+s19+$0x870 ss:$0x1], $0xffff  }
0x19e: {  	v13 =	vbroadcast v2, $0x6;
	v14 =	vld.idx.msk [tilespmem:v1+s19+$0x890 ss:$0x1], $0xffff  }
0x19f: {  	v15 =	vld.idx.msk [tilespmem:v1+s5+$0x3B0 ss:$0x1], $0xffff  }
0x1a0: {  	v9 =	vmul.f32 v9, v13;
	v10 =	vmul.f32 v10, v13;
	v16 =	vld.idx.msk [tilespmem:v1+s5+$0x3C0 ss:$0x1], $0xffff  }
0x1a1: {  	v8 =	vmul.f32 v8, v13;
	v4 =	vmul.f32 v4, v13;
	v17 =	vld.idx.msk [tilespmem:v1+s5+$0x3D0 ss:$0x1], $0xffff  }
0x1a2: {  	v11 =	vmul.f32 v11, v13;
	[tilespmem:v1+s5+$0x360 ss:$0x1] =	vst.idx.msk $0xffff, v10  }
0x1a3: {  	[tilespmem:v1+s5+$0x370 ss:$0x1] =	vst.idx.msk $0xffff, v4;
	v4 =	vmul.f32 v12, v5  }
0x1a4: {  	[tilespmem:v1+s5+$0x380 ss:$0x1] =	vst.idx.msk $0xffff, v11;
	v10 =	vld.idx.msk [tilespmem:v1+s19+$0x880 ss:$0x1], $0xffff  }
0x1a5: {  	v11 =	vmul.f32 v15, v13;
	[tilespmem:v1+s5+$0x390 ss:$0x1] =	vst.idx.msk $0xffff, v9  }
0x1a6: {  	v9 =	vmul.f32 v16, v13;
	[tilespmem:v1+s5+$0x3A0 ss:$0x1] =	vst.idx.msk $0xffff, v8;
	v8 =	vld.idx.msk [tilespmem:v1+s19+$0x8A0 ss:$0x1], $0xffff  }
0x1a7: {  	v12 =	vmul.f32 v17, v13;
	[tilespmem:v1+s5+$0x3B0 ss:$0x1] =	vst.idx.msk $0xffff, v11;
	v11 =	vld.idx.msk [tilespmem:v1+s19+$0x8B0 ss:$0x1], $0xffff  }
0x1a8: {  	[tilespmem:v1+s5+$0x3C0 ss:$0x1] =	vst.idx.msk $0xffff, v9;
	v9 =	vld.idx.msk [tilespmem:v1+s19+$0x8C0 ss:$0x1], $0xffff  }
0x1a9: {  	[tilespmem:v1+s5+$0x3D0 ss:$0x1] =	vst.idx.msk $0xffff, v12  }
0x1aa: {  	v10 =	vmul.f32 v10, v5;
	[tilespmem:v1+s5+$0x3E0 ss:$0x1] =	vst.idx.msk $0xffff, v13  }
0x1ab: {  	v13 =	vmul.f32 v14, v5;
	v12 =	vld.idx.msk [tilespmem:v1+s5+$0x3F0 ss:$0x1], $0xffff;
	[tilespmem:v1+s19+$0x870 ss:$0x1] =	vst.idx.msk $0xffff, v4  }
0x1ac: {  	v8 =	vmul.f32 v8, v5;
	v4 =	vld.idx.msk [tilespmem:v1+s5+$0x400 ss:$0x1], $0xffff;
	[tilespmem:v1+s19+$0x880 ss:$0x1] =	vst.idx.msk $0xffff, v10  }
0x1ad: {  	v11 =	vmul.f32 v11, v5;
	v10 =	vld.idx.msk [tilespmem:v1+s5+$0x410 ss:$0x1], $0xffff;
	[tilespmem:v1+s19+$0x890 ss:$0x1] =	vst.idx.msk $0xffff, v13  }
0x1ae: {  	v9 =	vmul.f32 v9, v5;
	v13 =	vld.idx.msk [tilespmem:v1+s5+$0x420 ss:$0x1], $0xffff;
	[tilespmem:v1+s19+$0x8A0 ss:$0x1] =	vst.idx.msk $0xffff, v8  }
0x1af: {  	v8 =	vbroadcast v2, $0x7;
	v14 =	vld.idx.msk [tilespmem:v1+s5+$0x430 ss:$0x1], $0xffff;
	[tilespmem:v1+s19+$0x8B0 ss:$0x1] =	vst.idx.msk $0xffff, v11  }
0x1b0: {  	v11 =	vld.idx.msk [tilespmem:v1+s5+$0x440 ss:$0x1], $0xffff;
	[tilespmem:v1+s19+$0x8C0 ss:$0x1] =	vst.idx.msk $0xffff, v9  }
0x1b1: {  	v9 =	vmul.f32 v12, v8;
	v12 =	vld.idx.msk [tilespmem:v1+s5+$0x450 ss:$0x1], $0xffff;
	[tilespmem:v1+s19+$0x8D0 ss:$0x1] =	vst.idx.msk $0xffff, v7  }
0x1b2: {  	v4 =	vmul.f32 v4, v8;
	v7 =	vld.idx.msk [tilespmem:v1+s5+$0x460 ss:$0x1], $0xffff;
	[tilespmem:v1+s19+$0x8E0 ss:$0x1] =	vst.idx.msk $0xffff, v6  }
0x1b3: {  	v6 =	vmul.f32 v10, v8;
	[tilespmem:v1+s5+$0x3F0 ss:$0x1] =	vst.idx.msk $0xffff, v9  }
0x1b4: {  	v9 =	vmul.f32 v13, v8;
	[tilespmem:v1+s5+$0x400 ss:$0x1] =	vst.idx.msk $0xffff, v4  }
0x1b5: {  	v4 =	vmul.f32 v14, v8;
	[tilespmem:v1+s5+$0x410 ss:$0x1] =	vst.idx.msk $0xffff, v6  }
0x1b6: {  	v6 =	vmul.f32 v11, v8;
	[tilespmem:v1+s5+$0x420 ss:$0x1] =	vst.idx.msk $0xffff, v9  }
0x1b7: {  	v9 =	vmul.f32 v12, v8;
	[tilespmem:v1+s5+$0x430 ss:$0x1] =	vst.idx.msk $0xffff, v4  }
0x1b8: {  	v4 =	vmul.f32 v7, v8;
	[tilespmem:v1+s5+$0x440 ss:$0x1] =	vst.idx.msk $0xffff, v6  }
0x1b9: {  	[tilespmem:v1+s5+$0x450 ss:$0x1] =	vst.idx.msk $0xffff, v9  }
0x1ba: {  	[tilespmem:v1+s5+$0x460 ss:$0x1] =	vst.idx.msk $0xffff, v4  }
0x1bb: {  	[tilespmem:v1+s5+$0x470 ss:$0x1] =	vst.idx.msk $0xffff, v8  }
0x1bc: {  	v4 =	vld.idx.msk [tilespmem:v1+s5+$0x480 ss:$0x1], $0xffff;
	[tilespmem:v1+s19+$0x8F0 ss:$0x1] =	vst.idx.msk $0xffff, v5;
	s19 =	smov.u32 s5  }
0x1bd: {  	v5 =	vld.idx.msk [tilespmem:v1+s19+$0x490 ss:$0x1], $0xffff  }
0x1be: {  	v6 =	vld.idx.msk [tilespmem:v1+s19+$0x4A0 ss:$0x1], $0xffff  }
0x1bf: {  	v7 =	vld.idx.msk [tilespmem:v1+s19+$0x4B0 ss:$0x1], $0xffff  }
0x1c0: {  	v8 =	vbroadcast v2, $0x8;
	v9 =	vld.idx.msk [tilespmem:v1+s19+$0x4C0 ss:$0x1], $0xffff  }
0x1c1: {  	v10 =	vld.idx.msk [tilespmem:v1+s19+$0x4D0 ss:$0x1], $0xffff  }
0x1c2: {  	v4 =	vmul.f32 v4, v8;
	v11 =	vld.idx.msk [tilespmem:v1+s19+$0x4E0 ss:$0x1], $0xffff  }
0x1c3: {  	v5 =	vmul.f32 v5, v8;
	v12 =	vld.idx.msk [tilespmem:v1+s19+$0x4F0 ss:$0x1], $0xffff  }
0x1c4: {  	v6 =	vmul.f32 v6, v8;
	[tilespmem:v1+s19+$0x480 ss:$0x1] =	vst.idx.msk $0xffff, v4  }
0x1c5: {  	v4 =	vmul.f32 v7, v8;
	[tilespmem:v1+s19+$0x490 ss:$0x1] =	vst.idx.msk $0xffff, v5  }
0x1c6: {  	v5 =	vmul.f32 v9, v8;
	[tilespmem:v1+s19+$0x4A0 ss:$0x1] =	vst.idx.msk $0xffff, v6  }
0x1c7: {  	v6 =	vmul.f32 v10, v8;
	[tilespmem:v1+s19+$0x4B0 ss:$0x1] =	vst.idx.msk $0xffff, v4  }
0x1c8: {  	v4 =	vmul.f32 v11, v8;
	[tilespmem:v1+s19+$0x4C0 ss:$0x1] =	vst.idx.msk $0xffff, v5  }
0x1c9: {  	v5 =	vmul.f32 v12, v8;
	[tilespmem:v1+s19+$0x4D0 ss:$0x1] =	vst.idx.msk $0xffff, v6  }
0x1ca: {  	[tilespmem:v1+s19+$0x4E0 ss:$0x1] =	vst.idx.msk $0xffff, v4  }
0x1cb: {  	[tilespmem:v1+s19+$0x4F0 ss:$0x1] =	vst.idx.msk $0xffff, v5  }
0x1cc: {  	[tilespmem:v1+s19+$0x500 ss:$0x1] =	vst.idx.msk $0xffff, v8  }
0x1cd: {  	v4 =	vld.idx.msk [tilespmem:v1+s19+$0x510 ss:$0x1], $0xffff  }
0x1ce: {  	v5 =	vld.idx.msk [tilespmem:v1+s19+$0x520 ss:$0x1], $0xffff  }
0x1cf: {  	v6 =	vld.idx.msk [tilespmem:v1+s19+$0x530 ss:$0x1], $0xffff  }
0x1d0: {  	v7 =	vld.idx.msk [tilespmem:v1+s19+$0x540 ss:$0x1], $0xffff  }
0x1d1: {  	v8 =	vbroadcast v2, $0x9;
	v9 =	vld.idx.msk [tilespmem:v1+s19+$0x550 ss:$0x1], $0xffff  }
0x1d2: {  	v10 =	vld.idx.msk [tilespmem:v1+s19+$0x560 ss:$0x1], $0xffff  }
0x1d3: {  	v4 =	vmul.f32 v4, v8;
	v11 =	vld.idx.msk [tilespmem:v1+s19+$0x570 ss:$0x1], $0xffff  }
0x1d4: {  	v5 =	vmul.f32 v5, v8;
	v12 =	vld.idx.msk [tilespmem:v1+s19+$0x580 ss:$0x1], $0xffff  }
0x1d5: {  	v6 =	vmul.f32 v6, v8;
	[tilespmem:v1+s19+$0x510 ss:$0x1] =	vst.idx.msk $0xffff, v4  }
0x1d6: {  	v4 =	vmul.f32 v7, v8;
	[tilespmem:v1+s19+$0x520 ss:$0x1] =	vst.idx.msk $0xffff, v5  }
0x1d7: {  	v5 =	vmul.f32 v9, v8;
	[tilespmem:v1+s19+$0x530 ss:$0x1] =	vst.idx.msk $0xffff, v6  }
0x1d8: {  	v6 =	vmul.f32 v10, v8;
	[tilespmem:v1+s19+$0x540 ss:$0x1] =	vst.idx.msk $0xffff, v4  }
0x1d9: {  	v4 =	vmul.f32 v11, v8;
	[tilespmem:v1+s19+$0x550 ss:$0x1] =	vst.idx.msk $0xffff, v5  }
0x1da: {  	v5 =	vmul.f32 v12, v8;
	[tilespmem:v1+s19+$0x560 ss:$0x1] =	vst.idx.msk $0xffff, v6  }
0x1db: {  	[tilespmem:v1+s19+$0x570 ss:$0x1] =	vst.idx.msk $0xffff, v4  }
0x1dc: {  	[tilespmem:v1+s19+$0x580 ss:$0x1] =	vst.idx.msk $0xffff, v5  }
0x1dd: {  	[tilespmem:v1+s19+$0x590 ss:$0x1] =	vst.idx.msk $0xffff, v8  }
0x1de: {  	v4 =	vld.idx.msk [tilespmem:v1+s19+$0x5A0 ss:$0x1], $0xffff  }
0x1df: {  	v5 =	vld.idx.msk [tilespmem:v1+s19+$0x5B0 ss:$0x1], $0xffff  }
0x1e0: {  	v6 =	vld.idx.msk [tilespmem:v1+s19+$0x5C0 ss:$0x1], $0xffff  }
0x1e1: {  	v7 =	vld.idx.msk [tilespmem:v1+s19+$0x5D0 ss:$0x1], $0xffff  }
0x1e2: {  	v8 =	vbroadcast v2, $0xA;
	v9 =	vld.idx.msk [tilespmem:v1+s19+$0x5E0 ss:$0x1], $0xffff  }
0x1e3: {  	v10 =	vld.idx.msk [tilespmem:v1+s19+$0x5F0 ss:$0x1], $0xffff  }
0x1e4: {  	v4 =	vmul.f32 v4, v8;
	v11 =	vld.idx.msk [tilespmem:v1+s19+$0x600 ss:$0x1], $0xffff  }
0x1e5: {  	v5 =	vmul.f32 v5, v8;
	v12 =	vld.idx.msk [tilespmem:v1+s19+$0x610 ss:$0x1], $0xffff  }
0x1e6: {  	v6 =	vmul.f32 v6, v8;
	[tilespmem:v1+s19+$0x5A0 ss:$0x1] =	vst.idx.msk $0xffff, v4  }
0x1e7: {  	v4 =	vmul.f32 v7, v8;
	[tilespmem:v1+s19+$0x5B0 ss:$0x1] =	vst.idx.msk $0xffff, v5  }
0x1e8: {  	v5 =	vmul.f32 v9, v8;
	[tilespmem:v1+s19+$0x5C0 ss:$0x1] =	vst.idx.msk $0xffff, v6  }
0x1e9: {  	v6 =	vmul.f32 v10, v8;
	[tilespmem:v1+s19+$0x5D0 ss:$0x1] =	vst.idx.msk $0xffff, v4  }
0x1ea: {  	v4 =	vmul.f32 v11, v8;
	[tilespmem:v1+s19+$0x5E0 ss:$0x1] =	vst.idx.msk $0xffff, v5  }
0x1eb: {  	v5 =	vmul.f32 v12, v8;
	[tilespmem:v1+s19+$0x5F0 ss:$0x1] =	vst.idx.msk $0xffff, v6  }
0x1ec: {  	s5 =	sshll.u32 s9, $0x4;
	s9 =	smul.u32 $0x2400, s9;
	[tilespmem:v1+s19+$0x600 ss:$0x1] =	vst.idx.msk $0xffff, v4;
	v7 =	vld.idx.msk [tilespmem:v1+s19+$0x680 ss:$0x1], $0xffff  }
0x1ed: {  	s5 =	sand.u32 $0x3FFFFFF0, s5;
	[tilespmem:v1+s19+$0x610 ss:$0x1] =	vst.idx.msk $0xffff, v5;
	v5 =	vld.idx.msk [tilespmem:v1+s19+$0x670 ss:$0x1], $0xffff  }
0x1ee: {  	v6 =	vld [tilespmem:s5+$0x1FA40];
	s5 =	sshra.s32 s9, $0x2;
	[tilespmem:v1+s19+$0x620 ss:$0x1] =	vst.idx.msk $0xffff, v8  }
0x1ef: {  	v8 =	vld.idx.msk [tilespmem:v1+s5+$0x0 ss:$0x1], $0xffff  }
0x1f0: {  	v9 =	vld.idx.msk [tilespmem:v1+s5+$0x10 ss:$0x1], $0xffff  }
0x1f1: {  	v10 =	vld.idx.msk [tilespmem:v1+s5+$0x20 ss:$0x1], $0xffff  }
0x1f2: {  	v11 =	vld.idx.msk [tilespmem:v1+s5+$0x30 ss:$0x1], $0xffff  }
0x1f3: {  	v12 =	vbroadcast v6, $0x0;
	v13 =	vld.idx.msk [tilespmem:v1+s5+$0x40 ss:$0x1], $0xffff;
	v4 =	vbroadcast v6, $0xE  }
0x1f4: {  	v14 =	vld.idx.msk [tilespmem:v1+s5+$0x50 ss:$0x1], $0xffff  }
0x1f5: {  	v8 =	vmul.f32 v12, v8;
	v15 =	vld.idx.msk [tilespmem:v1+s5+$0x60 ss:$0x1], $0xffff  }
0x1f6: {  	v9 =	vmul.f32 v9, v12;
	v16 =	vld.idx.msk [tilespmem:v1+s5+$0x70 ss:$0x1], $0xffff  }
0x1f7: {  	v10 =	vmul.f32 v10, v12;
	v17 =	vld.idx.msk [tilespmem:v1+s19+$0x630 ss:$0x1], $0xffff  }
0x1f8: {  	v11 =	vmul.f32 v11, v12;
	[tilespmem:v1+s5+$0x0 ss:$0x1] =	vst.idx.msk $0xffff, v8;
	v8 =	vld.idx.msk [tilespmem:v1+s5+$0x2A0 ss:$0x1], $0xffff  }
0x1f9: {  	v13 =	vmul.f32 v13, v12;
	[tilespmem:v1+s5+$0x10 ss:$0x1] =	vst.idx.msk $0xffff, v9;
	v9 =	vld.idx.msk [tilespmem:v1+s19+$0x660 ss:$0x1], $0xffff  }
0x1fa: {  	v14 =	vmul.f32 v14, v12;
	[tilespmem:v1+s5+$0x20 ss:$0x1] =	vst.idx.msk $0xffff, v10;
	v10 =	vld.idx.msk [tilespmem:v1+s19+$0x640 ss:$0x1], $0xffff  }
0x1fb: {  	v15 =	vmul.f32 v15, v12;
	[tilespmem:v1+s5+$0x30 ss:$0x1] =	vst.idx.msk $0xffff, v11;
	v11 =	vbroadcast v2, $0xB;
	v18 =	vld.idx.msk [tilespmem:v1+s19+$0x650 ss:$0x1], $0xffff  }
0x1fc: {  	v16 =	vmul.f32 v16, v12;
	[tilespmem:v1+s5+$0x40 ss:$0x1] =	vst.idx.msk $0xffff, v13;
	v13 =	vld.idx.msk [tilespmem:v1+s19+$0x780 ss:$0x1], $0xffff  }
0x1fd: {  	[tilespmem:v1+s5+$0x50 ss:$0x1] =	vst.idx.msk $0xffff, v14;
	v14 =	vmul.f32 v17, v11;
	v17 =	vld.idx.msk [tilespmem:v1+s19+$0x710 ss:$0x1], $0xffff  }
0x1fe: {  	[tilespmem:v1+s5+$0x60 ss:$0x1] =	vst.idx.msk $0xffff, v15;
	v15 =	vld.idx.msk [tilespmem:v1+s19+$0x6A0 ss:$0x1], $0xffff  }
0x1ff: {  	v19 =	vld.idx.msk [tilespmem:v1+s19+$0x690 ss:$0x1], $0xffff;
	[tilespmem:v1+s19+$0x630 ss:$0x1] =	vst.idx.msk $0xffff, v14  }
0x200: {  	v10 =	vmul.f32 v10, v11;
	[tilespmem:v1+s5+$0x70 ss:$0x1] =	vst.idx.msk $0xffff, v16;
	v14 =	vld.idx.msk [tilespmem:v1+s5+$0xC0 ss:$0x1], $0xffff  }
0x201: {  	v16 =	vmul.f32 v18, v11;
	[tilespmem:v1+s5+$0x80 ss:$0x1] =	vst.idx.msk $0xffff, v12;
	v12 =	vld.idx.msk [tilespmem:v1+s5+$0xD0 ss:$0x1], $0xffff  }
0x202: {  	v9 =	vmul.f32 v9, v11;
	v18 =	vld.idx.msk [tilespmem:v1+s5+$0x90 ss:$0x1], $0xffff;
	[tilespmem:v1+s19+$0x640 ss:$0x1] =	vst.idx.msk $0xffff, v10  }
0x203: {  	v5 =	vmul.f32 v5, v11;
	v10 =	vld.idx.msk [tilespmem:v1+s5+$0xA0 ss:$0x1], $0xffff;
	[tilespmem:v1+s19+$0x650 ss:$0x1] =	vst.idx.msk $0xffff, v16  }
0x204: {  	v7 =	vmul.f32 v7, v11;
	v16 =	vbroadcast v6, $0x1;
	v20 =	vld.idx.msk [tilespmem:v1+s5+$0xB0 ss:$0x1], $0xffff;
	[tilespmem:v1+s19+$0x660 ss:$0x1] =	vst.idx.msk $0xffff, v9  }
0x205: {  	v19 =	vmul.f32 v19, v11;
	v9 =	vld.idx.msk [tilespmem:v1+s5+$0xE0 ss:$0x1], $0xffff;
	[tilespmem:v1+s19+$0x670 ss:$0x1] =	vst.idx.msk $0xffff, v5  }
0x206: {  	v15 =	vmul.f32 v15, v11;
	v5 =	vld.idx.msk [tilespmem:v1+s5+$0xF0 ss:$0x1], $0xffff;
	[tilespmem:v1+s19+$0x680 ss:$0x1] =	vst.idx.msk $0xffff, v7  }
0x207: {  	v7 =	vld.idx.msk [tilespmem:v1+s5+$0x100 ss:$0x1], $0xffff;
	[tilespmem:v1+s19+$0x690 ss:$0x1] =	vst.idx.msk $0xffff, v19  }
0x208: {  	v18 =	vmul.f32 v18, v16;
	[tilespmem:v1+s19+$0x6A0 ss:$0x1] =	vst.idx.msk $0xffff, v15;
	v15 =	vld.idx.msk [tilespmem:v1+s19+$0x700 ss:$0x1], $0xffff  }
0x209: {  	v14 =	vmul.f32 v14, v16;
	v10 =	vmul.f32 v10, v16;
	[tilespmem:v1+s19+$0x6B0 ss:$0x1] =	vst.idx.msk $0xffff, v11;
	v11 =	vld.idx.msk [tilespmem:v1+s19+$0x6F0 ss:$0x1], $0xffff  }
0x20a: {  	v12 =	vmul.f32 v12, v16;
	v19 =	vmul.f32 v20, v16;
	[tilespmem:v1+s5+$0x90 ss:$0x1] =	vst.idx.msk $0xffff, v18;
	v18 =	vld.idx.msk [tilespmem:v1+s19+$0x6C0 ss:$0x1], $0xffff  }
0x20b: {  	v9 =	vmul.f32 v9, v16;
	[tilespmem:v1+s5+$0xA0 ss:$0x1] =	vst.idx.msk $0xffff, v10;
	v10 =	vld.idx.msk [tilespmem:v1+s19+$0x730 ss:$0x1], $0xffff  }
0x20c: {  	v5 =	vmul.f32 v5, v16;
	[tilespmem:v1+s5+$0xB0 ss:$0x1] =	vst.idx.msk $0xffff, v19;
	v19 =	vld.idx.msk [tilespmem:v1+s19+$0x6D0 ss:$0x1], $0xffff  }
0x20d: {  	v7 =	vmul.f32 v7, v16;
	[tilespmem:v1+s5+$0xC0 ss:$0x1] =	vst.idx.msk $0xffff, v14;
	v14 =	vld.idx.msk [tilespmem:v1+s19+$0x6E0 ss:$0x1], $0xffff  }
0x20e: {  	[tilespmem:v1+s5+$0xD0 ss:$0x1] =	vst.idx.msk $0xffff, v12;
	v12 =	vbroadcast v2, $0xC;
	v20 =	vld.idx.msk [tilespmem:v1+s19+$0x720 ss:$0x1], $0xffff  }
0x20f: {  	[tilespmem:v1+s5+$0xE0 ss:$0x1] =	vst.idx.msk $0xffff, v9;
	v9 =	vld.idx.msk [tilespmem:v1+s19+$0x7B0 ss:$0x1], $0xffff  }
0x210: {  	[tilespmem:v1+s5+$0xF0 ss:$0x1] =	vst.idx.msk $0xffff, v5;
	v5 =	vmul.f32 v18, v12;
	v18 =	vld.idx.msk [tilespmem:v1+s19+$0x790 ss:$0x1], $0xffff  }
0x211: {  	[tilespmem:v1+s5+$0x100 ss:$0x1] =	vst.idx.msk $0xffff, v7;
	v7 =	vld.idx.msk [tilespmem:v1+s19+$0x7A0 ss:$0x1], $0xffff  }
0x212: {  	[tilespmem:v1+s5+$0x110 ss:$0x1] =	vst.idx.msk $0xffff, v16;
	v16 =	vmul.f32 v19, v12;
	v19 =	vld.idx.msk [tilespmem:v1+s19+$0x7C0 ss:$0x1], $0xffff  }
0x213: {  	v14 =	vmul.f32 v14, v12;
	v21 =	vld.idx.msk [tilespmem:v1+s5+$0x140 ss:$0x1], $0xffff;
	[tilespmem:v1+s19+$0x6C0 ss:$0x1] =	vst.idx.msk $0xffff, v5;
	v5 =	vbroadcast v2, $0xD  }
0x214: {  	v11 =	vmul.f32 v11, v12;
	v22 =	vld.idx.msk [tilespmem:v1+s5+$0x120 ss:$0x1], $0xffff;
	[tilespmem:v1+s19+$0x6D0 ss:$0x1] =	vst.idx.msk $0xffff, v16  }
0x215: {  	v15 =	vmul.f32 v15, v12;
	[tilespmem:v1+s19+$0x6E0 ss:$0x1] =	vst.idx.msk $0xffff, v14;
	v13 =	vmul.f32 v13, v5  }
0x216: {  	v16 =	vmul.f32 v17, v12;
	v14 =	vld.idx.msk [tilespmem:v1+s5+$0x130 ss:$0x1], $0xffff;
	[tilespmem:v1+s19+$0x6F0 ss:$0x1] =	vst.idx.msk $0xffff, v11;
	v11 =	vmul.f32 v18, v5  }
0x217: {  	v17 =	vmul.f32 v20, v12;
	v7 =	vmul.f32 v7, v5;
	[tilespmem:v1+s19+$0x700 ss:$0x1] =	vst.idx.msk $0xffff, v15  }
0x218: {  	v10 =	vmul.f32 v10, v12;
	v9 =	vmul.f32 v9, v5;
	v15 =	vld.idx.msk [tilespmem:v1+s5+$0x150 ss:$0x1], $0xffff;
	[tilespmem:v1+s19+$0x710 ss:$0x1] =	vst.idx.msk $0xffff, v16  }
0x219: {  	v16 =	vbroadcast v6, $0x2;
	v18 =	vld.idx.msk [tilespmem:v1+s5+$0x160 ss:$0x1], $0xffff;
	[tilespmem:v1+s19+$0x720 ss:$0x1] =	vst.idx.msk $0xffff, v17;
	v17 =	vmul.f32 v19, v5  }
0x21a: {  	v19 =	vld.idx.msk [tilespmem:v1+s5+$0x170 ss:$0x1], $0xffff;
	[tilespmem:v1+s19+$0x730 ss:$0x1] =	vst.idx.msk $0xffff, v10  }
0x21b: {  	v10 =	vmul.f32 v22, v16;
	v20 =	vmul.f32 v21, v16;
	v21 =	vld.idx.msk [tilespmem:v1+s5+$0x180 ss:$0x1], $0xffff;
	[tilespmem:v1+s19+$0x740 ss:$0x1] =	vst.idx.msk $0xffff, v12  }
0x21c: {  	v12 =	vmul.f32 v14, v16;
	v14 =	vld.idx.msk [tilespmem:v1+s5+$0x190 ss:$0x1], $0xffff  }
0x21d: {  	[tilespmem:v1+s5+$0x120 ss:$0x1] =	vst.idx.msk $0xffff, v10;
	v10 =	vld.idx.msk [tilespmem:v1+s19+$0x750 ss:$0x1], $0xffff  }
0x21e: {  	v15 =	vmul.f32 v15, v16;
	[tilespmem:v1+s5+$0x130 ss:$0x1] =	vst.idx.msk $0xffff, v12;
	v12 =	vld.idx.msk [tilespmem:v1+s19+$0x760 ss:$0x1], $0xffff  }
0x21f: {  	v18 =	vmul.f32 v18, v16;
	[tilespmem:v1+s5+$0x140 ss:$0x1] =	vst.idx.msk $0xffff, v20  }
0x220: {  	v19 =	vmul.f32 v19, v16;
	[tilespmem:v1+s5+$0x150 ss:$0x1] =	vst.idx.msk $0xffff, v15;
	v15 =	vld.idx.msk [tilespmem:v1+s19+$0x770 ss:$0x1], $0xffff  }
0x221: {  	v20 =	vmul.f32 v21, v16;
	[tilespmem:v1+s5+$0x160 ss:$0x1] =	vst.idx.msk $0xffff, v18  }
0x222: {  	v14 =	vmul.f32 v14, v16;
	[tilespmem:v1+s5+$0x170 ss:$0x1] =	vst.idx.msk $0xffff, v19  }
0x223: {  	[tilespmem:v1+s5+$0x180 ss:$0x1] =	vst.idx.msk $0xffff, v20  }
0x224: {  	v10 =	vmul.f32 v10, v5;
	v12 =	vmul.f32 v12, v5;
	[tilespmem:v1+s5+$0x190 ss:$0x1] =	vst.idx.msk $0xffff, v14  }
0x225: {  	[tilespmem:v1+s5+$0x1A0 ss:$0x1] =	vst.idx.msk $0xffff, v16  }
0x226: {  	v15 =	vmul.f32 v15, v5;
	v14 =	vld.idx.msk [tilespmem:v1+s5+$0x1B0 ss:$0x1], $0xffff;
	[tilespmem:v1+s19+$0x750 ss:$0x1] =	vst.idx.msk $0xffff, v10  }
0x227: {  	v10 =	vld.idx.msk [tilespmem:v1+s5+$0x1C0 ss:$0x1], $0xffff;
	[tilespmem:v1+s19+$0x760 ss:$0x1] =	vst.idx.msk $0xffff, v12  }
0x228: {  	v12 =	vld.idx.msk [tilespmem:v1+s5+$0x1D0 ss:$0x1], $0xffff;
	[tilespmem:v1+s19+$0x770 ss:$0x1] =	vst.idx.msk $0xffff, v15  }
0x229: {  	v15 =	vld.idx.msk [tilespmem:v1+s5+$0x1E0 ss:$0x1], $0xffff;
	[tilespmem:v1+s19+$0x780 ss:$0x1] =	vst.idx.msk $0xffff, v13  }
0x22a: {  	v16 =	vbroadcast v6, $0x3;
	v13 =	vld.idx.msk [tilespmem:v1+s5+$0x1F0 ss:$0x1], $0xffff;
	[tilespmem:v1+s19+$0x790 ss:$0x1] =	vst.idx.msk $0xffff, v11  }
0x22b: {  	v11 =	vld.idx.msk [tilespmem:v1+s5+$0x200 ss:$0x1], $0xffff;
	[tilespmem:v1+s19+$0x7A0 ss:$0x1] =	vst.idx.msk $0xffff, v7  }
0x22c: {  	v7 =	vmul.f32 v14, v16;
	v14 =	vld.idx.msk [tilespmem:v1+s5+$0x210 ss:$0x1], $0xffff;
	[tilespmem:v1+s19+$0x7B0 ss:$0x1] =	vst.idx.msk $0xffff, v9  }
0x22d: {  	v9 =	vmul.f32 v10, v16;
	v10 =	vld.idx.msk [tilespmem:v1+s5+$0x220 ss:$0x1], $0xffff;
	[tilespmem:v1+s19+$0x7C0 ss:$0x1] =	vst.idx.msk $0xffff, v17  }
0x22e: {  	v12 =	vmul.f32 v12, v16;
	[tilespmem:v1+s5+$0x1B0 ss:$0x1] =	vst.idx.msk $0xffff, v7  }
0x22f: {  	v7 =	vmul.f32 v15, v16;
	[tilespmem:v1+s5+$0x1C0 ss:$0x1] =	vst.idx.msk $0xffff, v9  }
0x230: {  	v9 =	vmul.f32 v13, v16;
	[tilespmem:v1+s5+$0x1D0 ss:$0x1] =	vst.idx.msk $0xffff, v12  }
0x231: {  	v11 =	vmul.f32 v11, v16;
	[tilespmem:v1+s5+$0x1E0 ss:$0x1] =	vst.idx.msk $0xffff, v7  }
0x232: {  	v7 =	vmul.f32 v14, v16;
	[tilespmem:v1+s5+$0x1F0 ss:$0x1] =	vst.idx.msk $0xffff, v9  }
0x233: {  	v9 =	vmul.f32 v10, v16;
	[tilespmem:v1+s5+$0x200 ss:$0x1] =	vst.idx.msk $0xffff, v11;
	v11 =	vld.idx.msk [tilespmem:v1+s19+$0x8D0 ss:$0x1], $0xffff  }
0x234: {  	[tilespmem:v1+s5+$0x210 ss:$0x1] =	vst.idx.msk $0xffff, v7;
	v17 =	vld.idx.msk [tilespmem:v1+s19+$0x8E0 ss:$0x1], $0xffff  }
0x235: {  	[tilespmem:v1+s5+$0x220 ss:$0x1] =	vst.idx.msk $0xffff, v9;
	v13 =	vld.idx.msk [tilespmem:v1+s5+$0x280 ss:$0x1], $0xffff  }
0x236: {  	[tilespmem:v1+s5+$0x230 ss:$0x1] =	vst.idx.msk $0xffff, v16;
	v16 =	vld.idx.msk [tilespmem:v1+s5+$0x270 ss:$0x1], $0xffff  }
0x237: {  	v18 =	vld.idx.msk [tilespmem:v1+s5+$0x240 ss:$0x1], $0xffff;
	[tilespmem:v1+s19+$0x7D0 ss:$0x1] =	vst.idx.msk $0xffff, v5  }
0x238: {  	v5 =	vbroadcast v2, $0xF;
	v2 =	vmov v6;
	v14 =	vld.idx.msk [tilespmem:v1+s5+$0x250 ss:$0x1], $0xffff  }
.Ltmp6:
0x239: {  	v15 =	vld.idx.msk [tilespmem:v1+s5+$0x260 ss:$0x1], $0xffff;
	(pc) =	sbr.rel @p1 .LBB2_11-.Ltmp6, $4  }
0x23a: {  	v7 =	vmul.f32 v11, v5;
	v10 =	vld.idx.msk [tilespmem:v1+s19+$0x7E0 ss:$0x1], $0xffff  }
0x23b: {  	v12 =	vbroadcast v2, $0x4;
	v6 =	vmul.f32 v17, v5;
	v11 =	vld.idx.msk [tilespmem:v1+s19+$0x7F0 ss:$0x1], $0xffff  }
0x23c: {  	v9 =	vld.idx.msk [tilespmem:v1+s19+$0x800 ss:$0x1], $0xffff  }
0x23d: {  	v16 =	vmul.f32 v16, v12;
	v18 =	vmul.f32 v18, v12;
	v17 =	vld.idx.msk [tilespmem:v1+s5+$0x290 ss:$0x1], $0xffff  }
0x23e: {  	_ =	sdelay $0x2  }
0x23f: {  	v14 =	vmul.f32 v14, v12  }
0x240: {  	v15 =	vmul.f32 v15, v12;
	v19 =	vld.idx.msk [tilespmem:v1+s5+$0x2B0 ss:$0x1], $0xffff;
	[tilespmem:v1+s5+$0x240 ss:$0x1] =	vst.idx.msk $0xffff, v18  }
0x241: {  	[tilespmem:v1+s5+$0x250 ss:$0x1] =	vst.idx.msk $0xffff, v14  }
0x242: {  	v13 =	vmul.f32 v13, v12;
	[tilespmem:v1+s5+$0x260 ss:$0x1] =	vst.idx.msk $0xffff, v15  }
0x243: {  	v55 =	vmul.f32 v17, v12;
	[tilespmem:v1+s5+$0x270 ss:$0x1] =	vst.idx.msk $0xffff, v16  }
0x244: {  	v8 =	vmul.f32 v8, v12;
	[tilespmem:v1+s5+$0x280 ss:$0x1] =	vst.idx.msk $0xffff, v13  }
0x245: {  	v56 =	vmul.f32 v19, v12;
	[tilespmem:v1+s5+$0x290 ss:$0x1] =	vst.idx.msk $0xffff, v55  }
0x246: {  	[tilespmem:v1+s5+$0x2A0 ss:$0x1] =	vst.idx.msk $0xffff, v8  }
0x247: {  	[tilespmem:v1+s5+$0x2B0 ss:$0x1] =	vst.idx.msk $0xffff, v56  }
0x248: {  	[tilespmem:v1+s5+$0x2C0 ss:$0x1] =	vst.idx.msk $0xffff, v12  }
0x249: {  	v8 =	vld.idx.msk [tilespmem:v1+s5+$0x2D0 ss:$0x1], $0xffff  }
0x24a: {  	v12 =	vld.idx.msk [tilespmem:v1+s5+$0x2E0 ss:$0x1], $0xffff  }
0x24b: {  	v57 =	vld.idx.msk [tilespmem:v1+s5+$0x2F0 ss:$0x1], $0xffff  }
0x24c: {  	v58 =	vld.idx.msk [tilespmem:v1+s5+$0x300 ss:$0x1], $0xffff;
	v59 =	vbroadcast v2, $0x5  }
0x24d: {  	v60 =	vld.idx.msk [tilespmem:v1+s5+$0x310 ss:$0x1], $0xffff  }
0x24e: {  	v61 =	vld.idx.msk [tilespmem:v1+s5+$0x320 ss:$0x1], $0xffff;
	v8 =	vmul.f32 v8, v59  }
0x24f: {  	v62 =	vld.idx.msk [tilespmem:v1+s5+$0x330 ss:$0x1], $0xffff;
	v12 =	vmul.f32 v12, v59  }
0x250: {  	v63 =	vld.idx.msk [tilespmem:v1+s5+$0x340 ss:$0x1], $0xffff;
	v13 =	vmul.f32 v57, v59;
	[tilespmem:v1+s5+$0x2D0 ss:$0x1] =	vst.idx.msk $0xffff, v8  }
0x251: {  	v20 =	vmul.f32 v58, v59;
	[tilespmem:v1+s5+$0x2E0 ss:$0x1] =	vst.idx.msk $0xffff, v12  }
0x252: {  	v21 =	vmul.f32 v60, v59;
	[tilespmem:v1+s5+$0x2F0 ss:$0x1] =	vst.idx.msk $0xffff, v13  }
0x253: {  	v22 =	vmul.f32 v61, v59;
	[tilespmem:v1+s5+$0x300 ss:$0x1] =	vst.idx.msk $0xffff, v20  }
0x254: {  	v23 =	vmul.f32 v62, v59;
	[tilespmem:v1+s5+$0x310 ss:$0x1] =	vst.idx.msk $0xffff, v21  }
0x255: {  	v24 =	vmul.f32 v63, v59;
	[tilespmem:v1+s5+$0x320 ss:$0x1] =	vst.idx.msk $0xffff, v22  }
0x256: {  	[tilespmem:v1+s5+$0x330 ss:$0x1] =	vst.idx.msk $0xffff, v23  }
0x257: {  	[tilespmem:v1+s5+$0x340 ss:$0x1] =	vst.idx.msk $0xffff, v24  }
0x258: {  	[tilespmem:v1+s5+$0x350 ss:$0x1] =	vst.idx.msk $0xffff, v59  }
0x259: {  	v8 =	vld.idx.msk [tilespmem:v1+s5+$0x360 ss:$0x1], $0xffff  }
0x25a: {  	v12 =	vld.idx.msk [tilespmem:v1+s5+$0x370 ss:$0x1], $0xffff  }
0x25b: {  	v25 =	vld.idx.msk [tilespmem:v1+s5+$0x380 ss:$0x1], $0xffff  }
0x25c: {  	v26 =	vld.idx.msk [tilespmem:v1+s5+$0x390 ss:$0x1], $0xffff;
	v27 =	vbroadcast v2, $0x6  }
0x25d: {  	v28 =	vld.idx.msk [tilespmem:v1+s5+$0x3A0 ss:$0x1], $0xffff  }
0x25e: {  	v29 =	vld.idx.msk [tilespmem:v1+s5+$0x3B0 ss:$0x1], $0xffff;
	v8 =	vmul.f32 v8, v27  }
0x25f: {  	v30 =	vld.idx.msk [tilespmem:v1+s5+$0x3C0 ss:$0x1], $0xffff;
	v12 =	vmul.f32 v12, v27  }
0x260: {  	v31 =	vld.idx.msk [tilespmem:v1+s5+$0x3D0 ss:$0x1], $0xffff;
	v13 =	vmul.f32 v25, v27;
	[tilespmem:v1+s5+$0x360 ss:$0x1] =	vst.idx.msk $0xffff, v8  }
0x261: {  	v32 =	vmul.f32 v26, v27;
	[tilespmem:v1+s5+$0x370 ss:$0x1] =	vst.idx.msk $0xffff, v12  }
0x262: {  	v33 =	vmul.f32 v28, v27;
	[tilespmem:v1+s5+$0x380 ss:$0x1] =	vst.idx.msk $0xffff, v13  }
0x263: {  	v34 =	vmul.f32 v29, v27;
	[tilespmem:v1+s5+$0x390 ss:$0x1] =	vst.idx.msk $0xffff, v32  }
0x264: {  	v35 =	vmul.f32 v30, v27;
	[tilespmem:v1+s5+$0x3A0 ss:$0x1] =	vst.idx.msk $0xffff, v33  }
0x265: {  	v36 =	vmul.f32 v31, v27;
	[tilespmem:v1+s5+$0x3B0 ss:$0x1] =	vst.idx.msk $0xffff, v34  }
0x266: {  	[tilespmem:v1+s5+$0x3C0 ss:$0x1] =	vst.idx.msk $0xffff, v35  }
0x267: {  	[tilespmem:v1+s5+$0x3D0 ss:$0x1] =	vst.idx.msk $0xffff, v36  }
0x268: {  	[tilespmem:v1+s5+$0x3E0 ss:$0x1] =	vst.idx.msk $0xffff, v27  }
0x269: {  	v8 =	vld.idx.msk [tilespmem:v1+s5+$0x3F0 ss:$0x1], $0xffff  }
0x26a: {  	v12 =	vld.idx.msk [tilespmem:v1+s5+$0x400 ss:$0x1], $0xffff  }
0x26b: {  	v37 =	vld.idx.msk [tilespmem:v1+s5+$0x410 ss:$0x1], $0xffff  }
0x26c: {  	v38 =	vld.idx.msk [tilespmem:v1+s5+$0x420 ss:$0x1], $0xffff;
	v39 =	vbroadcast v2, $0x7  }
0x26d: {  	v40 =	vld.idx.msk [tilespmem:v1+s5+$0x430 ss:$0x1], $0xffff  }
0x26e: {  	v41 =	vld.idx.msk [tilespmem:v1+s5+$0x440 ss:$0x1], $0xffff;
	v8 =	vmul.f32 v8, v39  }
0x26f: {  	v42 =	vld.idx.msk [tilespmem:v1+s5+$0x450 ss:$0x1], $0xffff;
	v12 =	vmul.f32 v12, v39  }
0x270: {  	v43 =	vld.idx.msk [tilespmem:v1+s5+$0x460 ss:$0x1], $0xffff;
	v13 =	vmul.f32 v37, v39;
	[tilespmem:v1+s5+$0x3F0 ss:$0x1] =	vst.idx.msk $0xffff, v8  }
0x271: {  	v44 =	vmul.f32 v38, v39;
	[tilespmem:v1+s5+$0x400 ss:$0x1] =	vst.idx.msk $0xffff, v12  }
0x272: {  	v45 =	vmul.f32 v40, v39;
	[tilespmem:v1+s5+$0x410 ss:$0x1] =	vst.idx.msk $0xffff, v13  }
0x273: {  	v46 =	vmul.f32 v41, v39;
	[tilespmem:v1+s5+$0x420 ss:$0x1] =	vst.idx.msk $0xffff, v44  }
0x274: {  	v47 =	vmul.f32 v42, v39;
	[tilespmem:v1+s5+$0x430 ss:$0x1] =	vst.idx.msk $0xffff, v45  }
0x275: {  	v48 =	vmul.f32 v43, v39;
	[tilespmem:v1+s5+$0x440 ss:$0x1] =	vst.idx.msk $0xffff, v46  }
0x276: {  	[tilespmem:v1+s5+$0x450 ss:$0x1] =	vst.idx.msk $0xffff, v47  }
0x277: {  	[tilespmem:v1+s5+$0x460 ss:$0x1] =	vst.idx.msk $0xffff, v48  }
0x278: {  	[tilespmem:v1+s5+$0x470 ss:$0x1] =	vst.idx.msk $0xffff, v39  }
0x279: {  	v8 =	vld.idx.msk [tilespmem:v1+s5+$0x480 ss:$0x1], $0xffff  }
0x27a: {  	v12 =	vld.idx.msk [tilespmem:v1+s5+$0x490 ss:$0x1], $0xffff  }
0x27b: {  	v49 =	vld.idx.msk [tilespmem:v1+s5+$0x4A0 ss:$0x1], $0xffff  }
0x27c: {  	v50 =	vld.idx.msk [tilespmem:v1+s5+$0x4B0 ss:$0x1], $0xffff;
	v51 =	vbroadcast v2, $0x8  }
0x27d: {  	v52 =	vld.idx.msk [tilespmem:v1+s5+$0x4C0 ss:$0x1], $0xffff  }
0x27e: {  	v53 =	vld.idx.msk [tilespmem:v1+s5+$0x4D0 ss:$0x1], $0xffff;
	v8 =	vmul.f32 v8, v51  }
0x27f: {  	v54 =	vld.idx.msk [tilespmem:v1+s5+$0x4E0 ss:$0x1], $0xffff;
	v12 =	vmul.f32 v12, v51  }
0x280: {  	v55 =	vld.idx.msk [tilespmem:v1+s5+$0x4F0 ss:$0x1], $0xffff;
	v13 =	vmul.f32 v49, v51;
	[tilespmem:v1+s5+$0x480 ss:$0x1] =	vst.idx.msk $0xffff, v8  }
0x281: {  	v56 =	vmul.f32 v50, v51;
	[tilespmem:v1+s5+$0x490 ss:$0x1] =	vst.idx.msk $0xffff, v12  }
0x282: {  	v57 =	vmul.f32 v52, v51;
	[tilespmem:v1+s5+$0x4A0 ss:$0x1] =	vst.idx.msk $0xffff, v13  }
0x283: {  	v58 =	vmul.f32 v53, v51;
	[tilespmem:v1+s5+$0x4B0 ss:$0x1] =	vst.idx.msk $0xffff, v56  }
0x284: {  	v59 =	vmul.f32 v54, v51;
	[tilespmem:v1+s5+$0x4C0 ss:$0x1] =	vst.idx.msk $0xffff, v57  }
0x285: {  	v60 =	vmul.f32 v55, v51;
	[tilespmem:v1+s5+$0x4D0 ss:$0x1] =	vst.idx.msk $0xffff, v58  }
0x286: {  	[tilespmem:v1+s5+$0x4E0 ss:$0x1] =	vst.idx.msk $0xffff, v59  }
0x287: {  	[tilespmem:v1+s5+$0x4F0 ss:$0x1] =	vst.idx.msk $0xffff, v60  }
0x288: {  	[tilespmem:v1+s5+$0x500 ss:$0x1] =	vst.idx.msk $0xffff, v51  }
0x289: {  	v8 =	vld.idx.msk [tilespmem:v1+s5+$0x510 ss:$0x1], $0xffff  }
0x28a: {  	v12 =	vld.idx.msk [tilespmem:v1+s5+$0x520 ss:$0x1], $0xffff  }
0x28b: {  	v61 =	vld.idx.msk [tilespmem:v1+s5+$0x530 ss:$0x1], $0xffff  }
0x28c: {  	v62 =	vld.idx.msk [tilespmem:v1+s5+$0x540 ss:$0x1], $0xffff;
	v63 =	vbroadcast v2, $0x9  }
0x28d: {  	v21 =	vld.idx.msk [tilespmem:v1+s5+$0x550 ss:$0x1], $0xffff  }
0x28e: {  	v22 =	vld.idx.msk [tilespmem:v1+s5+$0x560 ss:$0x1], $0xffff;
	v8 =	vmul.f32 v8, v63  }
0x28f: {  	v23 =	vld.idx.msk [tilespmem:v1+s5+$0x570 ss:$0x1], $0xffff;
	v12 =	vmul.f32 v12, v63  }
0x290: {  	v24 =	vld.idx.msk [tilespmem:v1+s5+$0x580 ss:$0x1], $0xffff;
	v13 =	vmul.f32 v61, v63;
	[tilespmem:v1+s5+$0x510 ss:$0x1] =	vst.idx.msk $0xffff, v8  }
0x291: {  	v25 =	vmul.f32 v62, v63;
	[tilespmem:v1+s5+$0x520 ss:$0x1] =	vst.idx.msk $0xffff, v12  }
0x292: {  	v26 =	vmul.f32 v21, v63;
	[tilespmem:v1+s5+$0x530 ss:$0x1] =	vst.idx.msk $0xffff, v13  }
0x293: {  	v27 =	vmul.f32 v22, v63;
	[tilespmem:v1+s5+$0x540 ss:$0x1] =	vst.idx.msk $0xffff, v25  }
0x294: {  	v28 =	vmul.f32 v23, v63;
	[tilespmem:v1+s5+$0x550 ss:$0x1] =	vst.idx.msk $0xffff, v26  }
0x295: {  	v29 =	vmul.f32 v24, v63;
	[tilespmem:v1+s5+$0x560 ss:$0x1] =	vst.idx.msk $0xffff, v27  }
0x296: {  	[tilespmem:v1+s5+$0x570 ss:$0x1] =	vst.idx.msk $0xffff, v28  }
0x297: {  	[tilespmem:v1+s5+$0x580 ss:$0x1] =	vst.idx.msk $0xffff, v29  }
0x298: {  	[tilespmem:v1+s5+$0x590 ss:$0x1] =	vst.idx.msk $0xffff, v63  }
0x299: {  	v8 =	vld.idx.msk [tilespmem:v1+s5+$0x5A0 ss:$0x1], $0xffff  }
0x29a: {  	v12 =	vld.idx.msk [tilespmem:v1+s5+$0x5B0 ss:$0x1], $0xffff  }
0x29b: {  	v30 =	vld.idx.msk [tilespmem:v1+s5+$0x5C0 ss:$0x1], $0xffff  }
0x29c: {  	v31 =	vld.idx.msk [tilespmem:v1+s5+$0x5D0 ss:$0x1], $0xffff;
	v32 =	vbroadcast v2, $0xA  }
0x29d: {  	v33 =	vld.idx.msk [tilespmem:v1+s5+$0x5E0 ss:$0x1], $0xffff  }
0x29e: {  	v34 =	vld.idx.msk [tilespmem:v1+s5+$0x5F0 ss:$0x1], $0xffff;
	v8 =	vmul.f32 v8, v32  }
0x29f: {  	v35 =	vld.idx.msk [tilespmem:v1+s5+$0x600 ss:$0x1], $0xffff;
	v12 =	vmul.f32 v12, v32  }
0x2a0: {  	v36 =	vld.idx.msk [tilespmem:v1+s5+$0x610 ss:$0x1], $0xffff;
	v13 =	vmul.f32 v30, v32;
	[tilespmem:v1+s5+$0x5A0 ss:$0x1] =	vst.idx.msk $0xffff, v8  }
0x2a1: {  	v37 =	vmul.f32 v31, v32;
	[tilespmem:v1+s5+$0x5B0 ss:$0x1] =	vst.idx.msk $0xffff, v12  }
0x2a2: {  	v38 =	vmul.f32 v33, v32;
	[tilespmem:v1+s5+$0x5C0 ss:$0x1] =	vst.idx.msk $0xffff, v13  }
0x2a3: {  	v39 =	vmul.f32 v34, v32;
	[tilespmem:v1+s5+$0x5D0 ss:$0x1] =	vst.idx.msk $0xffff, v37  }
0x2a4: {  	v40 =	vmul.f32 v35, v32;
	[tilespmem:v1+s5+$0x5E0 ss:$0x1] =	vst.idx.msk $0xffff, v38  }
0x2a5: {  	v41 =	vmul.f32 v36, v32;
	[tilespmem:v1+s5+$0x5F0 ss:$0x1] =	vst.idx.msk $0xffff, v39  }
0x2a6: {  	[tilespmem:v1+s5+$0x600 ss:$0x1] =	vst.idx.msk $0xffff, v40  }
0x2a7: {  	[tilespmem:v1+s5+$0x610 ss:$0x1] =	vst.idx.msk $0xffff, v41  }
0x2a8: {  	[tilespmem:v1+s5+$0x620 ss:$0x1] =	vst.idx.msk $0xffff, v32  }
0x2a9: {  	v8 =	vld.idx.msk [tilespmem:v1+s5+$0x630 ss:$0x1], $0xffff  }
0x2aa: {  	v12 =	vld.idx.msk [tilespmem:v1+s5+$0x640 ss:$0x1], $0xffff  }
0x2ab: {  	v42 =	vld.idx.msk [tilespmem:v1+s5+$0x650 ss:$0x1], $0xffff  }
0x2ac: {  	v43 =	vld.idx.msk [tilespmem:v1+s5+$0x660 ss:$0x1], $0xffff;
	v44 =	vbroadcast v2, $0xB  }
0x2ad: {  	v45 =	vld.idx.msk [tilespmem:v1+s5+$0x670 ss:$0x1], $0xffff  }
0x2ae: {  	v46 =	vld.idx.msk [tilespmem:v1+s5+$0x680 ss:$0x1], $0xffff;
	v8 =	vmul.f32 v8, v44  }
0x2af: {  	v47 =	vld.idx.msk [tilespmem:v1+s5+$0x690 ss:$0x1], $0xffff;
	v12 =	vmul.f32 v12, v44  }
0x2b0: {  	v48 =	vld.idx.msk [tilespmem:v1+s5+$0x6A0 ss:$0x1], $0xffff;
	v49 =	vmul.f32 v42, v44;
	[tilespmem:v1+s5+$0x630 ss:$0x1] =	vst.idx.msk $0xffff, v8  }
0x2b1: {  	v50 =	vmul.f32 v43, v44;
	[tilespmem:v1+s5+$0x640 ss:$0x1] =	vst.idx.msk $0xffff, v12  }
0x2b2: {  	v51 =	vmul.f32 v45, v44;
	[tilespmem:v1+s5+$0x650 ss:$0x1] =	vst.idx.msk $0xffff, v49  }
0x2b3: {  	v52 =	vmul.f32 v46, v44;
	[tilespmem:v1+s5+$0x660 ss:$0x1] =	vst.idx.msk $0xffff, v50  }
0x2b4: {  	v53 =	vmul.f32 v47, v44;
	[tilespmem:v1+s5+$0x670 ss:$0x1] =	vst.idx.msk $0xffff, v51  }
0x2b5: {  	v54 =	vmul.f32 v48, v44;
	[tilespmem:v1+s5+$0x680 ss:$0x1] =	vst.idx.msk $0xffff, v52  }
0x2b6: {  	[tilespmem:v1+s5+$0x690 ss:$0x1] =	vst.idx.msk $0xffff, v53  }
0x2b7: {  	v55 =	vld.idx.msk [tilespmem:v1+s19+$0x810 ss:$0x1], $0xffff;
	[tilespmem:v1+s5+$0x6A0 ss:$0x1] =	vst.idx.msk $0xffff, v54  }
0x2b8: {  	v62 =	vld.idx.msk [tilespmem:v1+s5+$0x720 ss:$0x1], $0xffff;
	[tilespmem:v1+s5+$0x6B0 ss:$0x1] =	vst.idx.msk $0xffff, v44  }
0x2b9: {  	v13 =	vld.idx.msk [tilespmem:v1+s5+$0x6C0 ss:$0x1], $0xffff  }
0x2ba: {  	v57 =	vld.idx.msk [tilespmem:v1+s5+$0x6D0 ss:$0x1], $0xffff  }
0x2bb: {  	v15 =	vld.idx.msk [tilespmem:v1+s5+$0x6E0 ss:$0x1], $0xffff  }
0x2bc: {  	v10 =	vmul.f32 v10, v3;
	v58 =	vld.idx.msk [tilespmem:v1+s5+$0x6F0 ss:$0x1], $0xffff;
	v59 =	vbroadcast v2, $0xC  }
0x2bd: {  	v11 =	vmul.f32 v11, v3;
	v60 =	vld.idx.msk [tilespmem:v1+s5+$0x700 ss:$0x1], $0xffff  }
0x2be: {  	[tilespmem:v1+s19+$0x7E0 ss:$0x1] =	vst.idx.msk $0xffff, v10;
	v61 =	vld.idx.msk [tilespmem:v1+s5+$0x710 ss:$0x1], $0xffff;
	v13 =	vmul.f32 v13, v59  }
0x2bf: {  	v56 =	vld.idx.msk [tilespmem:v1+s19+$0x820 ss:$0x1], $0xffff;
	[tilespmem:v1+s19+$0x7F0 ss:$0x1] =	vst.idx.msk $0xffff, v11;
	v14 =	vmul.f32 v57, v59  }
0x2c0: {  	v63 =	vld.idx.msk [tilespmem:v1+s5+$0x730 ss:$0x1], $0xffff;
	v15 =	vmul.f32 v15, v59;
	[tilespmem:v1+s5+$0x6C0 ss:$0x1] =	vst.idx.msk $0xffff, v13  }
0x2c1: {  	v20 =	vmul.f32 v58, v59;
	[tilespmem:v1+s5+$0x6D0 ss:$0x1] =	vst.idx.msk $0xffff, v14  }
0x2c2: {  	v21 =	vmul.f32 v60, v59;
	[tilespmem:v1+s5+$0x6E0 ss:$0x1] =	vst.idx.msk $0xffff, v15  }
0x2c3: {  	v10 =	vmul.f32 v61, v59;
	[tilespmem:v1+s5+$0x6F0 ss:$0x1] =	vst.idx.msk $0xffff, v20  }
0x2c4: {  	v11 =	vmul.f32 v62, v59;
	[tilespmem:v1+s5+$0x700 ss:$0x1] =	vst.idx.msk $0xffff, v21  }
0x2c5: {  	v22 =	vld.idx.msk [tilespmem:v1+s19+$0x830 ss:$0x1], $0xffff;
	v23 =	vmul.f32 v63, v59;
	[tilespmem:v1+s5+$0x710 ss:$0x1] =	vst.idx.msk $0xffff, v10  }
0x2c6: {  	v24 =	vld.idx.msk [tilespmem:v1+s19+$0x840 ss:$0x1], $0xffff;
	[tilespmem:v1+s5+$0x720 ss:$0x1] =	vst.idx.msk $0xffff, v11  }
0x2c7: {  	v9 =	vmul.f32 v9, v3;
	v25 =	vld.idx.msk [tilespmem:v1+s19+$0x850 ss:$0x1], $0xffff;
	[tilespmem:v1+s5+$0x730 ss:$0x1] =	vst.idx.msk $0xffff, v23  }
0x2c8: {  	v8 =	vmul.f32 v55, v3;
	[tilespmem:v1+s5+$0x740 ss:$0x1] =	vst.idx.msk $0xffff, v59  }
0x2c9: {  	[tilespmem:v1+s19+$0x800 ss:$0x1] =	vst.idx.msk $0xffff, v9;
	v12 =	vmul.f32 v56, v3;
	v26 =	vld.idx.msk [tilespmem:v1+s5+$0x750 ss:$0x1], $0xffff  }
0x2ca: {  	[tilespmem:v1+s19+$0x810 ss:$0x1] =	vst.idx.msk $0xffff, v8;
	v13 =	vmul.f32 v22, v3;
	v27 =	vld.idx.msk [tilespmem:v1+s5+$0x760 ss:$0x1], $0xffff  }
0x2cb: {  	[tilespmem:v1+s19+$0x820 ss:$0x1] =	vst.idx.msk $0xffff, v12;
	v10 =	vmul.f32 v24, v3;
	v28 =	vld.idx.msk [tilespmem:v1+s5+$0x770 ss:$0x1], $0xffff  }
0x2cc: {  	v29 =	vld.idx.msk [tilespmem:v1+s5+$0x780 ss:$0x1], $0xffff;
	v30 =	vbroadcast v2, $0xD;
	[tilespmem:v1+s19+$0x830 ss:$0x1] =	vst.idx.msk $0xffff, v13;
	v11 =	vmul.f32 v25, v3  }
0x2cd: {  	v31 =	vld.idx.msk [tilespmem:v1+s5+$0x790 ss:$0x1], $0xffff;
	[tilespmem:v1+s19+$0x840 ss:$0x1] =	vst.idx.msk $0xffff, v10  }
0x2ce: {  	v32 =	vld.idx.msk [tilespmem:v1+s5+$0x7A0 ss:$0x1], $0xffff;
	[tilespmem:v1+s19+$0x850 ss:$0x1] =	vst.idx.msk $0xffff, v11;
	v9 =	vmul.f32 v26, v30  }
0x2cf: {  	[tilespmem:v1+s19+$0x860 ss:$0x1] =	vst.idx.msk $0xffff, v3;
	v3 =	vld.idx.msk [tilespmem:v1+s5+$0x7B0 ss:$0x1], $0xffff;
	v8 =	vmul.f32 v27, v30  }
0x2d0: {  	v33 =	vld.idx.msk [tilespmem:v1+s5+$0x7C0 ss:$0x1], $0xffff;
	v12 =	vmul.f32 v28, v30;
	[tilespmem:v1+s5+$0x750 ss:$0x1] =	vst.idx.msk $0xffff, v9  }
0x2d1: {  	v34 =	vmul.f32 v29, v30;
	[tilespmem:v1+s5+$0x760 ss:$0x1] =	vst.idx.msk $0xffff, v8  }
0x2d2: {  	v35 =	vmul.f32 v31, v30;
	[tilespmem:v1+s5+$0x770 ss:$0x1] =	vst.idx.msk $0xffff, v12  }
0x2d3: {  	v40 =	vld.idx.msk [tilespmem:v1+s19+$0x8A0 ss:$0x1], $0xffff;
	v11 =	vmul.f32 v32, v30;
	[tilespmem:v1+s5+$0x780 ss:$0x1] =	vst.idx.msk $0xffff, v34  }
0x2d4: {  	v41 =	vld.idx.msk [tilespmem:v1+s19+$0x8C0 ss:$0x1], $0xffff;
	v3 =	vmul.f32 v3, v30;
	[tilespmem:v1+s5+$0x790 ss:$0x1] =	vst.idx.msk $0xffff, v35  }
0x2d5: {  	v39 =	vmul.f32 v33, v30;
	v36 =	vld.idx.msk [tilespmem:v1+s19+$0x870 ss:$0x1], $0xffff;
	[tilespmem:v1+s5+$0x7A0 ss:$0x1] =	vst.idx.msk $0xffff, v11  }
0x2d6: {  	v38 =	vld.idx.msk [tilespmem:v1+s19+$0x880 ss:$0x1], $0xffff;
	[tilespmem:v1+s5+$0x7B0 ss:$0x1] =	vst.idx.msk $0xffff, v3  }
0x2d7: {  	v37 =	vld.idx.msk [tilespmem:v1+s19+$0x890 ss:$0x1], $0xffff;
	[tilespmem:v1+s5+$0x7C0 ss:$0x1] =	vst.idx.msk $0xffff, v39  }
0x2d8: {  	v44 =	vld.idx.msk [tilespmem:v1+s5+$0x810 ss:$0x1], $0xffff;
	[tilespmem:v1+s5+$0x7D0 ss:$0x1] =	vst.idx.msk $0xffff, v30  }
0x2d9: {  	v42 =	vld.idx.msk [tilespmem:v1+s5+$0x7E0 ss:$0x1], $0xffff  }
0x2da: {  	v10 =	vmul.f32 v36, v5;
	v14 =	vld.idx.msk [tilespmem:v1+s5+$0x7F0 ss:$0x1], $0xffff  }
0x2db: {  	v8 =	vmul.f32 v38, v5;
	v43 =	vld.idx.msk [tilespmem:v1+s5+$0x800 ss:$0x1], $0xffff  }
0x2dc: {  	v45 =	vld.idx.msk [tilespmem:v1+s5+$0x820 ss:$0x1], $0xffff;
	v9 =	vmul.f32 v37, v5;
	[tilespmem:v1+s19+$0x870 ss:$0x1] =	vst.idx.msk $0xffff, v10  }
0x2dd: {  	v11 =	vmul.f32 v40, v5;
	v3 =	vld.idx.msk [tilespmem:v1+s19+$0x8B0 ss:$0x1], $0xffff;
	[tilespmem:v1+s19+$0x880 ss:$0x1] =	vst.idx.msk $0xffff, v8  }
0x2de: {  	v47 =	vld.idx.msk [tilespmem:v1+s5+$0x830 ss:$0x1], $0xffff;
	[tilespmem:v1+s19+$0x890 ss:$0x1] =	vst.idx.msk $0xffff, v9;
	v46 =	vmul.f32 v42, v4  }
0x2df: {  	v49 =	vld.idx.msk [tilespmem:v1+s5+$0x840 ss:$0x1], $0xffff;
	[tilespmem:v1+s19+$0x8A0 ss:$0x1] =	vst.idx.msk $0xffff, v11;
	v48 =	vmul.f32 v14, v4  }
0x2e0: {  	v50 =	vld.idx.msk [tilespmem:v1+s5+$0x850 ss:$0x1], $0xffff;
	v15 =	vmul.f32 v43, v4;
	[tilespmem:v1+s5+$0x7E0 ss:$0x1] =	vst.idx.msk $0xffff, v46  }
0x2e1: {  	v51 =	vmul.f32 v44, v4;
	[tilespmem:v1+s5+$0x7F0 ss:$0x1] =	vst.idx.msk $0xffff, v48  }
0x2e2: {  	v8 =	vmul.f32 v45, v4;
	[tilespmem:v1+s5+$0x800 ss:$0x1] =	vst.idx.msk $0xffff, v15  }
0x2e3: {  	v52 =	vmul.f32 v47, v4;
	[tilespmem:v1+s5+$0x810 ss:$0x1] =	vst.idx.msk $0xffff, v51  }
0x2e4: {  	v53 =	vmul.f32 v49, v4;
	[tilespmem:v1+s5+$0x820 ss:$0x1] =	vst.idx.msk $0xffff, v8  }
0x2e5: {  	v54 =	vmul.f32 v50, v4;
	[tilespmem:v1+s5+$0x830 ss:$0x1] =	vst.idx.msk $0xffff, v52  }
0x2e6: {  	[tilespmem:v1+s5+$0x840 ss:$0x1] =	vst.idx.msk $0xffff, v53  }
0x2e7: {  	v3 =	vmul.f32 v3, v5;
	[tilespmem:v1+s5+$0x850 ss:$0x1] =	vst.idx.msk $0xffff, v54  }
0x2e8: {  	v55 =	vmul.f32 v41, v5;
	[tilespmem:v1+s5+$0x860 ss:$0x1] =	vst.idx.msk $0xffff, v4  }
0x2e9: {  	[tilespmem:v1+s19+$0x8B0 ss:$0x1] =	vst.idx.msk $0xffff, v3;
	v3 =	vld.idx.msk [tilespmem:v1+s5+$0x870 ss:$0x1], $0xffff  }
0x2ea: {  	[tilespmem:v1+s19+$0x8C0 ss:$0x1] =	vst.idx.msk $0xffff, v55;
	v4 =	vld.idx.msk [tilespmem:v1+s5+$0x880 ss:$0x1], $0xffff  }
0x2eb: {  	[tilespmem:v1+s19+$0x8D0 ss:$0x1] =	vst.idx.msk $0xffff, v7;
	v56 =	vld.idx.msk [tilespmem:v1+s5+$0x890 ss:$0x1], $0xffff  }
0x2ec: {  	v2 =	vbroadcast v2, $0xF;
	[tilespmem:v1+s19+$0x8E0 ss:$0x1] =	vst.idx.msk $0xffff, v6;
	v57 =	vld.idx.msk [tilespmem:v1+s5+$0x8A0 ss:$0x1], $0xffff  }
0x2ed: {  	[tilespmem:v1+s19+$0x8F0 ss:$0x1] =	vst.idx.msk $0xffff, v5;
	v58 =	vld.idx.msk [tilespmem:v1+s5+$0x8B0 ss:$0x1], $0xffff  }
0x2ee: {  	v8 =	vld.idx.msk [tilespmem:v1+s5+$0x8C0 ss:$0x1], $0xffff;
	v3 =	vmul.f32 v3, v2  }
0x2ef: {  	v59 =	vld.idx.msk [tilespmem:v1+s5+$0x8D0 ss:$0x1], $0xffff;
	v4 =	vmul.f32 v4, v2  }
0x2f0: {  	v60 =	vld.idx.msk [tilespmem:v1+s5+$0x8E0 ss:$0x1], $0xffff;
	v7 =	vmul.f32 v56, v2;
	[tilespmem:v1+s5+$0x870 ss:$0x1] =	vst.idx.msk $0xffff, v3  }
0x2f1: {  	v3 =	vmul.f32 v57, v2;
	[tilespmem:v1+s5+$0x880 ss:$0x1] =	vst.idx.msk $0xffff, v4  }
0x2f2: {  	v61 =	vmul.f32 v58, v2;
	[tilespmem:v1+s5+$0x890 ss:$0x1] =	vst.idx.msk $0xffff, v7  }
0x2f3: {  	s31 =	sadd.s32 $0x1, s31;
	v62 =	vmul.f32 v8, v2;
	[tilespmem:v1+s5+$0x8A0 ss:$0x1] =	vst.idx.msk $0xffff, v3  }
0x2f4: {  	p1 =	sne.s32 s31, $0x4;
	v3 =	vmul.f32 v59, v2;
	[tilespmem:v1+s5+$0x8B0 ss:$0x1] =	vst.idx.msk $0xffff, v61  }
.Ltmp7:
0x2f5: {  	v63 =	vmul.f32 v60, v2;
	[tilespmem:v1+s5+$0x8C0 ss:$0x1] =	vst.idx.msk $0xffff, v62;
	(pc) =	sbr.rel @p1 .LBB2_3-.Ltmp7, $4  }
.Ltmp8:
0x2f6: {  	[tilespmem:v1+s5+$0x8D0 ss:$0x1] =	vst.idx.msk $0xffff, v3;
	(pc) =	sbr.rel @!p1 .LBB2_13-.Ltmp8, $4  }
0x2f7: {  	[tilespmem:v1+s5+$0x8E0 ss:$0x1] =	vst.idx.msk $0xffff, v63  }
0x2f8: {  	s0 =	sadd.s32 $0x5, s0;
	[tilespmem:v1+s5+$0x8F0 ss:$0x1] =	vst.idx.msk $0xffff, v2  }
0x2f9: {  	[spmem:s1] =	stream.indirect.scatter.add.f32 [tilespmem:s3], [sflag:s0], $0x90, s16, s18, $0xb8;
	[tilespmem:$0x1FA80] =	vst v63  }
0x2fa: {  	_ = 	snop  }
.LBB2_6:
0x2fb: {  	p1 =	seq.s32 s31, $0x3  }
.Ltmp9:
0x2fc: {  	_ = 	snop;
	(pc) =	sbr.rel @!p1 .LBB2_7-.Ltmp9, $1  }
0x2fd: {  	_ =	sdelay $0x3  }
.Ltmp10:
0x2fe: {  	(pc) =	sbr.rel .LBB2_9-.Ltmp10, $4  }
0x2ff: {  	_ = 	snop  }
0x300: {  	_ =	swait.ge [sflag:s26], $0x200  }
0x301: {  	[sflag:s26] =	ssyncset.done $0x0  }
0x302: {  	s5 =	simm.s32 $0x0;
	s7 =	smov.u32 s24;
	[sflag:s26] =	ssyncadd.s32 $0xFFFFFE00  }
.LBB2_15:
0x303: {  	_ =	sfence.sel $0x180000  }
0x304: {  	[bflag:$0x0] =	sbarrier.arrive $0xFFFF  }
0x305: {  	_ =	strace $0x90000047  }
0x306: {  	s0 =	stileid.u32;
	[bflag:$0x2] =	sbarrier.arrive $0xFFFF  }
0x307: {  	p0 =	sne.s32 s0, $0x0;
	s0 =	rddreg [dreg:$0x2]  }
0x308: {  	s0 =	sadd.s32 @!p0 $0x100000, s0  }
0x309: {  	[sflag:s0] =	ssyncadd.tile.s32 @!p0 $0x1;
	_ =	shalt  }
.Lfunc_end2:
_tile_overlayer_lowered:
.L_overlay_start_2:
0x30a: {  	(tag) =	ssettag $0x2  }
0x30b: {  	s0 =	rddreg [dreg:$0x0];
	s2 =	stileid.u32  }
0x30c: {  	s1 =	rddreg [dreg:$0x1];
	p0 =	sne.s32 s2, $0x0  }
0x30d: {  	s3 =	rddreg [dreg:$0x2];
	[bflag:$0x3] =	sbarrier.arrive $0xFFFF;
	s2 =	simm.s32 @!p0 $0x1C07  }
0x30e: {  	[timem:s3], [sflag:s2] =	dma.local @!p0 [hbm:s0], s1  }
0x30f: {  	s0 =	simm.s32 @!p0 $0x7  }
0x310: {  	_ =	swait.ge @!p0 [sflag:s0], s1  }
0x311: {  	s1 =	ssub.s32 @!p0 $0x0, s1;
	[sflag:s0] =	ssyncset.done @!p0 $0x0  }
0x312: {  	[sflag:s0] =	ssyncadd.s32 @!p0 s1  }
0x313: {  	[bflag:$0x3] =	sbarrier.arrive $0xFFFF  }
0x314: {  	_ =	shalt  }

</sc_bundles>
